<compile_context>
chip_gen: v7x
topology: tpu7x:2x2x1
jax: 0.10.2.dev20260603
libtpu: 0.0.44.dev20260713+nightly
codegen_flags: <defaults>
</compile_context>

<pallas_src>
import functools

import jax
import jax.numpy as jnp
from jax import lax
from jax.experimental import pallas as pl
from jax.experimental.pallas import tpu as pltpu
from jax.experimental.pallas import tpu_sc as plsc

NUM_ENTITIES = 100000
NUM_RELATIONS = 1000
EMBED_DIM = 64
BATCH = 1024

_NC = 2
_NS = 16
_NW = _NC * _NS
_LANES = 16
_BPW = BATCH // _NW

_VC = 2048
_NV = -(-NUM_ENTITIES // _VC)


def _gather_mul_body(s_hbm, p_hbm, o_hbm, ent_hbm, rel_hbm, out_hbm,
                     s_v, p_v, o_v, es_v, eo_v, rp_v, sem):
    wid = lax.axis_index("s") * _NC + lax.axis_index("c")
    base = wid * _BPW
    pltpu.sync_copy(s_hbm.at[pl.ds(base, _BPW)], s_v)
    pltpu.sync_copy(p_hbm.at[pl.ds(base, _BPW)], p_v)
    pltpu.sync_copy(o_hbm.at[pl.ds(base, _BPW)], o_v)
    c_s = pltpu.async_copy(ent_hbm.at[s_v], es_v, sem)
    c_o = pltpu.async_copy(ent_hbm.at[o_v], eo_v, sem)
    c_p = pltpu.async_copy(rel_hbm.at[p_v], rp_v, sem)
    c_s.wait()
    c_o.wait()
    c_p.wait()
    for i in range(_BPW):
        for j in range(EMBED_DIM // _LANES):
            sl = (i, pl.ds(j * _LANES, _LANES))
            r = rp_v[sl]
            es_v[sl] = es_v[sl] * r
            eo_v[sl] = eo_v[sl] * r
    pltpu.sync_copy(es_v, out_hbm.at[pl.ds(base, _BPW)])
    pltpu.sync_copy(eo_v, out_hbm.at[pl.ds(BATCH + base, _BPW)])


_gather_mul = functools.partial(
    pl.kernel,
    mesh=plsc.VectorSubcoreMesh(core_axis_name="c", subcore_axis_name="s"),
    compiler_params=pltpu.CompilerParams(use_tc_tiling_on_sc=False),
    out_type=jax.ShapeDtypeStruct((2 * BATCH, EMBED_DIM), jnp.float32),
    scratch_types=[
        pltpu.VMEM((_BPW,), jnp.int32),
        pltpu.VMEM((_BPW,), jnp.int32),
        pltpu.VMEM((_BPW,), jnp.int32),
        pltpu.VMEM((_BPW, EMBED_DIM), jnp.float32),
        pltpu.VMEM((_BPW, EMBED_DIM), jnp.float32),
        pltpu.VMEM((_BPW, EMBED_DIM), jnp.float32),
        pltpu.SemaphoreType.DMA,
    ],
)(_gather_mul_body)


def _score_body(q_ref, e_ref, out_ref):
    out_ref[...] = lax.dot_general(
        q_ref[...], e_ref[...],
        dimension_numbers=(((1,), (1,)), ((), ())),
        preferred_element_type=jnp.float32,
        precision=lax.Precision.DEFAULT,
    )


def kernel(s, p, o, entity_embedding, relation_embedding):
    s = s.astype(jnp.int32)
    p = p.astype(jnp.int32)
    o = o.astype(jnp.int32)
    q = _gather_mul(s, p, o, entity_embedding, relation_embedding)
    scores = pl.pallas_call(
        _score_body,
        grid=(_NV,),
        in_specs=[
            pl.BlockSpec((2 * BATCH, EMBED_DIM), lambda v: (0, 0)),
            pl.BlockSpec((_VC, EMBED_DIM), lambda v: (v, 0)),
        ],
        out_specs=pl.BlockSpec((2 * BATCH, _VC), lambda v: (0, v)),
        out_shape=jax.ShapeDtypeStruct((2 * BATCH, NUM_ENTITIES), jnp.float32),
        compiler_params=pltpu.CompilerParams(
            vmem_limit_bytes=100 * 1024 * 1024,
        ),
    )(q, entity_embedding)
    return scores.reshape(2, BATCH, NUM_ENTITIES)

# --- scband reference (transcript-rebuilt; emitter-appended) ---
"""Pipeline reference for scband-evaluation-model-42855183679599 (READ-ONLY COPY).

The authoritative reference and input builder live on the scoring server;
editing this copy changes nothing except your own understanding.
"""

import jax, jax.numpy as jnp
import numpy as np

NUM_ENTITIES = 100000
NUM_RELATIONS = 1000
EMBED_DIM = 64
BATCH = 1024
EMBED_RANGE = 0.1


def setup_inputs(seed: int = 0) -> dict:
    key = jax.random.key(seed)
    k0, k1, k2, k3, k4 = jax.random.split(key, 5)
    s = jax.random.randint(k0, (BATCH,), 0, NUM_ENTITIES)
    p = jax.random.randint(k1, (BATCH,), 0, NUM_RELATIONS)
    o = jax.random.randint(k2, (BATCH,), 0, NUM_ENTITIES)
    # Learned parameters, initialised uniform(-embedding_range, embedding_range)
    # exactly as in EvaluationModel.init_embeddings
    entity_embedding = jax.random.uniform(
        k3, (NUM_ENTITIES, EMBED_DIM), dtype=jnp.float32,
        minval=-EMBED_RANGE, maxval=EMBED_RANGE)
    relation_embedding = jax.random.uniform(
        k4, (NUM_RELATIONS, EMBED_DIM), dtype=jnp.float32,
        minval=-EMBED_RANGE, maxval=EMBED_RANGE)
    return {
        "s": s,
        "p": p,
        "o": o,
        "entity_embedding": entity_embedding,
        "relation_embedding": relation_embedding,
    }


def reference(s, p, o, entity_embedding, relation_embedding):
    # One evaluation batch of EvaluationModel.evaluate_only_metrics:
    # embedding lookups for (s, p, o) followed by scoring against the
    # full entity vocabulary (DistMult model_class) for both
    # predict_object_scores and predict_subject_scores.
    e_s = jnp.take(entity_embedding, s, axis=0)      # [B, D] gather
    e_o = jnp.take(entity_embedding, o, axis=0)      # [B, D] gather
    r_p = jnp.take(relation_embedding, p, axis=0)    # [B, D] gather
    # scores over all entities
    scores_object = (e_s * r_p) @ entity_embedding.T   # [B, NUM_ENTITIES]
    scores_subject = (e_o * r_p) @ entity_embedding.T  # [B, NUM_ENTITIES]
    return jnp.stack([scores_object, scores_subject], axis=0)  # [2, B, V]

if __name__ == "__main__":
    import jax
    _d = setup_inputs()
    print(jax.jit(kernel)(*tuple(_d.values())))

</pallas_src>

<mosaic_0001>
#map = affine_map<(d0, d1) -> (0)>
#map1 = affine_map<(d0, d1) -> (0, 0)>
module attributes {stable_mosaic.version = 14 : i64} {
  func.func @_gather_mul_body(%arg0: i32, %arg1: i32, %arg2: memref<1024xi32, #tpu.memory_space<hbm>>, %arg3: memref<1024xi32, #tpu.memory_space<hbm>>, %arg4: memref<1024xi32, #tpu.memory_space<hbm>>, %arg5: memref<100000x64xf32, #tpu.memory_space<hbm>>, %arg6: memref<1000x64xf32, #tpu.memory_space<hbm>>, %arg7: memref<2048x64xf32, #tpu.memory_space<hbm>>, %arg8: memref<32xi32, #tpu.memory_space<vmem>>, %arg9: memref<32xi32, #tpu.memory_space<vmem>>, %arg10: memref<32xi32, #tpu.memory_space<vmem>>, %arg11: memref<32x64xf32, #tpu.memory_space<vmem>>, %arg12: memref<32x64xf32, #tpu.memory_space<vmem>>, %arg13: memref<32x64xf32, #tpu.memory_space<vmem>>, %arg14: memref<!tpu.dma_semaphore, #tpu.memory_space<semaphore_mem>>) attributes {dimension_semantics = [#tpu.dimension_semantics<core_parallel>, #tpu.dimension_semantics<subcore_parallel>], iteration_bounds = array<i64: 2, 16>, scalar_prefetch = 0 : i64, scratch_operands = 7 : i64, tpu.core_type = #tpu.core_type<sc_vector_subcore>, window_params = [{transform_indices = #map}, {transform_indices = #map}, {transform_indices = #map}, {transform_indices = #map1}, {transform_indices = #map1}, {transform_indices = #map1}]} {
    %mul3A = arith.constant 2 : i32
    %mul3A_0 = arith.muli %arg1, %mul3A : i32
    %add3A = arith.addi %mul3A_0, %arg0 : i32
    %mul3A_1 = arith.constant 32 : i32
    %mul3A_2 = arith.muli %add3A, %mul3A_1 : i32
    "tpu.region"() ({
      %run_scoped3A = tpu.sem_alloc : memref<!tpu.dma_semaphore, #tpu.memory_space<semaphore_mem>>
      %dma_start3A_3731 = tpu.memref_slice %arg2[%mul3A_2] : memref<1024xi32, #tpu.memory_space<hbm>> -> memref<32xi32, #tpu.memory_space<hbm>>
      %dma_start3A_3732 = tpu.memref_slice %arg2[%mul3A_2] : memref<1024xi32, #tpu.memory_space<hbm>> -> memref<32xi32, #tpu.memory_space<hbm>>
      tpu.enqueue_dma source(%dma_start3A_3732 : memref<32xi32, #tpu.memory_space<hbm>>) target(%arg8 : memref<32xi32, #tpu.memory_space<vmem>>) target_semaphore(%run_scoped3A : memref<!tpu.dma_semaphore, #tpu.memory_space<semaphore_mem>>)
      %dma_wait3A_3733 = tpu.memref_slice %arg2[%mul3A_2] : memref<1024xi32, #tpu.memory_space<hbm>> -> memref<32xi32, #tpu.memory_space<hbm>>
      %dma_wait3A_3734 = tpu.memref_slice %arg2[%mul3A_2] : memref<1024xi32, #tpu.memory_space<hbm>> -> memref<32xi32, #tpu.memory_space<hbm>>
      tpu.wait_dma2 semaphore(%run_scoped3A : memref<!tpu.dma_semaphore, #tpu.memory_space<semaphore_mem>>) src(%dma_wait3A_3734 : memref<32xi32, #tpu.memory_space<hbm>>) dst(%arg8 : memref<32xi32, #tpu.memory_space<vmem>>)
      tpu.yield
    }) : () -> ()
    "tpu.region"() ({
      %run_scoped3A = tpu.sem_alloc : memref<!tpu.dma_semaphore, #tpu.memory_space<semaphore_mem>>
      %dma_start3A_3731 = tpu.memref_slice %arg3[%mul3A_2] : memref<1024xi32, #tpu.memory_space<hbm>> -> memref<32xi32, #tpu.memory_space<hbm>>
      %dma_start3A_3732 = tpu.memref_slice %arg3[%mul3A_2] : memref<1024xi32, #tpu.memory_space<hbm>> -> memref<32xi32, #tpu.memory_space<hbm>>
      tpu.enqueue_dma source(%dma_start3A_3732 : memref<32xi32, #tpu.memory_space<hbm>>) target(%arg9 : memref<32xi32, #tpu.memory_space<vmem>>) target_semaphore(%run_scoped3A : memref<!tpu.dma_semaphore, #tpu.memory_space<semaphore_mem>>)
      %dma_wait3A_3733 = tpu.memref_slice %arg3[%mul3A_2] : memref<1024xi32, #tpu.memory_space<hbm>> -> memref<32xi32, #tpu.memory_space<hbm>>
      %dma_wait3A_3734 = tpu.memref_slice %arg3[%mul3A_2] : memref<1024xi32, #tpu.memory_space<hbm>> -> memref<32xi32, #tpu.memory_space<hbm>>
      tpu.wait_dma2 semaphore(%run_scoped3A : memref<!tpu.dma_semaphore, #tpu.memory_space<semaphore_mem>>) src(%dma_wait3A_3734 : memref<32xi32, #tpu.memory_space<hbm>>) dst(%arg9 : memref<32xi32, #tpu.memory_space<vmem>>)
      tpu.yield
    }) : () -> ()
    "tpu.region"() ({
      %run_scoped3A = tpu.sem_alloc : memref<!tpu.dma_semaphore, #tpu.memory_space<semaphore_mem>>
      %dma_start3A_3731 = tpu.memref_slice %arg4[%mul3A_2] : memref<1024xi32, #tpu.memory_space<hbm>> -> memref<32xi32, #tpu.memory_space<hbm>>
      %dma_start3A_3732 = tpu.memref_slice %arg4[%mul3A_2] : memref<1024xi32, #tpu.memory_space<hbm>> -> memref<32xi32, #tpu.memory_space<hbm>>
      tpu.enqueue_dma source(%dma_start3A_3732 : memref<32xi32, #tpu.memory_space<hbm>>) target(%arg10 : memref<32xi32, #tpu.memory_space<vmem>>) target_semaphore(%run_scoped3A : memref<!tpu.dma_semaphore, #tpu.memory_space<semaphore_mem>>)
      %dma_wait3A_3733 = tpu.memref_slice %arg4[%mul3A_2] : memref<1024xi32, #tpu.memory_space<hbm>> -> memref<32xi32, #tpu.memory_space<hbm>>
      %dma_wait3A_3734 = tpu.memref_slice %arg4[%mul3A_2] : memref<1024xi32, #tpu.memory_space<hbm>> -> memref<32xi32, #tpu.memory_space<hbm>>
      tpu.wait_dma2 semaphore(%run_scoped3A : memref<!tpu.dma_semaphore, #tpu.memory_space<semaphore_mem>>) src(%dma_wait3A_3734 : memref<32xi32, #tpu.memory_space<hbm>>) dst(%arg10 : memref<32xi32, #tpu.memory_space<vmem>>)
      tpu.yield
    }) : () -> ()
    %dma_start3A = arith.constant 0 : i32
    %dma_start3A_3 = arith.constant 0 : i32
    %dma_start3A_4 = tpu.memref_slice %arg5[%dma_start3A, %dma_start3A_3] : memref<100000x64xf32, #tpu.memory_space<hbm>> -> memref<100000x64xf32, #tpu.memory_space<hbm>>
    tpu.enqueue_indirect_dma source(%dma_start3A_4 : memref<100000x64xf32, #tpu.memory_space<hbm>>) target(%arg11 : memref<32x64xf32, #tpu.memory_space<vmem>>) offsets(%arg8 : memref<32xi32, #tpu.memory_space<vmem>>) semaphore(%arg14 : memref<!tpu.dma_semaphore, #tpu.memory_space<semaphore_mem>>)
    %dma_start3A_5 = arith.constant 0 : i32
    %dma_start3A_6 = arith.constant 0 : i32
    %dma_start3A_7 = tpu.memref_slice %arg5[%dma_start3A_5, %dma_start3A_6] : memref<100000x64xf32, #tpu.memory_space<hbm>> -> memref<100000x64xf32, #tpu.memory_space<hbm>>
    tpu.enqueue_indirect_dma source(%dma_start3A_7 : memref<100000x64xf32, #tpu.memory_space<hbm>>) target(%arg12 : memref<32x64xf32, #tpu.memory_space<vmem>>) offsets(%arg10 : memref<32xi32, #tpu.memory_space<vmem>>) semaphore(%arg14 : memref<!tpu.dma_semaphore, #tpu.memory_space<semaphore_mem>>)
    %dma_start3A_8 = arith.constant 0 : i32
    %dma_start3A_9 = arith.constant 0 : i32
    %dma_start3A_10 = tpu.memref_slice %arg6[%dma_start3A_8, %dma_start3A_9] : memref<1000x64xf32, #tpu.memory_space<hbm>> -> memref<1000x64xf32, #tpu.memory_space<hbm>>
    tpu.enqueue_indirect_dma source(%dma_start3A_10 : memref<1000x64xf32, #tpu.memory_space<hbm>>) target(%arg13 : memref<32x64xf32, #tpu.memory_space<vmem>>) offsets(%arg9 : memref<32xi32, #tpu.memory_space<vmem>>) semaphore(%arg14 : memref<!tpu.dma_semaphore, #tpu.memory_space<semaphore_mem>>)
    %dma_wait3A = arith.constant 0 : i32
    %dma_wait3A_11 = arith.constant 0 : i32
    %dma_wait3A_12 = tpu.memref_slice %arg5[%dma_wait3A, %dma_wait3A_11] : memref<100000x64xf32, #tpu.memory_space<hbm>> -> memref<100000x64xf32, #tpu.memory_space<hbm>>
    tpu.wait_indirect_dma semaphore(%arg14 : memref<!tpu.dma_semaphore, #tpu.memory_space<semaphore_mem>>) src(%dma_wait3A_12 : memref<100000x64xf32, #tpu.memory_space<hbm>>) dst(%arg11 : memref<32x64xf32, #tpu.memory_space<vmem>>)
    %dma_wait3A_13 = arith.constant 0 : i32
    %dma_wait3A_14 = arith.constant 0 : i32
    %dma_wait3A_15 = tpu.memref_slice %arg5[%dma_wait3A_13, %dma_wait3A_14] : memref<100000x64xf32, #tpu.memory_space<hbm>> -> memref<100000x64xf32, #tpu.memory_space<hbm>>
    tpu.wait_indirect_dma semaphore(%arg14 : memref<!tpu.dma_semaphore, #tpu.memory_space<semaphore_mem>>) src(%dma_wait3A_15 : memref<100000x64xf32, #tpu.memory_space<hbm>>) dst(%arg12 : memref<32x64xf32, #tpu.memory_space<vmem>>)
    %dma_wait3A_16 = arith.constant 0 : i32
    %dma_wait3A_17 = arith.constant 0 : i32
    %dma_wait3A_18 = tpu.memref_slice %arg6[%dma_wait3A_16, %dma_wait3A_17] : memref<1000x64xf32, #tpu.memory_space<hbm>> -> memref<1000x64xf32, #tpu.memory_space<hbm>>
    tpu.wait_indirect_dma semaphore(%arg14 : memref<!tpu.dma_semaphore, #tpu.memory_space<semaphore_mem>>) src(%dma_wait3A_18 : memref<1000x64xf32, #tpu.memory_space<hbm>>) dst(%arg13 : memref<32x64xf32, #tpu.memory_space<vmem>>)
    %get3A = arith.constant 0 : i32
    %get3A_19 = arith.index_cast %get3A : i32 to index
    %get3A_20 = arith.constant 0 : index
    %get3A_21 = tpu.vector_load %arg13[%get3A_19, %get3A_20] {strides = array<i32>} : memref<32x64xf32, #tpu.memory_space<vmem>>, vector<1x16xf32>,
    %get3A_22 = vector.shape_cast %get3A_21 : vector<1x16xf32> to vector<16xf32>
    %get3A_23 = arith.constant 0 : i32
    %get3A_24 = arith.index_cast %get3A_23 : i32 to index
    %get3A_25 = arith.constant 0 : index
    %get3A_26 = tpu.vector_load %arg11[%get3A_24, %get3A_25] {strides = array<i32>} : memref<32x64xf32, #tpu.memory_space<vmem>>, vector<1x16xf32>,
    %get3A_27 = vector.shape_cast %get3A_26 : vector<1x16xf32> to vector<16xf32>
    %mul3A_28 = arith.mulf %get3A_27, %get3A_22 : vector<16xf32>
    %swap3A = arith.constant 0 : i32
    %swap3A_29 = arith.index_cast %swap3A : i32 to index
    %swap3A_30 = arith.constant 0 : index
    %swap3A_31 = tpu.vector_load %arg11[%swap3A_29, %swap3A_30] {strides = array<i32>} : memref<32x64xf32, #tpu.memory_space<vmem>>, vector<1x16xf32>,
    %swap3A_32 = vector.shape_cast %swap3A_31 : vector<1x16xf32> to vector<16xf32>
    %swap3A_33 = vector.shape_cast %mul3A_28 : vector<16xf32> to vector<1x16xf32>
    tpu.vector_store %arg11[%swap3A_29, %swap3A_30], %swap3A_33 {strides = array<i32>} : memref<32x64xf32, #tpu.memory_space<vmem>>, vector<1x16xf32>,
    %get3A_34 = arith.constant 0 : i32
    %get3A_35 = arith.index_cast %get3A_34 : i32 to index
    %get3A_36 = arith.constant 0 : index
    %get3A_37 = tpu.vector_load %arg12[%get3A_35, %get3A_36] {strides = array<i32>} : memref<32x64xf32, #tpu.memory_space<vmem>>, vector<1x16xf32>,
    %get3A_38 = vector.shape_cast %get3A_37 : vector<1x16xf32> to vector<16xf32>
    %mul3A_39 = arith.mulf %get3A_38, %get3A_22 : vector<16xf32>
    %swap3A_40 = arith.constant 0 : i32
    %swap3A_41 = arith.index_cast %swap3A_40 : i32 to index
    %swap3A_42 = arith.constant 0 : index
    %swap3A_43 = tpu.vector_load %arg12[%swap3A_41, %swap3A_42] {strides = array<i32>} : memref<32x64xf32, #tpu.memory_space<vmem>>, vector<1x16xf32>,
    %swap3A_44 = vector.shape_cast %swap3A_43 : vector<1x16xf32> to vector<16xf32>
    %swap3A_45 = vector.shape_cast %mul3A_39 : vector<16xf32> to vector<1x16xf32>
    tpu.vector_store %arg12[%swap3A_41, %swap3A_42], %swap3A_45 {strides = array<i32>} : memref<32x64xf32, #tpu.memory_space<vmem>>, vector<1x16xf32>,
    %get3A_46 = arith.constant 0 : i32
    %get3A_47 = arith.index_cast %get3A_46 : i32 to index
    %get3A_48 = arith.constant 16 : index
    %get3A_49 = tpu.vector_load %arg13[%get3A_47, %get3A_48] {strides = array<i32>} : memref<32x64xf32, #tpu.memory_space<vmem>>, vector<1x16xf32>,
    %get3A_50 = vector.shape_cast %get3A_49 : vector<1x16xf32> to vector<16xf32>
    %get3A_51 = arith.constant 0 : i32
    %get3A_52 = arith.index_cast %get3A_51 : i32 to index
    %get3A_53 = arith.constant 16 : index
    %get3A_54 = tpu.vector_load %arg11[%get3A_52, %get3A_53] {strides = array<i32>} : memref<32x64xf32, #tpu.memory_space<vmem>>, vector<1x16xf32>,
    %get3A_55 = vector.shape_cast %get3A_54 : vector<1x16xf32> to vector<16xf32>
    %mul3A_56 = arith.mulf %get3A_55, %get3A_50 : vector<16xf32>
    %swap3A_57 = arith.constant 0 : i32
    %swap3A_58 = arith.index_cast %swap3A_57 : i32 to index
    %swap3A_59 = arith.constant 16 : index
    %swap3A_60 = tpu.vector_load %arg11[%swap3A_58, %swap3A_59] {strides = array<i32>} : memref<32x64xf32, #tpu.memory_space<vmem>>, vector<1x16xf32>,
    %swap3A_61 = vector.shape_cast %swap3A_60 : vector<1x16xf32> to vector<16xf32>
    %swap3A_62 = vector.shape_cast %mul3A_56 : vector<16xf32> to vector<1x16xf32>
    tpu.vector_store %arg11[%swap3A_58, %swap3A_59], %swap3A_62 {strides = array<i32>} : memref<32x64xf32, #tpu.memory_space<vmem>>, vector<1x16xf32>,
    %get3A_63 = arith.constant 0 : i32
    %get3A_64 = arith.index_cast %get3A_63 : i32 to index
    %get3A_65 = arith.constant 16 : index
    %get3A_66 = tpu.vector_load %arg12[%get3A_64, %get3A_65] {strides = array<i32>} : memref<32x64xf32, #tpu.memory_space<vmem>>, vector<1x16xf32>,
    %get3A_67 = vector.shape_cast %get3A_66 : vector<1x16xf32> to vector<16xf32>
    %mul3A_68 = arith.mulf %get3A_67, %get3A_50 : vector<16xf32>
    %swap3A_69 = arith.constant 0 : i32
    %swap3A_70 = arith.index_cast %swap3A_69 : i32 to index
    %swap3A_71 = arith.constant 16 : index
    %swap3A_72 = tpu.vector_load %arg12[%swap3A_70, %swap3A_71] {strides = array<i32>} : memref<32x64xf32, #tpu.memory_space<vmem>>, vector<1x16xf32>,
    %swap3A_73 = vector.shape_cast %swap3A_72 : vector<1x16xf32> to vector<16xf32>
    %swap3A_74 = vector.shape_cast %mul3A_68 : vector<16xf32> to vector<1x16xf32>
    tpu.vector_store %arg12[%swap3A_70, %swap3A_71], %swap3A_74 {strides = array<i32>} : memref<32x64xf32, #tpu.memory_space<vmem>>, vector<1x16xf32>,
    %get3A_75 = arith.constant 0 : i32
    %get3A_76 = arith.index_cast %get3A_75 : i32 to index
    %get3A_77 = arith.constant 32 : index
    %get3A_78 = tpu.vector_load %arg13[%get3A_76, %get3A_77] {strides = array<i32>} : memref<32x64xf32, #tpu.memory_space<vmem>>, vector<1x16xf32>,
    %get3A_79 = vector.shape_cast %get3A_78 : vector<1x16xf32> to vector<16xf32>
    %get3A_80 = arith.constant 0 : i32
    %get3A_81 = arith.index_cast %get3A_80 : i32 to index
    %get3A_82 = arith.constant 32 : index
    %get3A_83 = tpu.vector_load %arg11[%get3A_81, %get3A_82] {strides = array<i32>} : memref<32x64xf32, #tpu.memory_space<vmem>>, vector<1x16xf32>,
    %get3A_84 = vector.shape_cast %get3A_83 : vector<1x16xf32> to vector<16xf32>
    %mul3A_85 = arith.mulf %get3A_84, %get3A_79 : vector<16xf32>
    %swap3A_86 = arith.constant 0 : i32
    %swap3A_87 = arith.index_cast %swap3A_86 : i32 to index
    %swap3A_88 = arith.constant 32 : index
    %swap3A_89 = tpu.vector_load %arg11[%swap3A_87, %swap3A_88] {strides = array<i32>} : memref<32x64xf32, #tpu.memory_space<vmem>>, vector<1x16xf32>,
    %swap3A_90 = vector.shape_cast %swap3A_89 : vector<1x16xf32> to vector<16xf32>
    %swap3A_91 = vector.shape_cast %mul3A_85 : vector<16xf32> to vector<1x16xf32>
    tpu.vector_store %arg11[%swap3A_87, %swap3A_88], %swap3A_91 {strides = array<i32>} : memref<32x64xf32, #tpu.memory_space<vmem>>, vector<1x16xf32>,
    %get3A_92 = arith.constant 0 : i32
    %get3A_93 = arith.index_cast %get3A_92 : i32 to index
    %get3A_94 = arith.constant 32 : index
    %get3A_95 = tpu.vector_load %arg12[%get3A_93, %get3A_94] {strides = array<i32>} : memref<32x64xf32, #tpu.memory_space<vmem>>, vector<1x16xf32>,
    %get3A_96 = vector.shape_cast %get3A_95 : vector<1x16xf32> to vector<16xf32>
    %mul3A_97 = arith.mulf %get3A_96, %get3A_79 : vector<16xf32>
    %swap3A_98 = arith.constant 0 : i32
    %swap3A_99 = arith.index_cast %swap3A_98 : i32 to index
    %swap3A_100 = arith.constant 32 : index
    %swap3A_101 = tpu.vector_load %arg12[%swap3A_99, %swap3A_100] {strides = array<i32>} : memref<32x64xf32, #tpu.memory_space<vmem>>, vector<1x16xf32>,
    %swap3A_102 = vector.shape_cast %swap3A_101 : vector<1x16xf32> to vector<16xf32>
    %swap3A_103 = vector.shape_cast %mul3A_97 : vector<16xf32> to vector<1x16xf32>
    tpu.vector_store %arg12[%swap3A_99, %swap3A_100], %swap3A_103 {strides = array<i32>} : memref<32x64xf32, #tpu.memory_space<vmem>>, vector<1x16xf32>,
    %get3A_104 = arith.constant 0 : i32
    %get3A_105 = arith.index_cast %get3A_104 : i32 to index
    %get3A_106 = arith.constant 48 : index
    %get3A_107 = tpu.vector_load %arg13[%get3A_105, %get3A_106] {strides = array<i32>} : memref<32x64xf32, #tpu.memory_space<vmem>>, vector<1x16xf32>,
    %get3A_108 = vector.shape_cast %get3A_107 : vector<1x16xf32> to vector<16xf32>
    %get3A_109 = arith.constant 0 : i32
    %get3A_110 = arith.index_cast %get3A_109 : i32 to index
    %get3A_111 = arith.constant 48 : index
    %get3A_112 = tpu.vector_load %arg11[%get3A_110, %get3A_111] {strides = array<i32>} : memref<32x64xf32, #tpu.memory_space<vmem>>, vector<1x16xf32>,
    %get3A_113 = vector.shape_cast %get3A_112 : vector<1x16xf32> to vector<16xf32>
    %mul3A_114 = arith.mulf %get3A_113, %get3A_108 : vector<16xf32>
    %swap3A_115 = arith.constant 0 : i32
    %swap3A_116 = arith.index_cast %swap3A_115 : i32 to index
    %swap3A_117 = arith.constant 48 : index
    %swap3A_118 = tpu.vector_load %arg11[%swap3A_116, %swap3A_117] {strides = array<i32>} : memref<32x64xf32, #tpu.memory_space<vmem>>, vector<1x16xf32>,
    %swap3A_119 = vector.shape_cast %swap3A_118 : vector<1x16xf32> to vector<16xf32>
    %swap3A_120 = vector.shape_cast %mul3A_114 : vector<16xf32> to vector<1x16xf32>
    tpu.vector_store %arg11[%swap3A_116, %swap3A_117], %swap3A_120 {strides = array<i32>} : memref<32x64xf32, #tpu.memory_space<vmem>>, vector<1x16xf32>,
    %get3A_121 = arith.constant 0 : i32
    %get3A_122 = arith.index_cast %get3A_121 : i32 to index
    %get3A_123 = arith.constant 48 : index
    %get3A_124 = tpu.vector_load %arg12[%get3A_122, %get3A_123] {strides = array<i32>} : memref<32x64xf32, #tpu.memory_space<vmem>>, vector<1x16xf32>,
    %get3A_125 = vector.shape_cast %get3A_124 : vector<1x16xf32> to vector<16xf32>
    %mul3A_126 = arith.mulf %get3A_125, %get3A_108 : vector<16xf32>
    %swap3A_127 = arith.constant 0 : i32
    %swap3A_128 = arith.index_cast %swap3A_127 : i32 to index
    %swap3A_129 = arith.constant 48 : index
    %swap3A_130 = tpu.vector_load %arg12[%swap3A_128, %swap3A_129] {strides = array<i32>} : memref<32x64xf32, #tpu.memory_space<vmem>>, vector<1x16xf32>,
    %swap3A_131 = vector.shape_cast %swap3A_130 : vector<1x16xf32> to vector<16xf32>
    %swap3A_132 = vector.shape_cast %mul3A_126 : vector<16xf32> to vector<1x16xf32>
    tpu.vector_store %arg12[%swap3A_128, %swap3A_129], %swap3A_132 {strides = array<i32>} : memref<32x64xf32, #tpu.memory_space<vmem>>, vector<1x16xf32>,
    %get3A_133 = arith.constant 1 : i32
    %get3A_134 = arith.index_cast %get3A_133 : i32 to index
    %get3A_135 = arith.constant 0 : index
    %get3A_136 = tpu.vector_load %arg13[%get3A_134, %get3A_135] {strides = array<i32>} : memref<32x64xf32, #tpu.memory_space<vmem>>, vector<1x16xf32>,
    %get3A_137 = vector.shape_cast %get3A_136 : vector<1x16xf32> to vector<16xf32>
    %get3A_138 = arith.constant 1 : i32
    %get3A_139 = arith.index_cast %get3A_138 : i32 to index
    %get3A_140 = arith.constant 0 : index
    %get3A_141 = tpu.vector_load %arg11[%get3A_139, %get3A_140] {strides = array<i32>} : memref<32x64xf32, #tpu.memory_space<vmem>>, vector<1x16xf32>,
    %get3A_142 = vector.shape_cast %get3A_141 : vector<1x16xf32> to vector<16xf32>
    %mul3A_143 = arith.mulf %get3A_142, %get3A_137 : vector<16xf32>
    %swap3A_144 = arith.constant 1 : i32
    %swap3A_145 = arith.index_cast %swap3A_144 : i32 to index
    %swap3A_146 = arith.constant 0 : index
    %swap3A_147 = tpu.vector_load %arg11[%swap3A_145, %swap3A_146] {strides = array<i32>} : memref<32x64xf32, #tpu.memory_space<vmem>>, vector<1x16xf32>,
    %swap3A_148 = vector.shape_cast %swap3A_147 : vector<1x16xf32> to vector<16xf32>
    %swap3A_149 = vector.shape_cast %mul3A_143 : vector<16xf32> to vector<1x16xf32>
    tpu.vector_store %arg11[%swap3A_145, %swap3A_146], %swap3A_149 {strides = array<i32>} : memref<32x64xf32, #tpu.memory_space<vmem>>, vector<1x16xf32>,
    %get3A_150 = arith.constant 1 : i32
    %get3A_151 = arith.index_cast %get3A_150 : i32 to index
    %get3A_152 = arith.constant 0 : index
    %get3A_153 = tpu.vector_load %arg12[%get3A_151, %get3A_152] {strides = array<i32>} : memref<32x64xf32, #tpu.memory_space<vmem>>, vector<1x16xf32>,
    %get3A_154 = vector.shape_cast %get3A_153 : vector<1x16xf32> to vector<16xf32>
    %mul3A_155 = arith.mulf %get3A_154, %get3A_137 : vector<16xf32>
    %swap3A_156 = arith.constant 1 : i32
    %swap3A_157 = arith.index_cast %swap3A_156 : i32 to index
    %swap3A_158 = arith.constant 0 : index
    %swap3A_159 = tpu.vector_load %arg12[%swap3A_157, %swap3A_158] {strides = array<i32>} : memref<32x64xf32, #tpu.memory_space<vmem>>, vector<1x16xf32>,
    %swap3A_160 = vector.shape_cast %swap3A_159 : vector<1x16xf32> to vector<16xf32>
    %swap3A_161 = vector.shape_cast %mul3A_155 : vector<16xf32> to vector<1x16xf32>
    tpu.vector_store %arg12[%swap3A_157, %swap3A_158], %swap3A_161 {strides = array<i32>} : memref<32x64xf32, #tpu.memory_space<vmem>>, vector<1x16xf32>,
    %get3A_162 = arith.constant 1 : i32
    %get3A_163 = arith.index_cast %get3A_162 : i32 to index
    %get3A_164 = arith.constant 16 : index
    %get3A_165 = tpu.vector_load %arg13[%get3A_163, %get3A_164] {strides = array<i32>} : memref<32x64xf32, #tpu.memory_space<vmem>>, vector<1x16xf32>,
    %get3A_166 = vector.shape_cast %get3A_165 : vector<1x16xf32> to vector<16xf32>
    %get3A_167 = arith.constant 1 : i32
    %get3A_168 = arith.index_cast %get3A_167 : i32 to index
    %get3A_169 = arith.constant 16 : index
    %get3A_170 = tpu.vector_load %arg11[%get3A_168, %get3A_169] {strides = array<i32>} : memref<32x64xf32, #tpu.memory_space<vmem>>, vector<1x16xf32>,
    %get3A_171 = vector.shape_cast %get3A_170 : vector<1x16xf32> to vector<16xf32>
    %mul3A_172 = arith.mulf %get3A_171, %get3A_166 : vector<16xf32>
    %swap3A_173 = arith.constant 1 : i32
    %swap3A_174 = arith.index_cast %swap3A_173 : i32 to index
    %swap3A_175 = arith.constant 16 : index
    %swap3A_176 = tpu.vector_load %arg11[%swap3A_174, %swap3A_175] {strides = array<i32>} : memref<32x64xf32, #tpu.memory_space<vmem>>, vector<1x16xf32>,
    %swap3A_177 = vector.shape_cast %swap3A_176 : vector<1x16xf32> to vector<16xf32>
    %swap3A_178 = vector.shape_cast %mul3A_172 : vector<16xf32> to vector<1x16xf32>
    tpu.vector_store %arg11[%swap3A_174, %swap3A_175], %swap3A_178 {strides = array<i32>} : memref<32x64xf32, #tpu.memory_space<vmem>>, vector<1x16xf32>,
    %get3A_179 = arith.constant 1 : i32
    %get3A_180 = arith.index_cast %get3A_179 : i32 to index
    %get3A_181 = arith.constant 16 : index
    %get3A_182 = tpu.vector_load %arg12[%get3A_180, %get3A_181] {strides = array<i32>} : memref<32x64xf32, #tpu.memory_space<vmem>>, vector<1x16xf32>,
    %get3A_183 = vector.shape_cast %get3A_182 : vector<1x16xf32> to vector<16xf32>
    %mul3A_184 = arith.mulf %get3A_183, %get3A_166 : vector<16xf32>
    %swap3A_185 = arith.constant 1 : i32
    %swap3A_186 = arith.index_cast %swap3A_185 : i32 to index
    %swap3A_187 = arith.constant 16 : index
    %swap3A_188 = tpu.vector_load %arg12[%swap3A_186, %swap3A_187] {strides = array<i32>} : memref<32x64xf32, #tpu.memory_space<vmem>>, vector<1x16xf32>,
    %swap3A_189 = vector.shape_cast %swap3A_188 : vector<1x16xf32> to vector<16xf32>
    %swap3A_190 = vector.shape_cast %mul3A_184 : vector<16xf32> to vector<1x16xf32>
    tpu.vector_store %arg12[%swap3A_186, %swap3A_187], %swap3A_190 {strides = array<i32>} : memref<32x64xf32, #tpu.memory_space<vmem>>, vector<1x16xf32>,
    %get3A_191 = arith.constant 1 : i32
    %get3A_192 = arith.index_cast %get3A_191 : i32 to index
    %get3A_193 = arith.constant 32 : index
    %get3A_194 = tpu.vector_load %arg13[%get3A_192, %get3A_193] {strides = array<i32>} : memref<32x64xf32, #tpu.memory_space<vmem>>, vector<1x16xf32>,
    %get3A_195 = vector.shape_cast %get3A_194 : vector<1x16xf32> to vector<16xf32>
    %get3A_196 = arith.constant 1 : i32
    %get3A_197 = arith.index_cast %get3A_196 : i32 to index
    %get3A_198 = arith.constant 32 : index
    %get3A_199 = tpu.vector_load %arg11[%get3A_197, %get3A_198] {strides = array<i32>} : memref<32x64xf32, #tpu.memory_space<vmem>>, vector<1x16xf32>,
    %get3A_200 = vector.shape_cast %get3A_199 : vector<1x16xf32> to vector<16xf32>
    %mul3A_201 = arith.mulf %get3A_200, %get3A_195 : vector<16xf32>
    %swap3A_202 = arith.constant 1 : i32
    %swap3A_203 = arith.index_cast %swap3A_202 : i32 to index
    %swap3A_204 = arith.constant 32 : index
    %swap3A_205 = tpu.vector_load %arg11[%swap3A_203, %swap3A_204] {strides = array<i32>} : memref<32x64xf32, #tpu.memory_space<vmem>>, vector<1x16xf32>,
    %swap3A_206 = vector.shape_cast %swap3A_205 : vector<1x16xf32> to vector<16xf32>
    %swap3A_207 = vector.shape_cast %mul3A_201 : vector<16xf32> to vector<1x16xf32>
    tpu.vector_store %arg11[%swap3A_203, %swap3A_204], %swap3A_207 {strides = array<i32>} : memref<32x64xf32, #tpu.memory_space<vmem>>, vector<1x16xf32>,
    %get3A_208 = arith.constant 1 : i32
    %get3A_209 = arith.index_cast %get3A_208 : i32 to index
    %get3A_210 = arith.constant 32 : index
    %get3A_211 = tpu.vector_load %arg12[%get3A_209, %get3A_210] {strides = array<i32>} : memref<32x64xf32, #tpu.memory_space<vmem>>, vector<1x16xf32>,
    %get3A_212 = vector.shape_cast %get3A_211 : vector<1x16xf32> to vector<16xf32>
    %mul3A_213 = arith.mulf %get3A_212, %get3A_195 : vector<16xf32>
    %swap3A_214 = arith.constant 1 : i32
    %swap3A_215 = arith.index_cast %swap3A_214 : i32 to index
    %swap3A_216 = arith.constant 32 : index
    %swap3A_217 = tpu.vector_load %arg12[%swap3A_215, %swap3A_216] {strides = array<i32>} : memref<32x64xf32, #tpu.memory_space<vmem>>, vector<1x16xf32>,
    %swap3A_218 = vector.shape_cast %swap3A_217 : vector<1x16xf32> to vector<16xf32>
    %swap3A_219 = vector.shape_cast %mul3A_213 : vector<16xf32> to vector<1x16xf32>
    tpu.vector_store %arg12[%swap3A_215, %swap3A_216], %swap3A_219 {strides = array<i32>} : memref<32x64xf32, #tpu.memory_space<vmem>>, vector<1x16xf32>,
    %get3A_220 = arith.constant 1 : i32
    %get3A_221 = arith.index_cast %get3A_220 : i32 to index
    %get3A_222 = arith.constant 48 : index
    %get3A_223 = tpu.vector_load %arg13[%get3A_221, %get3A_222] {strides = array<i32>} : memref<32x64xf32, #tpu.memory_space<vmem>>, vector<1x16xf32>,
    %get3A_224 = vector.shape_cast %get3A_223 : vector<1x16xf32> to vector<16xf32>
    %get3A_225 = arith.constant 1 : i32
    %get3A_226 = arith.index_cast %get3A_225 : i32 to index
    %get3A_227 = arith.constant 48 : index
    %get3A_228 = tpu.vector_load %arg11[%get3A_226, %get3A_227] {strides = array<i32>} : memref<32x64xf32, #tpu.memory_space<vmem>>, vector<1x16xf32>,
    %get3A_229 = vector.shape_cast %get3A_228 : vector<1x16xf32> to vector<16xf32>
    %mul3A_230 = arith.mulf %get3A_229, %get3A_224 : vector<16xf32>
    %swap3A_231 = arith.constant 1 : i32
    %swap3A_232 = arith.index_cast %swap3A_231 : i32 to index
    %swap3A_233 = arith.constant 48 : index
    %swap3A_234 = tpu.vector_load %arg11[%swap3A_232, %swap3A_233] {strides = array<i32>} : memref<32x64xf32, #tpu.memory_space<vmem>>, vector<1x16xf32>,
    %swap3A_235 = vector.shape_cast %swap3A_234 : vector<1x16xf32> to vector<16xf32>
    %swap3A_236 = vector.shape_cast %mul3A_230 : vector<16xf32> to vector<1x16xf32>
    tpu.vector_store %arg11[%swap3A_232, %swap3A_233], %swap3A_236 {strides = array<i32>} : memref<32x64xf32, #tpu.memory_space<vmem>>, vector<1x16xf32>,
    %get3A_237 = arith.constant 1 : i32
    %get3A_238 = arith.index_cast %get3A_237 : i32 to index
    %get3A_239 = arith.constant 48 : index
    %get3A_240 = tpu.vector_load %arg12[%get3A_238, %get3A_239] {strides = array<i32>} : memref<32x64xf32, #tpu.memory_space<vmem>>, vector<1x16xf32>,
    %get3A_241 = vector.shape_cast %get3A_240 : vector<1x16xf32> to vector<16xf32>
    %mul3A_242 = arith.mulf %get3A_241, %get3A_224 : vector<16xf32>
    %swap3A_243 = arith.constant 1 : i32
    %swap3A_244 = arith.index_cast %swap3A_243 : i32 to index
    %swap3A_245 = arith.constant 48 : index
    %swap3A_246 = tpu.vector_load %arg12[%swap3A_244, %swap3A_245] {strides = array<i32>} : memref<32x64xf32, #tpu.memory_space<vmem>>, vector<1x16xf32>,
    %swap3A_247 = vector.shape_cast %swap3A_246 : vector<1x16xf32> to vector<16xf32>
    %swap3A_248 = vector.shape_cast %mul3A_242 : vector<16xf32> to vector<1x16xf32>
    tpu.vector_store %arg12[%swap3A_244, %swap3A_245], %swap3A_248 {strides = array<i32>} : memref<32x64xf32, #tpu.memory_space<vmem>>, vector<1x16xf32>,
    %get3A_249 = arith.constant 2 : i32
    %get3A_250 = arith.index_cast %get3A_249 : i32 to index
    %get3A_251 = arith.constant 0 : index
    %get3A_252 = tpu.vector_load %arg13[%get3A_250, %get3A_251] {strides = array<i32>} : memref<32x64xf32, #tpu.memory_space<vmem>>, vector<1x16xf32>,
    %get3A_253 = vector.shape_cast %get3A_252 : vector<1x16xf32> to vector<16xf32>
    %get3A_254 = arith.constant 2 : i32
    %get3A_255 = arith.index_cast %get3A_254 : i32 to index
    %get3A_256 = arith.constant 0 : index
    %get3A_257 = tpu.vector_load %arg11[%get3A_255, %get3A_256] {strides = array<i32>} : memref<32x64xf32, #tpu.memory_space<vmem>>, vector<1x16xf32>,
    %get3A_258 = vector.shape_cast %get3A_257 : vector<1x16xf32> to vector<16xf32>
    %mul3A_259 = arith.mulf %get3A_258, %get3A_253 : vector<16xf32>
    %swap3A_260 = arith.constant 2 : i32
    %swap3A_261 = arith.index_cast %swap3A_260 : i32 to index
    %swap3A_262 = arith.constant 0 : index
    %swap3A_263 = tpu.vector_load %arg11[%swap3A_261, %swap3A_262] {strides = array<i32>} : memref<32x64xf32, #tpu.memory_space<vmem>>, vector<1x16xf32>,
    %swap3A_264 = vector.shape_cast %swap3A_263 : vector<1x16xf32> to vector<16xf32>
    %swap3A_265 = vector.shape_cast %mul3A_259 : vector<16xf32> to vector<1x16xf32>
    tpu.vector_store %arg11[%swap3A_261, %swap3A_262], %swap3A_265 {strides = array<i32>} : memref<32x64xf32, #tpu.memory_space<vmem>>, vector<1x16xf32>,
    %get3A_266 = arith.constant 2 : i32
    %get3A_267 = arith.index_cast %get3A_266 : i32 to index
    %get3A_268 = arith.constant 0 : index
    %get3A_269 = tpu.vector_load %arg12[%get3A_267, %get3A_268] {strides = array<i32>} : memref<32x64xf32, #tpu.memory_space<vmem>>, vector<1x16xf32>,
    %get3A_270 = vector.shape_cast %get3A_269 : vector<1x16xf32> to vector<16xf32>
    %mul3A_271 = arith.mulf %get3A_270, %get3A_253 : vector<16xf32>
    %swap3A_272 = arith.constant 2 : i32
    %swap3A_273 = arith.index_cast %swap3A_272 : i32 to index
    %swap3A_274 = arith.constant 0 : index
    %swap3A_275 = tpu.vector_load %arg12[%swap3A_273, %swap3A_274] {strides = array<i32>} : memref<32x64xf32, #tpu.memory_space<vmem>>, vector<1x16xf32>,
    %swap3A_276 = vector.shape_cast %swap3A_275 : vector<1x16xf32> to vector<16xf32>
    %swap3A_277 = vector.shape_cast %mul3A_271 : vector<16xf32> to vector<1x16xf32>
    tpu.vector_store %arg12[%swap3A_273, %swap3A_274], %swap3A_277 {strides = array<i32>} : memref<32x64xf32, #tpu.memory_space<vmem>>, vector<1x16xf32>,
    %get3A_278 = arith.constant 2 : i32
    %get3A_279 = arith.index_cast %get3A_278 : i32 to index
    %get3A_280 = arith.constant 16 : index
    %get3A_281 = tpu.vector_load %arg13[%get3A_279, %get3A_280] {strides = array<i32>} : memref<32x64xf32, #tpu.memory_space<vmem>>, vector<1x16xf32>,
    %get3A_282 = vector.shape_cast %get3A_281 : vector<1x16xf32> to vector<16xf32>
    %get3A_283 = arith.constant 2 : i32
    %get3A_284 = arith.index_cast %get3A_283 : i32 to index
    %get3A_285 = arith.constant 16 : index
    %get3A_286 = tpu.vector_load %arg11[%get3A_284, %get3A_285] {strides = array<i32>} : memref<32x64xf32, #tpu.memory_space<vmem>>, vector<1x16xf32>,
    %get3A_287 = vector.shape_cast %get3A_286 : vector<1x16xf32> to vector<16xf32>
    %mul3A_288 = arith.mulf %get3A_287, %get3A_282 : vector<16xf32>
    %swap3A_289 = arith.constant 2 : i32
    %swap3A_290 = arith.index_cast %swap3A_289 : i32 to index
    %swap3A_291 = arith.constant 16 : index
    %swap3A_292 = tpu.vector_load %arg11[%swap3A_290, %swap3A_291] {strides = array<i32>} : memref<32x64xf32, #tpu.memory_space<vmem>>, vector<1x16xf32>,
    %swap3A_293 = vector.shape_cast %swap3A_292 : vector<1x16xf32> to vector<16xf32>
    %swap3A_294 = vector.shape_cast %mul3A_288 : vector<16xf32> to vector<1x16xf32>
    tpu.vector_store %arg11[%swap3A_290, %swap3A_291], %swap3A_294 {strides = array<i32>} : memref<32x64xf32, #tpu.memory_space<vmem>>, vector<1x16xf32>,
    %get3A_295 = arith.constant 2 : i32
    %get3A_296 = arith.index_cast %get3A_295 : i32 to index
    %get3A_297 = arith.constant 16 : index
    %get3A_298 = tpu.vector_load %arg12[%get3A_296, %get3A_297] {strides = array<i32>} : memref<32x64xf32, #tpu.memory_space<vmem>>, vector<1x16xf32>,
    %get3A_299 = vector.shape_cast %get3A_298 : vector<1x16xf32> to vector<16xf32>
    %mul3A_300 = arith.mulf %get3A_299, %get3A_282 : vector<16xf32>
    %swap3A_301 = arith.constant 2 : i32
    %swap3A_302 = arith.index_cast %swap3A_301 : i32 to index
    %swap3A_303 = arith.constant 16 : index
    %swap3A_304 = tpu.vector_load %arg12[%swap3A_302, %swap3A_303] {strides = array<i32>} : memref<32x64xf32, #tpu.memory_space<vmem>>, vector<1x16xf32>,
    %swap3A_305 = vector.shape_cast %swap3A_304 : vector<1x16xf32> to vector<16xf32>
    %swap3A_306 = vector.shape_cast %mul3A_300 : vector<16xf32> to vector<1x16xf32>
    tpu.vector_store %arg12[%swap3A_302, %swap3A_303], %swap3A_306 {strides = array<i32>} : memref<32x64xf32, #tpu.memory_space<vmem>>, vector<1x16xf32>,
    %get3A_307 = arith.constant 2 : i32
    %get3A_308 = arith.index_cast %get3A_307 : i32 to index
    %get3A_309 = arith.constant 32 : index
    %get3A_310 = tpu.vector_load %arg13[%get3A_308, %get3A_309] {strides = array<i32>} : memref<32x64xf32, #tpu.memory_space<vmem>>, vector<1x16xf32>,
    %get3A_311 = vector.shape_cast %get3A_310 : vector<1x16xf32> to vector<16xf32>
    %get3A_312 = arith.constant 2 : i32
    %get3A_313 = arith.index_cast %get3A_312 : i32 to index
    %get3A_314 = arith.constant 32 : index
    %get3A_315 = tpu.vector_load %arg11[%get3A_313, %get3A_314] {strides = array<i32>} : memref<32x64xf32, #tpu.memory_space<vmem>>, vector<1x16xf32>,
    %get3A_316 = vector.shape_cast %get3A_315 : vector<1x16xf32> to vector<16xf32>
    %mul3A_317 = arith.mulf %get3A_316, %get3A_311 : vector<16xf32>
    %swap3A_318 = arith.constant 2 : i32
    %swap3A_319 = arith.index_cast %swap3A_318 : i32 to index
    %swap3A_320 = arith.constant 32 : index
    %swap3A_321 = tpu.vector_load %arg11[%swap3A_319, %swap3A_320] {strides = array<i32>} : memref<32x64xf32, #tpu.memory_space<vmem>>, vector<1x16xf32>,
    %swap3A_322 = vector.shape_cast %swap3A_321 : vector<1x16xf32> to vector<16xf32>
    %swap3A_323 = vector.shape_cast %mul3A_317 : vector<16xf32> to vector<1x16xf32>
    tpu.vector_store %arg11[%swap3A_319, %swap3A_320], %swap3A_323 {strides = array<i32>} : memref<32x64xf32, #tpu.memory_space<vmem>>, vector<1x16xf32>,
    %get3A_324 = arith.constant 2 : i32
    %get3A_325 = arith.index_cast %get3A_324 : i32 to index
    %get3A_326 = arith.constant 32 : index
    %get3A_327 = tpu.vector_load %arg12[%get3A_325, %get3A_326] {strides = array<i32>} : memref<32x64xf32, #tpu.memory_space<vmem>>, vector<1x16xf32>,
    %get3A_328 = vector.shape_cast %get3A_327 : vector<1x16xf32> to vector<16xf32>
    %mul3A_329 = arith.mulf %get3A_328, %get3A_311 : vector<16xf32>
    %swap3A_330 = arith.constant 2 : i32
    %swap3A_331 = arith.index_cast %swap3A_330 : i32 to index
    %swap3A_332 = arith.constant 32 : index
    %swap3A_333 = tpu.vector_load %arg12[%swap3A_331, %swap3A_332] {strides = array<i32>} : memref<32x64xf32, #tpu.memory_space<vmem>>, vector<1x16xf32>,
    %swap3A_334 = vector.shape_cast %swap3A_333 : vector<1x16xf32> to vector<16xf32>
    %swap3A_335 = vector.shape_cast %mul3A_329 : vector<16xf32> to vector<1x16xf32>
    tpu.vector_store %arg12[%swap3A_331, %swap3A_332], %swap3A_335 {strides = array<i32>} : memref<32x64xf32, #tpu.memory_space<vmem>>, vector<1x16xf32>,
    %get3A_336 = arith.constant 2 : i32
    %get3A_337 = arith.index_cast %get3A_336 : i32 to index
    %get3A_338 = arith.constant 48 : index
    %get3A_339 = tpu.vector_load %arg13[%get3A_337, %get3A_338] {strides = array<i32>} : memref<32x64xf32, #tpu.memory_space<vmem>>, vector<1x16xf32>,
    %get3A_340 = vector.shape_cast %get3A_339 : vector<1x16xf32> to vector<16xf32>
    %get3A_341 = arith.constant 2 : i32
    %get3A_342 = arith.index_cast %get3A_341 : i32 to index
    %get3A_343 = arith.constant 48 : index
    %get3A_344 = tpu.vector_load %arg11[%get3A_342, %get3A_343] {strides = array<i32>} : memref<32x64xf32, #tpu.memory_space<vmem>>, vector<1x16xf32>,
    %get3A_345 = vector.shape_cast %get3A_344 : vector<1x16xf32> to vector<16xf32>
    %mul3A_346 = arith.mulf %get3A_345, %get3A_340 : vector<16xf32>
    %swap3A_347 = arith.constant 2 : i32
    %swap3A_348 = arith.index_cast %swap3A_347 : i32 to index
    %swap3A_349 = arith.constant 48 : index
    %swap3A_350 = tpu.vector_load %arg11[%swap3A_348, %swap3A_349] {strides = array<i32>} : memref<32x64xf32, #tpu.memory_space<vmem>>, vector<1x16xf32>,
    %swap3A_351 = vector.shape_cast %swap3A_350 : vector<1x16xf32> to vector<16xf32>
    %swap3A_352 = vector.shape_cast %mul3A_346 : vector<16xf32> to vector<1x16xf32>
    tpu.vector_store %arg11[%swap3A_348, %swap3A_349], %swap3A_352 {strides = array<i32>} : memref<32x64xf32, #tpu.memory_space<vmem>>, vector<1x16xf32>,
    %get3A_353 = arith.constant 2 : i32
    %get3A_354 = arith.index_cast %get3A_353 : i32 to index
    %get3A_355 = arith.constant 48 : index
    %get3A_356 = tpu.vector_load %arg12[%get3A_354, %get3A_355] {strides = array<i32>} : memref<32x64xf32, #tpu.memory_space<vmem>>, vector<1x16xf32>,
    %get3A_357 = vector.shape_cast %get3A_356 : vector<1x16xf32> to vector<16xf32>
    %mul3A_358 = arith.mulf %get3A_357, %get3A_340 : vector<16xf32>
    %swap3A_359 = arith.constant 2 : i32
    %swap3A_360 = arith.index_cast %swap3A_359 : i32 to index
    %swap3A_361 = arith.constant 48 : index
    %swap3A_362 = tpu.vector_load %arg12[%swap3A_360, %swap3A_361] {strides = array<i32>} : memref<32x64xf32, #tpu.memory_space<vmem>>, vector<1x16xf32>,
    %swap3A_363 = vector.shape_cast %swap3A_362 : vector<1x16xf32> to vector<16xf32>
    %swap3A_364 = vector.shape_cast %mul3A_358 : vector<16xf32> to vector<1x16xf32>
    tpu.vector_store %arg12[%swap3A_360, %swap3A_361], %swap3A_364 {strides = array<i32>} : memref<32x64xf32, #tpu.memory_space<vmem>>, vector<1x16xf32>,
    %get3A_365 = arith.constant 3 : i32
    %get3A_366 = arith.index_cast %get3A_365 : i32 to index
    %get3A_367 = arith.constant 0 : index
    %get3A_368 = tpu.vector_load %arg13[%get3A_366, %get3A_367] {strides = array<i32>} : memref<32x64xf32, #tpu.memory_space<vmem>>, vector<1x16xf32>,
    %get3A_369 = vector.shape_cast %get3A_368 : vector<1x16xf32> to vector<16xf32>
    %get3A_370 = arith.constant 3 : i32
    %get3A_371 = arith.index_cast %get3A_370 : i32 to index
    %get3A_372 = arith.constant 0 : index
    %get3A_373 = tpu.vector_load %arg11[%get3A_371, %get3A_372] {strides = array<i32>} : memref<32x64xf32, #tpu.memory_space<vmem>>, vector<1x16xf32>,
    %get3A_374 = vector.shape_cast %get3A_373 : vector<1x16xf32> to vector<16xf32>
    %mul3A_375 = arith.mulf %get3A_374, %get3A_369 : vector<16xf32>
    %swap3A_376 = arith.constant 3 : i32
    %swap3A_377 = arith.index_cast %swap3A_376 : i32 to index
    %swap3A_378 = arith.constant 0 : index
    %swap3A_379 = tpu.vector_load %arg11[%swap3A_377, %swap3A_378] {strides = array<i32>} : memref<32x64xf32, #tpu.memory_space<vmem>>, vector<1x16xf32>,
    %swap3A_380 = vector.shape_cast %swap3A_379 : vector<1x16xf32> to vector<16xf32>
    %swap3A_381 = vector.shape_cast %mul3A_375 : vector<16xf32> to vector<1x16xf32>
    tpu.vector_store %arg11[%swap3A_377, %swap3A_378], %swap3A_381 {strides = array<i32>} : memref<32x64xf32, #tpu.memory_space<vmem>>, vector<1x16xf32>,
    %get3A_382 = arith.constant 3 : i32
    %get3A_383 = arith.index_cast %get3A_382 : i32 to index
    %get3A_384 = arith.constant 0 : index
    %get3A_385 = tpu.vector_load %arg12[%get3A_383, %get3A_384] {strides = array<i32>} : memref<32x64xf32, #tpu.memory_space<vmem>>, vector<1x16xf32>,
    %get3A_386 = vector.shape_cast %get3A_385 : vector<1x16xf32> to vector<16xf32>
    %mul3A_387 = arith.mulf %get3A_386, %get3A_369 : vector<16xf32>
    %swap3A_388 = arith.constant 3 : i32
    %swap3A_389 = arith.index_cast %swap3A_388 : i32 to index
    %swap3A_390 = arith.constant 0 : index
    %swap3A_391 = tpu.vector_load %arg12[%swap3A_389, %swap3A_390] {strides = array<i32>} : memref<32x64xf32, #tpu.memory_space<vmem>>, vector<1x16xf32>,
    %swap3A_392 = vector.shape_cast %swap3A_391 : vector<1x16xf32> to vector<16xf32>
    %swap3A_393 = vector.shape_cast %mul3A_387 : vector<16xf32> to vector<1x16xf32>
    tpu.vector_store %arg12[%swap3A_389, %swap3A_390], %swap3A_393 {strides = array<i32>} : memref<32x64xf32, #tpu.memory_space<vmem>>, vector<1x16xf32>,
    %get3A_394 = arith.constant 3 : i32
    %get3A_395 = arith.index_cast %get3A_394 : i32 to index
    %get3A_396 = arith.constant 16 : index
    %get3A_397 = tpu.vector_load %arg13[%get3A_395, %get3A_396] {strides = array<i32>} : memref<32x64xf32, #tpu.memory_space<vmem>>, vector<1x16xf32>,
    %get3A_398 = vector.shape_cast %get3A_397 : vector<1x16xf32> to vector<16xf32>
    %get3A_399 = arith.constant 3 : i32
    %get3A_400 = arith.index_cast %get3A_399 : i32 to index
    %get3A_401 = arith.constant 16 : index
    %get3A_402 = tpu.vector_load %arg11[%get3A_400, %get3A_401] {strides = array<i32>} : memref<32x64xf32, #tpu.memory_space<vmem>>, vector<1x16xf32>,
    %get3A_403 = vector.shape_cast %get3A_402 : vector<1x16xf32> to vector<16xf32>
    %mul3A_404 = arith.mulf %get3A_403, %get3A_398 : vector<16xf32>
    %swap3A_405 = arith.constant 3 : i32
    %swap3A_406 = arith.index_cast %swap3A_405 : i32 to index
    %swap3A_407 = arith.constant 16 : index
    %swap3A_408 = tpu.vector_load %arg11[%swap3A_406, %swap3A_407] {strides = array<i32>} : memref<32x64xf32, #tpu.memory_space<vmem>>, vector<1x16xf32>,
    %swap3A_409 = vector.shape_cast %swap3A_408 : vector<1x16xf32> to vector<16xf32>
    %swap3A_410 = vector.shape_cast %mul3A_404 : vector<16xf32> to vector<1x16xf32>
    tpu.vector_store %arg11[%swap3A_406, %swap3A_407], %swap3A_410 {strides = array<i32>} : memref<32x64xf32, #tpu.memory_space<vmem>>, vector<1x16xf32>,
    %get3A_411 = arith.constant 3 : i32
    %get3A_412 = arith.index_cast %get3A_411 : i32 to index
    %get3A_413 = arith.constant 16 : index
    %get3A_414 = tpu.vector_load %arg12[%get3A_412, %get3A_413] {strides = array<i32>} : memref<32x64xf32, #tpu.memory_space<vmem>>, vector<1x16xf32>,
    %get3A_415 = vector.shape_cast %get3A_414 : vector<1x16xf32> to vector<16xf32>
    %mul3A_416 = arith.mulf %get3A_415, %get3A_398 : vector<16xf32>
    %swap3A_417 = arith.constant 3 : i32
    %swap3A_418 = arith.index_cast %swap3A_417 : i32 to index
    %swap3A_419 = arith.constant 16 : index
    %swap3A_420 = tpu.vector_load %arg12[%swap3A_418, %swap3A_419] {strides = array<i32>} : memref<32x64xf32, #tpu.memory_space<vmem>>, vector<1x16xf32>,
    %swap3A_421 = vector.shape_cast %swap3A_420 : vector<1x16xf32> to vector<16xf32>
    %swap3A_422 = vector.shape_cast %mul3A_416 : vector<16xf32> to vector<1x16xf32>
    tpu.vector_store %arg12[%swap3A_418, %swap3A_419], %swap3A_422 {strides = array<i32>} : memref<32x64xf32, #tpu.memory_space<vmem>>, vector<1x16xf32>,
    %get3A_423 = arith.constant 3 : i32
    %get3A_424 = arith.index_cast %get3A_423 : i32 to index
    %get3A_425 = arith.constant 32 : index
    %get3A_426 = tpu.vector_load %arg13[%get3A_424, %get3A_425] {strides = array<i32>} : memref<32x64xf32, #tpu.memory_space<vmem>>, vector<1x16xf32>,
    %get3A_427 = vector.shape_cast %get3A_426 : vector<1x16xf32> to vector<16xf32>
    %get3A_428 = arith.constant 3 : i32
    %get3A_429 = arith.index_cast %get3A_428 : i32 to index
    %get3A_430 = arith.constant 32 : index
    %get3A_431 = tpu.vector_load %arg11[%get3A_429, %get3A_430] {strides = array<i32>} : memref<32x64xf32, #tpu.memory_space<vmem>>, vector<1x16xf32>,
    %get3A_432 = vector.shape_cast %get3A_431 : vector<1x16xf32> to vector<16xf32>
    %mul3A_433 = arith.mulf %get3A_432, %get3A_427 : vector<16xf32>
    %swap3A_434 = arith.constant 3 : i32
    %swap3A_435 = arith.index_cast %swap3A_434 : i32 to index
    %swap3A_436 = arith.constant 32 : index
    %swap3A_437 = tpu.vector_load %arg11[%swap3A_435, %swap3A_436] {strides = array<i32>} : memref<32x64xf32, #tpu.memory_space<vmem>>, vector<1x16xf32>,
    %swap3A_438 = vector.shape_cast %swap3A_437 : vector<1x16xf32> to vector<16xf32>
    %swap3A_439 = vector.shape_cast %mul3A_433 : vector<16xf32> to vector<1x16xf32>
    tpu.vector_store %arg11[%swap3A_435, %swap3A_436], %swap3A_439 {strides = array<i32>} : memref<32x64xf32, #tpu.memory_space<vmem>>, vector<1x16xf32>,
    %get3A_440 = arith.constant 3 : i32
    %get3A_441 = arith.index_cast %get3A_440 : i32 to index
    %get3A_442 = arith.constant 32 : index
    %get3A_443 = tpu.vector_load %arg12[%get3A_441, %get3A_442] {strides = array<i32>} : memref<32x64xf32, #tpu.memory_space<vmem>>, vector<1x16xf32>,
    %get3A_444 = vector.shape_cast %get3A_443 : vector<1x16xf32> to vector<16xf32>
    %mul3A_445 = arith.mulf %get3A_444, %get3A_427 : vector<16xf32>
    %swap3A_446 = arith.constant 3 : i32
    %swap3A_447 = arith.index_cast %swap3A_446 : i32 to index
    %swap3A_448 = arith.constant 32 : index
    %swap3A_449 = tpu.vector_load %arg12[%swap3A_447, %swap3A_448] {strides = array<i32>} : memref<32x64xf32, #tpu.memory_space<vmem>>, vector<1x16xf32>,
    %swap3A_450 = vector.shape_cast %swap3A_449 : vector<1x16xf32> to vector<16xf32>
    %swap3A_451 = vector.shape_cast %mul3A_445 : vector<16xf32> to vector<1x16xf32>
    tpu.vector_store %arg12[%swap3A_447, %swap3A_448], %swap3A_451 {strides = array<i32>} : memref<32x64xf32, #tpu.memory_space<vmem>>, vector<1x16xf32>,
    %get3A_452 = arith.constant 3 : i32
    %get3A_453 = arith.index_cast %get3A_452 : i32 to index
    %get3A_454 = arith.constant 48 : index
    %get3A_455 = tpu.vector_load %arg13[%get3A_453, %get3A_454] {strides = array<i32>} : memref<32x64xf32, #tpu.memory_space<vmem>>, vector<1x16xf32>,
    %get3A_456 = vector.shape_cast %get3A_455 : vector<1x16xf32> to vector<16xf32>
    %get3A_457 = arith.constant 3 : i32
    %get3A_458 = arith.index_cast %get3A_457 : i32 to index
    %get3A_459 = arith.constant 48 : index
    %get3A_460 = tpu.vector_load %arg11[%get3A_458, %get3A_459] {strides = array<i32>} : memref<32x64xf32, #tpu.memory_space<vmem>>, vector<1x16xf32>,
    %get3A_461 = vector.shape_cast %get3A_460 : vector<1x16xf32> to vector<16xf32>
    %mul3A_462 = arith.mulf %get3A_461, %get3A_456 : vector<16xf32>
    %swap3A_463 = arith.constant 3 : i32
    %swap3A_464 = arith.index_cast %swap3A_463 : i32 to index
    %swap3A_465 = arith.constant 48 : index
    %swap3A_466 = tpu.vector_load %arg11[%swap3A_464, %swap3A_465] {strides = array<i32>} : memref<32x64xf32, #tpu.memory_space<vmem>>, vector<1x16xf32>,
    %swap3A_467 = vector.shape_cast %swap3A_466 : vector<1x16xf32> to vector<16xf32>
    %swap3A_468 = vector.shape_cast %mul3A_462 : vector<16xf32> to vector<1x16xf32>
    tpu.vector_store %arg11[%swap3A_464, %swap3A_465], %swap3A_468 {strides = array<i32>} : memref<32x64xf32, #tpu.memory_space<vmem>>, vector<1x16xf32>,
    %get3A_469 = arith.constant 3 : i32
    %get3A_470 = arith.index_cast %get3A_469 : i32 to index
    %get3A_471 = arith.constant 48 : index
    %get3A_472 = tpu.vector_load %arg12[%get3A_470, %get3A_471] {strides = array<i32>} : memref<32x64xf32, #tpu.memory_space<vmem>>, vector<1x16xf32>,
    %get3A_473 = vector.shape_cast %get3A_472 : vector<1x16xf32> to vector<16xf32>
    %mul3A_474 = arith.mulf %get3A_473, %get3A_456 : vector<16xf32>
    %swap3A_475 = arith.constant 3 : i32
    %swap3A_476 = arith.index_cast %swap3A_475 : i32 to index
    %swap3A_477 = arith.constant 48 : index
    %swap3A_478 = tpu.vector_load %arg12[%swap3A_476, %swap3A_477] {strides = array<i32>} : memref<32x64xf32, #tpu.memory_space<vmem>>, vector<1x16xf32>,
    %swap3A_479 = vector.shape_cast %swap3A_478 : vector<1x16xf32> to vector<16xf32>
    %swap3A_480 = vector.shape_cast %mul3A_474 : vector<16xf32> to vector<1x16xf32>
    tpu.vector_store %arg12[%swap3A_476, %swap3A_477], %swap3A_480 {strides = array<i32>} : memref<32x64xf32, #tpu.memory_space<vmem>>, vector<1x16xf32>,
    %get3A_481 = arith.constant 4 : i32
    %get3A_482 = arith.index_cast %get3A_481 : i32 to index
    %get3A_483 = arith.constant 0 : index
    %get3A_484 = tpu.vector_load %arg13[%get3A_482, %get3A_483] {strides = array<i32>} : memref<32x64xf32, #tpu.memory_space<vmem>>, vector<1x16xf32>,
    %get3A_485 = vector.shape_cast %get3A_484 : vector<1x16xf32> to vector<16xf32>
    %get3A_486 = arith.constant 4 : i32
    %get3A_487 = arith.index_cast %get3A_486 : i32 to index
    %get3A_488 = arith.constant 0 : index
    %get3A_489 = tpu.vector_load %arg11[%get3A_487, %get3A_488] {strides = array<i32>} : memref<32x64xf32, #tpu.memory_space<vmem>>, vector<1x16xf32>,
    %get3A_490 = vector.shape_cast %get3A_489 : vector<1x16xf32> to vector<16xf32>
    %mul3A_491 = arith.mulf %get3A_490, %get3A_485 : vector<16xf32>
    %swap3A_492 = arith.constant 4 : i32
    %swap3A_493 = arith.index_cast %swap3A_492 : i32 to index
    %swap3A_494 = arith.constant 0 : index
    %swap3A_495 = tpu.vector_load %arg11[%swap3A_493, %swap3A_494] {strides = array<i32>} : memref<32x64xf32, #tpu.memory_space<vmem>>, vector<1x16xf32>,
    %swap3A_496 = vector.shape_cast %swap3A_495 : vector<1x16xf32> to vector<16xf32>
    %swap3A_497 = vector.shape_cast %mul3A_491 : vector<16xf32> to vector<1x16xf32>
    tpu.vector_store %arg11[%swap3A_493, %swap3A_494], %swap3A_497 {strides = array<i32>} : memref<32x64xf32, #tpu.memory_space<vmem>>, vector<1x16xf32>,
    %get3A_498 = arith.constant 4 : i32
    %get3A_499 = arith.index_cast %get3A_498 : i32 to index
    %get3A_500 = arith.constant 0 : index
    %get3A_501 = tpu.vector_load %arg12[%get3A_499, %get3A_500] {strides = array<i32>} : memref<32x64xf32, #tpu.memory_space<vmem>>, vector<1x16xf32>,
    %get3A_502 = vector.shape_cast %get3A_501 : vector<1x16xf32> to vector<16xf32>
    %mul3A_503 = arith.mulf %get3A_502, %get3A_485 : vector<16xf32>
    %swap3A_504 = arith.constant 4 : i32
    %swap3A_505 = arith.index_cast %swap3A_504 : i32 to index
    %swap3A_506 = arith.constant 0 : index
    %swap3A_507 = tpu.vector_load %arg12[%swap3A_505, %swap3A_506] {strides = array<i32>} : memref<32x64xf32, #tpu.memory_space<vmem>>, vector<1x16xf32>,
    %swap3A_508 = vector.shape_cast %swap3A_507 : vector<1x16xf32> to vector<16xf32>
    %swap3A_509 = vector.shape_cast %mul3A_503 : vector<16xf32> to vector<1x16xf32>
    tpu.vector_store %arg12[%swap3A_505, %swap3A_506], %swap3A_509 {strides = array<i32>} : memref<32x64xf32, #tpu.memory_space<vmem>>, vector<1x16xf32>,
    %get3A_510 = arith.constant 4 : i32
    %get3A_511 = arith.index_cast %get3A_510 : i32 to index
    %get3A_512 = arith.constant 16 : index
    %get3A_513 = tpu.vector_load %arg13[%get3A_511, %get3A_512] {strides = array<i32>} : memref<32x64xf32, #tpu.memory_space<vmem>>, vector<1x16xf32>,
    %get3A_514 = vector.shape_cast %get3A_513 : vector<1x16xf32> to vector<16xf32>
    %get3A_515 = arith.constant 4 : i32
    %get3A_516 = arith.index_cast %get3A_515 : i32 to index
    %get3A_517 = arith.constant 16 : index
    %get3A_518 = tpu.vector_load %arg11[%get3A_516, %get3A_517] {strides = array<i32>} : memref<32x64xf32, #tpu.memory_space<vmem>>, vector<1x16xf32>,
    %get3A_519 = vector.shape_cast %get3A_518 : vector<1x16xf32> to vector<16xf32>
    %mul3A_520 = arith.mulf %get3A_519, %get3A_514 : vector<16xf32>
    %swap3A_521 = arith.constant 4 : i32
    %swap3A_522 = arith.index_cast %swap3A_521 : i32 to index
    %swap3A_523 = arith.constant 16 : index
    %swap3A_524 = tpu.vector_load %arg11[%swap3A_522, %swap3A_523] {strides = array<i32>} : memref<32x64xf32, #tpu.memory_space<vmem>>, vector<1x16xf32>,
    %swap3A_525 = vector.shape_cast %swap3A_524 : vector<1x16xf32> to vector<16xf32>
    %swap3A_526 = vector.shape_cast %mul3A_520 : vector<16xf32> to vector<1x16xf32>
    tpu.vector_store %arg11[%swap3A_522, %swap3A_523], %swap3A_526 {strides = array<i32>} : memref<32x64xf32, #tpu.memory_space<vmem>>, vector<1x16xf32>,
    %get3A_527 = arith.constant 4 : i32
    %get3A_528 = arith.index_cast %get3A_527 : i32 to index
    %get3A_529 = arith.constant 16 : index
    %get3A_530 = tpu.vector_load %arg12[%get3A_528, %get3A_529] {strides = array<i32>} : memref<32x64xf32, #tpu.memory_space<vmem>>, vector<1x16xf32>,
    %get3A_531 = vector.shape_cast %get3A_530 : vector<1x16xf32> to vector<16xf32>
    %mul3A_532 = arith.mulf %get3A_531, %get3A_514 : vector<16xf32>
    %swap3A_533 = arith.constant 4 : i32
    %swap3A_534 = arith.index_cast %swap3A_533 : i32 to index
    %swap3A_535 = arith.constant 16 : index
    %swap3A_536 = tpu.vector_load %arg12[%swap3A_534, %swap3A_535] {strides = array<i32>} : memref<32x64xf32, #tpu.memory_space<vmem>>, vector<1x16xf32>,
    %swap3A_537 = vector.shape_cast %swap3A_536 : vector<1x16xf32> to vector<16xf32>
    %swap3A_538 = vector.shape_cast %mul3A_532 : vector<16xf32> to vector<1x16xf32>
    tpu.vector_store %arg12[%swap3A_534, %swap3A_535], %swap3A_538 {strides = array<i32>} : memref<32x64xf32, #tpu.memory_space<vmem>>, vector<1x16xf32>,
    %get3A_539 = arith.constant 4 : i32
    %get3A_540 = arith.index_cast %get3A_539 : i32 to index
    %get3A_541 = arith.constant 32 : index
    %get3A_542 = tpu.vector_load %arg13[%get3A_540, %get3A_541] {strides = array<i32>} : memref<32x64xf32, #tpu.memory_space<vmem>>, vector<1x16xf32>,
    %get3A_543 = vector.shape_cast %get3A_542 : vector<1x16xf32> to vector<16xf32>
    %get3A_544 = arith.constant 4 : i32
    %get3A_545 = arith.index_cast %get3A_544 : i32 to index
    %get3A_546 = arith.constant 32 : index
    %get3A_547 = tpu.vector_load %arg11[%get3A_545, %get3A_546] {strides = array<i32>} : memref<32x64xf32, #tpu.memory_space<vmem>>, vector<1x16xf32>,
    %get3A_548 = vector.shape_cast %get3A_547 : vector<1x16xf32> to vector<16xf32>
    %mul3A_549 = arith.mulf %get3A_548, %get3A_543 : vector<16xf32>
    %swap3A_550 = arith.constant 4 : i32
    %swap3A_551 = arith.index_cast %swap3A_550 : i32 to index
    %swap3A_552 = arith.constant 32 : index
    %swap3A_553 = tpu.vector_load %arg11[%swap3A_551, %swap3A_552] {strides = array<i32>} : memref<32x64xf32, #tpu.memory_space<vmem>>, vector<1x16xf32>,
    %swap3A_554 = vector.shape_cast %swap3A_553 : vector<1x16xf32> to vector<16xf32>
    %swap3A_555 = vector.shape_cast %mul3A_549 : vector<16xf32> to vector<1x16xf32>
    tpu.vector_store %arg11[%swap3A_551, %swap3A_552], %swap3A_555 {strides = array<i32>} : memref<32x64xf32, #tpu.memory_space<vmem>>, vector<1x16xf32>,
    %get3A_556 = arith.constant 4 : i32
    %get3A_557 = arith.index_cast %get3A_556 : i32 to index
    %get3A_558 = arith.constant 32 : index
    %get3A_559 = tpu.vector_load %arg12[%get3A_557, %get3A_558] {strides = array<i32>} : memref<32x64xf32, #tpu.memory_space<vmem>>, vector<1x16xf32>,
    %get3A_560 = vector.shape_cast %get3A_559 : vector<1x16xf32> to vector<16xf32>
    %mul3A_561 = arith.mulf %get3A_560, %get3A_543 : vector<16xf32>
    %swap3A_562 = arith.constant 4 : i32
    %swap3A_563 = arith.index_cast %swap3A_562 : i32 to index
    %swap3A_564 = arith.constant 32 : index
    %swap3A_565 = tpu.vector_load %arg12[%swap3A_563, %swap3A_564] {strides = array<i32>} : memref<32x64xf32, #tpu.memory_space<vmem>>, vector<1x16xf32>,
    %swap3A_566 = vector.shape_cast %swap3A_565 : vector<1x16xf32> to vector<16xf32>
    %swap3A_567 = vector.shape_cast %mul3A_561 : vector<16xf32> to vector<1x16xf32>
    tpu.vector_store %arg12[%swap3A_563, %swap3A_564], %swap3A_567 {strides = array<i32>} : memref<32x64xf32, #tpu.memory_space<vmem>>, vector<1x16xf32>,
    %get3A_568 = arith.constant 4 : i32
    %get3A_569 = arith.index_cast %get3A_568 : i32 to index
    %get3A_570 = arith.constant 48 : index
    %get3A_571 = tpu.vector_load %arg13[%get3A_569, %get3A_570] {strides = array<i32>} : memref<32x64xf32, #tpu.memory_space<vmem>>, vector<1x16xf32>,
    %get3A_572 = vector.shape_cast %get3A_571 : vector<1x16xf32> to vector<16xf32>
    %get3A_573 = arith.constant 4 : i32
    %get3A_574 = arith.index_cast %get3A_573 : i32 to index
    %get3A_575 = arith.constant 48 : index
    %get3A_576 = tpu.vector_load %arg11[%get3A_574, %get3A_575] {strides = array<i32>} : memref<32x64xf32, #tpu.memory_space<vmem>>, vector<1x16xf32>,
    %get3A_577 = vector.shape_cast %get3A_576 : vector<1x16xf32> to vector<16xf32>
    %mul3A_578 = arith.mulf %get3A_577, %get3A_572 : vector<16xf32>
    %swap3A_579 = arith.constant 4 : i32
    %swap3A_580 = arith.index_cast %swap3A_579 : i32 to index
    %swap3A_581 = arith.constant 48 : index
    %swap3A_582 = tpu.vector_load %arg11[%swap3A_580, %swap3A_581] {strides = array<i32>} : memref<32x64xf32, #tpu.memory_space<vmem>>, vector<1x16xf32>,
    %swap3A_583 = vector.shape_cast %swap3A_582 : vector<1x16xf32> to vector<16xf32>
    %swap3A_584 = vector.shape_cast %mul3A_578 : vector<16xf32> to vector<1x16xf32>
    tpu.vector_store %arg11[%swap3A_580, %swap3A_581], %swap3A_584 {strides = array<i32>} : memref<32x64xf32, #tpu.memory_space<vmem>>, vector<1x16xf32>,
    %get3A_585 = arith.constant 4 : i32
    %get3A_586 = arith.index_cast %get3A_585 : i32 to index
    %get3A_587 = arith.constant 48 : index
    %get3A_588 = tpu.vector_load %arg12[%get3A_586, %get3A_587] {strides = array<i32>} : memref<32x64xf32, #tpu.memory_space<vmem>>, vector<1x16xf32>,
    %get3A_589 = vector.shape_cast %get3A_588 : vector<1x16xf32> to vector<16xf32>
    %mul3A_590 = arith.mulf %get3A_589, %get3A_572 : vector<16xf32>
    %swap3A_591 = arith.constant 4 : i32
    %swap3A_592 = arith.index_cast %swap3A_591 : i32 to index
    %swap3A_593 = arith.constant 48 : index
    %swap3A_594 = tpu.vector_load %arg12[%swap3A_592, %swap3A_593] {strides = array<i32>} : memref<32x64xf32, #tpu.memory_space<vmem>>, vector<1x16xf32>,
    %swap3A_595 = vector.shape_cast %swap3A_594 : vector<1x16xf32> to vector<16xf32>
    %swap3A_596 = vector.shape_cast %mul3A_590 : vector<16xf32> to vector<1x16xf32>
    tpu.vector_store %arg12[%swap3A_592, %swap3A_593], %swap3A_596 {strides = array<i32>} : memref<32x64xf32, #tpu.memory_space<vmem>>, vector<1x16xf32>,
    %get3A_597 = arith.constant 5 : i32
    %get3A_598 = arith.index_cast %get3A_597 : i32 to index
    %get3A_599 = arith.constant 0 : index
    %get3A_600 = tpu.vector_load %arg13[%get3A_598, %get3A_599] {strides = array<i32>} : memref<32x64xf32, #tpu.memory_space<vmem>>, vector<1x16xf32>,
    %get3A_601 = vector.shape_cast %get3A_600 : vector<1x16xf32> to vector<16xf32>
    %get3A_602 = arith.constant 5 : i32
    %get3A_603 = arith.index_cast %get3A_602 : i32 to index
    %get3A_604 = arith.constant 0 : index
    %get3A_605 = tpu.vector_load %arg11[%get3A_603, %get3A_604] {strides = array<i32>} : memref<32x64xf32, #tpu.memory_space<vmem>>, vector<1x16xf32>,
    %get3A_606 = vector.shape_cast %get3A_605 : vector<1x16xf32> to vector<16xf32>
    %mul3A_607 = arith.mulf %get3A_606, %get3A_601 : vector<16xf32>
    %swap3A_608 = arith.constant 5 : i32
    %swap3A_609 = arith.index_cast %swap3A_608 : i32 to index
    %swap3A_610 = arith.constant 0 : index
    %swap3A_611 = tpu.vector_load %arg11[%swap3A_609, %swap3A_610] {strides = array<i32>} : memref<32x64xf32, #tpu.memory_space<vmem>>, vector<1x16xf32>,
    %swap3A_612 = vector.shape_cast %swap3A_611 : vector<1x16xf32> to vector<16xf32>
    %swap3A_613 = vector.shape_cast %mul3A_607 : vector<16xf32> to vector<1x16xf32>
    tpu.vector_store %arg11[%swap3A_609, %swap3A_610], %swap3A_613 {strides = array<i32>} : memref<32x64xf32, #tpu.memory_space<vmem>>, vector<1x16xf32>,
    %get3A_614 = arith.constant 5 : i32
    %get3A_615 = arith.index_cast %get3A_614 : i32 to index
    %get3A_616 = arith.constant 0 : index
    %get3A_617 = tpu.vector_load %arg12[%get3A_615, %get3A_616] {strides = array<i32>} : memref<32x64xf32, #tpu.memory_space<vmem>>, vector<1x16xf32>,
    %get3A_618 = vector.shape_cast %get3A_617 : vector<1x16xf32> to vector<16xf32>
    %mul3A_619 = arith.mulf %get3A_618, %get3A_601 : vector<16xf32>
    %swap3A_620 = arith.constant 5 : i32
    %swap3A_621 = arith.index_cast %swap3A_620 : i32 to index
    %swap3A_622 = arith.constant 0 : index
    %swap3A_623 = tpu.vector_load %arg12[%swap3A_621, %swap3A_622] {strides = array<i32>} : memref<32x64xf32, #tpu.memory_space<vmem>>, vector<1x16xf32>,
    %swap3A_624 = vector.shape_cast %swap3A_623 : vector<1x16xf32> to vector<16xf32>
    %swap3A_625 = vector.shape_cast %mul3A_619 : vector<16xf32> to vector<1x16xf32>
    tpu.vector_store %arg12[%swap3A_621, %swap3A_622], %swap3A_625 {strides = array<i32>} : memref<32x64xf32, #tpu.memory_space<vmem>>, vector<1x16xf32>,
    %get3A_626 = arith.constant 5 : i32
    %get3A_627 = arith.index_cast %get3A_626 : i32 to index
    %get3A_628 = arith.constant 16 : index
    %get3A_629 = tpu.vector_load %arg13[%get3A_627, %get3A_628] {strides = array<i32>} : memref<32x64xf32, #tpu.memory_space<vmem>>, vector<1x16xf32>,
    %get3A_630 = vector.shape_cast %get3A_629 : vector<1x16xf32> to vector<16xf32>
    %get3A_631 = arith.constant 5 : i32
    %get3A_632 = arith.index_cast %get3A_631 : i32 to index
    %get3A_633 = arith.constant 16 : index
    %get3A_634 = tpu.vector_load %arg11[%get3A_632, %get3A_633] {strides = array<i32>} : memref<32x64xf32, #tpu.memory_space<vmem>>, vector<1x16xf32>,
    %get3A_635 = vector.shape_cast %get3A_634 : vector<1x16xf32> to vector<16xf32>
    %mul3A_636 = arith.mulf %get3A_635, %get3A_630 : vector<16xf32>
    %swap3A_637 = arith.constant 5 : i32
    %swap3A_638 = arith.index_cast %swap3A_637 : i32 to index
    %swap3A_639 = arith.constant 16 : index
    %swap3A_640 = tpu.vector_load %arg11[%swap3A_638, %swap3A_639] {strides = array<i32>} : memref<32x64xf32, #tpu.memory_space<vmem>>, vector<1x16xf32>,
    %swap3A_641 = vector.shape_cast %swap3A_640 : vector<1x16xf32> to vector<16xf32>
    %swap3A_642 = vector.shape_cast %mul3A_636 : vector<16xf32> to vector<1x16xf32>
    tpu.vector_store %arg11[%swap3A_638, %swap3A_639], %swap3A_642 {strides = array<i32>} : memref<32x64xf32, #tpu.memory_space<vmem>>, vector<1x16xf32>,
    %get3A_643 = arith.constant 5 : i32
    %get3A_644 = arith.index_cast %get3A_643 : i32 to index
    %get3A_645 = arith.constant 16 : index
    %get3A_646 = tpu.vector_load %arg12[%get3A_644, %get3A_645] {strides = array<i32>} : memref<32x64xf32, #tpu.memory_space<vmem>>, vector<1x16xf32>,
    %get3A_647 = vector.shape_cast %get3A_646 : vector<1x16xf32> to vector<16xf32>
    %mul3A_648 = arith.mulf %get3A_647, %get3A_630 : vector<16xf32>
    %swap3A_649 = arith.constant 5 : i32
    %swap3A_650 = arith.index_cast %swap3A_649 : i32 to index
    %swap3A_651 = arith.constant 16 : index
    %swap3A_652 = tpu.vector_load %arg12[%swap3A_650, %swap3A_651] {strides = array<i32>} : memref<32x64xf32, #tpu.memory_space<vmem>>, vector<1x16xf32>,
    %swap3A_653 = vector.shape_cast %swap3A_652 : vector<1x16xf32> to vector<16xf32>
    %swap3A_654 = vector.shape_cast %mul3A_648 : vector<16xf32> to vector<1x16xf32>
    tpu.vector_store %arg12[%swap3A_650, %swap3A_651], %swap3A_654 {strides = array<i32>} : memref<32x64xf32, #tpu.memory_space<vmem>>, vector<1x16xf32>,
    %get3A_655 = arith.constant 5 : i32
    %get3A_656 = arith.index_cast %get3A_655 : i32 to index
    %get3A_657 = arith.constant 32 : index
    %get3A_658 = tpu.vector_load %arg13[%get3A_656, %get3A_657] {strides = array<i32>} : memref<32x64xf32, #tpu.memory_space<vmem>>, vector<1x16xf32>,
    %get3A_659 = vector.shape_cast %get3A_658 : vector<1x16xf32> to vector<16xf32>
    %get3A_660 = arith.constant 5 : i32
    %get3A_661 = arith.index_cast %get3A_660 : i32 to index
    %get3A_662 = arith.constant 32 : index
    %get3A_663 = tpu.vector_load %arg11[%get3A_661, %get3A_662] {strides = array<i32>} : memref<32x64xf32, #tpu.memory_space<vmem>>, vector<1x16xf32>,
    %get3A_664 = vector.shape_cast %get3A_663 : vector<1x16xf32> to vector<16xf32>
    %mul3A_665 = arith.mulf %get3A_664, %get3A_659 : vector<16xf32>
    %swap3A_666 = arith.constant 5 : i32
    %swap3A_667 = arith.index_cast %swap3A_666 : i32 to index
    %swap3A_668 = arith.constant 32 : index
    %swap3A_669 = tpu.vector_load %arg11[%swap3A_667, %swap3A_668] {strides = array<i32>} : memref<32x64xf32, #tpu.memory_space<vmem>>, vector<1x16xf32>,
    %swap3A_670 = vector.shape_cast %swap3A_669 : vector<1x16xf32> to vector<16xf32>
    %swap3A_671 = vector.shape_cast %mul3A_665 : vector<16xf32> to vector<1x16xf32>
    tpu.vector_store %arg11[%swap3A_667, %swap3A_668], %swap3A_671 {strides = array<i32>} : memref<32x64xf32, #tpu.memory_space<vmem>>, vector<1x16xf32>,
    %get3A_672 = arith.constant 5 : i32
    %get3A_673 = arith.index_cast %get3A_672 : i32 to index
    %get3A_674 = arith.constant 32 : index
    %get3A_675 = tpu.vector_load %arg12[%get3A_673, %get3A_674] {strides = array<i32>} : memref<32x64xf32, #tpu.memory_space<vmem>>, vector<1x16xf32>,
    %get3A_676 = vector.shape_cast %get3A_675 : vector<1x16xf32> to vector<16xf32>
    %mul3A_677 = arith.mulf %get3A_676, %get3A_659 : vector<16xf32>
    %swap3A_678 = arith.constant 5 : i32
    %swap3A_679 = arith.index_cast %swap3A_678 : i32 to index
    %swap3A_680 = arith.constant 32 : index
    %swap3A_681 = tpu.vector_load %arg12[%swap3A_679, %swap3A_680] {strides = array<i32>} : memref<32x64xf32, #tpu.memory_space<vmem>>, vector<1x16xf32>,
    %swap3A_682 = vector.shape_cast %swap3A_681 : vector<1x16xf32> to vector<16xf32>
    %swap3A_683 = vector.shape_cast %mul3A_677 : vector<16xf32> to vector<1x16xf32>
    tpu.vector_store %arg12[%swap3A_679, %swap3A_680], %swap3A_683 {strides = array<i32>} : memref<32x64xf32, #tpu.memory_space<vmem>>, vector<1x16xf32>,
    %get3A_684 = arith.constant 5 : i32
    %get3A_685 = arith.index_cast %get3A_684 : i32 to index
    %get3A_686 = arith.constant 48 : index
    %get3A_687 = tpu.vector_load %arg13[%get3A_685, %get3A_686] {strides = array<i32>} : memref<32x64xf32, #tpu.memory_space<vmem>>, vector<1x16xf32>,
    %get3A_688 = vector.shape_cast %get3A_687 : vector<1x16xf32> to vector<16xf32>
    %get3A_689 = arith.constant 5 : i32
    %get3A_690 = arith.index_cast %get3A_689 : i32 to index
    %get3A_691 = arith.constant 48 : index
    %get3A_692 = tpu.vector_load %arg11[%get3A_690, %get3A_691] {strides = array<i32>} : memref<32x64xf32, #tpu.memory_space<vmem>>, vector<1x16xf32>,
    %get3A_693 = vector.shape_cast %get3A_692 : vector<1x16xf32> to vector<16xf32>
    %mul3A_694 = arith.mulf %get3A_693, %get3A_688 : vector<16xf32>
    %swap3A_695 = arith.constant 5 : i32
    %swap3A_696 = arith.index_cast %swap3A_695 : i32 to index
    %swap3A_697 = arith.constant 48 : index
    %swap3A_698 = tpu.vector_load %arg11[%swap3A_696, %swap3A_697] {strides = array<i32>} : memref<32x64xf32, #tpu.memory_space<vmem>>, vector<1x16xf32>,
    %swap3A_699 = vector.shape_cast %swap3A_698 : vector<1x16xf32> to vector<16xf32>
    %swap3A_700 = vector.shape_cast %mul3A_694 : vector<16xf32> to vector<1x16xf32>
    tpu.vector_store %arg11[%swap3A_696, %swap3A_697], %swap3A_700 {strides = array<i32>} : memref<32x64xf32, #tpu.memory_space<vmem>>, vector<1x16xf32>,
    %get3A_701 = arith.constant 5 : i32
    %get3A_702 = arith.index_cast %get3A_701 : i32 to index
    %get3A_703 = arith.constant 48 : index
    %get3A_704 = tpu.vector_load %arg12[%get3A_702, %get3A_703] {strides = array<i32>} : memref<32x64xf32, #tpu.memory_space<vmem>>, vector<1x16xf32>,
    %get3A_705 = vector.shape_cast %get3A_704 : vector<1x16xf32> to vector<16xf32>
    %mul3A_706 = arith.mulf %get3A_705, %get3A_688 : vector<16xf32>
    %swap3A_707 = arith.constant 5 : i32
    %swap3A_708 = arith.index_cast %swap3A_707 : i32 to index
    %swap3A_709 = arith.constant 48 : index
    %swap3A_710 = tpu.vector_load %arg12[%swap3A_708, %swap3A_709] {strides = array<i32>} : memref<32x64xf32, #tpu.memory_space<vmem>>, vector<1x16xf32>,
    %swap3A_711 = vector.shape_cast %swap3A_710 : vector<1x16xf32> to vector<16xf32>
    %swap3A_712 = vector.shape_cast %mul3A_706 : vector<16xf32> to vector<1x16xf32>
    tpu.vector_store %arg12[%swap3A_708, %swap3A_709], %swap3A_712 {strides = array<i32>} : memref<32x64xf32, #tpu.memory_space<vmem>>, vector<1x16xf32>,
    %get3A_713 = arith.constant 6 : i32
    %get3A_714 = arith.index_cast %get3A_713 : i32 to index
    %get3A_715 = arith.constant 0 : index
    %get3A_716 = tpu.vector_load %arg13[%get3A_714, %get3A_715] {strides = array<i32>} : memref<32x64xf32, #tpu.memory_space<vmem>>, vector<1x16xf32>,
    %get3A_717 = vector.shape_cast %get3A_716 : vector<1x16xf32> to vector<16xf32>
    %get3A_718 = arith.constant 6 : i32
    %get3A_719 = arith.index_cast %get3A_718 : i32 to index
    %get3A_720 = arith.constant 0 : index
    %get3A_721 = tpu.vector_load %arg11[%get3A_719, %get3A_720] {strides = array<i32>} : memref<32x64xf32, #tpu.memory_space<vmem>>, vector<1x16xf32>,
    %get3A_722 = vector.shape_cast %get3A_721 : vector<1x16xf32> to vector<16xf32>
    %mul3A_723 = arith.mulf %get3A_722, %get3A_717 : vector<16xf32>
    %swap3A_724 = arith.constant 6 : i32
    %swap3A_725 = arith.index_cast %swap3A_724 : i32 to index
    %swap3A_726 = arith.constant 0 : index
    %swap3A_727 = tpu.vector_load %arg11[%swap3A_725, %swap3A_726] {strides = array<i32>} : memref<32x64xf32, #tpu.memory_space<vmem>>, vector<1x16xf32>,
    %swap3A_728 = vector.shape_cast %swap3A_727 : vector<1x16xf32> to vector<16xf32>
    %swap3A_729 = vector.shape_cast %mul3A_723 : vector<16xf32> to vector<1x16xf32>
    tpu.vector_store %arg11[%swap3A_725, %swap3A_726], %swap3A_729 {strides = array<i32>} : memref<32x64xf32, #tpu.memory_space<vmem>>, vector<1x16xf32>,
    %get3A_730 = arith.constant 6 : i32
    %get3A_731 = arith.index_cast %get3A_730 : i32 to index
    %get3A_732 = arith.constant 0 : index
    %get3A_733 = tpu.vector_load %arg12[%get3A_731, %get3A_732] {strides = array<i32>} : memref<32x64xf32, #tpu.memory_space<vmem>>, vector<1x16xf32>,
    %get3A_734 = vector.shape_cast %get3A_733 : vector<1x16xf32> to vector<16xf32>
    %mul3A_735 = arith.mulf %get3A_734, %get3A_717 : vector<16xf32>
    %swap3A_736 = arith.constant 6 : i32
    %swap3A_737 = arith.index_cast %swap3A_736 : i32 to index
    %swap3A_738 = arith.constant 0 : index
    %swap3A_739 = tpu.vector_load %arg12[%swap3A_737, %swap3A_738] {strides = array<i32>} : memref<32x64xf32, #tpu.memory_space<vmem>>, vector<1x16xf32>,
    %swap3A_740 = vector.shape_cast %swap3A_739 : vector<1x16xf32> to vector<16xf32>
    %swap3A_741 = vector.shape_cast %mul3A_735 : vector<16xf32> to vector<1x16xf32>
    tpu.vector_store %arg12[%swap3A_737, %swap3A_738], %swap3A_741 {strides = array<i32>} : memref<32x64xf32, #tpu.memory_space<vmem>>, vector<1x16xf32>,
    %get3A_742 = arith.constant 6 : i32
    %get3A_743 = arith.index_cast %get3A_742 : i32 to index
    %get3A_744 = arith.constant 16 : index
    %get3A_745 = tpu.vector_load %arg13[%get3A_743, %get3A_744] {strides = array<i32>} : memref<32x64xf32, #tpu.memory_space<vmem>>, vector<1x16xf32>,
    %get3A_746 = vector.shape_cast %get3A_745 : vector<1x16xf32> to vector<16xf32>
    %get3A_747 = arith.constant 6 : i32
    %get3A_748 = arith.index_cast %get3A_747 : i32 to index
    %get3A_749 = arith.constant 16 : index
    %get3A_750 = tpu.vector_load %arg11[%get3A_748, %get3A_749] {strides = array<i32>} : memref<32x64xf32, #tpu.memory_space<vmem>>, vector<1x16xf32>,
    %get3A_751 = vector.shape_cast %get3A_750 : vector<1x16xf32> to vector<16xf32>
    %mul3A_752 = arith.mulf %get3A_751, %get3A_746 : vector<16xf32>
    %swap3A_753 = arith.constant 6 : i32
    %swap3A_754 = arith.index_cast %swap3A_753 : i32 to index
    %swap3A_755 = arith.constant 16 : index
    %swap3A_756 = tpu.vector_load %arg11[%swap3A_754, %swap3A_755] {strides = array<i32>} : memref<32x64xf32, #tpu.memory_space<vmem>>, vector<1x16xf32>,
    %swap3A_757 = vector.shape_cast %swap3A_756 : vector<1x16xf32> to vector<16xf32>
    %swap3A_758 = vector.shape_cast %mul3A_752 : vector<16xf32> to vector<1x16xf32>
    tpu.vector_store %arg11[%swap3A_754, %swap3A_755], %swap3A_758 {strides = array<i32>} : memref<32x64xf32, #tpu.memory_space<vmem>>, vector<1x16xf32>,
    %get3A_759 = arith.constant 6 : i32
    %get3A_760 = arith.index_cast %get3A_759 : i32 to index
    %get3A_761 = arith.constant 16 : index
    %get3A_762 = tpu.vector_load %arg12[%get3A_760, %get3A_761] {strides = array<i32>} : memref<32x64xf32, #tpu.memory_space<vmem>>, vector<1x16xf32>,
    %get3A_763 = vector.shape_cast %get3A_762 : vector<1x16xf32> to vector<16xf32>
    %mul3A_764 = arith.mulf %get3A_763, %get3A_746 : vector<16xf32>
    %swap3A_765 = arith.constant 6 : i32
    %swap3A_766 = arith.index_cast %swap3A_765 : i32 to index
    %swap3A_767 = arith.constant 16 : index
    %swap3A_768 = tpu.vector_load %arg12[%swap3A_766, %swap3A_767] {strides = array<i32>} : memref<32x64xf32, #tpu.memory_space<vmem>>, vector<1x16xf32>,
    %swap3A_769 = vector.shape_cast %swap3A_768 : vector<1x16xf32> to vector<16xf32>
    %swap3A_770 = vector.shape_cast %mul3A_764 : vector<16xf32> to vector<1x16xf32>
    tpu.vector_store %arg12[%swap3A_766, %swap3A_767], %swap3A_770 {strides = array<i32>} : memref<32x64xf32, #tpu.memory_space<vmem>>, vector<1x16xf32>,
    %get3A_771 = arith.constant 6 : i32
    %get3A_772 = arith.index_cast %get3A_771 : i32 to index
    %get3A_773 = arith.constant 32 : index
    %get3A_774 = tpu.vector_load %arg13[%get3A_772, %get3A_773] {strides = array<i32>} : memref<32x64xf32, #tpu.memory_space<vmem>>, vector<1x16xf32>,
    %get3A_775 = vector.shape_cast %get3A_774 : vector<1x16xf32> to vector<16xf32>
    %get3A_776 = arith.constant 6 : i32
    %get3A_777 = arith.index_cast %get3A_776 : i32 to index
    %get3A_778 = arith.constant 32 : index
    %get3A_779 = tpu.vector_load %arg11[%get3A_777, %get3A_778] {strides = array<i32>} : memref<32x64xf32, #tpu.memory_space<vmem>>, vector<1x16xf32>,
    %get3A_780 = vector.shape_cast %get3A_779 : vector<1x16xf32> to vector<16xf32>
    %mul3A_781 = arith.mulf %get3A_780, %get3A_775 : vector<16xf32>
    %swap3A_782 = arith.constant 6 : i32
    %swap3A_783 = arith.index_cast %swap3A_782 : i32 to index
    %swap3A_784 = arith.constant 32 : index
    %swap3A_785 = tpu.vector_load %arg11[%swap3A_783, %swap3A_784] {strides = array<i32>} : memref<32x64xf32, #tpu.memory_space<vmem>>, vector<1x16xf32>,
    %swap3A_786 = vector.shape_cast %swap3A_785 : vector<1x16xf32> to vector<16xf32>
    %swap3A_787 = vector.shape_cast %mul3A_781 : vector<16xf32> to vector<1x16xf32>
    tpu.vector_store %arg11[%swap3A_783, %swap3A_784], %swap3A_787 {strides = array<i32>} : memref<32x64xf32, #tpu.memory_space<vmem>>, vector<1x16xf32>,
    %get3A_788 = arith.constant 6 : i32
    %get3A_789 = arith.index_cast %get3A_788 : i32 to index
    %get3A_790 = arith.constant 32 : index
    %get3A_791 = tpu.vector_load %arg12[%get3A_789, %get3A_790] {strides = array<i32>} : memref<32x64xf32, #tpu.memory_space<vmem>>, vector<1x16xf32>,
    %get3A_792 = vector.shape_cast %get3A_791 : vector<1x16xf32> to vector<16xf32>
    %mul3A_793 = arith.mulf %get3A_792, %get3A_775 : vector<16xf32>
    %swap3A_794 = arith.constant 6 : i32
    %swap3A_795 = arith.index_cast %swap3A_794 : i32 to index
    %swap3A_796 = arith.constant 32 : index
    %swap3A_797 = tpu.vector_load %arg12[%swap3A_795, %swap3A_796] {strides = array<i32>} : memref<32x64xf32, #tpu.memory_space<vmem>>, vector<1x16xf32>,
    %swap3A_798 = vector.shape_cast %swap3A_797 : vector<1x16xf32> to vector<16xf32>
    %swap3A_799 = vector.shape_cast %mul3A_793 : vector<16xf32> to vector<1x16xf32>
    tpu.vector_store %arg12[%swap3A_795, %swap3A_796], %swap3A_799 {strides = array<i32>} : memref<32x64xf32, #tpu.memory_space<vmem>>, vector<1x16xf32>,
    %get3A_800 = arith.constant 6 : i32
    %get3A_801 = arith.index_cast %get3A_800 : i32 to index
    %get3A_802 = arith.constant 48 : index
    %get3A_803 = tpu.vector_load %arg13[%get3A_801, %get3A_802] {strides = array<i32>} : memref<32x64xf32, #tpu.memory_space<vmem>>, vector<1x16xf32>,
    %get3A_804 = vector.shape_cast %get3A_803 : vector<1x16xf32> to vector<16xf32>
    %get3A_805 = arith.constant 6 : i32
    %get3A_806 = arith.index_cast %get3A_805 : i32 to index
    %get3A_807 = arith.constant 48 : index
    %get3A_808 = tpu.vector_load %arg11[%get3A_806, %get3A_807] {strides = array<i32>} : memref<32x64xf32, #tpu.memory_space<vmem>>, vector<1x16xf32>,
    %get3A_809 = vector.shape_cast %get3A_808 : vector<1x16xf32> to vector<16xf32>
    %mul3A_810 = arith.mulf %get3A_809, %get3A_804 : vector<16xf32>
    %swap3A_811 = arith.constant 6 : i32
    %swap3A_812 = arith.index_cast %swap3A_811 : i32 to index
    %swap3A_813 = arith.constant 48 : index
    %swap3A_814 = tpu.vector_load %arg11[%swap3A_812, %swap3A_813] {strides = array<i32>} : memref<32x64xf32, #tpu.memory_space<vmem>>, vector<1x16xf32>,
    %swap3A_815 = vector.shape_cast %swap3A_814 : vector<1x16xf32> to vector<16xf32>
    %swap3A_816 = vector.shape_cast %mul3A_810 : vector<16xf32> to vector<1x16xf32>
    tpu.vector_store %arg11[%swap3A_812, %swap3A_813], %swap3A_816 {strides = array<i32>} : memref<32x64xf32, #tpu.memory_space<vmem>>, vector<1x16xf32>,
    %get3A_817 = arith.constant 6 : i32
    %get3A_818 = arith.index_cast %get3A_817 : i32 to index
    %get3A_819 = arith.constant 48 : index
    %get3A_820 = tpu.vector_load %arg12[%get3A_818, %get3A_819] {strides = array<i32>} : memref<32x64xf32, #tpu.memory_space<vmem>>, vector<1x16xf32>,
    %get3A_821 = vector.shape_cast %get3A_820 : vector<1x16xf32> to vector<16xf32>
    %mul3A_822 = arith.mulf %get3A_821, %get3A_804 : vector<16xf32>
    %swap3A_823 = arith.constant 6 : i32
    %swap3A_824 = arith.index_cast %swap3A_823 : i32 to index
    %swap3A_825 = arith.constant 48 : index
    %swap3A_826 = tpu.vector_load %arg12[%swap3A_824, %swap3A_825] {strides = array<i32>} : memref<32x64xf32, #tpu.memory_space<vmem>>, vector<1x16xf32>,
    %swap3A_827 = vector.shape_cast %swap3A_826 : vector<1x16xf32> to vector<16xf32>
    %swap3A_828 = vector.shape_cast %mul3A_822 : vector<16xf32> to vector<1x16xf32>
    tpu.vector_store %arg12[%swap3A_824, %swap3A_825], %swap3A_828 {strides = array<i32>} : memref<32x64xf32, #tpu.memory_space<vmem>>, vector<1x16xf32>,
    %get3A_829 = arith.constant 7 : i32
    %get3A_830 = arith.index_cast %get3A_829 : i32 to index
    %get3A_831 = arith.constant 0 : index
    %get3A_832 = tpu.vector_load %arg13[%get3A_830, %get3A_831] {strides = array<i32>} : memref<32x64xf32, #tpu.memory_space<vmem>>, vector<1x16xf32>,
    %get3A_833 = vector.shape_cast %get3A_832 : vector<1x16xf32> to vector<16xf32>
    %get3A_834 = arith.constant 7 : i32
    %get3A_835 = arith.index_cast %get3A_834 : i32 to index
    %get3A_836 = arith.constant 0 : index
    %get3A_837 = tpu.vector_load %arg11[%get3A_835, %get3A_836] {strides = array<i32>} : memref<32x64xf32, #tpu.memory_space<vmem>>, vector<1x16xf32>,
    %get3A_838 = vector.shape_cast %get3A_837 : vector<1x16xf32> to vector<16xf32>
    %mul3A_839 = arith.mulf %get3A_838, %get3A_833 : vector<16xf32>
    %swap3A_840 = arith.constant 7 : i32
    %swap3A_841 = arith.index_cast %swap3A_840 : i32 to index
    %swap3A_842 = arith.constant 0 : index
    %swap3A_843 = tpu.vector_load %arg11[%swap3A_841, %swap3A_842] {strides = array<i32>} : memref<32x64xf32, #tpu.memory_space<vmem>>, vector<1x16xf32>,
    %swap3A_844 = vector.shape_cast %swap3A_843 : vector<1x16xf32> to vector<16xf32>
    %swap3A_845 = vector.shape_cast %mul3A_839 : vector<16xf32> to vector<1x16xf32>
    tpu.vector_store %arg11[%swap3A_841, %swap3A_842], %swap3A_845 {strides = array<i32>} : memref<32x64xf32, #tpu.memory_space<vmem>>, vector<1x16xf32>,
    %get3A_846 = arith.constant 7 : i32
    %get3A_847 = arith.index_cast %get3A_846 : i32 to index
    %get3A_848 = arith.constant 0 : index
    %get3A_849 = tpu.vector_load %arg12[%get3A_847, %get3A_848] {strides = array<i32>} : memref<32x64xf32, #tpu.memory_space<vmem>>, vector<1x16xf32>,
    %get3A_850 = vector.shape_cast %get3A_849 : vector<1x16xf32> to vector<16xf32>
    %mul3A_851 = arith.mulf %get3A_850, %get3A_833 : vector<16xf32>
    %swap3A_852 = arith.constant 7 : i32
    %swap3A_853 = arith.index_cast %swap3A_852 : i32 to index
    %swap3A_854 = arith.constant 0 : index
    %swap3A_855 = tpu.vector_load %arg12[%swap3A_853, %swap3A_854] {strides = array<i32>} : memref<32x64xf32, #tpu.memory_space<vmem>>, vector<1x16xf32>,
    %swap3A_856 = vector.shape_cast %swap3A_855 : vector<1x16xf32> to vector<16xf32>
    %swap3A_857 = vector.shape_cast %mul3A_851 : vector<16xf32> to vector<1x16xf32>
    tpu.vector_store %arg12[%swap3A_853, %swap3A_854], %swap3A_857 {strides = array<i32>} : memref<32x64xf32, #tpu.memory_space<vmem>>, vector<1x16xf32>,
    %get3A_858 = arith.constant 7 : i32
    %get3A_859 = arith.index_cast %get3A_858 : i32 to index
    %get3A_860 = arith.constant 16 : index
    %get3A_861 = tpu.vector_load %arg13[%get3A_859, %get3A_860] {strides = array<i32>} : memref<32x64xf32, #tpu.memory_space<vmem>>, vector<1x16xf32>,
    %get3A_862 = vector.shape_cast %get3A_861 : vector<1x16xf32> to vector<16xf32>
    %get3A_863 = arith.constant 7 : i32
    %get3A_864 = arith.index_cast %get3A_863 : i32 to index
    %get3A_865 = arith.constant 16 : index
    %get3A_866 = tpu.vector_load %arg11[%get3A_864, %get3A_865] {strides = array<i32>} : memref<32x64xf32, #tpu.memory_space<vmem>>, vector<1x16xf32>,
    %get3A_867 = vector.shape_cast %get3A_866 : vector<1x16xf32> to vector<16xf32>
    %mul3A_868 = arith.mulf %get3A_867, %get3A_862 : vector<16xf32>
    %swap3A_869 = arith.constant 7 : i32
    %swap3A_870 = arith.index_cast %swap3A_869 : i32 to index
    %swap3A_871 = arith.constant 16 : index
    %swap3A_872 = tpu.vector_load %arg11[%swap3A_870, %swap3A_871] {strides = array<i32>} : memref<32x64xf32, #tpu.memory_space<vmem>>, vector<1x16xf32>,
    %swap3A_873 = vector.shape_cast %swap3A_872 : vector<1x16xf32> to vector<16xf32>
    %swap3A_874 = vector.shape_cast %mul3A_868 : vector<16xf32> to vector<1x16xf32>
    tpu.vector_store %arg11[%swap3A_870, %swap3A_871], %swap3A_874 {strides = array<i32>} : memref<32x64xf32, #tpu.memory_space<vmem>>, vector<1x16xf32>,
    %get3A_875 = arith.constant 7 : i32
    %get3A_876 = arith.index_cast %get3A_875 : i32 to index
    %get3A_877 = arith.constant 16 : index
    %get3A_878 = tpu.vector_load %arg12[%get3A_876, %get3A_877] {strides = array<i32>} : memref<32x64xf32, #tpu.memory_space<vmem>>, vector<1x16xf32>,
    %get3A_879 = vector.shape_cast %get3A_878 : vector<1x16xf32> to vector<16xf32>
    %mul3A_880 = arith.mulf %get3A_879, %get3A_862 : vector<16xf32>
    %swap3A_881 = arith.constant 7 : i32
    %swap3A_882 = arith.index_cast %swap3A_881 : i32 to index
    %swap3A_883 = arith.constant 16 : index
    %swap3A_884 = tpu.vector_load %arg12[%swap3A_882, %swap3A_883] {strides = array<i32>} : memref<32x64xf32, #tpu.memory_space<vmem>>, vector<1x16xf32>,
    %swap3A_885 = vector.shape_cast %swap3A_884 : vector<1x16xf32> to vector<16xf32>
    %swap3A_886 = vector.shape_cast %mul3A_880 : vector<16xf32> to vector<1x16xf32>
    tpu.vector_store %arg12[%swap3A_882, %swap3A_883], %swap3A_886 {strides = array<i32>} : memref<32x64xf32, #tpu.memory_space<vmem>>, vector<1x16xf32>,
    %get3A_887 = arith.constant 7 : i32
    %get3A_888 = arith.index_cast %get3A_887 : i32 to index
    %get3A_889 = arith.constant 32 : index
    %get3A_890 = tpu.vector_load %arg13[%get3A_888, %get3A_889] {strides = array<i32>} : memref<32x64xf32, #tpu.memory_space<vmem>>, vector<1x16xf32>,
    %get3A_891 = vector.shape_cast %get3A_890 : vector<1x16xf32> to vector<16xf32>
    %get3A_892 = arith.constant 7 : i32
    %get3A_893 = arith.index_cast %get3A_892 : i32 to index
    %get3A_894 = arith.constant 32 : index
    %get3A_895 = tpu.vector_load %arg11[%get3A_893, %get3A_894] {strides = array<i32>} : memref<32x64xf32, #tpu.memory_space<vmem>>, vector<1x16xf32>,
    %get3A_896 = vector.shape_cast %get3A_895 : vector<1x16xf32> to vector<16xf32>
    %mul3A_897 = arith.mulf %get3A_896, %get3A_891 : vector<16xf32>
    %swap3A_898 = arith.constant 7 : i32
    %swap3A_899 = arith.index_cast %swap3A_898 : i32 to index
    %swap3A_900 = arith.constant 32 : index
    %swap3A_901 = tpu.vector_load %arg11[%swap3A_899, %swap3A_900] {strides = array<i32>} : memref<32x64xf32, #tpu.memory_space<vmem>>, vector<1x16xf32>,
    %swap3A_902 = vector.shape_cast %swap3A_901 : vector<1x16xf32> to vector<16xf32>
    %swap3A_903 = vector.shape_cast %mul3A_897 : vector<16xf32> to vector<1x16xf32>
    tpu.vector_store %arg11[%swap3A_899, %swap3A_900], %swap3A_903 {strides = array<i32>} : memref<32x64xf32, #tpu.memory_space<vmem>>, vector<1x16xf32>,
    %get3A_904 = arith.constant 7 : i32
    %get3A_905 = arith.index_cast %get3A_904 : i32 to index
    %get3A_906 = arith.constant 32 : index
    %get3A_907 = tpu.vector_load %arg12[%get3A_905, %get3A_906] {strides = array<i32>} : memref<32x64xf32, #tpu.memory_space<vmem>>, vector<1x16xf32>,
    %get3A_908 = vector.shape_cast %get3A_907 : vector<1x16xf32> to vector<16xf32>
    %mul3A_909 = arith.mulf %get3A_908, %get3A_891 : vector<16xf32>
    %swap3A_910 = arith.constant 7 : i32
    %swap3A_911 = arith.index_cast %swap3A_910 : i32 to index
    %swap3A_912 = arith.constant 32 : index
    %swap3A_913 = tpu.vector_load %arg12[%swap3A_911, %swap3A_912] {strides = array<i32>} : memref<32x64xf32, #tpu.memory_space<vmem>>, vector<1x16xf32>,
    %swap3A_914 = vector.shape_cast %swap3A_913 : vector<1x16xf32> to vector<16xf32>
    %swap3A_915 = vector.shape_cast %mul3A_909 : vector<16xf32> to vector<1x16xf32>
    tpu.vector_store %arg12[%swap3A_911, %swap3A_912], %swap3A_915 {strides = array<i32>} : memref<32x64xf32, #tpu.memory_space<vmem>>, vector<1x16xf32>,
    %get3A_916 = arith.constant 7 : i32
    %get3A_917 = arith.index_cast %get3A_916 : i32 to index
    %get3A_918 = arith.constant 48 : index
    %get3A_919 = tpu.vector_load %arg13[%get3A_917, %get3A_918] {strides = array<i32>} : memref<32x64xf32, #tpu.memory_space<vmem>>, vector<1x16xf32>,
    %get3A_920 = vector.shape_cast %get3A_919 : vector<1x16xf32> to vector<16xf32>
    %get3A_921 = arith.constant 7 : i32
    %get3A_922 = arith.index_cast %get3A_921 : i32 to index
    %get3A_923 = arith.constant 48 : index
    %get3A_924 = tpu.vector_load %arg11[%get3A_922, %get3A_923] {strides = array<i32>} : memref<32x64xf32, #tpu.memory_space<vmem>>, vector<1x16xf32>,
    %get3A_925 = vector.shape_cast %get3A_924 : vector<1x16xf32> to vector<16xf32>
    %mul3A_926 = arith.mulf %get3A_925, %get3A_920 : vector<16xf32>
    %swap3A_927 = arith.constant 7 : i32
    %swap3A_928 = arith.index_cast %swap3A_927 : i32 to index
    %swap3A_929 = arith.constant 48 : index
    %swap3A_930 = tpu.vector_load %arg11[%swap3A_928, %swap3A_929] {strides = array<i32>} : memref<32x64xf32, #tpu.memory_space<vmem>>, vector<1x16xf32>,
    %swap3A_931 = vector.shape_cast %swap3A_930 : vector<1x16xf32> to vector<16xf32>
    %swap3A_932 = vector.shape_cast %mul3A_926 : vector<16xf32> to vector<1x16xf32>
    tpu.vector_store %arg11[%swap3A_928, %swap3A_929], %swap3A_932 {strides = array<i32>} : memref<32x64xf32, #tpu.memory_space<vmem>>, vector<1x16xf32>,
    %get3A_933 = arith.constant 7 : i32
    %get3A_934 = arith.index_cast %get3A_933 : i32 to index
    %get3A_935 = arith.constant 48 : index
    %get3A_936 = tpu.vector_load %arg12[%get3A_934, %get3A_935] {strides = array<i32>} : memref<32x64xf32, #tpu.memory_space<vmem>>, vector<1x16xf32>,
    %get3A_937 = vector.shape_cast %get3A_936 : vector<1x16xf32> to vector<16xf32>
    %mul3A_938 = arith.mulf %get3A_937, %get3A_920 : vector<16xf32>
    %swap3A_939 = arith.constant 7 : i32
    %swap3A_940 = arith.index_cast %swap3A_939 : i32 to index
    %swap3A_941 = arith.constant 48 : index
    %swap3A_942 = tpu.vector_load %arg12[%swap3A_940, %swap3A_941] {strides = array<i32>} : memref<32x64xf32, #tpu.memory_space<vmem>>, vector<1x16xf32>,
    %swap3A_943 = vector.shape_cast %swap3A_942 : vector<1x16xf32> to vector<16xf32>
    %swap3A_944 = vector.shape_cast %mul3A_938 : vector<16xf32> to vector<1x16xf32>
    tpu.vector_store %arg12[%swap3A_940, %swap3A_941], %swap3A_944 {strides = array<i32>} : memref<32x64xf32, #tpu.memory_space<vmem>>, vector<1x16xf32>,
    %get3A_945 = arith.constant 8 : i32
    %get3A_946 = arith.index_cast %get3A_945 : i32 to index
    %get3A_947 = arith.constant 0 : index
    %get3A_948 = tpu.vector_load %arg13[%get3A_946, %get3A_947] {strides = array<i32>} : memref<32x64xf32, #tpu.memory_space<vmem>>, vector<1x16xf32>,
    %get3A_949 = vector.shape_cast %get3A_948 : vector<1x16xf32> to vector<16xf32>
    %get3A_950 = arith.constant 8 : i32
    %get3A_951 = arith.index_cast %get3A_950 : i32 to index
    %get3A_952 = arith.constant 0 : index
    %get3A_953 = tpu.vector_load %arg11[%get3A_951, %get3A_952] {strides = array<i32>} : memref<32x64xf32, #tpu.memory_space<vmem>>, vector<1x16xf32>,
    %get3A_954 = vector.shape_cast %get3A_953 : vector<1x16xf32> to vector<16xf32>
    %mul3A_955 = arith.mulf %get3A_954, %get3A_949 : vector<16xf32>
    %swap3A_956 = arith.constant 8 : i32
    %swap3A_957 = arith.index_cast %swap3A_956 : i32 to index
    %swap3A_958 = arith.constant 0 : index
    %swap3A_959 = tpu.vector_load %arg11[%swap3A_957, %swap3A_958] {strides = array<i32>} : memref<32x64xf32, #tpu.memory_space<vmem>>, vector<1x16xf32>,
    %swap3A_960 = vector.shape_cast %swap3A_959 : vector<1x16xf32> to vector<16xf32>
    %swap3A_961 = vector.shape_cast %mul3A_955 : vector<16xf32> to vector<1x16xf32>
    tpu.vector_store %arg11[%swap3A_957, %swap3A_958], %swap3A_961 {strides = array<i32>} : memref<32x64xf32, #tpu.memory_space<vmem>>, vector<1x16xf32>,
    %get3A_962 = arith.constant 8 : i32
    %get3A_963 = arith.index_cast %get3A_962 : i32 to index
    %get3A_964 = arith.constant 0 : index
    %get3A_965 = tpu.vector_load %arg12[%get3A_963, %get3A_964] {strides = array<i32>} : memref<32x64xf32, #tpu.memory_space<vmem>>, vector<1x16xf32>,
    %get3A_966 = vector.shape_cast %get3A_965 : vector<1x16xf32> to vector<16xf32>
    %mul3A_967 = arith.mulf %get3A_966, %get3A_949 : vector<16xf32>
    %swap3A_968 = arith.constant 8 : i32
    %swap3A_969 = arith.index_cast %swap3A_968 : i32 to index
    %swap3A_970 = arith.constant 0 : index
    %swap3A_971 = tpu.vector_load %arg12[%swap3A_969, %swap3A_970] {strides = array<i32>} : memref<32x64xf32, #tpu.memory_space<vmem>>, vector<1x16xf32>,
    %swap3A_972 = vector.shape_cast %swap3A_971 : vector<1x16xf32> to vector<16xf32>
    %swap3A_973 = vector.shape_cast %mul3A_967 : vector<16xf32> to vector<1x16xf32>
    tpu.vector_store %arg12[%swap3A_969, %swap3A_970], %swap3A_973 {strides = array<i32>} : memref<32x64xf32, #tpu.memory_space<vmem>>, vector<1x16xf32>,
    %get3A_974 = arith.constant 8 : i32
    %get3A_975 = arith.index_cast %get3A_974 : i32 to index
    %get3A_976 = arith.constant 16 : index
    %get3A_977 = tpu.vector_load %arg13[%get3A_975, %get3A_976] {strides = array<i32>} : memref<32x64xf32, #tpu.memory_space<vmem>>, vector<1x16xf32>,
    %get3A_978 = vector.shape_cast %get3A_977 : vector<1x16xf32> to vector<16xf32>
    %get3A_979 = arith.constant 8 : i32
    %get3A_980 = arith.index_cast %get3A_979 : i32 to index
    %get3A_981 = arith.constant 16 : index
    %get3A_982 = tpu.vector_load %arg11[%get3A_980, %get3A_981] {strides = array<i32>} : memref<32x64xf32, #tpu.memory_space<vmem>>, vector<1x16xf32>,
    %get3A_983 = vector.shape_cast %get3A_982 : vector<1x16xf32> to vector<16xf32>
    %mul3A_984 = arith.mulf %get3A_983, %get3A_978 : vector<16xf32>
    %swap3A_985 = arith.constant 8 : i32
    %swap3A_986 = arith.index_cast %swap3A_985 : i32 to index
    %swap3A_987 = arith.constant 16 : index
    %swap3A_988 = tpu.vector_load %arg11[%swap3A_986, %swap3A_987] {strides = array<i32>} : memref<32x64xf32, #tpu.memory_space<vmem>>, vector<1x16xf32>,
    %swap3A_989 = vector.shape_cast %swap3A_988 : vector<1x16xf32> to vector<16xf32>
    %swap3A_990 = vector.shape_cast %mul3A_984 : vector<16xf32> to vector<1x16xf32>
    tpu.vector_store %arg11[%swap3A_986, %swap3A_987], %swap3A_990 {strides = array<i32>} : memref<32x64xf32, #tpu.memory_space<vmem>>, vector<1x16xf32>,
    %get3A_991 = arith.constant 8 : i32
    %get3A_992 = arith.index_cast %get3A_991 : i32 to index
    %get3A_993 = arith.constant 16 : index
    %get3A_994 = tpu.vector_load %arg12[%get3A_992, %get3A_993] {strides = array<i32>} : memref<32x64xf32, #tpu.memory_space<vmem>>, vector<1x16xf32>,
    %get3A_995 = vector.shape_cast %get3A_994 : vector<1x16xf32> to vector<16xf32>
    %mul3A_996 = arith.mulf %get3A_995, %get3A_978 : vector<16xf32>
    %swap3A_997 = arith.constant 8 : i32
    %swap3A_998 = arith.index_cast %swap3A_997 : i32 to index
    %swap3A_999 = arith.constant 16 : index
    %swap3A_1000 = tpu.vector_load %arg12[%swap3A_998, %swap3A_999] {strides = array<i32>} : memref<32x64xf32, #tpu.memory_space<vmem>>, vector<1x16xf32>,
    %swap3A_1001 = vector.shape_cast %swap3A_1000 : vector<1x16xf32> to vector<16xf32>
    %swap3A_1002 = vector.shape_cast %mul3A_996 : vector<16xf32> to vector<1x16xf32>
    tpu.vector_store %arg12[%swap3A_998, %swap3A_999], %swap3A_1002 {strides = array<i32>} : memref<32x64xf32, #tpu.memory_space<vmem>>, vector<1x16xf32>,
    %get3A_1003 = arith.constant 8 : i32
    %get3A_1004 = arith.index_cast %get3A_1003 : i32 to index
    %get3A_1005 = arith.constant 32 : index
    %get3A_1006 = tpu.vector_load %arg13[%get3A_1004, %get3A_1005] {strides = array<i32>} : memref<32x64xf32, #tpu.memory_space<vmem>>, vector<1x16xf32>,
    %get3A_1007 = vector.shape_cast %get3A_1006 : vector<1x16xf32> to vector<16xf32>
    %get3A_1008 = arith.constant 8 : i32
    %get3A_1009 = arith.index_cast %get3A_1008 : i32 to index
    %get3A_1010 = arith.constant 32 : index
    %get3A_1011 = tpu.vector_load %arg11[%get3A_1009, %get3A_1010] {strides = array<i32>} : memref<32x64xf32, #tpu.memory_space<vmem>>, vector<1x16xf32>,
    %get3A_1012 = vector.shape_cast %get3A_1011 : vector<1x16xf32> to vector<16xf32>
    %mul3A_1013 = arith.mulf %get3A_1012, %get3A_1007 : vector<16xf32>
    %swap3A_1014 = arith.constant 8 : i32
    %swap3A_1015 = arith.index_cast %swap3A_1014 : i32 to index
    %swap3A_1016 = arith.constant 32 : index
    %swap3A_1017 = tpu.vector_load %arg11[%swap3A_1015, %swap3A_1016] {strides = array<i32>} : memref<32x64xf32, #tpu.memory_space<vmem>>, vector<1x16xf32>,
    %swap3A_1018 = vector.shape_cast %swap3A_1017 : vector<1x16xf32> to vector<16xf32>
    %swap3A_1019 = vector.shape_cast %mul3A_1013 : vector<16xf32> to vector<1x16xf32>
    tpu.vector_store %arg11[%swap3A_1015, %swap3A_1016], %swap3A_1019 {strides = array<i32>} : memref<32x64xf32, #tpu.memory_space<vmem>>, vector<1x16xf32>,
    %get3A_1020 = arith.constant 8 : i32
    %get3A_1021 = arith.index_cast %get3A_1020 : i32 to index
    %get3A_1022 = arith.constant 32 : index
    %get3A_1023 = tpu.vector_load %arg12[%get3A_1021, %get3A_1022] {strides = array<i32>} : memref<32x64xf32, #tpu.memory_space<vmem>>, vector<1x16xf32>,
    %get3A_1024 = vector.shape_cast %get3A_1023 : vector<1x16xf32> to vector<16xf32>
    %mul3A_1025 = arith.mulf %get3A_1024, %get3A_1007 : vector<16xf32>
    %swap3A_1026 = arith.constant 8 : i32
    %swap3A_1027 = arith.index_cast %swap3A_1026 : i32 to index
    %swap3A_1028 = arith.constant 32 : index
    %swap3A_1029 = tpu.vector_load %arg12[%swap3A_1027, %swap3A_1028] {strides = array<i32>} : memref<32x64xf32, #tpu.memory_space<vmem>>, vector<1x16xf32>,
    %swap3A_1030 = vector.shape_cast %swap3A_1029 : vector<1x16xf32> to vector<16xf32>
    %swap3A_1031 = vector.shape_cast %mul3A_1025 : vector<16xf32> to vector<1x16xf32>
    tpu.vector_store %arg12[%swap3A_1027, %swap3A_1028], %swap3A_1031 {strides = array<i32>} : memref<32x64xf32, #tpu.memory_space<vmem>>, vector<1x16xf32>,
    %get3A_1032 = arith.constant 8 : i32
    %get3A_1033 = arith.index_cast %get3A_1032 : i32 to index
    %get3A_1034 = arith.constant 48 : index
    %get3A_1035 = tpu.vector_load %arg13[%get3A_1033, %get3A_1034] {strides = array<i32>} : memref<32x64xf32, #tpu.memory_space<vmem>>, vector<1x16xf32>,
    %get3A_1036 = vector.shape_cast %get3A_1035 : vector<1x16xf32> to vector<16xf32>
    %get3A_1037 = arith.constant 8 : i32
    %get3A_1038 = arith.index_cast %get3A_1037 : i32 to index
    %get3A_1039 = arith.constant 48 : index
    %get3A_1040 = tpu.vector_load %arg11[%get3A_1038, %get3A_1039] {strides = array<i32>} : memref<32x64xf32, #tpu.memory_space<vmem>>, vector<1x16xf32>,
    %get3A_1041 = vector.shape_cast %get3A_1040 : vector<1x16xf32> to vector<16xf32>
    %mul3A_1042 = arith.mulf %get3A_1041, %get3A_1036 : vector<16xf32>
    %swap3A_1043 = arith.constant 8 : i32
    %swap3A_1044 = arith.index_cast %swap3A_1043 : i32 to index
    %swap3A_1045 = arith.constant 48 : index
    %swap3A_1046 = tpu.vector_load %arg11[%swap3A_1044, %swap3A_1045] {strides = array<i32>} : memref<32x64xf32, #tpu.memory_space<vmem>>, vector<1x16xf32>,
    %swap3A_1047 = vector.shape_cast %swap3A_1046 : vector<1x16xf32> to vector<16xf32>
    %swap3A_1048 = vector.shape_cast %mul3A_1042 : vector<16xf32> to vector<1x16xf32>
    tpu.vector_store %arg11[%swap3A_1044, %swap3A_1045], %swap3A_1048 {strides = array<i32>} : memref<32x64xf32, #tpu.memory_space<vmem>>, vector<1x16xf32>,
    %get3A_1049 = arith.constant 8 : i32
    %get3A_1050 = arith.index_cast %get3A_1049 : i32 to index
    %get3A_1051 = arith.constant 48 : index
    %get3A_1052 = tpu.vector_load %arg12[%get3A_1050, %get3A_1051] {strides = array<i32>} : memref<32x64xf32, #tpu.memory_space<vmem>>, vector<1x16xf32>,
    %get3A_1053 = vector.shape_cast %get3A_1052 : vector<1x16xf32> to vector<16xf32>
    %mul3A_1054 = arith.mulf %get3A_1053, %get3A_1036 : vector<16xf32>
    %swap3A_1055 = arith.constant 8 : i32
    %swap3A_1056 = arith.index_cast %swap3A_1055 : i32 to index
    %swap3A_1057 = arith.constant 48 : index
    %swap3A_1058 = tpu.vector_load %arg12[%swap3A_1056, %swap3A_1057] {strides = array<i32>} : memref<32x64xf32, #tpu.memory_space<vmem>>, vector<1x16xf32>,
    %swap3A_1059 = vector.shape_cast %swap3A_1058 : vector<1x16xf32> to vector<16xf32>
    %swap3A_1060 = vector.shape_cast %mul3A_1054 : vector<16xf32> to vector<1x16xf32>
    tpu.vector_store %arg12[%swap3A_1056, %swap3A_1057], %swap3A_1060 {strides = array<i32>} : memref<32x64xf32, #tpu.memory_space<vmem>>, vector<1x16xf32>,
    %get3A_1061 = arith.constant 9 : i32
    %get3A_1062 = arith.index_cast %get3A_1061 : i32 to index
    %get3A_1063 = arith.constant 0 : index
    %get3A_1064 = tpu.vector_load %arg13[%get3A_1062, %get3A_1063] {strides = array<i32>} : memref<32x64xf32, #tpu.memory_space<vmem>>, vector<1x16xf32>,
    %get3A_1065 = vector.shape_cast %get3A_1064 : vector<1x16xf32> to vector<16xf32>
    %get3A_1066 = arith.constant 9 : i32
    %get3A_1067 = arith.index_cast %get3A_1066 : i32 to index
    %get3A_1068 = arith.constant 0 : index
    %get3A_1069 = tpu.vector_load %arg11[%get3A_1067, %get3A_1068] {strides = array<i32>} : memref<32x64xf32, #tpu.memory_space<vmem>>, vector<1x16xf32>,
    %get3A_1070 = vector.shape_cast %get3A_1069 : vector<1x16xf32> to vector<16xf32>
    %mul3A_1071 = arith.mulf %get3A_1070, %get3A_1065 : vector<16xf32>
    %swap3A_1072 = arith.constant 9 : i32
    %swap3A_1073 = arith.index_cast %swap3A_1072 : i32 to index
    %swap3A_1074 = arith.constant 0 : index
    %swap3A_1075 = tpu.vector_load %arg11[%swap3A_1073, %swap3A_1074] {strides = array<i32>} : memref<32x64xf32, #tpu.memory_space<vmem>>, vector<1x16xf32>,
    %swap3A_1076 = vector.shape_cast %swap3A_1075 : vector<1x16xf32> to vector<16xf32>
    %swap3A_1077 = vector.shape_cast %mul3A_1071 : vector<16xf32> to vector<1x16xf32>
    tpu.vector_store %arg11[%swap3A_1073, %swap3A_1074], %swap3A_1077 {strides = array<i32>} : memref<32x64xf32, #tpu.memory_space<vmem>>, vector<1x16xf32>,
    %get3A_1078 = arith.constant 9 : i32
    %get3A_1079 = arith.index_cast %get3A_1078 : i32 to index
    %get3A_1080 = arith.constant 0 : index
    %get3A_1081 = tpu.vector_load %arg12[%get3A_1079, %get3A_1080] {strides = array<i32>} : memref<32x64xf32, #tpu.memory_space<vmem>>, vector<1x16xf32>,
    %get3A_1082 = vector.shape_cast %get3A_1081 : vector<1x16xf32> to vector<16xf32>
    %mul3A_1083 = arith.mulf %get3A_1082, %get3A_1065 : vector<16xf32>
    %swap3A_1084 = arith.constant 9 : i32
    %swap3A_1085 = arith.index_cast %swap3A_1084 : i32 to index
    %swap3A_1086 = arith.constant 0 : index
    %swap3A_1087 = tpu.vector_load %arg12[%swap3A_1085, %swap3A_1086] {strides = array<i32>} : memref<32x64xf32, #tpu.memory_space<vmem>>, vector<1x16xf32>,
    %swap3A_1088 = vector.shape_cast %swap3A_1087 : vector<1x16xf32> to vector<16xf32>
    %swap3A_1089 = vector.shape_cast %mul3A_1083 : vector<16xf32> to vector<1x16xf32>
    tpu.vector_store %arg12[%swap3A_1085, %swap3A_1086], %swap3A_1089 {strides = array<i32>} : memref<32x64xf32, #tpu.memory_space<vmem>>, vector<1x16xf32>,
    %get3A_1090 = arith.constant 9 : i32
    %get3A_1091 = arith.index_cast %get3A_1090 : i32 to index
    %get3A_1092 = arith.constant 16 : index
    %get3A_1093 = tpu.vector_load %arg13[%get3A_1091, %get3A_1092] {strides = array<i32>} : memref<32x64xf32, #tpu.memory_space<vmem>>, vector<1x16xf32>,
    %get3A_1094 = vector.shape_cast %get3A_1093 : vector<1x16xf32> to vector<16xf32>
    %get3A_1095 = arith.constant 9 : i32
    %get3A_1096 = arith.index_cast %get3A_1095 : i32 to index
    %get3A_1097 = arith.constant 16 : index
    %get3A_1098 = tpu.vector_load %arg11[%get3A_1096, %get3A_1097] {strides = array<i32>} : memref<32x64xf32, #tpu.memory_space<vmem>>, vector<1x16xf32>,
    %get3A_1099 = vector.shape_cast %get3A_1098 : vector<1x16xf32> to vector<16xf32>
    %mul3A_1100 = arith.mulf %get3A_1099, %get3A_1094 : vector<16xf32>
    %swap3A_1101 = arith.constant 9 : i32
    %swap3A_1102 = arith.index_cast %swap3A_1101 : i32 to index
    %swap3A_1103 = arith.constant 16 : index
    %swap3A_1104 = tpu.vector_load %arg11[%swap3A_1102, %swap3A_1103] {strides = array<i32>} : memref<32x64xf32, #tpu.memory_space<vmem>>, vector<1x16xf32>,
    %swap3A_1105 = vector.shape_cast %swap3A_1104 : vector<1x16xf32> to vector<16xf32>
    %swap3A_1106 = vector.shape_cast %mul3A_1100 : vector<16xf32> to vector<1x16xf32>
    tpu.vector_store %arg11[%swap3A_1102, %swap3A_1103], %swap3A_1106 {strides = array<i32>} : memref<32x64xf32, #tpu.memory_space<vmem>>, vector<1x16xf32>,
    %get3A_1107 = arith.constant 9 : i32
    %get3A_1108 = arith.index_cast %get3A_1107 : i32 to index
    %get3A_1109 = arith.constant 16 : index
    %get3A_1110 = tpu.vector_load %arg12[%get3A_1108, %get3A_1109] {strides = array<i32>} : memref<32x64xf32, #tpu.memory_space<vmem>>, vector<1x16xf32>,
    %get3A_1111 = vector.shape_cast %get3A_1110 : vector<1x16xf32> to vector<16xf32>
    %mul3A_1112 = arith.mulf %get3A_1111, %get3A_1094 : vector<16xf32>
    %swap3A_1113 = arith.constant 9 : i32
    %swap3A_1114 = arith.index_cast %swap3A_1113 : i32 to index
    %swap3A_1115 = arith.constant 16 : index
    %swap3A_1116 = tpu.vector_load %arg12[%swap3A_1114, %swap3A_1115] {strides = array<i32>} : memref<32x64xf32, #tpu.memory_space<vmem>>, vector<1x16xf32>,
    %swap3A_1117 = vector.shape_cast %swap3A_1116 : vector<1x16xf32> to vector<16xf32>
    %swap3A_1118 = vector.shape_cast %mul3A_1112 : vector<16xf32> to vector<1x16xf32>
    tpu.vector_store %arg12[%swap3A_1114, %swap3A_1115], %swap3A_1118 {strides = array<i32>} : memref<32x64xf32, #tpu.memory_space<vmem>>, vector<1x16xf32>,
    %get3A_1119 = arith.constant 9 : i32
    %get3A_1120 = arith.index_cast %get3A_1119 : i32 to index
    %get3A_1121 = arith.constant 32 : index
    %get3A_1122 = tpu.vector_load %arg13[%get3A_1120, %get3A_1121] {strides = array<i32>} : memref<32x64xf32, #tpu.memory_space<vmem>>, vector<1x16xf32>,
    %get3A_1123 = vector.shape_cast %get3A_1122 : vector<1x16xf32> to vector<16xf32>
    %get3A_1124 = arith.constant 9 : i32
    %get3A_1125 = arith.index_cast %get3A_1124 : i32 to index
    %get3A_1126 = arith.constant 32 : index
    %get3A_1127 = tpu.vector_load %arg11[%get3A_1125, %get3A_1126] {strides = array<i32>} : memref<32x64xf32, #tpu.memory_space<vmem>>, vector<1x16xf32>,
    %get3A_1128 = vector.shape_cast %get3A_1127 : vector<1x16xf32> to vector<16xf32>
    %mul3A_1129 = arith.mulf %get3A_1128, %get3A_1123 : vector<16xf32>
    %swap3A_1130 = arith.constant 9 : i32
    %swap3A_1131 = arith.index_cast %swap3A_1130 : i32 to index
    %swap3A_1132 = arith.constant 32 : index
    %swap3A_1133 = tpu.vector_load %arg11[%swap3A_1131, %swap3A_1132] {strides = array<i32>} : memref<32x64xf32, #tpu.memory_space<vmem>>, vector<1x16xf32>,
    %swap3A_1134 = vector.shape_cast %swap3A_1133 : vector<1x16xf32> to vector<16xf32>
    %swap3A_1135 = vector.shape_cast %mul3A_1129 : vector<16xf32> to vector<1x16xf32>
    tpu.vector_store %arg11[%swap3A_1131, %swap3A_1132], %swap3A_1135 {strides = array<i32>} : memref<32x64xf32, #tpu.memory_space<vmem>>, vector<1x16xf32>,
    %get3A_1136 = arith.constant 9 : i32
    %get3A_1137 = arith.index_cast %get3A_1136 : i32 to index
    %get3A_1138 = arith.constant 32 : index
    %get3A_1139 = tpu.vector_load %arg12[%get3A_1137, %get3A_1138] {strides = array<i32>} : memref<32x64xf32, #tpu.memory_space<vmem>>, vector<1x16xf32>,
    %get3A_1140 = vector.shape_cast %get3A_1139 : vector<1x16xf32> to vector<16xf32>
    %mul3A_1141 = arith.mulf %get3A_1140, %get3A_1123 : vector<16xf32>
    %swap3A_1142 = arith.constant 9 : i32
    %swap3A_1143 = arith.index_cast %swap3A_1142 : i32 to index
    %swap3A_1144 = arith.constant 32 : index
    %swap3A_1145 = tpu.vector_load %arg12[%swap3A_1143, %swap3A_1144] {strides = array<i32>} : memref<32x64xf32, #tpu.memory_space<vmem>>, vector<1x16xf32>,
    %swap3A_1146 = vector.shape_cast %swap3A_1145 : vector<1x16xf32> to vector<16xf32>
    %swap3A_1147 = vector.shape_cast %mul3A_1141 : vector<16xf32> to vector<1x16xf32>
    tpu.vector_store %arg12[%swap3A_1143, %swap3A_1144], %swap3A_1147 {strides = array<i32>} : memref<32x64xf32, #tpu.memory_space<vmem>>, vector<1x16xf32>,
    %get3A_1148 = arith.constant 9 : i32
    %get3A_1149 = arith.index_cast %get3A_1148 : i32 to index
    %get3A_1150 = arith.constant 48 : index
    %get3A_1151 = tpu.vector_load %arg13[%get3A_1149, %get3A_1150] {strides = array<i32>} : memref<32x64xf32, #tpu.memory_space<vmem>>, vector<1x16xf32>,
    %get3A_1152 = vector.shape_cast %get3A_1151 : vector<1x16xf32> to vector<16xf32>
    %get3A_1153 = arith.constant 9 : i32
    %get3A_1154 = arith.index_cast %get3A_1153 : i32 to index
    %get3A_1155 = arith.constant 48 : index
    %get3A_1156 = tpu.vector_load %arg11[%get3A_1154, %get3A_1155] {strides = array<i32>} : memref<32x64xf32, #tpu.memory_space<vmem>>, vector<1x16xf32>,
    %get3A_1157 = vector.shape_cast %get3A_1156 : vector<1x16xf32> to vector<16xf32>
    %mul3A_1158 = arith.mulf %get3A_1157, %get3A_1152 : vector<16xf32>
    %swap3A_1159 = arith.constant 9 : i32
    %swap3A_1160 = arith.index_cast %swap3A_1159 : i32 to index
    %swap3A_1161 = arith.constant 48 : index
    %swap3A_1162 = tpu.vector_load %arg11[%swap3A_1160, %swap3A_1161] {strides = array<i32>} : memref<32x64xf32, #tpu.memory_space<vmem>>, vector<1x16xf32>,
    %swap3A_1163 = vector.shape_cast %swap3A_1162 : vector<1x16xf32> to vector<16xf32>
    %swap3A_1164 = vector.shape_cast %mul3A_1158 : vector<16xf32> to vector<1x16xf32>
    tpu.vector_store %arg11[%swap3A_1160, %swap3A_1161], %swap3A_1164 {strides = array<i32>} : memref<32x64xf32, #tpu.memory_space<vmem>>, vector<1x16xf32>,
    %get3A_1165 = arith.constant 9 : i32
    %get3A_1166 = arith.index_cast %get3A_1165 : i32 to index
    %get3A_1167 = arith.constant 48 : index
    %get3A_1168 = tpu.vector_load %arg12[%get3A_1166, %get3A_1167] {strides = array<i32>} : memref<32x64xf32, #tpu.memory_space<vmem>>, vector<1x16xf32>,
    %get3A_1169 = vector.shape_cast %get3A_1168 : vector<1x16xf32> to vector<16xf32>
    %mul3A_1170 = arith.mulf %get3A_1169, %get3A_1152 : vector<16xf32>
    %swap3A_1171 = arith.constant 9 : i32
    %swap3A_1172 = arith.index_cast %swap3A_1171 : i32 to index
    %swap3A_1173 = arith.constant 48 : index
    %swap3A_1174 = tpu.vector_load %arg12[%swap3A_1172, %swap3A_1173] {strides = array<i32>} : memref<32x64xf32, #tpu.memory_space<vmem>>, vector<1x16xf32>,
    %swap3A_1175 = vector.shape_cast %swap3A_1174 : vector<1x16xf32> to vector<16xf32>
    %swap3A_1176 = vector.shape_cast %mul3A_1170 : vector<16xf32> to vector<1x16xf32>
    tpu.vector_store %arg12[%swap3A_1172, %swap3A_1173], %swap3A_1176 {strides = array<i32>} : memref<32x64xf32, #tpu.memory_space<vmem>>, vector<1x16xf32>,
    %get3A_1177 = arith.constant 10 : i32
    %get3A_1178 = arith.index_cast %get3A_1177 : i32 to index
    %get3A_1179 = arith.constant 0 : index
    %get3A_1180 = tpu.vector_load %arg13[%get3A_1178, %get3A_1179] {strides = array<i32>} : memref<32x64xf32, #tpu.memory_space<vmem>>, vector<1x16xf32>,
    %get3A_1181 = vector.shape_cast %get3A_1180 : vector<1x16xf32> to vector<16xf32>
    %get3A_1182 = arith.constant 10 : i32
    %get3A_1183 = arith.index_cast %get3A_1182 : i32 to index
    %get3A_1184 = arith.constant 0 : index
    %get3A_1185 = tpu.vector_load %arg11[%get3A_1183, %get3A_1184] {strides = array<i32>} : memref<32x64xf32, #tpu.memory_space<vmem>>, vector<1x16xf32>,
    %get3A_1186 = vector.shape_cast %get3A_1185 : vector<1x16xf32> to vector<16xf32>
    %mul3A_1187 = arith.mulf %get3A_1186, %get3A_1181 : vector<16xf32>
    %swap3A_1188 = arith.constant 10 : i32
    %swap3A_1189 = arith.index_cast %swap3A_1188 : i32 to index
    %swap3A_1190 = arith.constant 0 : index
    %swap3A_1191 = tpu.vector_load %arg11[%swap3A_1189, %swap3A_1190] {strides = array<i32>} : memref<32x64xf32, #tpu.memory_space<vmem>>, vector<1x16xf32>,
    %swap3A_1192 = vector.shape_cast %swap3A_1191 : vector<1x16xf32> to vector<16xf32>
    %swap3A_1193 = vector.shape_cast %mul3A_1187 : vector<16xf32> to vector<1x16xf32>
    tpu.vector_store %arg11[%swap3A_1189, %swap3A_1190], %swap3A_1193 {strides = array<i32>} : memref<32x64xf32, #tpu.memory_space<vmem>>, vector<1x16xf32>,
    %get3A_1194 = arith.constant 10 : i32
    %get3A_1195 = arith.index_cast %get3A_1194 : i32 to index
    %get3A_1196 = arith.constant 0 : index
    %get3A_1197 = tpu.vector_load %arg12[%get3A_1195, %get3A_1196] {strides = array<i32>} : memref<32x64xf32, #tpu.memory_space<vmem>>, vector<1x16xf32>,
    %get3A_1198 = vector.shape_cast %get3A_1197 : vector<1x16xf32> to vector<16xf32>
    %mul3A_1199 = arith.mulf %get3A_1198, %get3A_1181 : vector<16xf32>
    %swap3A_1200 = arith.constant 10 : i32
    %swap3A_1201 = arith.index_cast %swap3A_1200 : i32 to index
    %swap3A_1202 = arith.constant 0 : index
    %swap3A_1203 = tpu.vector_load %arg12[%swap3A_1201, %swap3A_1202] {strides = array<i32>} : memref<32x64xf32, #tpu.memory_space<vmem>>, vector<1x16xf32>,
    %swap3A_1204 = vector.shape_cast %swap3A_1203 : vector<1x16xf32> to vector<16xf32>
    %swap3A_1205 = vector.shape_cast %mul3A_1199 : vector<16xf32> to vector<1x16xf32>
    tpu.vector_store %arg12[%swap3A_1201, %swap3A_1202], %swap3A_1205 {strides = array<i32>} : memref<32x64xf32, #tpu.memory_space<vmem>>, vector<1x16xf32>,
    %get3A_1206 = arith.constant 10 : i32
    %get3A_1207 = arith.index_cast %get3A_1206 : i32 to index
    %get3A_1208 = arith.constant 16 : index
    %get3A_1209 = tpu.vector_load %arg13[%get3A_1207, %get3A_1208] {strides = array<i32>} : memref<32x64xf32, #tpu.memory_space<vmem>>, vector<1x16xf32>,
    %get3A_1210 = vector.shape_cast %get3A_1209 : vector<1x16xf32> to vector<16xf32>
    %get3A_1211 = arith.constant 10 : i32
    %get3A_1212 = arith.index_cast %get3A_1211 : i32 to index
    %get3A_1213 = arith.constant 16 : index
    %get3A_1214 = tpu.vector_load %arg11[%get3A_1212, %get3A_1213] {strides = array<i32>} : memref<32x64xf32, #tpu.memory_space<vmem>>, vector<1x16xf32>,
    %get3A_1215 = vector.shape_cast %get3A_1214 : vector<1x16xf32> to vector<16xf32>
    %mul3A_1216 = arith.mulf %get3A_1215, %get3A_1210 : vector<16xf32>
    %swap3A_1217 = arith.constant 10 : i32
    %swap3A_1218 = arith.index_cast %swap3A_1217 : i32 to index
    %swap3A_1219 = arith.constant 16 : index
    %swap3A_1220 = tpu.vector_load %arg11[%swap3A_1218, %swap3A_1219] {strides = array<i32>} : memref<32x64xf32, #tpu.memory_space<vmem>>, vector<1x16xf32>,
    %swap3A_1221 = vector.shape_cast %swap3A_1220 : vector<1x16xf32> to vector<16xf32>
    %swap3A_1222 = vector.shape_cast %mul3A_1216 : vector<16xf32> to vector<1x16xf32>
    tpu.vector_store %arg11[%swap3A_1218, %swap3A_1219], %swap3A_1222 {strides = array<i32>} : memref<32x64xf32, #tpu.memory_space<vmem>>, vector<1x16xf32>,
    %get3A_1223 = arith.constant 10 : i32
    %get3A_1224 = arith.index_cast %get3A_1223 : i32 to index
    %get3A_1225 = arith.constant 16 : index
    %get3A_1226 = tpu.vector_load %arg12[%get3A_1224, %get3A_1225] {strides = array<i32>} : memref<32x64xf32, #tpu.memory_space<vmem>>, vector<1x16xf32>,
    %get3A_1227 = vector.shape_cast %get3A_1226 : vector<1x16xf32> to vector<16xf32>
    %mul3A_1228 = arith.mulf %get3A_1227, %get3A_1210 : vector<16xf32>
    %swap3A_1229 = arith.constant 10 : i32
    %swap3A_1230 = arith.index_cast %swap3A_1229 : i32 to index
    %swap3A_1231 = arith.constant 16 : index
    %swap3A_1232 = tpu.vector_load %arg12[%swap3A_1230, %swap3A_1231] {strides = array<i32>} : memref<32x64xf32, #tpu.memory_space<vmem>>, vector<1x16xf32>,
    %swap3A_1233 = vector.shape_cast %swap3A_1232 : vector<1x16xf32> to vector<16xf32>
    %swap3A_1234 = vector.shape_cast %mul3A_1228 : vector<16xf32> to vector<1x16xf32>
    tpu.vector_store %arg12[%swap3A_1230, %swap3A_1231], %swap3A_1234 {strides = array<i32>} : memref<32x64xf32, #tpu.memory_space<vmem>>, vector<1x16xf32>,
    %get3A_1235 = arith.constant 10 : i32
    %get3A_1236 = arith.index_cast %get3A_1235 : i32 to index
    %get3A_1237 = arith.constant 32 : index
    %get3A_1238 = tpu.vector_load %arg13[%get3A_1236, %get3A_1237] {strides = array<i32>} : memref<32x64xf32, #tpu.memory_space<vmem>>, vector<1x16xf32>,
    %get3A_1239 = vector.shape_cast %get3A_1238 : vector<1x16xf32> to vector<16xf32>
    %get3A_1240 = arith.constant 10 : i32
    %get3A_1241 = arith.index_cast %get3A_1240 : i32 to index
    %get3A_1242 = arith.constant 32 : index
    %get3A_1243 = tpu.vector_load %arg11[%get3A_1241, %get3A_1242] {strides = array<i32>} : memref<32x64xf32, #tpu.memory_space<vmem>>, vector<1x16xf32>,
    %get3A_1244 = vector.shape_cast %get3A_1243 : vector<1x16xf32> to vector<16xf32>
    %mul3A_1245 = arith.mulf %get3A_1244, %get3A_1239 : vector<16xf32>
    %swap3A_1246 = arith.constant 10 : i32
    %swap3A_1247 = arith.index_cast %swap3A_1246 : i32 to index
    %swap3A_1248 = arith.constant 32 : index
    %swap3A_1249 = tpu.vector_load %arg11[%swap3A_1247, %swap3A_1248] {strides = array<i32>} : memref<32x64xf32, #tpu.memory_space<vmem>>, vector<1x16xf32>,
    %swap3A_1250 = vector.shape_cast %swap3A_1249 : vector<1x16xf32> to vector<16xf32>
    %swap3A_1251 = vector.shape_cast %mul3A_1245 : vector<16xf32> to vector<1x16xf32>
    tpu.vector_store %arg11[%swap3A_1247, %swap3A_1248], %swap3A_1251 {strides = array<i32>} : memref<32x64xf32, #tpu.memory_space<vmem>>, vector<1x16xf32>,
    %get3A_1252 = arith.constant 10 : i32
    %get3A_1253 = arith.index_cast %get3A_1252 : i32 to index
    %get3A_1254 = arith.constant 32 : index
    %get3A_1255 = tpu.vector_load %arg12[%get3A_1253, %get3A_1254] {strides = array<i32>} : memref<32x64xf32, #tpu.memory_space<vmem>>, vector<1x16xf32>,
    %get3A_1256 = vector.shape_cast %get3A_1255 : vector<1x16xf32> to vector<16xf32>
    %mul3A_1257 = arith.mulf %get3A_1256, %get3A_1239 : vector<16xf32>
    %swap3A_1258 = arith.constant 10 : i32
    %swap3A_1259 = arith.index_cast %swap3A_1258 : i32 to index
    %swap3A_1260 = arith.constant 32 : index
    %swap3A_1261 = tpu.vector_load %arg12[%swap3A_1259, %swap3A_1260] {strides = array<i32>} : memref<32x64xf32, #tpu.memory_space<vmem>>, vector<1x16xf32>,
    %swap3A_1262 = vector.shape_cast %swap3A_1261 : vector<1x16xf32> to vector<16xf32>
    %swap3A_1263 = vector.shape_cast %mul3A_1257 : vector<16xf32> to vector<1x16xf32>
    tpu.vector_store %arg12[%swap3A_1259, %swap3A_1260], %swap3A_1263 {strides = array<i32>} : memref<32x64xf32, #tpu.memory_space<vmem>>, vector<1x16xf32>,
    %get3A_1264 = arith.constant 10 : i32
    %get3A_1265 = arith.index_cast %get3A_1264 : i32 to index
    %get3A_1266 = arith.constant 48 : index
    %get3A_1267 = tpu.vector_load %arg13[%get3A_1265, %get3A_1266] {strides = array<i32>} : memref<32x64xf32, #tpu.memory_space<vmem>>, vector<1x16xf32>,
    %get3A_1268 = vector.shape_cast %get3A_1267 : vector<1x16xf32> to vector<16xf32>
    %get3A_1269 = arith.constant 10 : i32
    %get3A_1270 = arith.index_cast %get3A_1269 : i32 to index
    %get3A_1271 = arith.constant 48 : index
    %get3A_1272 = tpu.vector_load %arg11[%get3A_1270, %get3A_1271] {strides = array<i32>} : memref<32x64xf32, #tpu.memory_space<vmem>>, vector<1x16xf32>,
    %get3A_1273 = vector.shape_cast %get3A_1272 : vector<1x16xf32> to vector<16xf32>
    %mul3A_1274 = arith.mulf %get3A_1273, %get3A_1268 : vector<16xf32>
    %swap3A_1275 = arith.constant 10 : i32
    %swap3A_1276 = arith.index_cast %swap3A_1275 : i32 to index
    %swap3A_1277 = arith.constant 48 : index
    %swap3A_1278 = tpu.vector_load %arg11[%swap3A_1276, %swap3A_1277] {strides = array<i32>} : memref<32x64xf32, #tpu.memory_space<vmem>>, vector<1x16xf32>,
    %swap3A_1279 = vector.shape_cast %swap3A_1278 : vector<1x16xf32> to vector<16xf32>
    %swap3A_1280 = vector.shape_cast %mul3A_1274 : vector<16xf32> to vector<1x16xf32>
    tpu.vector_store %arg11[%swap3A_1276, %swap3A_1277], %swap3A_1280 {strides = array<i32>} : memref<32x64xf32, #tpu.memory_space<vmem>>, vector<1x16xf32>,
    %get3A_1281 = arith.constant 10 : i32
    %get3A_1282 = arith.index_cast %get3A_1281 : i32 to index
    %get3A_1283 = arith.constant 48 : index
    %get3A_1284 = tpu.vector_load %arg12[%get3A_1282, %get3A_1283] {strides = array<i32>} : memref<32x64xf32, #tpu.memory_space<vmem>>, vector<1x16xf32>,
    %get3A_1285 = vector.shape_cast %get3A_1284 : vector<1x16xf32> to vector<16xf32>
    %mul3A_1286 = arith.mulf %get3A_1285, %get3A_1268 : vector<16xf32>
    %swap3A_1287 = arith.constant 10 : i32
    %swap3A_1288 = arith.index_cast %swap3A_1287 : i32 to index
    %swap3A_1289 = arith.constant 48 : index
    %swap3A_1290 = tpu.vector_load %arg12[%swap3A_1288, %swap3A_1289] {strides = array<i32>} : memref<32x64xf32, #tpu.memory_space<vmem>>, vector<1x16xf32>,
    %swap3A_1291 = vector.shape_cast %swap3A_1290 : vector<1x16xf32> to vector<16xf32>
    %swap3A_1292 = vector.shape_cast %mul3A_1286 : vector<16xf32> to vector<1x16xf32>
    tpu.vector_store %arg12[%swap3A_1288, %swap3A_1289], %swap3A_1292 {strides = array<i32>} : memref<32x64xf32, #tpu.memory_space<vmem>>, vector<1x16xf32>,
    %get3A_1293 = arith.constant 11 : i32
    %get3A_1294 = arith.index_cast %get3A_1293 : i32 to index
    %get3A_1295 = arith.constant 0 : index
    %get3A_1296 = tpu.vector_load %arg13[%get3A_1294, %get3A_1295] {strides = array<i32>} : memref<32x64xf32, #tpu.memory_space<vmem>>, vector<1x16xf32>,
    %get3A_1297 = vector.shape_cast %get3A_1296 : vector<1x16xf32> to vector<16xf32>
    %get3A_1298 = arith.constant 11 : i32
    %get3A_1299 = arith.index_cast %get3A_1298 : i32 to index
    %get3A_1300 = arith.constant 0 : index
    %get3A_1301 = tpu.vector_load %arg11[%get3A_1299, %get3A_1300] {strides = array<i32>} : memref<32x64xf32, #tpu.memory_space<vmem>>, vector<1x16xf32>,
    %get3A_1302 = vector.shape_cast %get3A_1301 : vector<1x16xf32> to vector<16xf32>
    %mul3A_1303 = arith.mulf %get3A_1302, %get3A_1297 : vector<16xf32>
    %swap3A_1304 = arith.constant 11 : i32
    %swap3A_1305 = arith.index_cast %swap3A_1304 : i32 to index
    %swap3A_1306 = arith.constant 0 : index
    %swap3A_1307 = tpu.vector_load %arg11[%swap3A_1305, %swap3A_1306] {strides = array<i32>} : memref<32x64xf32, #tpu.memory_space<vmem>>, vector<1x16xf32>,
    %swap3A_1308 = vector.shape_cast %swap3A_1307 : vector<1x16xf32> to vector<16xf32>
    %swap3A_1309 = vector.shape_cast %mul3A_1303 : vector<16xf32> to vector<1x16xf32>
    tpu.vector_store %arg11[%swap3A_1305, %swap3A_1306], %swap3A_1309 {strides = array<i32>} : memref<32x64xf32, #tpu.memory_space<vmem>>, vector<1x16xf32>,
    %get3A_1310 = arith.constant 11 : i32
    %get3A_1311 = arith.index_cast %get3A_1310 : i32 to index
    %get3A_1312 = arith.constant 0 : index
    %get3A_1313 = tpu.vector_load %arg12[%get3A_1311, %get3A_1312] {strides = array<i32>} : memref<32x64xf32, #tpu.memory_space<vmem>>, vector<1x16xf32>,
    %get3A_1314 = vector.shape_cast %get3A_1313 : vector<1x16xf32> to vector<16xf32>
    %mul3A_1315 = arith.mulf %get3A_1314, %get3A_1297 : vector<16xf32>
    %swap3A_1316 = arith.constant 11 : i32
    %swap3A_1317 = arith.index_cast %swap3A_1316 : i32 to index
    %swap3A_1318 = arith.constant 0 : index
    %swap3A_1319 = tpu.vector_load %arg12[%swap3A_1317, %swap3A_1318] {strides = array<i32>} : memref<32x64xf32, #tpu.memory_space<vmem>>, vector<1x16xf32>,
    %swap3A_1320 = vector.shape_cast %swap3A_1319 : vector<1x16xf32> to vector<16xf32>
    %swap3A_1321 = vector.shape_cast %mul3A_1315 : vector<16xf32> to vector<1x16xf32>
    tpu.vector_store %arg12[%swap3A_1317, %swap3A_1318], %swap3A_1321 {strides = array<i32>} : memref<32x64xf32, #tpu.memory_space<vmem>>, vector<1x16xf32>,
    %get3A_1322 = arith.constant 11 : i32
    %get3A_1323 = arith.index_cast %get3A_1322 : i32 to index
    %get3A_1324 = arith.constant 16 : index
    %get3A_1325 = tpu.vector_load %arg13[%get3A_1323, %get3A_1324] {strides = array<i32>} : memref<32x64xf32, #tpu.memory_space<vmem>>, vector<1x16xf32>,
    %get3A_1326 = vector.shape_cast %get3A_1325 : vector<1x16xf32> to vector<16xf32>
    %get3A_1327 = arith.constant 11 : i32
    %get3A_1328 = arith.index_cast %get3A_1327 : i32 to index
    %get3A_1329 = arith.constant 16 : index
    %get3A_1330 = tpu.vector_load %arg11[%get3A_1328, %get3A_1329] {strides = array<i32>} : memref<32x64xf32, #tpu.memory_space<vmem>>, vector<1x16xf32>,
    %get3A_1331 = vector.shape_cast %get3A_1330 : vector<1x16xf32> to vector<16xf32>
    %mul3A_1332 = arith.mulf %get3A_1331, %get3A_1326 : vector<16xf32>
    %swap3A_1333 = arith.constant 11 : i32
    %swap3A_1334 = arith.index_cast %swap3A_1333 : i32 to index
    %swap3A_1335 = arith.constant 16 : index
    %swap3A_1336 = tpu.vector_load %arg11[%swap3A_1334, %swap3A_1335] {strides = array<i32>} : memref<32x64xf32, #tpu.memory_space<vmem>>, vector<1x16xf32>,
    %swap3A_1337 = vector.shape_cast %swap3A_1336 : vector<1x16xf32> to vector<16xf32>
    %swap3A_1338 = vector.shape_cast %mul3A_1332 : vector<16xf32> to vector<1x16xf32>
    tpu.vector_store %arg11[%swap3A_1334, %swap3A_1335], %swap3A_1338 {strides = array<i32>} : memref<32x64xf32, #tpu.memory_space<vmem>>, vector<1x16xf32>,
    %get3A_1339 = arith.constant 11 : i32
    %get3A_1340 = arith.index_cast %get3A_1339 : i32 to index
    %get3A_1341 = arith.constant 16 : index
    %get3A_1342 = tpu.vector_load %arg12[%get3A_1340, %get3A_1341] {strides = array<i32>} : memref<32x64xf32, #tpu.memory_space<vmem>>, vector<1x16xf32>,
    %get3A_1343 = vector.shape_cast %get3A_1342 : vector<1x16xf32> to vector<16xf32>
    %mul3A_1344 = arith.mulf %get3A_1343, %get3A_1326 : vector<16xf32>
    %swap3A_1345 = arith.constant 11 : i32
    %swap3A_1346 = arith.index_cast %swap3A_1345 : i32 to index
    %swap3A_1347 = arith.constant 16 : index
    %swap3A_1348 = tpu.vector_load %arg12[%swap3A_1346, %swap3A_1347] {strides = array<i32>} : memref<32x64xf32, #tpu.memory_space<vmem>>, vector<1x16xf32>,
    %swap3A_1349 = vector.shape_cast %swap3A_1348 : vector<1x16xf32> to vector<16xf32>
    %swap3A_1350 = vector.shape_cast %mul3A_1344 : vector<16xf32> to vector<1x16xf32>
    tpu.vector_store %arg12[%swap3A_1346, %swap3A_1347], %swap3A_1350 {strides = array<i32>} : memref<32x64xf32, #tpu.memory_space<vmem>>, vector<1x16xf32>,
    %get3A_1351 = arith.constant 11 : i32
    %get3A_1352 = arith.index_cast %get3A_1351 : i32 to index
    %get3A_1353 = arith.constant 32 : index
    %get3A_1354 = tpu.vector_load %arg13[%get3A_1352, %get3A_1353] {strides = array<i32>} : memref<32x64xf32, #tpu.memory_space<vmem>>, vector<1x16xf32>,
    %get3A_1355 = vector.shape_cast %get3A_1354 : vector<1x16xf32> to vector<16xf32>
    %get3A_1356 = arith.constant 11 : i32
    %get3A_1357 = arith.index_cast %get3A_1356 : i32 to index
    %get3A_1358 = arith.constant 32 : index
    %get3A_1359 = tpu.vector_load %arg11[%get3A_1357, %get3A_1358] {strides = array<i32>} : memref<32x64xf32, #tpu.memory_space<vmem>>, vector<1x16xf32>,
    %get3A_1360 = vector.shape_cast %get3A_1359 : vector<1x16xf32> to vector<16xf32>
    %mul3A_1361 = arith.mulf %get3A_1360, %get3A_1355 : vector<16xf32>
    %swap3A_1362 = arith.constant 11 : i32
    %swap3A_1363 = arith.index_cast %swap3A_1362 : i32 to index
    %swap3A_1364 = arith.constant 32 : index
    %swap3A_1365 = tpu.vector_load %arg11[%swap3A_1363, %swap3A_1364] {strides = array<i32>} : memref<32x64xf32, #tpu.memory_space<vmem>>, vector<1x16xf32>,
    %swap3A_1366 = vector.shape_cast %swap3A_1365 : vector<1x16xf32> to vector<16xf32>
    %swap3A_1367 = vector.shape_cast %mul3A_1361 : vector<16xf32> to vector<1x16xf32>
    tpu.vector_store %arg11[%swap3A_1363, %swap3A_1364], %swap3A_1367 {strides = array<i32>} : memref<32x64xf32, #tpu.memory_space<vmem>>, vector<1x16xf32>,
    %get3A_1368 = arith.constant 11 : i32
    %get3A_1369 = arith.index_cast %get3A_1368 : i32 to index
    %get3A_1370 = arith.constant 32 : index
    %get3A_1371 = tpu.vector_load %arg12[%get3A_1369, %get3A_1370] {strides = array<i32>} : memref<32x64xf32, #tpu.memory_space<vmem>>, vector<1x16xf32>,
    %get3A_1372 = vector.shape_cast %get3A_1371 : vector<1x16xf32> to vector<16xf32>
    %mul3A_1373 = arith.mulf %get3A_1372, %get3A_1355 : vector<16xf32>
    %swap3A_1374 = arith.constant 11 : i32
    %swap3A_1375 = arith.index_cast %swap3A_1374 : i32 to index
    %swap3A_1376 = arith.constant 32 : index
    %swap3A_1377 = tpu.vector_load %arg12[%swap3A_1375, %swap3A_1376] {strides = array<i32>} : memref<32x64xf32, #tpu.memory_space<vmem>>, vector<1x16xf32>,
    %swap3A_1378 = vector.shape_cast %swap3A_1377 : vector<1x16xf32> to vector<16xf32>
    %swap3A_1379 = vector.shape_cast %mul3A_1373 : vector<16xf32> to vector<1x16xf32>
    tpu.vector_store %arg12[%swap3A_1375, %swap3A_1376], %swap3A_1379 {strides = array<i32>} : memref<32x64xf32, #tpu.memory_space<vmem>>, vector<1x16xf32>,
    %get3A_1380 = arith.constant 11 : i32
    %get3A_1381 = arith.index_cast %get3A_1380 : i32 to index
    %get3A_1382 = arith.constant 48 : index
    %get3A_1383 = tpu.vector_load %arg13[%get3A_1381, %get3A_1382] {strides = array<i32>} : memref<32x64xf32, #tpu.memory_space<vmem>>, vector<1x16xf32>,
    %get3A_1384 = vector.shape_cast %get3A_1383 : vector<1x16xf32> to vector<16xf32>
    %get3A_1385 = arith.constant 11 : i32
    %get3A_1386 = arith.index_cast %get3A_1385 : i32 to index
    %get3A_1387 = arith.constant 48 : index
    %get3A_1388 = tpu.vector_load %arg11[%get3A_1386, %get3A_1387] {strides = array<i32>} : memref<32x64xf32, #tpu.memory_space<vmem>>, vector<1x16xf32>,
    %get3A_1389 = vector.shape_cast %get3A_1388 : vector<1x16xf32> to vector<16xf32>
    %mul3A_1390 = arith.mulf %get3A_1389, %get3A_1384 : vector<16xf32>
    %swap3A_1391 = arith.constant 11 : i32
    %swap3A_1392 = arith.index_cast %swap3A_1391 : i32 to index
    %swap3A_1393 = arith.constant 48 : index
    %swap3A_1394 = tpu.vector_load %arg11[%swap3A_1392, %swap3A_1393] {strides = array<i32>} : memref<32x64xf32, #tpu.memory_space<vmem>>, vector<1x16xf32>,
    %swap3A_1395 = vector.shape_cast %swap3A_1394 : vector<1x16xf32> to vector<16xf32>
    %swap3A_1396 = vector.shape_cast %mul3A_1390 : vector<16xf32> to vector<1x16xf32>
    tpu.vector_store %arg11[%swap3A_1392, %swap3A_1393], %swap3A_1396 {strides = array<i32>} : memref<32x64xf32, #tpu.memory_space<vmem>>, vector<1x16xf32>,
    %get3A_1397 = arith.constant 11 : i32
    %get3A_1398 = arith.index_cast %get3A_1397 : i32 to index
    %get3A_1399 = arith.constant 48 : index
    %get3A_1400 = tpu.vector_load %arg12[%get3A_1398, %get3A_1399] {strides = array<i32>} : memref<32x64xf32, #tpu.memory_space<vmem>>, vector<1x16xf32>,
    %get3A_1401 = vector.shape_cast %get3A_1400 : vector<1x16xf32> to vector<16xf32>
    %mul3A_1402 = arith.mulf %get3A_1401, %get3A_1384 : vector<16xf32>
    %swap3A_1403 = arith.constant 11 : i32
    %swap3A_1404 = arith.index_cast %swap3A_1403 : i32 to index
    %swap3A_1405 = arith.constant 48 : index
    %swap3A_1406 = tpu.vector_load %arg12[%swap3A_1404, %swap3A_1405] {strides = array<i32>} : memref<32x64xf32, #tpu.memory_space<vmem>>, vector<1x16xf32>,
    %swap3A_1407 = vector.shape_cast %swap3A_1406 : vector<1x16xf32> to vector<16xf32>
    %swap3A_1408 = vector.shape_cast %mul3A_1402 : vector<16xf32> to vector<1x16xf32>
    tpu.vector_store %arg12[%swap3A_1404, %swap3A_1405], %swap3A_1408 {strides = array<i32>} : memref<32x64xf32, #tpu.memory_space<vmem>>, vector<1x16xf32>,
    %get3A_1409 = arith.constant 12 : i32
    %get3A_1410 = arith.index_cast %get3A_1409 : i32 to index
    %get3A_1411 = arith.constant 0 : index
    %get3A_1412 = tpu.vector_load %arg13[%get3A_1410, %get3A_1411] {strides = array<i32>} : memref<32x64xf32, #tpu.memory_space<vmem>>, vector<1x16xf32>,
    %get3A_1413 = vector.shape_cast %get3A_1412 : vector<1x16xf32> to vector<16xf32>
    %get3A_1414 = arith.constant 12 : i32
    %get3A_1415 = arith.index_cast %get3A_1414 : i32 to index
    %get3A_1416 = arith.constant 0 : index
    %get3A_1417 = tpu.vector_load %arg11[%get3A_1415, %get3A_1416] {strides = array<i32>} : memref<32x64xf32, #tpu.memory_space<vmem>>, vector<1x16xf32>,
    %get3A_1418 = vector.shape_cast %get3A_1417 : vector<1x16xf32> to vector<16xf32>
    %mul3A_1419 = arith.mulf %get3A_1418, %get3A_1413 : vector<16xf32>
    %swap3A_1420 = arith.constant 12 : i32
    %swap3A_1421 = arith.index_cast %swap3A_1420 : i32 to index
    %swap3A_1422 = arith.constant 0 : index
    %swap3A_1423 = tpu.vector_load %arg11[%swap3A_1421, %swap3A_1422] {strides = array<i32>} : memref<32x64xf32, #tpu.memory_space<vmem>>, vector<1x16xf32>,
    %swap3A_1424 = vector.shape_cast %swap3A_1423 : vector<1x16xf32> to vector<16xf32>
    %swap3A_1425 = vector.shape_cast %mul3A_1419 : vector<16xf32> to vector<1x16xf32>
    tpu.vector_store %arg11[%swap3A_1421, %swap3A_1422], %swap3A_1425 {strides = array<i32>} : memref<32x64xf32, #tpu.memory_space<vmem>>, vector<1x16xf32>,
    %get3A_1426 = arith.constant 12 : i32
    %get3A_1427 = arith.index_cast %get3A_1426 : i32 to index
    %get3A_1428 = arith.constant 0 : index
    %get3A_1429 = tpu.vector_load %arg12[%get3A_1427, %get3A_1428] {strides = array<i32>} : memref<32x64xf32, #tpu.memory_space<vmem>>, vector<1x16xf32>,
    %get3A_1430 = vector.shape_cast %get3A_1429 : vector<1x16xf32> to vector<16xf32>
    %mul3A_1431 = arith.mulf %get3A_1430, %get3A_1413 : vector<16xf32>
    %swap3A_1432 = arith.constant 12 : i32
    %swap3A_1433 = arith.index_cast %swap3A_1432 : i32 to index
    %swap3A_1434 = arith.constant 0 : index
    %swap3A_1435 = tpu.vector_load %arg12[%swap3A_1433, %swap3A_1434] {strides = array<i32>} : memref<32x64xf32, #tpu.memory_space<vmem>>, vector<1x16xf32>,
    %swap3A_1436 = vector.shape_cast %swap3A_1435 : vector<1x16xf32> to vector<16xf32>
    %swap3A_1437 = vector.shape_cast %mul3A_1431 : vector<16xf32> to vector<1x16xf32>
    tpu.vector_store %arg12[%swap3A_1433, %swap3A_1434], %swap3A_1437 {strides = array<i32>} : memref<32x64xf32, #tpu.memory_space<vmem>>, vector<1x16xf32>,
    %get3A_1438 = arith.constant 12 : i32
    %get3A_1439 = arith.index_cast %get3A_1438 : i32 to index
    %get3A_1440 = arith.constant 16 : index
    %get3A_1441 = tpu.vector_load %arg13[%get3A_1439, %get3A_1440] {strides = array<i32>} : memref<32x64xf32, #tpu.memory_space<vmem>>, vector<1x16xf32>,
    %get3A_1442 = vector.shape_cast %get3A_1441 : vector<1x16xf32> to vector<16xf32>
    %get3A_1443 = arith.constant 12 : i32
    %get3A_1444 = arith.index_cast %get3A_1443 : i32 to index
    %get3A_1445 = arith.constant 16 : index
    %get3A_1446 = tpu.vector_load %arg11[%get3A_1444, %get3A_1445] {strides = array<i32>} : memref<32x64xf32, #tpu.memory_space<vmem>>, vector<1x16xf32>,
    %get3A_1447 = vector.shape_cast %get3A_1446 : vector<1x16xf32> to vector<16xf32>
    %mul3A_1448 = arith.mulf %get3A_1447, %get3A_1442 : vector<16xf32>
    %swap3A_1449 = arith.constant 12 : i32
    %swap3A_1450 = arith.index_cast %swap3A_1449 : i32 to index
    %swap3A_1451 = arith.constant 16 : index
    %swap3A_1452 = tpu.vector_load %arg11[%swap3A_1450, %swap3A_1451] {strides = array<i32>} : memref<32x64xf32, #tpu.memory_space<vmem>>, vector<1x16xf32>,
    %swap3A_1453 = vector.shape_cast %swap3A_1452 : vector<1x16xf32> to vector<16xf32>
    %swap3A_1454 = vector.shape_cast %mul3A_1448 : vector<16xf32> to vector<1x16xf32>
    tpu.vector_store %arg11[%swap3A_1450, %swap3A_1451], %swap3A_1454 {strides = array<i32>} : memref<32x64xf32, #tpu.memory_space<vmem>>, vector<1x16xf32>,
    %get3A_1455 = arith.constant 12 : i32
    %get3A_1456 = arith.index_cast %get3A_1455 : i32 to index
    %get3A_1457 = arith.constant 16 : index
    %get3A_1458 = tpu.vector_load %arg12[%get3A_1456, %get3A_1457] {strides = array<i32>} : memref<32x64xf32, #tpu.memory_space<vmem>>, vector<1x16xf32>,
    %get3A_1459 = vector.shape_cast %get3A_1458 : vector<1x16xf32> to vector<16xf32>
    %mul3A_1460 = arith.mulf %get3A_1459, %get3A_1442 : vector<16xf32>
    %swap3A_1461 = arith.constant 12 : i32
    %swap3A_1462 = arith.index_cast %swap3A_1461 : i32 to index
    %swap3A_1463 = arith.constant 16 : index
    %swap3A_1464 = tpu.vector_load %arg12[%swap3A_1462, %swap3A_1463] {strides = array<i32>} : memref<32x64xf32, #tpu.memory_space<vmem>>, vector<1x16xf32>,
    %swap3A_1465 = vector.shape_cast %swap3A_1464 : vector<1x16xf32> to vector<16xf32>
    %swap3A_1466 = vector.shape_cast %mul3A_1460 : vector<16xf32> to vector<1x16xf32>
    tpu.vector_store %arg12[%swap3A_1462, %swap3A_1463], %swap3A_1466 {strides = array<i32>} : memref<32x64xf32, #tpu.memory_space<vmem>>, vector<1x16xf32>,
    %get3A_1467 = arith.constant 12 : i32
    %get3A_1468 = arith.index_cast %get3A_1467 : i32 to index
    %get3A_1469 = arith.constant 32 : index
    %get3A_1470 = tpu.vector_load %arg13[%get3A_1468, %get3A_1469] {strides = array<i32>} : memref<32x64xf32, #tpu.memory_space<vmem>>, vector<1x16xf32>,
    %get3A_1471 = vector.shape_cast %get3A_1470 : vector<1x16xf32> to vector<16xf32>
    %get3A_1472 = arith.constant 12 : i32
    %get3A_1473 = arith.index_cast %get3A_1472 : i32 to index
    %get3A_1474 = arith.constant 32 : index
    %get3A_1475 = tpu.vector_load %arg11[%get3A_1473, %get3A_1474] {strides = array<i32>} : memref<32x64xf32, #tpu.memory_space<vmem>>, vector<1x16xf32>,
    %get3A_1476 = vector.shape_cast %get3A_1475 : vector<1x16xf32> to vector<16xf32>
    %mul3A_1477 = arith.mulf %get3A_1476, %get3A_1471 : vector<16xf32>
    %swap3A_1478 = arith.constant 12 : i32
    %swap3A_1479 = arith.index_cast %swap3A_1478 : i32 to index
    %swap3A_1480 = arith.constant 32 : index
    %swap3A_1481 = tpu.vector_load %arg11[%swap3A_1479, %swap3A_1480] {strides = array<i32>} : memref<32x64xf32, #tpu.memory_space<vmem>>, vector<1x16xf32>,
    %swap3A_1482 = vector.shape_cast %swap3A_1481 : vector<1x16xf32> to vector<16xf32>
    %swap3A_1483 = vector.shape_cast %mul3A_1477 : vector<16xf32> to vector<1x16xf32>
    tpu.vector_store %arg11[%swap3A_1479, %swap3A_1480], %swap3A_1483 {strides = array<i32>} : memref<32x64xf32, #tpu.memory_space<vmem>>, vector<1x16xf32>,
    %get3A_1484 = arith.constant 12 : i32
    %get3A_1485 = arith.index_cast %get3A_1484 : i32 to index
    %get3A_1486 = arith.constant 32 : index
    %get3A_1487 = tpu.vector_load %arg12[%get3A_1485, %get3A_1486] {strides = array<i32>} : memref<32x64xf32, #tpu.memory_space<vmem>>, vector<1x16xf32>,
    %get3A_1488 = vector.shape_cast %get3A_1487 : vector<1x16xf32> to vector<16xf32>
    %mul3A_1489 = arith.mulf %get3A_1488, %get3A_1471 : vector<16xf32>
    %swap3A_1490 = arith.constant 12 : i32
    %swap3A_1491 = arith.index_cast %swap3A_1490 : i32 to index
    %swap3A_1492 = arith.constant 32 : index
    %swap3A_1493 = tpu.vector_load %arg12[%swap3A_1491, %swap3A_1492] {strides = array<i32>} : memref<32x64xf32, #tpu.memory_space<vmem>>, vector<1x16xf32>,
    %swap3A_1494 = vector.shape_cast %swap3A_1493 : vector<1x16xf32> to vector<16xf32>
    %swap3A_1495 = vector.shape_cast %mul3A_1489 : vector<16xf32> to vector<1x16xf32>
    tpu.vector_store %arg12[%swap3A_1491, %swap3A_1492], %swap3A_1495 {strides = array<i32>} : memref<32x64xf32, #tpu.memory_space<vmem>>, vector<1x16xf32>,
    %get3A_1496 = arith.constant 12 : i32
    %get3A_1497 = arith.index_cast %get3A_1496 : i32 to index
    %get3A_1498 = arith.constant 48 : index
    %get3A_1499 = tpu.vector_load %arg13[%get3A_1497, %get3A_1498] {strides = array<i32>} : memref<32x64xf32, #tpu.memory_space<vmem>>, vector<1x16xf32>,
    %get3A_1500 = vector.shape_cast %get3A_1499 : vector<1x16xf32> to vector<16xf32>
    %get3A_1501 = arith.constant 12 : i32
    %get3A_1502 = arith.index_cast %get3A_1501 : i32 to index
    %get3A_1503 = arith.constant 48 : index
    %get3A_1504 = tpu.vector_load %arg11[%get3A_1502, %get3A_1503] {strides = array<i32>} : memref<32x64xf32, #tpu.memory_space<vmem>>, vector<1x16xf32>,
    %get3A_1505 = vector.shape_cast %get3A_1504 : vector<1x16xf32> to vector<16xf32>
    %mul3A_1506 = arith.mulf %get3A_1505, %get3A_1500 : vector<16xf32>
    %swap3A_1507 = arith.constant 12 : i32
    %swap3A_1508 = arith.index_cast %swap3A_1507 : i32 to index
    %swap3A_1509 = arith.constant 48 : index
    %swap3A_1510 = tpu.vector_load %arg11[%swap3A_1508, %swap3A_1509] {strides = array<i32>} : memref<32x64xf32, #tpu.memory_space<vmem>>, vector<1x16xf32>,
    %swap3A_1511 = vector.shape_cast %swap3A_1510 : vector<1x16xf32> to vector<16xf32>
    %swap3A_1512 = vector.shape_cast %mul3A_1506 : vector<16xf32> to vector<1x16xf32>
    tpu.vector_store %arg11[%swap3A_1508, %swap3A_1509], %swap3A_1512 {strides = array<i32>} : memref<32x64xf32, #tpu.memory_space<vmem>>, vector<1x16xf32>,
    %get3A_1513 = arith.constant 12 : i32
    %get3A_1514 = arith.index_cast %get3A_1513 : i32 to index
    %get3A_1515 = arith.constant 48 : index
    %get3A_1516 = tpu.vector_load %arg12[%get3A_1514, %get3A_1515] {strides = array<i32>} : memref<32x64xf32, #tpu.memory_space<vmem>>, vector<1x16xf32>,
    %get3A_1517 = vector.shape_cast %get3A_1516 : vector<1x16xf32> to vector<16xf32>
    %mul3A_1518 = arith.mulf %get3A_1517, %get3A_1500 : vector<16xf32>
    %swap3A_1519 = arith.constant 12 : i32
    %swap3A_1520 = arith.index_cast %swap3A_1519 : i32 to index
    %swap3A_1521 = arith.constant 48 : index
    %swap3A_1522 = tpu.vector_load %arg12[%swap3A_1520, %swap3A_1521] {strides = array<i32>} : memref<32x64xf32, #tpu.memory_space<vmem>>, vector<1x16xf32>,
    %swap3A_1523 = vector.shape_cast %swap3A_1522 : vector<1x16xf32> to vector<16xf32>
    %swap3A_1524 = vector.shape_cast %mul3A_1518 : vector<16xf32> to vector<1x16xf32>
    tpu.vector_store %arg12[%swap3A_1520, %swap3A_1521], %swap3A_1524 {strides = array<i32>} : memref<32x64xf32, #tpu.memory_space<vmem>>, vector<1x16xf32>,
    %get3A_1525 = arith.constant 13 : i32
    %get3A_1526 = arith.index_cast %get3A_1525 : i32 to index
    %get3A_1527 = arith.constant 0 : index
    %get3A_1528 = tpu.vector_load %arg13[%get3A_1526, %get3A_1527] {strides = array<i32>} : memref<32x64xf32, #tpu.memory_space<vmem>>, vector<1x16xf32>,
    %get3A_1529 = vector.shape_cast %get3A_1528 : vector<1x16xf32> to vector<16xf32>
    %get3A_1530 = arith.constant 13 : i32
    %get3A_1531 = arith.index_cast %get3A_1530 : i32 to index
    %get3A_1532 = arith.constant 0 : index
    %get3A_1533 = tpu.vector_load %arg11[%get3A_1531, %get3A_1532] {strides = array<i32>} : memref<32x64xf32, #tpu.memory_space<vmem>>, vector<1x16xf32>,
    %get3A_1534 = vector.shape_cast %get3A_1533 : vector<1x16xf32> to vector<16xf32>
    %mul3A_1535 = arith.mulf %get3A_1534, %get3A_1529 : vector<16xf32>
    %swap3A_1536 = arith.constant 13 : i32
    %swap3A_1537 = arith.index_cast %swap3A_1536 : i32 to index
    %swap3A_1538 = arith.constant 0 : index
    %swap3A_1539 = tpu.vector_load %arg11[%swap3A_1537, %swap3A_1538] {strides = array<i32>} : memref<32x64xf32, #tpu.memory_space<vmem>>, vector<1x16xf32>,
    %swap3A_1540 = vector.shape_cast %swap3A_1539 : vector<1x16xf32> to vector<16xf32>
    %swap3A_1541 = vector.shape_cast %mul3A_1535 : vector<16xf32> to vector<1x16xf32>
    tpu.vector_store %arg11[%swap3A_1537, %swap3A_1538], %swap3A_1541 {strides = array<i32>} : memref<32x64xf32, #tpu.memory_space<vmem>>, vector<1x16xf32>,
    %get3A_1542 = arith.constant 13 : i32
    %get3A_1543 = arith.index_cast %get3A_1542 : i32 to index
    %get3A_1544 = arith.constant 0 : index
    %get3A_1545 = tpu.vector_load %arg12[%get3A_1543, %get3A_1544] {strides = array<i32>} : memref<32x64xf32, #tpu.memory_space<vmem>>, vector<1x16xf32>,
    %get3A_1546 = vector.shape_cast %get3A_1545 : vector<1x16xf32> to vector<16xf32>
    %mul3A_1547 = arith.mulf %get3A_1546, %get3A_1529 : vector<16xf32>
    %swap3A_1548 = arith.constant 13 : i32
    %swap3A_1549 = arith.index_cast %swap3A_1548 : i32 to index
    %swap3A_1550 = arith.constant 0 : index
    %swap3A_1551 = tpu.vector_load %arg12[%swap3A_1549, %swap3A_1550] {strides = array<i32>} : memref<32x64xf32, #tpu.memory_space<vmem>>, vector<1x16xf32>,
    %swap3A_1552 = vector.shape_cast %swap3A_1551 : vector<1x16xf32> to vector<16xf32>
    %swap3A_1553 = vector.shape_cast %mul3A_1547 : vector<16xf32> to vector<1x16xf32>
    tpu.vector_store %arg12[%swap3A_1549, %swap3A_1550], %swap3A_1553 {strides = array<i32>} : memref<32x64xf32, #tpu.memory_space<vmem>>, vector<1x16xf32>,
    %get3A_1554 = arith.constant 13 : i32
    %get3A_1555 = arith.index_cast %get3A_1554 : i32 to index
    %get3A_1556 = arith.constant 16 : index
    %get3A_1557 = tpu.vector_load %arg13[%get3A_1555, %get3A_1556] {strides = array<i32>} : memref<32x64xf32, #tpu.memory_space<vmem>>, vector<1x16xf32>,
    %get3A_1558 = vector.shape_cast %get3A_1557 : vector<1x16xf32> to vector<16xf32>
    %get3A_1559 = arith.constant 13 : i32
    %get3A_1560 = arith.index_cast %get3A_1559 : i32 to index
    %get3A_1561 = arith.constant 16 : index
    %get3A_1562 = tpu.vector_load %arg11[%get3A_1560, %get3A_1561] {strides = array<i32>} : memref<32x64xf32, #tpu.memory_space<vmem>>, vector<1x16xf32>,
    %get3A_1563 = vector.shape_cast %get3A_1562 : vector<1x16xf32> to vector<16xf32>
    %mul3A_1564 = arith.mulf %get3A_1563, %get3A_1558 : vector<16xf32>
    %swap3A_1565 = arith.constant 13 : i32
    %swap3A_1566 = arith.index_cast %swap3A_1565 : i32 to index
    %swap3A_1567 = arith.constant 16 : index
    %swap3A_1568 = tpu.vector_load %arg11[%swap3A_1566, %swap3A_1567] {strides = array<i32>} : memref<32x64xf32, #tpu.memory_space<vmem>>, vector<1x16xf32>,
    %swap3A_1569 = vector.shape_cast %swap3A_1568 : vector<1x16xf32> to vector<16xf32>
    %swap3A_1570 = vector.shape_cast %mul3A_1564 : vector<16xf32> to vector<1x16xf32>
    tpu.vector_store %arg11[%swap3A_1566, %swap3A_1567], %swap3A_1570 {strides = array<i32>} : memref<32x64xf32, #tpu.memory_space<vmem>>, vector<1x16xf32>,
    %get3A_1571 = arith.constant 13 : i32
    %get3A_1572 = arith.index_cast %get3A_1571 : i32 to index
    %get3A_1573 = arith.constant 16 : index
    %get3A_1574 = tpu.vector_load %arg12[%get3A_1572, %get3A_1573] {strides = array<i32>} : memref<32x64xf32, #tpu.memory_space<vmem>>, vector<1x16xf32>,
    %get3A_1575 = vector.shape_cast %get3A_1574 : vector<1x16xf32> to vector<16xf32>
    %mul3A_1576 = arith.mulf %get3A_1575, %get3A_1558 : vector<16xf32>
    %swap3A_1577 = arith.constant 13 : i32
    %swap3A_1578 = arith.index_cast %swap3A_1577 : i32 to index
    %swap3A_1579 = arith.constant 16 : index
    %swap3A_1580 = tpu.vector_load %arg12[%swap3A_1578, %swap3A_1579] {strides = array<i32>} : memref<32x64xf32, #tpu.memory_space<vmem>>, vector<1x16xf32>,
    %swap3A_1581 = vector.shape_cast %swap3A_1580 : vector<1x16xf32> to vector<16xf32>
    %swap3A_1582 = vector.shape_cast %mul3A_1576 : vector<16xf32> to vector<1x16xf32>
    tpu.vector_store %arg12[%swap3A_1578, %swap3A_1579], %swap3A_1582 {strides = array<i32>} : memref<32x64xf32, #tpu.memory_space<vmem>>, vector<1x16xf32>,
    %get3A_1583 = arith.constant 13 : i32
    %get3A_1584 = arith.index_cast %get3A_1583 : i32 to index
    %get3A_1585 = arith.constant 32 : index
    %get3A_1586 = tpu.vector_load %arg13[%get3A_1584, %get3A_1585] {strides = array<i32>} : memref<32x64xf32, #tpu.memory_space<vmem>>, vector<1x16xf32>,
    %get3A_1587 = vector.shape_cast %get3A_1586 : vector<1x16xf32> to vector<16xf32>
    %get3A_1588 = arith.constant 13 : i32
    %get3A_1589 = arith.index_cast %get3A_1588 : i32 to index
    %get3A_1590 = arith.constant 32 : index
    %get3A_1591 = tpu.vector_load %arg11[%get3A_1589, %get3A_1590] {strides = array<i32>} : memref<32x64xf32, #tpu.memory_space<vmem>>, vector<1x16xf32>,
    %get3A_1592 = vector.shape_cast %get3A_1591 : vector<1x16xf32> to vector<16xf32>
    %mul3A_1593 = arith.mulf %get3A_1592, %get3A_1587 : vector<16xf32>
    %swap3A_1594 = arith.constant 13 : i32
    %swap3A_1595 = arith.index_cast %swap3A_1594 : i32 to index
    %swap3A_1596 = arith.constant 32 : index
    %swap3A_1597 = tpu.vector_load %arg11[%swap3A_1595, %swap3A_1596] {strides = array<i32>} : memref<32x64xf32, #tpu.memory_space<vmem>>, vector<1x16xf32>,
    %swap3A_1598 = vector.shape_cast %swap3A_1597 : vector<1x16xf32> to vector<16xf32>
    %swap3A_1599 = vector.shape_cast %mul3A_1593 : vector<16xf32> to vector<1x16xf32>
    tpu.vector_store %arg11[%swap3A_1595, %swap3A_1596], %swap3A_1599 {strides = array<i32>} : memref<32x64xf32, #tpu.memory_space<vmem>>, vector<1x16xf32>,
    %get3A_1600 = arith.constant 13 : i32
    %get3A_1601 = arith.index_cast %get3A_1600 : i32 to index
    %get3A_1602 = arith.constant 32 : index
    %get3A_1603 = tpu.vector_load %arg12[%get3A_1601, %get3A_1602] {strides = array<i32>} : memref<32x64xf32, #tpu.memory_space<vmem>>, vector<1x16xf32>,
    %get3A_1604 = vector.shape_cast %get3A_1603 : vector<1x16xf32> to vector<16xf32>
    %mul3A_1605 = arith.mulf %get3A_1604, %get3A_1587 : vector<16xf32>
    %swap3A_1606 = arith.constant 13 : i32
    %swap3A_1607 = arith.index_cast %swap3A_1606 : i32 to index
    %swap3A_1608 = arith.constant 32 : index
    %swap3A_1609 = tpu.vector_load %arg12[%swap3A_1607, %swap3A_1608] {strides = array<i32>} : memref<32x64xf32, #tpu.memory_space<vmem>>, vector<1x16xf32>,
    %swap3A_1610 = vector.shape_cast %swap3A_1609 : vector<1x16xf32> to vector<16xf32>
    %swap3A_1611 = vector.shape_cast %mul3A_1605 : vector<16xf32> to vector<1x16xf32>
    tpu.vector_store %arg12[%swap3A_1607, %swap3A_1608], %swap3A_1611 {strides = array<i32>} : memref<32x64xf32, #tpu.memory_space<vmem>>, vector<1x16xf32>,
    %get3A_1612 = arith.constant 13 : i32
    %get3A_1613 = arith.index_cast %get3A_1612 : i32 to index
    %get3A_1614 = arith.constant 48 : index
    %get3A_1615 = tpu.vector_load %arg13[%get3A_1613, %get3A_1614] {strides = array<i32>} : memref<32x64xf32, #tpu.memory_space<vmem>>, vector<1x16xf32>,
    %get3A_1616 = vector.shape_cast %get3A_1615 : vector<1x16xf32> to vector<16xf32>
    %get3A_1617 = arith.constant 13 : i32
    %get3A_1618 = arith.index_cast %get3A_1617 : i32 to index
    %get3A_1619 = arith.constant 48 : index
    %get3A_1620 = tpu.vector_load %arg11[%get3A_1618, %get3A_1619] {strides = array<i32>} : memref<32x64xf32, #tpu.memory_space<vmem>>, vector<1x16xf32>,
    %get3A_1621 = vector.shape_cast %get3A_1620 : vector<1x16xf32> to vector<16xf32>
    %mul3A_1622 = arith.mulf %get3A_1621, %get3A_1616 : vector<16xf32>
    %swap3A_1623 = arith.constant 13 : i32
    %swap3A_1624 = arith.index_cast %swap3A_1623 : i32 to index
    %swap3A_1625 = arith.constant 48 : index
    %swap3A_1626 = tpu.vector_load %arg11[%swap3A_1624, %swap3A_1625] {strides = array<i32>} : memref<32x64xf32, #tpu.memory_space<vmem>>, vector<1x16xf32>,
    %swap3A_1627 = vector.shape_cast %swap3A_1626 : vector<1x16xf32> to vector<16xf32>
    %swap3A_1628 = vector.shape_cast %mul3A_1622 : vector<16xf32> to vector<1x16xf32>
    tpu.vector_store %arg11[%swap3A_1624, %swap3A_1625], %swap3A_1628 {strides = array<i32>} : memref<32x64xf32, #tpu.memory_space<vmem>>, vector<1x16xf32>,
    %get3A_1629 = arith.constant 13 : i32
    %get3A_1630 = arith.index_cast %get3A_1629 : i32 to index
    %get3A_1631 = arith.constant 48 : index
    %get3A_1632 = tpu.vector_load %arg12[%get3A_1630, %get3A_1631] {strides = array<i32>} : memref<32x64xf32, #tpu.memory_space<vmem>>, vector<1x16xf32>,
    %get3A_1633 = vector.shape_cast %get3A_1632 : vector<1x16xf32> to vector<16xf32>
    %mul3A_1634 = arith.mulf %get3A_1633, %get3A_1616 : vector<16xf32>
    %swap3A_1635 = arith.constant 13 : i32
    %swap3A_1636 = arith.index_cast %swap3A_1635 : i32 to index
    %swap3A_1637 = arith.constant 48 : index
    %swap3A_1638 = tpu.vector_load %arg12[%swap3A_1636, %swap3A_1637] {strides = array<i32>} : memref<32x64xf32, #tpu.memory_space<vmem>>, vector<1x16xf32>,
    %swap3A_1639 = vector.shape_cast %swap3A_1638 : vector<1x16xf32> to vector<16xf32>
    %swap3A_1640 = vector.shape_cast %mul3A_1634 : vector<16xf32> to vector<1x16xf32>
    tpu.vector_store %arg12[%swap3A_1636, %swap3A_1637], %swap3A_1640 {strides = array<i32>} : memref<32x64xf32, #tpu.memory_space<vmem>>, vector<1x16xf32>,
    %get3A_1641 = arith.constant 14 : i32
    %get3A_1642 = arith.index_cast %get3A_1641 : i32 to index
    %get3A_1643 = arith.constant 0 : index
    %get3A_1644 = tpu.vector_load %arg13[%get3A_1642, %get3A_1643] {strides = array<i32>} : memref<32x64xf32, #tpu.memory_space<vmem>>, vector<1x16xf32>,
    %get3A_1645 = vector.shape_cast %get3A_1644 : vector<1x16xf32> to vector<16xf32>
    %get3A_1646 = arith.constant 14 : i32
    %get3A_1647 = arith.index_cast %get3A_1646 : i32 to index
    %get3A_1648 = arith.constant 0 : index
    %get3A_1649 = tpu.vector_load %arg11[%get3A_1647, %get3A_1648] {strides = array<i32>} : memref<32x64xf32, #tpu.memory_space<vmem>>, vector<1x16xf32>,
    %get3A_1650 = vector.shape_cast %get3A_1649 : vector<1x16xf32> to vector<16xf32>
    %mul3A_1651 = arith.mulf %get3A_1650, %get3A_1645 : vector<16xf32>
    %swap3A_1652 = arith.constant 14 : i32
    %swap3A_1653 = arith.index_cast %swap3A_1652 : i32 to index
    %swap3A_1654 = arith.constant 0 : index
    %swap3A_1655 = tpu.vector_load %arg11[%swap3A_1653, %swap3A_1654] {strides = array<i32>} : memref<32x64xf32, #tpu.memory_space<vmem>>, vector<1x16xf32>,
    %swap3A_1656 = vector.shape_cast %swap3A_1655 : vector<1x16xf32> to vector<16xf32>
    %swap3A_1657 = vector.shape_cast %mul3A_1651 : vector<16xf32> to vector<1x16xf32>
    tpu.vector_store %arg11[%swap3A_1653, %swap3A_1654], %swap3A_1657 {strides = array<i32>} : memref<32x64xf32, #tpu.memory_space<vmem>>, vector<1x16xf32>,
    %get3A_1658 = arith.constant 14 : i32
    %get3A_1659 = arith.index_cast %get3A_1658 : i32 to index
    %get3A_1660 = arith.constant 0 : index
    %get3A_1661 = tpu.vector_load %arg12[%get3A_1659, %get3A_1660] {strides = array<i32>} : memref<32x64xf32, #tpu.memory_space<vmem>>, vector<1x16xf32>,
    %get3A_1662 = vector.shape_cast %get3A_1661 : vector<1x16xf32> to vector<16xf32>
    %mul3A_1663 = arith.mulf %get3A_1662, %get3A_1645 : vector<16xf32>
    %swap3A_1664 = arith.constant 14 : i32
    %swap3A_1665 = arith.index_cast %swap3A_1664 : i32 to index
    %swap3A_1666 = arith.constant 0 : index
    %swap3A_1667 = tpu.vector_load %arg12[%swap3A_1665, %swap3A_1666] {strides = array<i32>} : memref<32x64xf32, #tpu.memory_space<vmem>>, vector<1x16xf32>,
    %swap3A_1668 = vector.shape_cast %swap3A_1667 : vector<1x16xf32> to vector<16xf32>
    %swap3A_1669 = vector.shape_cast %mul3A_1663 : vector<16xf32> to vector<1x16xf32>
    tpu.vector_store %arg12[%swap3A_1665, %swap3A_1666], %swap3A_1669 {strides = array<i32>} : memref<32x64xf32, #tpu.memory_space<vmem>>, vector<1x16xf32>,
    %get3A_1670 = arith.constant 14 : i32
    %get3A_1671 = arith.index_cast %get3A_1670 : i32 to index
    %get3A_1672 = arith.constant 16 : index
    %get3A_1673 = tpu.vector_load %arg13[%get3A_1671, %get3A_1672] {strides = array<i32>} : memref<32x64xf32, #tpu.memory_space<vmem>>, vector<1x16xf32>,
    %get3A_1674 = vector.shape_cast %get3A_1673 : vector<1x16xf32> to vector<16xf32>
    %get3A_1675 = arith.constant 14 : i32
    %get3A_1676 = arith.index_cast %get3A_1675 : i32 to index
    %get3A_1677 = arith.constant 16 : index
    %get3A_1678 = tpu.vector_load %arg11[%get3A_1676, %get3A_1677] {strides = array<i32>} : memref<32x64xf32, #tpu.memory_space<vmem>>, vector<1x16xf32>,
    %get3A_1679 = vector.shape_cast %get3A_1678 : vector<1x16xf32> to vector<16xf32>
    %mul3A_1680 = arith.mulf %get3A_1679, %get3A_1674 : vector<16xf32>
    %swap3A_1681 = arith.constant 14 : i32
    %swap3A_1682 = arith.index_cast %swap3A_1681 : i32 to index
    %swap3A_1683 = arith.constant 16 : index
    %swap3A_1684 = tpu.vector_load %arg11[%swap3A_1682, %swap3A_1683] {strides = array<i32>} : memref<32x64xf32, #tpu.memory_space<vmem>>, vector<1x16xf32>,
    %swap3A_1685 = vector.shape_cast %swap3A_1684 : vector<1x16xf32> to vector<16xf32>
    %swap3A_1686 = vector.shape_cast %mul3A_1680 : vector<16xf32> to vector<1x16xf32>
    tpu.vector_store %arg11[%swap3A_1682, %swap3A_1683], %swap3A_1686 {strides = array<i32>} : memref<32x64xf32, #tpu.memory_space<vmem>>, vector<1x16xf32>,
    %get3A_1687 = arith.constant 14 : i32
    %get3A_1688 = arith.index_cast %get3A_1687 : i32 to index
    %get3A_1689 = arith.constant 16 : index
    %get3A_1690 = tpu.vector_load %arg12[%get3A_1688, %get3A_1689] {strides = array<i32>} : memref<32x64xf32, #tpu.memory_space<vmem>>, vector<1x16xf32>,
    %get3A_1691 = vector.shape_cast %get3A_1690 : vector<1x16xf32> to vector<16xf32>
    %mul3A_1692 = arith.mulf %get3A_1691, %get3A_1674 : vector<16xf32>
    %swap3A_1693 = arith.constant 14 : i32
    %swap3A_1694 = arith.index_cast %swap3A_1693 : i32 to index
    %swap3A_1695 = arith.constant 16 : index
    %swap3A_1696 = tpu.vector_load %arg12[%swap3A_1694, %swap3A_1695] {strides = array<i32>} : memref<32x64xf32, #tpu.memory_space<vmem>>, vector<1x16xf32>,
    %swap3A_1697 = vector.shape_cast %swap3A_1696 : vector<1x16xf32> to vector<16xf32>
    %swap3A_1698 = vector.shape_cast %mul3A_1692 : vector<16xf32> to vector<1x16xf32>
    tpu.vector_store %arg12[%swap3A_1694, %swap3A_1695], %swap3A_1698 {strides = array<i32>} : memref<32x64xf32, #tpu.memory_space<vmem>>, vector<1x16xf32>,
    %get3A_1699 = arith.constant 14 : i32
    %get3A_1700 = arith.index_cast %get3A_1699 : i32 to index
    %get3A_1701 = arith.constant 32 : index
    %get3A_1702 = tpu.vector_load %arg13[%get3A_1700, %get3A_1701] {strides = array<i32>} : memref<32x64xf32, #tpu.memory_space<vmem>>, vector<1x16xf32>,
    %get3A_1703 = vector.shape_cast %get3A_1702 : vector<1x16xf32> to vector<16xf32>
    %get3A_1704 = arith.constant 14 : i32
    %get3A_1705 = arith.index_cast %get3A_1704 : i32 to index
    %get3A_1706 = arith.constant 32 : index
    %get3A_1707 = tpu.vector_load %arg11[%get3A_1705, %get3A_1706] {strides = array<i32>} : memref<32x64xf32, #tpu.memory_space<vmem>>, vector<1x16xf32>,
    %get3A_1708 = vector.shape_cast %get3A_1707 : vector<1x16xf32> to vector<16xf32>
    %mul3A_1709 = arith.mulf %get3A_1708, %get3A_1703 : vector<16xf32>
    %swap3A_1710 = arith.constant 14 : i32
    %swap3A_1711 = arith.index_cast %swap3A_1710 : i32 to index
    %swap3A_1712 = arith.constant 32 : index
    %swap3A_1713 = tpu.vector_load %arg11[%swap3A_1711, %swap3A_1712] {strides = array<i32>} : memref<32x64xf32, #tpu.memory_space<vmem>>, vector<1x16xf32>,
    %swap3A_1714 = vector.shape_cast %swap3A_1713 : vector<1x16xf32> to vector<16xf32>
    %swap3A_1715 = vector.shape_cast %mul3A_1709 : vector<16xf32> to vector<1x16xf32>
    tpu.vector_store %arg11[%swap3A_1711, %swap3A_1712], %swap3A_1715 {strides = array<i32>} : memref<32x64xf32, #tpu.memory_space<vmem>>, vector<1x16xf32>,
    %get3A_1716 = arith.constant 14 : i32
    %get3A_1717 = arith.index_cast %get3A_1716 : i32 to index
    %get3A_1718 = arith.constant 32 : index
    %get3A_1719 = tpu.vector_load %arg12[%get3A_1717, %get3A_1718] {strides = array<i32>} : memref<32x64xf32, #tpu.memory_space<vmem>>, vector<1x16xf32>,
    %get3A_1720 = vector.shape_cast %get3A_1719 : vector<1x16xf32> to vector<16xf32>
    %mul3A_1721 = arith.mulf %get3A_1720, %get3A_1703 : vector<16xf32>
    %swap3A_1722 = arith.constant 14 : i32
    %swap3A_1723 = arith.index_cast %swap3A_1722 : i32 to index
    %swap3A_1724 = arith.constant 32 : index
    %swap3A_1725 = tpu.vector_load %arg12[%swap3A_1723, %swap3A_1724] {strides = array<i32>} : memref<32x64xf32, #tpu.memory_space<vmem>>, vector<1x16xf32>,
    %swap3A_1726 = vector.shape_cast %swap3A_1725 : vector<1x16xf32> to vector<16xf32>
    %swap3A_1727 = vector.shape_cast %mul3A_1721 : vector<16xf32> to vector<1x16xf32>
    tpu.vector_store %arg12[%swap3A_1723, %swap3A_1724], %swap3A_1727 {strides = array<i32>} : memref<32x64xf32, #tpu.memory_space<vmem>>, vector<1x16xf32>,
    %get3A_1728 = arith.constant 14 : i32
    %get3A_1729 = arith.index_cast %get3A_1728 : i32 to index
    %get3A_1730 = arith.constant 48 : index
    %get3A_1731 = tpu.vector_load %arg13[%get3A_1729, %get3A_1730] {strides = array<i32>} : memref<32x64xf32, #tpu.memory_space<vmem>>, vector<1x16xf32>,
    %get3A_1732 = vector.shape_cast %get3A_1731 : vector<1x16xf32> to vector<16xf32>
    %get3A_1733 = arith.constant 14 : i32
    %get3A_1734 = arith.index_cast %get3A_1733 : i32 to index
    %get3A_1735 = arith.constant 48 : index
    %get3A_1736 = tpu.vector_load %arg11[%get3A_1734, %get3A_1735] {strides = array<i32>} : memref<32x64xf32, #tpu.memory_space<vmem>>, vector<1x16xf32>,
    %get3A_1737 = vector.shape_cast %get3A_1736 : vector<1x16xf32> to vector<16xf32>
    %mul3A_1738 = arith.mulf %get3A_1737, %get3A_1732 : vector<16xf32>
    %swap3A_1739 = arith.constant 14 : i32
    %swap3A_1740 = arith.index_cast %swap3A_1739 : i32 to index
    %swap3A_1741 = arith.constant 48 : index
    %swap3A_1742 = tpu.vector_load %arg11[%swap3A_1740, %swap3A_1741] {strides = array<i32>} : memref<32x64xf32, #tpu.memory_space<vmem>>, vector<1x16xf32>,
    %swap3A_1743 = vector.shape_cast %swap3A_1742 : vector<1x16xf32> to vector<16xf32>
    %swap3A_1744 = vector.shape_cast %mul3A_1738 : vector<16xf32> to vector<1x16xf32>
    tpu.vector_store %arg11[%swap3A_1740, %swap3A_1741], %swap3A_1744 {strides = array<i32>} : memref<32x64xf32, #tpu.memory_space<vmem>>, vector<1x16xf32>,
    %get3A_1745 = arith.constant 14 : i32
    %get3A_1746 = arith.index_cast %get3A_1745 : i32 to index
    %get3A_1747 = arith.constant 48 : index
    %get3A_1748 = tpu.vector_load %arg12[%get3A_1746, %get3A_1747] {strides = array<i32>} : memref<32x64xf32, #tpu.memory_space<vmem>>, vector<1x16xf32>,
    %get3A_1749 = vector.shape_cast %get3A_1748 : vector<1x16xf32> to vector<16xf32>
    %mul3A_1750 = arith.mulf %get3A_1749, %get3A_1732 : vector<16xf32>
    %swap3A_1751 = arith.constant 14 : i32
    %swap3A_1752 = arith.index_cast %swap3A_1751 : i32 to index
    %swap3A_1753 = arith.constant 48 : index
    %swap3A_1754 = tpu.vector_load %arg12[%swap3A_1752, %swap3A_1753] {strides = array<i32>} : memref<32x64xf32, #tpu.memory_space<vmem>>, vector<1x16xf32>,
    %swap3A_1755 = vector.shape_cast %swap3A_1754 : vector<1x16xf32> to vector<16xf32>
    %swap3A_1756 = vector.shape_cast %mul3A_1750 : vector<16xf32> to vector<1x16xf32>
    tpu.vector_store %arg12[%swap3A_1752, %swap3A_1753], %swap3A_1756 {strides = array<i32>} : memref<32x64xf32, #tpu.memory_space<vmem>>, vector<1x16xf32>,
    %get3A_1757 = arith.constant 15 : i32
    %get3A_1758 = arith.index_cast %get3A_1757 : i32 to index
    %get3A_1759 = arith.constant 0 : index
    %get3A_1760 = tpu.vector_load %arg13[%get3A_1758, %get3A_1759] {strides = array<i32>} : memref<32x64xf32, #tpu.memory_space<vmem>>, vector<1x16xf32>,
    %get3A_1761 = vector.shape_cast %get3A_1760 : vector<1x16xf32> to vector<16xf32>
    %get3A_1762 = arith.constant 15 : i32
    %get3A_1763 = arith.index_cast %get3A_1762 : i32 to index
    %get3A_1764 = arith.constant 0 : index
    %get3A_1765 = tpu.vector_load %arg11[%get3A_1763, %get3A_1764] {strides = array<i32>} : memref<32x64xf32, #tpu.memory_space<vmem>>, vector<1x16xf32>,
    %get3A_1766 = vector.shape_cast %get3A_1765 : vector<1x16xf32> to vector<16xf32>
    %mul3A_1767 = arith.mulf %get3A_1766, %get3A_1761 : vector<16xf32>
    %swap3A_1768 = arith.constant 15 : i32
    %swap3A_1769 = arith.index_cast %swap3A_1768 : i32 to index
    %swap3A_1770 = arith.constant 0 : index
    %swap3A_1771 = tpu.vector_load %arg11[%swap3A_1769, %swap3A_1770] {strides = array<i32>} : memref<32x64xf32, #tpu.memory_space<vmem>>, vector<1x16xf32>,
    %swap3A_1772 = vector.shape_cast %swap3A_1771 : vector<1x16xf32> to vector<16xf32>
    %swap3A_1773 = vector.shape_cast %mul3A_1767 : vector<16xf32> to vector<1x16xf32>
    tpu.vector_store %arg11[%swap3A_1769, %swap3A_1770], %swap3A_1773 {strides = array<i32>} : memref<32x64xf32, #tpu.memory_space<vmem>>, vector<1x16xf32>,
    %get3A_1774 = arith.constant 15 : i32
    %get3A_1775 = arith.index_cast %get3A_1774 : i32 to index
    %get3A_1776 = arith.constant 0 : index
    %get3A_1777 = tpu.vector_load %arg12[%get3A_1775, %get3A_1776] {strides = array<i32>} : memref<32x64xf32, #tpu.memory_space<vmem>>, vector<1x16xf32>,
    %get3A_1778 = vector.shape_cast %get3A_1777 : vector<1x16xf32> to vector<16xf32>
    %mul3A_1779 = arith.mulf %get3A_1778, %get3A_1761 : vector<16xf32>
    %swap3A_1780 = arith.constant 15 : i32
    %swap3A_1781 = arith.index_cast %swap3A_1780 : i32 to index
    %swap3A_1782 = arith.constant 0 : index
    %swap3A_1783 = tpu.vector_load %arg12[%swap3A_1781, %swap3A_1782] {strides = array<i32>} : memref<32x64xf32, #tpu.memory_space<vmem>>, vector<1x16xf32>,
    %swap3A_1784 = vector.shape_cast %swap3A_1783 : vector<1x16xf32> to vector<16xf32>
    %swap3A_1785 = vector.shape_cast %mul3A_1779 : vector<16xf32> to vector<1x16xf32>
    tpu.vector_store %arg12[%swap3A_1781, %swap3A_1782], %swap3A_1785 {strides = array<i32>} : memref<32x64xf32, #tpu.memory_space<vmem>>, vector<1x16xf32>,
    %get3A_1786 = arith.constant 15 : i32
    %get3A_1787 = arith.index_cast %get3A_1786 : i32 to index
    %get3A_1788 = arith.constant 16 : index
    %get3A_1789 = tpu.vector_load %arg13[%get3A_1787, %get3A_1788] {strides = array<i32>} : memref<32x64xf32, #tpu.memory_space<vmem>>, vector<1x16xf32>,
    %get3A_1790 = vector.shape_cast %get3A_1789 : vector<1x16xf32> to vector<16xf32>
    %get3A_1791 = arith.constant 15 : i32
    %get3A_1792 = arith.index_cast %get3A_1791 : i32 to index
    %get3A_1793 = arith.constant 16 : index
    %get3A_1794 = tpu.vector_load %arg11[%get3A_1792, %get3A_1793] {strides = array<i32>} : memref<32x64xf32, #tpu.memory_space<vmem>>, vector<1x16xf32>,
    %get3A_1795 = vector.shape_cast %get3A_1794 : vector<1x16xf32> to vector<16xf32>
    %mul3A_1796 = arith.mulf %get3A_1795, %get3A_1790 : vector<16xf32>
    %swap3A_1797 = arith.constant 15 : i32
    %swap3A_1798 = arith.index_cast %swap3A_1797 : i32 to index
    %swap3A_1799 = arith.constant 16 : index
    %swap3A_1800 = tpu.vector_load %arg11[%swap3A_1798, %swap3A_1799] {strides = array<i32>} : memref<32x64xf32, #tpu.memory_space<vmem>>, vector<1x16xf32>,
    %swap3A_1801 = vector.shape_cast %swap3A_1800 : vector<1x16xf32> to vector<16xf32>
    %swap3A_1802 = vector.shape_cast %mul3A_1796 : vector<16xf32> to vector<1x16xf32>
    tpu.vector_store %arg11[%swap3A_1798, %swap3A_1799], %swap3A_1802 {strides = array<i32>} : memref<32x64xf32, #tpu.memory_space<vmem>>, vector<1x16xf32>,
    %get3A_1803 = arith.constant 15 : i32
    %get3A_1804 = arith.index_cast %get3A_1803 : i32 to index
    %get3A_1805 = arith.constant 16 : index
    %get3A_1806 = tpu.vector_load %arg12[%get3A_1804, %get3A_1805] {strides = array<i32>} : memref<32x64xf32, #tpu.memory_space<vmem>>, vector<1x16xf32>,
    %get3A_1807 = vector.shape_cast %get3A_1806 : vector<1x16xf32> to vector<16xf32>
    %mul3A_1808 = arith.mulf %get3A_1807, %get3A_1790 : vector<16xf32>
    %swap3A_1809 = arith.constant 15 : i32
    %swap3A_1810 = arith.index_cast %swap3A_1809 : i32 to index
    %swap3A_1811 = arith.constant 16 : index
    %swap3A_1812 = tpu.vector_load %arg12[%swap3A_1810, %swap3A_1811] {strides = array<i32>} : memref<32x64xf32, #tpu.memory_space<vmem>>, vector<1x16xf32>,
    %swap3A_1813 = vector.shape_cast %swap3A_1812 : vector<1x16xf32> to vector<16xf32>
    %swap3A_1814 = vector.shape_cast %mul3A_1808 : vector<16xf32> to vector<1x16xf32>
    tpu.vector_store %arg12[%swap3A_1810, %swap3A_1811], %swap3A_1814 {strides = array<i32>} : memref<32x64xf32, #tpu.memory_space<vmem>>, vector<1x16xf32>,
    %get3A_1815 = arith.constant 15 : i32
    %get3A_1816 = arith.index_cast %get3A_1815 : i32 to index
    %get3A_1817 = arith.constant 32 : index
    %get3A_1818 = tpu.vector_load %arg13[%get3A_1816, %get3A_1817] {strides = array<i32>} : memref<32x64xf32, #tpu.memory_space<vmem>>, vector<1x16xf32>,
    %get3A_1819 = vector.shape_cast %get3A_1818 : vector<1x16xf32> to vector<16xf32>
    %get3A_1820 = arith.constant 15 : i32
    %get3A_1821 = arith.index_cast %get3A_1820 : i32 to index
    %get3A_1822 = arith.constant 32 : index
    %get3A_1823 = tpu.vector_load %arg11[%get3A_1821, %get3A_1822] {strides = array<i32>} : memref<32x64xf32, #tpu.memory_space<vmem>>, vector<1x16xf32>,
    %get3A_1824 = vector.shape_cast %get3A_1823 : vector<1x16xf32> to vector<16xf32>
    %mul3A_1825 = arith.mulf %get3A_1824, %get3A_1819 : vector<16xf32>
    %swap3A_1826 = arith.constant 15 : i32
    %swap3A_1827 = arith.index_cast %swap3A_1826 : i32 to index
    %swap3A_1828 = arith.constant 32 : index
    %swap3A_1829 = tpu.vector_load %arg11[%swap3A_1827, %swap3A_1828] {strides = array<i32>} : memref<32x64xf32, #tpu.memory_space<vmem>>, vector<1x16xf32>,
    %swap3A_1830 = vector.shape_cast %swap3A_1829 : vector<1x16xf32> to vector<16xf32>
    %swap3A_1831 = vector.shape_cast %mul3A_1825 : vector<16xf32> to vector<1x16xf32>
    tpu.vector_store %arg11[%swap3A_1827, %swap3A_1828], %swap3A_1831 {strides = array<i32>} : memref<32x64xf32, #tpu.memory_space<vmem>>, vector<1x16xf32>,
    %get3A_1832 = arith.constant 15 : i32
    %get3A_1833 = arith.index_cast %get3A_1832 : i32 to index
    %get3A_1834 = arith.constant 32 : index
    %get3A_1835 = tpu.vector_load %arg12[%get3A_1833, %get3A_1834] {strides = array<i32>} : memref<32x64xf32, #tpu.memory_space<vmem>>, vector<1x16xf32>,
    %get3A_1836 = vector.shape_cast %get3A_1835 : vector<1x16xf32> to vector<16xf32>
    %mul3A_1837 = arith.mulf %get3A_1836, %get3A_1819 : vector<16xf32>
    %swap3A_1838 = arith.constant 15 : i32
    %swap3A_1839 = arith.index_cast %swap3A_1838 : i32 to index
    %swap3A_1840 = arith.constant 32 : index
    %swap3A_1841 = tpu.vector_load %arg12[%swap3A_1839, %swap3A_1840] {strides = array<i32>} : memref<32x64xf32, #tpu.memory_space<vmem>>, vector<1x16xf32>,
    %swap3A_1842 = vector.shape_cast %swap3A_1841 : vector<1x16xf32> to vector<16xf32>
    %swap3A_1843 = vector.shape_cast %mul3A_1837 : vector<16xf32> to vector<1x16xf32>
    tpu.vector_store %arg12[%swap3A_1839, %swap3A_1840], %swap3A_1843 {strides = array<i32>} : memref<32x64xf32, #tpu.memory_space<vmem>>, vector<1x16xf32>,
    %get3A_1844 = arith.constant 15 : i32
    %get3A_1845 = arith.index_cast %get3A_1844 : i32 to index
    %get3A_1846 = arith.constant 48 : index
    %get3A_1847 = tpu.vector_load %arg13[%get3A_1845, %get3A_1846] {strides = array<i32>} : memref<32x64xf32, #tpu.memory_space<vmem>>, vector<1x16xf32>,
    %get3A_1848 = vector.shape_cast %get3A_1847 : vector<1x16xf32> to vector<16xf32>
    %get3A_1849 = arith.constant 15 : i32
    %get3A_1850 = arith.index_cast %get3A_1849 : i32 to index
    %get3A_1851 = arith.constant 48 : index
    %get3A_1852 = tpu.vector_load %arg11[%get3A_1850, %get3A_1851] {strides = array<i32>} : memref<32x64xf32, #tpu.memory_space<vmem>>, vector<1x16xf32>,
    %get3A_1853 = vector.shape_cast %get3A_1852 : vector<1x16xf32> to vector<16xf32>
    %mul3A_1854 = arith.mulf %get3A_1853, %get3A_1848 : vector<16xf32>
    %swap3A_1855 = arith.constant 15 : i32
    %swap3A_1856 = arith.index_cast %swap3A_1855 : i32 to index
    %swap3A_1857 = arith.constant 48 : index
    %swap3A_1858 = tpu.vector_load %arg11[%swap3A_1856, %swap3A_1857] {strides = array<i32>} : memref<32x64xf32, #tpu.memory_space<vmem>>, vector<1x16xf32>,
    %swap3A_1859 = vector.shape_cast %swap3A_1858 : vector<1x16xf32> to vector<16xf32>
    %swap3A_1860 = vector.shape_cast %mul3A_1854 : vector<16xf32> to vector<1x16xf32>
    tpu.vector_store %arg11[%swap3A_1856, %swap3A_1857], %swap3A_1860 {strides = array<i32>} : memref<32x64xf32, #tpu.memory_space<vmem>>, vector<1x16xf32>,
    %get3A_1861 = arith.constant 15 : i32
    %get3A_1862 = arith.index_cast %get3A_1861 : i32 to index
    %get3A_1863 = arith.constant 48 : index
    %get3A_1864 = tpu.vector_load %arg12[%get3A_1862, %get3A_1863] {strides = array<i32>} : memref<32x64xf32, #tpu.memory_space<vmem>>, vector<1x16xf32>,
    %get3A_1865 = vector.shape_cast %get3A_1864 : vector<1x16xf32> to vector<16xf32>
    %mul3A_1866 = arith.mulf %get3A_1865, %get3A_1848 : vector<16xf32>
    %swap3A_1867 = arith.constant 15 : i32
    %swap3A_1868 = arith.index_cast %swap3A_1867 : i32 to index
    %swap3A_1869 = arith.constant 48 : index
    %swap3A_1870 = tpu.vector_load %arg12[%swap3A_1868, %swap3A_1869] {strides = array<i32>} : memref<32x64xf32, #tpu.memory_space<vmem>>, vector<1x16xf32>,
    %swap3A_1871 = vector.shape_cast %swap3A_1870 : vector<1x16xf32> to vector<16xf32>
    %swap3A_1872 = vector.shape_cast %mul3A_1866 : vector<16xf32> to vector<1x16xf32>
    tpu.vector_store %arg12[%swap3A_1868, %swap3A_1869], %swap3A_1872 {strides = array<i32>} : memref<32x64xf32, #tpu.memory_space<vmem>>, vector<1x16xf32>,
    %get3A_1873 = arith.constant 16 : i32
    %get3A_1874 = arith.index_cast %get3A_1873 : i32 to index
    %get3A_1875 = arith.constant 0 : index
    %get3A_1876 = tpu.vector_load %arg13[%get3A_1874, %get3A_1875] {strides = array<i32>} : memref<32x64xf32, #tpu.memory_space<vmem>>, vector<1x16xf32>,
    %get3A_1877 = vector.shape_cast %get3A_1876 : vector<1x16xf32> to vector<16xf32>
    %get3A_1878 = arith.constant 16 : i32
    %get3A_1879 = arith.index_cast %get3A_1878 : i32 to index
    %get3A_1880 = arith.constant 0 : index
    %get3A_1881 = tpu.vector_load %arg11[%get3A_1879, %get3A_1880] {strides = array<i32>} : memref<32x64xf32, #tpu.memory_space<vmem>>, vector<1x16xf32>,
    %get3A_1882 = vector.shape_cast %get3A_1881 : vector<1x16xf32> to vector<16xf32>
    %mul3A_1883 = arith.mulf %get3A_1882, %get3A_1877 : vector<16xf32>
    %swap3A_1884 = arith.constant 16 : i32
    %swap3A_1885 = arith.index_cast %swap3A_1884 : i32 to index
    %swap3A_1886 = arith.constant 0 : index
    %swap3A_1887 = tpu.vector_load %arg11[%swap3A_1885, %swap3A_1886] {strides = array<i32>} : memref<32x64xf32, #tpu.memory_space<vmem>>, vector<1x16xf32>,
    %swap3A_1888 = vector.shape_cast %swap3A_1887 : vector<1x16xf32> to vector<16xf32>
    %swap3A_1889 = vector.shape_cast %mul3A_1883 : vector<16xf32> to vector<1x16xf32>
    tpu.vector_store %arg11[%swap3A_1885, %swap3A_1886], %swap3A_1889 {strides = array<i32>} : memref<32x64xf32, #tpu.memory_space<vmem>>, vector<1x16xf32>,
    %get3A_1890 = arith.constant 16 : i32
    %get3A_1891 = arith.index_cast %get3A_1890 : i32 to index
    %get3A_1892 = arith.constant 0 : index
    %get3A_1893 = tpu.vector_load %arg12[%get3A_1891, %get3A_1892] {strides = array<i32>} : memref<32x64xf32, #tpu.memory_space<vmem>>, vector<1x16xf32>,
    %get3A_1894 = vector.shape_cast %get3A_1893 : vector<1x16xf32> to vector<16xf32>
    %mul3A_1895 = arith.mulf %get3A_1894, %get3A_1877 : vector<16xf32>
    %swap3A_1896 = arith.constant 16 : i32
    %swap3A_1897 = arith.index_cast %swap3A_1896 : i32 to index
    %swap3A_1898 = arith.constant 0 : index
    %swap3A_1899 = tpu.vector_load %arg12[%swap3A_1897, %swap3A_1898] {strides = array<i32>} : memref<32x64xf32, #tpu.memory_space<vmem>>, vector<1x16xf32>,
    %swap3A_1900 = vector.shape_cast %swap3A_1899 : vector<1x16xf32> to vector<16xf32>
    %swap3A_1901 = vector.shape_cast %mul3A_1895 : vector<16xf32> to vector<1x16xf32>
    tpu.vector_store %arg12[%swap3A_1897, %swap3A_1898], %swap3A_1901 {strides = array<i32>} : memref<32x64xf32, #tpu.memory_space<vmem>>, vector<1x16xf32>,
    %get3A_1902 = arith.constant 16 : i32
    %get3A_1903 = arith.index_cast %get3A_1902 : i32 to index
    %get3A_1904 = arith.constant 16 : index
    %get3A_1905 = tpu.vector_load %arg13[%get3A_1903, %get3A_1904] {strides = array<i32>} : memref<32x64xf32, #tpu.memory_space<vmem>>, vector<1x16xf32>,
    %get3A_1906 = vector.shape_cast %get3A_1905 : vector<1x16xf32> to vector<16xf32>
    %get3A_1907 = arith.constant 16 : i32
    %get3A_1908 = arith.index_cast %get3A_1907 : i32 to index
    %get3A_1909 = arith.constant 16 : index
    %get3A_1910 = tpu.vector_load %arg11[%get3A_1908, %get3A_1909] {strides = array<i32>} : memref<32x64xf32, #tpu.memory_space<vmem>>, vector<1x16xf32>,
    %get3A_1911 = vector.shape_cast %get3A_1910 : vector<1x16xf32> to vector<16xf32>
    %mul3A_1912 = arith.mulf %get3A_1911, %get3A_1906 : vector<16xf32>
    %swap3A_1913 = arith.constant 16 : i32
    %swap3A_1914 = arith.index_cast %swap3A_1913 : i32 to index
    %swap3A_1915 = arith.constant 16 : index
    %swap3A_1916 = tpu.vector_load %arg11[%swap3A_1914, %swap3A_1915] {strides = array<i32>} : memref<32x64xf32, #tpu.memory_space<vmem>>, vector<1x16xf32>,
    %swap3A_1917 = vector.shape_cast %swap3A_1916 : vector<1x16xf32> to vector<16xf32>
    %swap3A_1918 = vector.shape_cast %mul3A_1912 : vector<16xf32> to vector<1x16xf32>
    tpu.vector_store %arg11[%swap3A_1914, %swap3A_1915], %swap3A_1918 {strides = array<i32>} : memref<32x64xf32, #tpu.memory_space<vmem>>, vector<1x16xf32>,
    %get3A_1919 = arith.constant 16 : i32
    %get3A_1920 = arith.index_cast %get3A_1919 : i32 to index
    %get3A_1921 = arith.constant 16 : index
    %get3A_1922 = tpu.vector_load %arg12[%get3A_1920, %get3A_1921] {strides = array<i32>} : memref<32x64xf32, #tpu.memory_space<vmem>>, vector<1x16xf32>,
    %get3A_1923 = vector.shape_cast %get3A_1922 : vector<1x16xf32> to vector<16xf32>
    %mul3A_1924 = arith.mulf %get3A_1923, %get3A_1906 : vector<16xf32>
    %swap3A_1925 = arith.constant 16 : i32
    %swap3A_1926 = arith.index_cast %swap3A_1925 : i32 to index
    %swap3A_1927 = arith.constant 16 : index
    %swap3A_1928 = tpu.vector_load %arg12[%swap3A_1926, %swap3A_1927] {strides = array<i32>} : memref<32x64xf32, #tpu.memory_space<vmem>>, vector<1x16xf32>,
    %swap3A_1929 = vector.shape_cast %swap3A_1928 : vector<1x16xf32> to vector<16xf32>
    %swap3A_1930 = vector.shape_cast %mul3A_1924 : vector<16xf32> to vector<1x16xf32>
    tpu.vector_store %arg12[%swap3A_1926, %swap3A_1927], %swap3A_1930 {strides = array<i32>} : memref<32x64xf32, #tpu.memory_space<vmem>>, vector<1x16xf32>,
    %get3A_1931 = arith.constant 16 : i32
    %get3A_1932 = arith.index_cast %get3A_1931 : i32 to index
    %get3A_1933 = arith.constant 32 : index
    %get3A_1934 = tpu.vector_load %arg13[%get3A_1932, %get3A_1933] {strides = array<i32>} : memref<32x64xf32, #tpu.memory_space<vmem>>, vector<1x16xf32>,
    %get3A_1935 = vector.shape_cast %get3A_1934 : vector<1x16xf32> to vector<16xf32>
    %get3A_1936 = arith.constant 16 : i32
    %get3A_1937 = arith.index_cast %get3A_1936 : i32 to index
    %get3A_1938 = arith.constant 32 : index
    %get3A_1939 = tpu.vector_load %arg11[%get3A_1937, %get3A_1938] {strides = array<i32>} : memref<32x64xf32, #tpu.memory_space<vmem>>, vector<1x16xf32>,
    %get3A_1940 = vector.shape_cast %get3A_1939 : vector<1x16xf32> to vector<16xf32>
    %mul3A_1941 = arith.mulf %get3A_1940, %get3A_1935 : vector<16xf32>
    %swap3A_1942 = arith.constant 16 : i32
    %swap3A_1943 = arith.index_cast %swap3A_1942 : i32 to index
    %swap3A_1944 = arith.constant 32 : index
    %swap3A_1945 = tpu.vector_load %arg11[%swap3A_1943, %swap3A_1944] {strides = array<i32>} : memref<32x64xf32, #tpu.memory_space<vmem>>, vector<1x16xf32>,
    %swap3A_1946 = vector.shape_cast %swap3A_1945 : vector<1x16xf32> to vector<16xf32>
    %swap3A_1947 = vector.shape_cast %mul3A_1941 : vector<16xf32> to vector<1x16xf32>
    tpu.vector_store %arg11[%swap3A_1943, %swap3A_1944], %swap3A_1947 {strides = array<i32>} : memref<32x64xf32, #tpu.memory_space<vmem>>, vector<1x16xf32>,
    %get3A_1948 = arith.constant 16 : i32
    %get3A_1949 = arith.index_cast %get3A_1948 : i32 to index
    %get3A_1950 = arith.constant 32 : index
    %get3A_1951 = tpu.vector_load %arg12[%get3A_1949, %get3A_1950] {strides = array<i32>} : memref<32x64xf32, #tpu.memory_space<vmem>>, vector<1x16xf32>,
    %get3A_1952 = vector.shape_cast %get3A_1951 : vector<1x16xf32> to vector<16xf32>
    %mul3A_1953 = arith.mulf %get3A_1952, %get3A_1935 : vector<16xf32>
    %swap3A_1954 = arith.constant 16 : i32
    %swap3A_1955 = arith.index_cast %swap3A_1954 : i32 to index
    %swap3A_1956 = arith.constant 32 : index
    %swap3A_1957 = tpu.vector_load %arg12[%swap3A_1955, %swap3A_1956] {strides = array<i32>} : memref<32x64xf32, #tpu.memory_space<vmem>>, vector<1x16xf32>,
    %swap3A_1958 = vector.shape_cast %swap3A_1957 : vector<1x16xf32> to vector<16xf32>
    %swap3A_1959 = vector.shape_cast %mul3A_1953 : vector<16xf32> to vector<1x16xf32>
    tpu.vector_store %arg12[%swap3A_1955, %swap3A_1956], %swap3A_1959 {strides = array<i32>} : memref<32x64xf32, #tpu.memory_space<vmem>>, vector<1x16xf32>,
    %get3A_1960 = arith.constant 16 : i32
    %get3A_1961 = arith.index_cast %get3A_1960 : i32 to index
    %get3A_1962 = arith.constant 48 : index
    %get3A_1963 = tpu.vector_load %arg13[%get3A_1961, %get3A_1962] {strides = array<i32>} : memref<32x64xf32, #tpu.memory_space<vmem>>, vector<1x16xf32>,
    %get3A_1964 = vector.shape_cast %get3A_1963 : vector<1x16xf32> to vector<16xf32>
    %get3A_1965 = arith.constant 16 : i32
    %get3A_1966 = arith.index_cast %get3A_1965 : i32 to index
    %get3A_1967 = arith.constant 48 : index
    %get3A_1968 = tpu.vector_load %arg11[%get3A_1966, %get3A_1967] {strides = array<i32>} : memref<32x64xf32, #tpu.memory_space<vmem>>, vector<1x16xf32>,
    %get3A_1969 = vector.shape_cast %get3A_1968 : vector<1x16xf32> to vector<16xf32>
    %mul3A_1970 = arith.mulf %get3A_1969, %get3A_1964 : vector<16xf32>
    %swap3A_1971 = arith.constant 16 : i32
    %swap3A_1972 = arith.index_cast %swap3A_1971 : i32 to index
    %swap3A_1973 = arith.constant 48 : index
    %swap3A_1974 = tpu.vector_load %arg11[%swap3A_1972, %swap3A_1973] {strides = array<i32>} : memref<32x64xf32, #tpu.memory_space<vmem>>, vector<1x16xf32>,
    %swap3A_1975 = vector.shape_cast %swap3A_1974 : vector<1x16xf32> to vector<16xf32>
    %swap3A_1976 = vector.shape_cast %mul3A_1970 : vector<16xf32> to vector<1x16xf32>
    tpu.vector_store %arg11[%swap3A_1972, %swap3A_1973], %swap3A_1976 {strides = array<i32>} : memref<32x64xf32, #tpu.memory_space<vmem>>, vector<1x16xf32>,
    %get3A_1977 = arith.constant 16 : i32
    %get3A_1978 = arith.index_cast %get3A_1977 : i32 to index
    %get3A_1979 = arith.constant 48 : index
    %get3A_1980 = tpu.vector_load %arg12[%get3A_1978, %get3A_1979] {strides = array<i32>} : memref<32x64xf32, #tpu.memory_space<vmem>>, vector<1x16xf32>,
    %get3A_1981 = vector.shape_cast %get3A_1980 : vector<1x16xf32> to vector<16xf32>
    %mul3A_1982 = arith.mulf %get3A_1981, %get3A_1964 : vector<16xf32>
    %swap3A_1983 = arith.constant 16 : i32
    %swap3A_1984 = arith.index_cast %swap3A_1983 : i32 to index
    %swap3A_1985 = arith.constant 48 : index
    %swap3A_1986 = tpu.vector_load %arg12[%swap3A_1984, %swap3A_1985] {strides = array<i32>} : memref<32x64xf32, #tpu.memory_space<vmem>>, vector<1x16xf32>,
    %swap3A_1987 = vector.shape_cast %swap3A_1986 : vector<1x16xf32> to vector<16xf32>
    %swap3A_1988 = vector.shape_cast %mul3A_1982 : vector<16xf32> to vector<1x16xf32>
    tpu.vector_store %arg12[%swap3A_1984, %swap3A_1985], %swap3A_1988 {strides = array<i32>} : memref<32x64xf32, #tpu.memory_space<vmem>>, vector<1x16xf32>,
    %get3A_1989 = arith.constant 17 : i32
    %get3A_1990 = arith.index_cast %get3A_1989 : i32 to index
    %get3A_1991 = arith.constant 0 : index
    %get3A_1992 = tpu.vector_load %arg13[%get3A_1990, %get3A_1991] {strides = array<i32>} : memref<32x64xf32, #tpu.memory_space<vmem>>, vector<1x16xf32>,
    %get3A_1993 = vector.shape_cast %get3A_1992 : vector<1x16xf32> to vector<16xf32>
    %get3A_1994 = arith.constant 17 : i32
    %get3A_1995 = arith.index_cast %get3A_1994 : i32 to index
    %get3A_1996 = arith.constant 0 : index
    %get3A_1997 = tpu.vector_load %arg11[%get3A_1995, %get3A_1996] {strides = array<i32>} : memref<32x64xf32, #tpu.memory_space<vmem>>, vector<1x16xf32>,
    %get3A_1998 = vector.shape_cast %get3A_1997 : vector<1x16xf32> to vector<16xf32>
    %mul3A_1999 = arith.mulf %get3A_1998, %get3A_1993 : vector<16xf32>
    %swap3A_2000 = arith.constant 17 : i32
    %swap3A_2001 = arith.index_cast %swap3A_2000 : i32 to index
    %swap3A_2002 = arith.constant 0 : index
    %swap3A_2003 = tpu.vector_load %arg11[%swap3A_2001, %swap3A_2002] {strides = array<i32>} : memref<32x64xf32, #tpu.memory_space<vmem>>, vector<1x16xf32>,
    %swap3A_2004 = vector.shape_cast %swap3A_2003 : vector<1x16xf32> to vector<16xf32>
    %swap3A_2005 = vector.shape_cast %mul3A_1999 : vector<16xf32> to vector<1x16xf32>
    tpu.vector_store %arg11[%swap3A_2001, %swap3A_2002], %swap3A_2005 {strides = array<i32>} : memref<32x64xf32, #tpu.memory_space<vmem>>, vector<1x16xf32>,
    %get3A_2006 = arith.constant 17 : i32
    %get3A_2007 = arith.index_cast %get3A_2006 : i32 to index
    %get3A_2008 = arith.constant 0 : index
    %get3A_2009 = tpu.vector_load %arg12[%get3A_2007, %get3A_2008] {strides = array<i32>} : memref<32x64xf32, #tpu.memory_space<vmem>>, vector<1x16xf32>,
    %get3A_2010 = vector.shape_cast %get3A_2009 : vector<1x16xf32> to vector<16xf32>
    %mul3A_2011 = arith.mulf %get3A_2010, %get3A_1993 : vector<16xf32>
    %swap3A_2012 = arith.constant 17 : i32
    %swap3A_2013 = arith.index_cast %swap3A_2012 : i32 to index
    %swap3A_2014 = arith.constant 0 : index
    %swap3A_2015 = tpu.vector_load %arg12[%swap3A_2013, %swap3A_2014] {strides = array<i32>} : memref<32x64xf32, #tpu.memory_space<vmem>>, vector<1x16xf32>,
    %swap3A_2016 = vector.shape_cast %swap3A_2015 : vector<1x16xf32> to vector<16xf32>
    %swap3A_2017 = vector.shape_cast %mul3A_2011 : vector<16xf32> to vector<1x16xf32>
    tpu.vector_store %arg12[%swap3A_2013, %swap3A_2014], %swap3A_2017 {strides = array<i32>} : memref<32x64xf32, #tpu.memory_space<vmem>>, vector<1x16xf32>,
    %get3A_2018 = arith.constant 17 : i32
    %get3A_2019 = arith.index_cast %get3A_2018 : i32 to index
    %get3A_2020 = arith.constant 16 : index
    %get3A_2021 = tpu.vector_load %arg13[%get3A_2019, %get3A_2020] {strides = array<i32>} : memref<32x64xf32, #tpu.memory_space<vmem>>, vector<1x16xf32>,
    %get3A_2022 = vector.shape_cast %get3A_2021 : vector<1x16xf32> to vector<16xf32>
    %get3A_2023 = arith.constant 17 : i32
    %get3A_2024 = arith.index_cast %get3A_2023 : i32 to index
    %get3A_2025 = arith.constant 16 : index
    %get3A_2026 = tpu.vector_load %arg11[%get3A_2024, %get3A_2025] {strides = array<i32>} : memref<32x64xf32, #tpu.memory_space<vmem>>, vector<1x16xf32>,
    %get3A_2027 = vector.shape_cast %get3A_2026 : vector<1x16xf32> to vector<16xf32>
    %mul3A_2028 = arith.mulf %get3A_2027, %get3A_2022 : vector<16xf32>
    %swap3A_2029 = arith.constant 17 : i32
    %swap3A_2030 = arith.index_cast %swap3A_2029 : i32 to index
    %swap3A_2031 = arith.constant 16 : index
    %swap3A_2032 = tpu.vector_load %arg11[%swap3A_2030, %swap3A_2031] {strides = array<i32>} : memref<32x64xf32, #tpu.memory_space<vmem>>, vector<1x16xf32>,
    %swap3A_2033 = vector.shape_cast %swap3A_2032 : vector<1x16xf32> to vector<16xf32>
    %swap3A_2034 = vector.shape_cast %mul3A_2028 : vector<16xf32> to vector<1x16xf32>
    tpu.vector_store %arg11[%swap3A_2030, %swap3A_2031], %swap3A_2034 {strides = array<i32>} : memref<32x64xf32, #tpu.memory_space<vmem>>, vector<1x16xf32>,
    %get3A_2035 = arith.constant 17 : i32
    %get3A_2036 = arith.index_cast %get3A_2035 : i32 to index
    %get3A_2037 = arith.constant 16 : index
    %get3A_2038 = tpu.vector_load %arg12[%get3A_2036, %get3A_2037] {strides = array<i32>} : memref<32x64xf32, #tpu.memory_space<vmem>>, vector<1x16xf32>,
    %get3A_2039 = vector.shape_cast %get3A_2038 : vector<1x16xf32> to vector<16xf32>
    %mul3A_2040 = arith.mulf %get3A_2039, %get3A_2022 : vector<16xf32>
    %swap3A_2041 = arith.constant 17 : i32
    %swap3A_2042 = arith.index_cast %swap3A_2041 : i32 to index
    %swap3A_2043 = arith.constant 16 : index
    %swap3A_2044 = tpu.vector_load %arg12[%swap3A_2042, %swap3A_2043] {strides = array<i32>} : memref<32x64xf32, #tpu.memory_space<vmem>>, vector<1x16xf32>,
    %swap3A_2045 = vector.shape_cast %swap3A_2044 : vector<1x16xf32> to vector<16xf32>
    %swap3A_2046 = vector.shape_cast %mul3A_2040 : vector<16xf32> to vector<1x16xf32>
    tpu.vector_store %arg12[%swap3A_2042, %swap3A_2043], %swap3A_2046 {strides = array<i32>} : memref<32x64xf32, #tpu.memory_space<vmem>>, vector<1x16xf32>,
    %get3A_2047 = arith.constant 17 : i32
    %get3A_2048 = arith.index_cast %get3A_2047 : i32 to index
    %get3A_2049 = arith.constant 32 : index
    %get3A_2050 = tpu.vector_load %arg13[%get3A_2048, %get3A_2049] {strides = array<i32>} : memref<32x64xf32, #tpu.memory_space<vmem>>, vector<1x16xf32>,
    %get3A_2051 = vector.shape_cast %get3A_2050 : vector<1x16xf32> to vector<16xf32>
    %get3A_2052 = arith.constant 17 : i32
    %get3A_2053 = arith.index_cast %get3A_2052 : i32 to index
    %get3A_2054 = arith.constant 32 : index
    %get3A_2055 = tpu.vector_load %arg11[%get3A_2053, %get3A_2054] {strides = array<i32>} : memref<32x64xf32, #tpu.memory_space<vmem>>, vector<1x16xf32>,
    %get3A_2056 = vector.shape_cast %get3A_2055 : vector<1x16xf32> to vector<16xf32>
    %mul3A_2057 = arith.mulf %get3A_2056, %get3A_2051 : vector<16xf32>
    %swap3A_2058 = arith.constant 17 : i32
    %swap3A_2059 = arith.index_cast %swap3A_2058 : i32 to index
    %swap3A_2060 = arith.constant 32 : index
    %swap3A_2061 = tpu.vector_load %arg11[%swap3A_2059, %swap3A_2060] {strides = array<i32>} : memref<32x64xf32, #tpu.memory_space<vmem>>, vector<1x16xf32>,
    %swap3A_2062 = vector.shape_cast %swap3A_2061 : vector<1x16xf32> to vector<16xf32>
    %swap3A_2063 = vector.shape_cast %mul3A_2057 : vector<16xf32> to vector<1x16xf32>
    tpu.vector_store %arg11[%swap3A_2059, %swap3A_2060], %swap3A_2063 {strides = array<i32>} : memref<32x64xf32, #tpu.memory_space<vmem>>, vector<1x16xf32>,
    %get3A_2064 = arith.constant 17 : i32
    %get3A_2065 = arith.index_cast %get3A_2064 : i32 to index
    %get3A_2066 = arith.constant 32 : index
    %get3A_2067 = tpu.vector_load %arg12[%get3A_2065, %get3A_2066] {strides = array<i32>} : memref<32x64xf32, #tpu.memory_space<vmem>>, vector<1x16xf32>,
    %get3A_2068 = vector.shape_cast %get3A_2067 : vector<1x16xf32> to vector<16xf32>
    %mul3A_2069 = arith.mulf %get3A_2068, %get3A_2051 : vector<16xf32>
    %swap3A_2070 = arith.constant 17 : i32
    %swap3A_2071 = arith.index_cast %swap3A_2070 : i32 to index
    %swap3A_2072 = arith.constant 32 : index
    %swap3A_2073 = tpu.vector_load %arg12[%swap3A_2071, %swap3A_2072] {strides = array<i32>} : memref<32x64xf32, #tpu.memory_space<vmem>>, vector<1x16xf32>,
    %swap3A_2074 = vector.shape_cast %swap3A_2073 : vector<1x16xf32> to vector<16xf32>
    %swap3A_2075 = vector.shape_cast %mul3A_2069 : vector<16xf32> to vector<1x16xf32>
    tpu.vector_store %arg12[%swap3A_2071, %swap3A_2072], %swap3A_2075 {strides = array<i32>} : memref<32x64xf32, #tpu.memory_space<vmem>>, vector<1x16xf32>,
    %get3A_2076 = arith.constant 17 : i32
    %get3A_2077 = arith.index_cast %get3A_2076 : i32 to index
    %get3A_2078 = arith.constant 48 : index
    %get3A_2079 = tpu.vector_load %arg13[%get3A_2077, %get3A_2078] {strides = array<i32>} : memref<32x64xf32, #tpu.memory_space<vmem>>, vector<1x16xf32>,
    %get3A_2080 = vector.shape_cast %get3A_2079 : vector<1x16xf32> to vector<16xf32>
    %get3A_2081 = arith.constant 17 : i32
    %get3A_2082 = arith.index_cast %get3A_2081 : i32 to index
    %get3A_2083 = arith.constant 48 : index
    %get3A_2084 = tpu.vector_load %arg11[%get3A_2082, %get3A_2083] {strides = array<i32>} : memref<32x64xf32, #tpu.memory_space<vmem>>, vector<1x16xf32>,
    %get3A_2085 = vector.shape_cast %get3A_2084 : vector<1x16xf32> to vector<16xf32>
    %mul3A_2086 = arith.mulf %get3A_2085, %get3A_2080 : vector<16xf32>
    %swap3A_2087 = arith.constant 17 : i32
    %swap3A_2088 = arith.index_cast %swap3A_2087 : i32 to index
    %swap3A_2089 = arith.constant 48 : index
    %swap3A_2090 = tpu.vector_load %arg11[%swap3A_2088, %swap3A_2089] {strides = array<i32>} : memref<32x64xf32, #tpu.memory_space<vmem>>, vector<1x16xf32>,
    %swap3A_2091 = vector.shape_cast %swap3A_2090 : vector<1x16xf32> to vector<16xf32>
    %swap3A_2092 = vector.shape_cast %mul3A_2086 : vector<16xf32> to vector<1x16xf32>
    tpu.vector_store %arg11[%swap3A_2088, %swap3A_2089], %swap3A_2092 {strides = array<i32>} : memref<32x64xf32, #tpu.memory_space<vmem>>, vector<1x16xf32>,
    %get3A_2093 = arith.constant 17 : i32
    %get3A_2094 = arith.index_cast %get3A_2093 : i32 to index
    %get3A_2095 = arith.constant 48 : index
    %get3A_2096 = tpu.vector_load %arg12[%get3A_2094, %get3A_2095] {strides = array<i32>} : memref<32x64xf32, #tpu.memory_space<vmem>>, vector<1x16xf32>,
    %get3A_2097 = vector.shape_cast %get3A_2096 : vector<1x16xf32> to vector<16xf32>
    %mul3A_2098 = arith.mulf %get3A_2097, %get3A_2080 : vector<16xf32>
    %swap3A_2099 = arith.constant 17 : i32
    %swap3A_2100 = arith.index_cast %swap3A_2099 : i32 to index
    %swap3A_2101 = arith.constant 48 : index
    %swap3A_2102 = tpu.vector_load %arg12[%swap3A_2100, %swap3A_2101] {strides = array<i32>} : memref<32x64xf32, #tpu.memory_space<vmem>>, vector<1x16xf32>,
    %swap3A_2103 = vector.shape_cast %swap3A_2102 : vector<1x16xf32> to vector<16xf32>
    %swap3A_2104 = vector.shape_cast %mul3A_2098 : vector<16xf32> to vector<1x16xf32>
    tpu.vector_store %arg12[%swap3A_2100, %swap3A_2101], %swap3A_2104 {strides = array<i32>} : memref<32x64xf32, #tpu.memory_space<vmem>>, vector<1x16xf32>,
    %get3A_2105 = arith.constant 18 : i32
    %get3A_2106 = arith.index_cast %get3A_2105 : i32 to index
    %get3A_2107 = arith.constant 0 : index
    %get3A_2108 = tpu.vector_load %arg13[%get3A_2106, %get3A_2107] {strides = array<i32>} : memref<32x64xf32, #tpu.memory_space<vmem>>, vector<1x16xf32>,
    %get3A_2109 = vector.shape_cast %get3A_2108 : vector<1x16xf32> to vector<16xf32>
    %get3A_2110 = arith.constant 18 : i32
    %get3A_2111 = arith.index_cast %get3A_2110 : i32 to index
    %get3A_2112 = arith.constant 0 : index
    %get3A_2113 = tpu.vector_load %arg11[%get3A_2111, %get3A_2112] {strides = array<i32>} : memref<32x64xf32, #tpu.memory_space<vmem>>, vector<1x16xf32>,
    %get3A_2114 = vector.shape_cast %get3A_2113 : vector<1x16xf32> to vector<16xf32>
    %mul3A_2115 = arith.mulf %get3A_2114, %get3A_2109 : vector<16xf32>
    %swap3A_2116 = arith.constant 18 : i32
    %swap3A_2117 = arith.index_cast %swap3A_2116 : i32 to index
    %swap3A_2118 = arith.constant 0 : index
    %swap3A_2119 = tpu.vector_load %arg11[%swap3A_2117, %swap3A_2118] {strides = array<i32>} : memref<32x64xf32, #tpu.memory_space<vmem>>, vector<1x16xf32>,
    %swap3A_2120 = vector.shape_cast %swap3A_2119 : vector<1x16xf32> to vector<16xf32>
    %swap3A_2121 = vector.shape_cast %mul3A_2115 : vector<16xf32> to vector<1x16xf32>
    tpu.vector_store %arg11[%swap3A_2117, %swap3A_2118], %swap3A_2121 {strides = array<i32>} : memref<32x64xf32, #tpu.memory_space<vmem>>, vector<1x16xf32>,
    %get3A_2122 = arith.constant 18 : i32
    %get3A_2123 = arith.index_cast %get3A_2122 : i32 to index
    %get3A_2124 = arith.constant 0 : index
    %get3A_2125 = tpu.vector_load %arg12[%get3A_2123, %get3A_2124] {strides = array<i32>} : memref<32x64xf32, #tpu.memory_space<vmem>>, vector<1x16xf32>,
    %get3A_2126 = vector.shape_cast %get3A_2125 : vector<1x16xf32> to vector<16xf32>
    %mul3A_2127 = arith.mulf %get3A_2126, %get3A_2109 : vector<16xf32>
    %swap3A_2128 = arith.constant 18 : i32
    %swap3A_2129 = arith.index_cast %swap3A_2128 : i32 to index
    %swap3A_2130 = arith.constant 0 : index
    %swap3A_2131 = tpu.vector_load %arg12[%swap3A_2129, %swap3A_2130] {strides = array<i32>} : memref<32x64xf32, #tpu.memory_space<vmem>>, vector<1x16xf32>,
    %swap3A_2132 = vector.shape_cast %swap3A_2131 : vector<1x16xf32> to vector<16xf32>
    %swap3A_2133 = vector.shape_cast %mul3A_2127 : vector<16xf32> to vector<1x16xf32>
    tpu.vector_store %arg12[%swap3A_2129, %swap3A_2130], %swap3A_2133 {strides = array<i32>} : memref<32x64xf32, #tpu.memory_space<vmem>>, vector<1x16xf32>,
    %get3A_2134 = arith.constant 18 : i32
    %get3A_2135 = arith.index_cast %get3A_2134 : i32 to index
    %get3A_2136 = arith.constant 16 : index
    %get3A_2137 = tpu.vector_load %arg13[%get3A_2135, %get3A_2136] {strides = array<i32>} : memref<32x64xf32, #tpu.memory_space<vmem>>, vector<1x16xf32>,
    %get3A_2138 = vector.shape_cast %get3A_2137 : vector<1x16xf32> to vector<16xf32>
    %get3A_2139 = arith.constant 18 : i32
    %get3A_2140 = arith.index_cast %get3A_2139 : i32 to index
    %get3A_2141 = arith.constant 16 : index
    %get3A_2142 = tpu.vector_load %arg11[%get3A_2140, %get3A_2141] {strides = array<i32>} : memref<32x64xf32, #tpu.memory_space<vmem>>, vector<1x16xf32>,
    %get3A_2143 = vector.shape_cast %get3A_2142 : vector<1x16xf32> to vector<16xf32>
    %mul3A_2144 = arith.mulf %get3A_2143, %get3A_2138 : vector<16xf32>
    %swap3A_2145 = arith.constant 18 : i32
    %swap3A_2146 = arith.index_cast %swap3A_2145 : i32 to index
    %swap3A_2147 = arith.constant 16 : index
    %swap3A_2148 = tpu.vector_load %arg11[%swap3A_2146, %swap3A_2147] {strides = array<i32>} : memref<32x64xf32, #tpu.memory_space<vmem>>, vector<1x16xf32>,
    %swap3A_2149 = vector.shape_cast %swap3A_2148 : vector<1x16xf32> to vector<16xf32>
    %swap3A_2150 = vector.shape_cast %mul3A_2144 : vector<16xf32> to vector<1x16xf32>
    tpu.vector_store %arg11[%swap3A_2146, %swap3A_2147], %swap3A_2150 {strides = array<i32>} : memref<32x64xf32, #tpu.memory_space<vmem>>, vector<1x16xf32>,
    %get3A_2151 = arith.constant 18 : i32
    %get3A_2152 = arith.index_cast %get3A_2151 : i32 to index
    %get3A_2153 = arith.constant 16 : index
    %get3A_2154 = tpu.vector_load %arg12[%get3A_2152, %get3A_2153] {strides = array<i32>} : memref<32x64xf32, #tpu.memory_space<vmem>>, vector<1x16xf32>,
    %get3A_2155 = vector.shape_cast %get3A_2154 : vector<1x16xf32> to vector<16xf32>
    %mul3A_2156 = arith.mulf %get3A_2155, %get3A_2138 : vector<16xf32>
    %swap3A_2157 = arith.constant 18 : i32
    %swap3A_2158 = arith.index_cast %swap3A_2157 : i32 to index
    %swap3A_2159 = arith.constant 16 : index
    %swap3A_2160 = tpu.vector_load %arg12[%swap3A_2158, %swap3A_2159] {strides = array<i32>} : memref<32x64xf32, #tpu.memory_space<vmem>>, vector<1x16xf32>,
    %swap3A_2161 = vector.shape_cast %swap3A_2160 : vector<1x16xf32> to vector<16xf32>
    %swap3A_2162 = vector.shape_cast %mul3A_2156 : vector<16xf32> to vector<1x16xf32>
    tpu.vector_store %arg12[%swap3A_2158, %swap3A_2159], %swap3A_2162 {strides = array<i32>} : memref<32x64xf32, #tpu.memory_space<vmem>>, vector<1x16xf32>,
    %get3A_2163 = arith.constant 18 : i32
    %get3A_2164 = arith.index_cast %get3A_2163 : i32 to index
    %get3A_2165 = arith.constant 32 : index
    %get3A_2166 = tpu.vector_load %arg13[%get3A_2164, %get3A_2165] {strides = array<i32>} : memref<32x64xf32, #tpu.memory_space<vmem>>, vector<1x16xf32>,
    %get3A_2167 = vector.shape_cast %get3A_2166 : vector<1x16xf32> to vector<16xf32>
    %get3A_2168 = arith.constant 18 : i32
    %get3A_2169 = arith.index_cast %get3A_2168 : i32 to index
    %get3A_2170 = arith.constant 32 : index
    %get3A_2171 = tpu.vector_load %arg11[%get3A_2169, %get3A_2170] {strides = array<i32>} : memref<32x64xf32, #tpu.memory_space<vmem>>, vector<1x16xf32>,
    %get3A_2172 = vector.shape_cast %get3A_2171 : vector<1x16xf32> to vector<16xf32>
    %mul3A_2173 = arith.mulf %get3A_2172, %get3A_2167 : vector<16xf32>
    %swap3A_2174 = arith.constant 18 : i32
    %swap3A_2175 = arith.index_cast %swap3A_2174 : i32 to index
    %swap3A_2176 = arith.constant 32 : index
    %swap3A_2177 = tpu.vector_load %arg11[%swap3A_2175, %swap3A_2176] {strides = array<i32>} : memref<32x64xf32, #tpu.memory_space<vmem>>, vector<1x16xf32>,
    %swap3A_2178 = vector.shape_cast %swap3A_2177 : vector<1x16xf32> to vector<16xf32>
    %swap3A_2179 = vector.shape_cast %mul3A_2173 : vector<16xf32> to vector<1x16xf32>
    tpu.vector_store %arg11[%swap3A_2175, %swap3A_2176], %swap3A_2179 {strides = array<i32>} : memref<32x64xf32, #tpu.memory_space<vmem>>, vector<1x16xf32>,
    %get3A_2180 = arith.constant 18 : i32
    %get3A_2181 = arith.index_cast %get3A_2180 : i32 to index
    %get3A_2182 = arith.constant 32 : index
    %get3A_2183 = tpu.vector_load %arg12[%get3A_2181, %get3A_2182] {strides = array<i32>} : memref<32x64xf32, #tpu.memory_space<vmem>>, vector<1x16xf32>,
    %get3A_2184 = vector.shape_cast %get3A_2183 : vector<1x16xf32> to vector<16xf32>
    %mul3A_2185 = arith.mulf %get3A_2184, %get3A_2167 : vector<16xf32>
    %swap3A_2186 = arith.constant 18 : i32
    %swap3A_2187 = arith.index_cast %swap3A_2186 : i32 to index
    %swap3A_2188 = arith.constant 32 : index
    %swap3A_2189 = tpu.vector_load %arg12[%swap3A_2187, %swap3A_2188] {strides = array<i32>} : memref<32x64xf32, #tpu.memory_space<vmem>>, vector<1x16xf32>,
    %swap3A_2190 = vector.shape_cast %swap3A_2189 : vector<1x16xf32> to vector<16xf32>
    %swap3A_2191 = vector.shape_cast %mul3A_2185 : vector<16xf32> to vector<1x16xf32>
    tpu.vector_store %arg12[%swap3A_2187, %swap3A_2188], %swap3A_2191 {strides = array<i32>} : memref<32x64xf32, #tpu.memory_space<vmem>>, vector<1x16xf32>,
    %get3A_2192 = arith.constant 18 : i32
    %get3A_2193 = arith.index_cast %get3A_2192 : i32 to index
    %get3A_2194 = arith.constant 48 : index
    %get3A_2195 = tpu.vector_load %arg13[%get3A_2193, %get3A_2194] {strides = array<i32>} : memref<32x64xf32, #tpu.memory_space<vmem>>, vector<1x16xf32>,
    %get3A_2196 = vector.shape_cast %get3A_2195 : vector<1x16xf32> to vector<16xf32>
    %get3A_2197 = arith.constant 18 : i32
    %get3A_2198 = arith.index_cast %get3A_2197 : i32 to index
    %get3A_2199 = arith.constant 48 : index
    %get3A_2200 = tpu.vector_load %arg11[%get3A_2198, %get3A_2199] {strides = array<i32>} : memref<32x64xf32, #tpu.memory_space<vmem>>, vector<1x16xf32>,
    %get3A_2201 = vector.shape_cast %get3A_2200 : vector<1x16xf32> to vector<16xf32>
    %mul3A_2202 = arith.mulf %get3A_2201, %get3A_2196 : vector<16xf32>
    %swap3A_2203 = arith.constant 18 : i32
    %swap3A_2204 = arith.index_cast %swap3A_2203 : i32 to index
    %swap3A_2205 = arith.constant 48 : index
    %swap3A_2206 = tpu.vector_load %arg11[%swap3A_2204, %swap3A_2205] {strides = array<i32>} : memref<32x64xf32, #tpu.memory_space<vmem>>, vector<1x16xf32>,
    %swap3A_2207 = vector.shape_cast %swap3A_2206 : vector<1x16xf32> to vector<16xf32>
    %swap3A_2208 = vector.shape_cast %mul3A_2202 : vector<16xf32> to vector<1x16xf32>
    tpu.vector_store %arg11[%swap3A_2204, %swap3A_2205], %swap3A_2208 {strides = array<i32>} : memref<32x64xf32, #tpu.memory_space<vmem>>, vector<1x16xf32>,
    %get3A_2209 = arith.constant 18 : i32
    %get3A_2210 = arith.index_cast %get3A_2209 : i32 to index
    %get3A_2211 = arith.constant 48 : index
    %get3A_2212 = tpu.vector_load %arg12[%get3A_2210, %get3A_2211] {strides = array<i32>} : memref<32x64xf32, #tpu.memory_space<vmem>>, vector<1x16xf32>,
    %get3A_2213 = vector.shape_cast %get3A_2212 : vector<1x16xf32> to vector<16xf32>
    %mul3A_2214 = arith.mulf %get3A_2213, %get3A_2196 : vector<16xf32>
    %swap3A_2215 = arith.constant 18 : i32
    %swap3A_2216 = arith.index_cast %swap3A_2215 : i32 to index
    %swap3A_2217 = arith.constant 48 : index
    %swap3A_2218 = tpu.vector_load %arg12[%swap3A_2216, %swap3A_2217] {strides = array<i32>} : memref<32x64xf32, #tpu.memory_space<vmem>>, vector<1x16xf32>,
    %swap3A_2219 = vector.shape_cast %swap3A_2218 : vector<1x16xf32> to vector<16xf32>
    %swap3A_2220 = vector.shape_cast %mul3A_2214 : vector<16xf32> to vector<1x16xf32>
    tpu.vector_store %arg12[%swap3A_2216, %swap3A_2217], %swap3A_2220 {strides = array<i32>} : memref<32x64xf32, #tpu.memory_space<vmem>>, vector<1x16xf32>,
    %get3A_2221 = arith.constant 19 : i32
    %get3A_2222 = arith.index_cast %get3A_2221 : i32 to index
    %get3A_2223 = arith.constant 0 : index
    %get3A_2224 = tpu.vector_load %arg13[%get3A_2222, %get3A_2223] {strides = array<i32>} : memref<32x64xf32, #tpu.memory_space<vmem>>, vector<1x16xf32>,
    %get3A_2225 = vector.shape_cast %get3A_2224 : vector<1x16xf32> to vector<16xf32>
    %get3A_2226 = arith.constant 19 : i32
    %get3A_2227 = arith.index_cast %get3A_2226 : i32 to index
    %get3A_2228 = arith.constant 0 : index
    %get3A_2229 = tpu.vector_load %arg11[%get3A_2227, %get3A_2228] {strides = array<i32>} : memref<32x64xf32, #tpu.memory_space<vmem>>, vector<1x16xf32>,
    %get3A_2230 = vector.shape_cast %get3A_2229 : vector<1x16xf32> to vector<16xf32>
    %mul3A_2231 = arith.mulf %get3A_2230, %get3A_2225 : vector<16xf32>
    %swap3A_2232 = arith.constant 19 : i32
    %swap3A_2233 = arith.index_cast %swap3A_2232 : i32 to index
    %swap3A_2234 = arith.constant 0 : index
    %swap3A_2235 = tpu.vector_load %arg11[%swap3A_2233, %swap3A_2234] {strides = array<i32>} : memref<32x64xf32, #tpu.memory_space<vmem>>, vector<1x16xf32>,
    %swap3A_2236 = vector.shape_cast %swap3A_2235 : vector<1x16xf32> to vector<16xf32>
    %swap3A_2237 = vector.shape_cast %mul3A_2231 : vector<16xf32> to vector<1x16xf32>
    tpu.vector_store %arg11[%swap3A_2233, %swap3A_2234], %swap3A_2237 {strides = array<i32>} : memref<32x64xf32, #tpu.memory_space<vmem>>, vector<1x16xf32>,
    %get3A_2238 = arith.constant 19 : i32
    %get3A_2239 = arith.index_cast %get3A_2238 : i32 to index
    %get3A_2240 = arith.constant 0 : index
    %get3A_2241 = tpu.vector_load %arg12[%get3A_2239, %get3A_2240] {strides = array<i32>} : memref<32x64xf32, #tpu.memory_space<vmem>>, vector<1x16xf32>,
    %get3A_2242 = vector.shape_cast %get3A_2241 : vector<1x16xf32> to vector<16xf32>
    %mul3A_2243 = arith.mulf %get3A_2242, %get3A_2225 : vector<16xf32>
    %swap3A_2244 = arith.constant 19 : i32
    %swap3A_2245 = arith.index_cast %swap3A_2244 : i32 to index
    %swap3A_2246 = arith.constant 0 : index
    %swap3A_2247 = tpu.vector_load %arg12[%swap3A_2245, %swap3A_2246] {strides = array<i32>} : memref<32x64xf32, #tpu.memory_space<vmem>>, vector<1x16xf32>,
    %swap3A_2248 = vector.shape_cast %swap3A_2247 : vector<1x16xf32> to vector<16xf32>
    %swap3A_2249 = vector.shape_cast %mul3A_2243 : vector<16xf32> to vector<1x16xf32>
    tpu.vector_store %arg12[%swap3A_2245, %swap3A_2246], %swap3A_2249 {strides = array<i32>} : memref<32x64xf32, #tpu.memory_space<vmem>>, vector<1x16xf32>,
    %get3A_2250 = arith.constant 19 : i32
    %get3A_2251 = arith.index_cast %get3A_2250 : i32 to index
    %get3A_2252 = arith.constant 16 : index
    %get3A_2253 = tpu.vector_load %arg13[%get3A_2251, %get3A_2252] {strides = array<i32>} : memref<32x64xf32, #tpu.memory_space<vmem>>, vector<1x16xf32>,
    %get3A_2254 = vector.shape_cast %get3A_2253 : vector<1x16xf32> to vector<16xf32>
    %get3A_2255 = arith.constant 19 : i32
    %get3A_2256 = arith.index_cast %get3A_2255 : i32 to index
    %get3A_2257 = arith.constant 16 : index
    %get3A_2258 = tpu.vector_load %arg11[%get3A_2256, %get3A_2257] {strides = array<i32>} : memref<32x64xf32, #tpu.memory_space<vmem>>, vector<1x16xf32>,
    %get3A_2259 = vector.shape_cast %get3A_2258 : vector<1x16xf32> to vector<16xf32>
    %mul3A_2260 = arith.mulf %get3A_2259, %get3A_2254 : vector<16xf32>
    %swap3A_2261 = arith.constant 19 : i32
    %swap3A_2262 = arith.index_cast %swap3A_2261 : i32 to index
    %swap3A_2263 = arith.constant 16 : index
    %swap3A_2264 = tpu.vector_load %arg11[%swap3A_2262, %swap3A_2263] {strides = array<i32>} : memref<32x64xf32, #tpu.memory_space<vmem>>, vector<1x16xf32>,
    %swap3A_2265 = vector.shape_cast %swap3A_2264 : vector<1x16xf32> to vector<16xf32>
    %swap3A_2266 = vector.shape_cast %mul3A_2260 : vector<16xf32> to vector<1x16xf32>
    tpu.vector_store %arg11[%swap3A_2262, %swap3A_2263], %swap3A_2266 {strides = array<i32>} : memref<32x64xf32, #tpu.memory_space<vmem>>, vector<1x16xf32>,
    %get3A_2267 = arith.constant 19 : i32
    %get3A_2268 = arith.index_cast %get3A_2267 : i32 to index
    %get3A_2269 = arith.constant 16 : index
    %get3A_2270 = tpu.vector_load %arg12[%get3A_2268, %get3A_2269] {strides = array<i32>} : memref<32x64xf32, #tpu.memory_space<vmem>>, vector<1x16xf32>,
    %get3A_2271 = vector.shape_cast %get3A_2270 : vector<1x16xf32> to vector<16xf32>
    %mul3A_2272 = arith.mulf %get3A_2271, %get3A_2254 : vector<16xf32>
    %swap3A_2273 = arith.constant 19 : i32
    %swap3A_2274 = arith.index_cast %swap3A_2273 : i32 to index
    %swap3A_2275 = arith.constant 16 : index
    %swap3A_2276 = tpu.vector_load %arg12[%swap3A_2274, %swap3A_2275] {strides = array<i32>} : memref<32x64xf32, #tpu.memory_space<vmem>>, vector<1x16xf32>,
    %swap3A_2277 = vector.shape_cast %swap3A_2276 : vector<1x16xf32> to vector<16xf32>
    %swap3A_2278 = vector.shape_cast %mul3A_2272 : vector<16xf32> to vector<1x16xf32>
    tpu.vector_store %arg12[%swap3A_2274, %swap3A_2275], %swap3A_2278 {strides = array<i32>} : memref<32x64xf32, #tpu.memory_space<vmem>>, vector<1x16xf32>,
    %get3A_2279 = arith.constant 19 : i32
    %get3A_2280 = arith.index_cast %get3A_2279 : i32 to index
    %get3A_2281 = arith.constant 32 : index
    %get3A_2282 = tpu.vector_load %arg13[%get3A_2280, %get3A_2281] {strides = array<i32>} : memref<32x64xf32, #tpu.memory_space<vmem>>, vector<1x16xf32>,
    %get3A_2283 = vector.shape_cast %get3A_2282 : vector<1x16xf32> to vector<16xf32>
    %get3A_2284 = arith.constant 19 : i32
    %get3A_2285 = arith.index_cast %get3A_2284 : i32 to index
    %get3A_2286 = arith.constant 32 : index
    %get3A_2287 = tpu.vector_load %arg11[%get3A_2285, %get3A_2286] {strides = array<i32>} : memref<32x64xf32, #tpu.memory_space<vmem>>, vector<1x16xf32>,
    %get3A_2288 = vector.shape_cast %get3A_2287 : vector<1x16xf32> to vector<16xf32>
    %mul3A_2289 = arith.mulf %get3A_2288, %get3A_2283 : vector<16xf32>
    %swap3A_2290 = arith.constant 19 : i32
    %swap3A_2291 = arith.index_cast %swap3A_2290 : i32 to index
    %swap3A_2292 = arith.constant 32 : index
    %swap3A_2293 = tpu.vector_load %arg11[%swap3A_2291, %swap3A_2292] {strides = array<i32>} : memref<32x64xf32, #tpu.memory_space<vmem>>, vector<1x16xf32>,
    %swap3A_2294 = vector.shape_cast %swap3A_2293 : vector<1x16xf32> to vector<16xf32>
    %swap3A_2295 = vector.shape_cast %mul3A_2289 : vector<16xf32> to vector<1x16xf32>
    tpu.vector_store %arg11[%swap3A_2291, %swap3A_2292], %swap3A_2295 {strides = array<i32>} : memref<32x64xf32, #tpu.memory_space<vmem>>, vector<1x16xf32>,
    %get3A_2296 = arith.constant 19 : i32
    %get3A_2297 = arith.index_cast %get3A_2296 : i32 to index
    %get3A_2298 = arith.constant 32 : index
    %get3A_2299 = tpu.vector_load %arg12[%get3A_2297, %get3A_2298] {strides = array<i32>} : memref<32x64xf32, #tpu.memory_space<vmem>>, vector<1x16xf32>,
    %get3A_2300 = vector.shape_cast %get3A_2299 : vector<1x16xf32> to vector<16xf32>
    %mul3A_2301 = arith.mulf %get3A_2300, %get3A_2283 : vector<16xf32>
    %swap3A_2302 = arith.constant 19 : i32
    %swap3A_2303 = arith.index_cast %swap3A_2302 : i32 to index
    %swap3A_2304 = arith.constant 32 : index
    %swap3A_2305 = tpu.vector_load %arg12[%swap3A_2303, %swap3A_2304] {strides = array<i32>} : memref<32x64xf32, #tpu.memory_space<vmem>>, vector<1x16xf32>,
    %swap3A_2306 = vector.shape_cast %swap3A_2305 : vector<1x16xf32> to vector<16xf32>
    %swap3A_2307 = vector.shape_cast %mul3A_2301 : vector<16xf32> to vector<1x16xf32>
    tpu.vector_store %arg12[%swap3A_2303, %swap3A_2304], %swap3A_2307 {strides = array<i32>} : memref<32x64xf32, #tpu.memory_space<vmem>>, vector<1x16xf32>,
    %get3A_2308 = arith.constant 19 : i32
    %get3A_2309 = arith.index_cast %get3A_2308 : i32 to index
    %get3A_2310 = arith.constant 48 : index
    %get3A_2311 = tpu.vector_load %arg13[%get3A_2309, %get3A_2310] {strides = array<i32>} : memref<32x64xf32, #tpu.memory_space<vmem>>, vector<1x16xf32>,
    %get3A_2312 = vector.shape_cast %get3A_2311 : vector<1x16xf32> to vector<16xf32>
    %get3A_2313 = arith.constant 19 : i32
    %get3A_2314 = arith.index_cast %get3A_2313 : i32 to index
    %get3A_2315 = arith.constant 48 : index
    %get3A_2316 = tpu.vector_load %arg11[%get3A_2314, %get3A_2315] {strides = array<i32>} : memref<32x64xf32, #tpu.memory_space<vmem>>, vector<1x16xf32>,
    %get3A_2317 = vector.shape_cast %get3A_2316 : vector<1x16xf32> to vector<16xf32>
    %mul3A_2318 = arith.mulf %get3A_2317, %get3A_2312 : vector<16xf32>
    %swap3A_2319 = arith.constant 19 : i32
    %swap3A_2320 = arith.index_cast %swap3A_2319 : i32 to index
    %swap3A_2321 = arith.constant 48 : index
    %swap3A_2322 = tpu.vector_load %arg11[%swap3A_2320, %swap3A_2321] {strides = array<i32>} : memref<32x64xf32, #tpu.memory_space<vmem>>, vector<1x16xf32>,
    %swap3A_2323 = vector.shape_cast %swap3A_2322 : vector<1x16xf32> to vector<16xf32>
    %swap3A_2324 = vector.shape_cast %mul3A_2318 : vector<16xf32> to vector<1x16xf32>
    tpu.vector_store %arg11[%swap3A_2320, %swap3A_2321], %swap3A_2324 {strides = array<i32>} : memref<32x64xf32, #tpu.memory_space<vmem>>, vector<1x16xf32>,
    %get3A_2325 = arith.constant 19 : i32
    %get3A_2326 = arith.index_cast %get3A_2325 : i32 to index
    %get3A_2327 = arith.constant 48 : index
    %get3A_2328 = tpu.vector_load %arg12[%get3A_2326, %get3A_2327] {strides = array<i32>} : memref<32x64xf32, #tpu.memory_space<vmem>>, vector<1x16xf32>,
    %get3A_2329 = vector.shape_cast %get3A_2328 : vector<1x16xf32> to vector<16xf32>
    %mul3A_2330 = arith.mulf %get3A_2329, %get3A_2312 : vector<16xf32>
    %swap3A_2331 = arith.constant 19 : i32
    %swap3A_2332 = arith.index_cast %swap3A_2331 : i32 to index
    %swap3A_2333 = arith.constant 48 : index
    %swap3A_2334 = tpu.vector_load %arg12[%swap3A_2332, %swap3A_2333] {strides = array<i32>} : memref<32x64xf32, #tpu.memory_space<vmem>>, vector<1x16xf32>,
    %swap3A_2335 = vector.shape_cast %swap3A_2334 : vector<1x16xf32> to vector<16xf32>
    %swap3A_2336 = vector.shape_cast %mul3A_2330 : vector<16xf32> to vector<1x16xf32>
    tpu.vector_store %arg12[%swap3A_2332, %swap3A_2333], %swap3A_2336 {strides = array<i32>} : memref<32x64xf32, #tpu.memory_space<vmem>>, vector<1x16xf32>,
    %get3A_2337 = arith.constant 20 : i32
    %get3A_2338 = arith.index_cast %get3A_2337 : i32 to index
    %get3A_2339 = arith.constant 0 : index
    %get3A_2340 = tpu.vector_load %arg13[%get3A_2338, %get3A_2339] {strides = array<i32>} : memref<32x64xf32, #tpu.memory_space<vmem>>, vector<1x16xf32>,
    %get3A_2341 = vector.shape_cast %get3A_2340 : vector<1x16xf32> to vector<16xf32>
    %get3A_2342 = arith.constant 20 : i32
    %get3A_2343 = arith.index_cast %get3A_2342 : i32 to index
    %get3A_2344 = arith.constant 0 : index
    %get3A_2345 = tpu.vector_load %arg11[%get3A_2343, %get3A_2344] {strides = array<i32>} : memref<32x64xf32, #tpu.memory_space<vmem>>, vector<1x16xf32>,
    %get3A_2346 = vector.shape_cast %get3A_2345 : vector<1x16xf32> to vector<16xf32>
    %mul3A_2347 = arith.mulf %get3A_2346, %get3A_2341 : vector<16xf32>
    %swap3A_2348 = arith.constant 20 : i32
    %swap3A_2349 = arith.index_cast %swap3A_2348 : i32 to index
    %swap3A_2350 = arith.constant 0 : index
    %swap3A_2351 = tpu.vector_load %arg11[%swap3A_2349, %swap3A_2350] {strides = array<i32>} : memref<32x64xf32, #tpu.memory_space<vmem>>, vector<1x16xf32>,
    %swap3A_2352 = vector.shape_cast %swap3A_2351 : vector<1x16xf32> to vector<16xf32>
    %swap3A_2353 = vector.shape_cast %mul3A_2347 : vector<16xf32> to vector<1x16xf32>
    tpu.vector_store %arg11[%swap3A_2349, %swap3A_2350], %swap3A_2353 {strides = array<i32>} : memref<32x64xf32, #tpu.memory_space<vmem>>, vector<1x16xf32>,
    %get3A_2354 = arith.constant 20 : i32
    %get3A_2355 = arith.index_cast %get3A_2354 : i32 to index
    %get3A_2356 = arith.constant 0 : index
    %get3A_2357 = tpu.vector_load %arg12[%get3A_2355, %get3A_2356] {strides = array<i32>} : memref<32x64xf32, #tpu.memory_space<vmem>>, vector<1x16xf32>,
    %get3A_2358 = vector.shape_cast %get3A_2357 : vector<1x16xf32> to vector<16xf32>
    %mul3A_2359 = arith.mulf %get3A_2358, %get3A_2341 : vector<16xf32>
    %swap3A_2360 = arith.constant 20 : i32
    %swap3A_2361 = arith.index_cast %swap3A_2360 : i32 to index
    %swap3A_2362 = arith.constant 0 : index
    %swap3A_2363 = tpu.vector_load %arg12[%swap3A_2361, %swap3A_2362] {strides = array<i32>} : memref<32x64xf32, #tpu.memory_space<vmem>>, vector<1x16xf32>,
    %swap3A_2364 = vector.shape_cast %swap3A_2363 : vector<1x16xf32> to vector<16xf32>
    %swap3A_2365 = vector.shape_cast %mul3A_2359 : vector<16xf32> to vector<1x16xf32>
    tpu.vector_store %arg12[%swap3A_2361, %swap3A_2362], %swap3A_2365 {strides = array<i32>} : memref<32x64xf32, #tpu.memory_space<vmem>>, vector<1x16xf32>,
    %get3A_2366 = arith.constant 20 : i32
    %get3A_2367 = arith.index_cast %get3A_2366 : i32 to index
    %get3A_2368 = arith.constant 16 : index
    %get3A_2369 = tpu.vector_load %arg13[%get3A_2367, %get3A_2368] {strides = array<i32>} : memref<32x64xf32, #tpu.memory_space<vmem>>, vector<1x16xf32>,
    %get3A_2370 = vector.shape_cast %get3A_2369 : vector<1x16xf32> to vector<16xf32>
    %get3A_2371 = arith.constant 20 : i32
    %get3A_2372 = arith.index_cast %get3A_2371 : i32 to index
    %get3A_2373 = arith.constant 16 : index
    %get3A_2374 = tpu.vector_load %arg11[%get3A_2372, %get3A_2373] {strides = array<i32>} : memref<32x64xf32, #tpu.memory_space<vmem>>, vector<1x16xf32>,
    %get3A_2375 = vector.shape_cast %get3A_2374 : vector<1x16xf32> to vector<16xf32>
    %mul3A_2376 = arith.mulf %get3A_2375, %get3A_2370 : vector<16xf32>
    %swap3A_2377 = arith.constant 20 : i32
    %swap3A_2378 = arith.index_cast %swap3A_2377 : i32 to index
    %swap3A_2379 = arith.constant 16 : index
    %swap3A_2380 = tpu.vector_load %arg11[%swap3A_2378, %swap3A_2379] {strides = array<i32>} : memref<32x64xf32, #tpu.memory_space<vmem>>, vector<1x16xf32>,
    %swap3A_2381 = vector.shape_cast %swap3A_2380 : vector<1x16xf32> to vector<16xf32>
    %swap3A_2382 = vector.shape_cast %mul3A_2376 : vector<16xf32> to vector<1x16xf32>
    tpu.vector_store %arg11[%swap3A_2378, %swap3A_2379], %swap3A_2382 {strides = array<i32>} : memref<32x64xf32, #tpu.memory_space<vmem>>, vector<1x16xf32>,
    %get3A_2383 = arith.constant 20 : i32
    %get3A_2384 = arith.index_cast %get3A_2383 : i32 to index
    %get3A_2385 = arith.constant 16 : index
    %get3A_2386 = tpu.vector_load %arg12[%get3A_2384, %get3A_2385] {strides = array<i32>} : memref<32x64xf32, #tpu.memory_space<vmem>>, vector<1x16xf32>,
    %get3A_2387 = vector.shape_cast %get3A_2386 : vector<1x16xf32> to vector<16xf32>
    %mul3A_2388 = arith.mulf %get3A_2387, %get3A_2370 : vector<16xf32>
    %swap3A_2389 = arith.constant 20 : i32
    %swap3A_2390 = arith.index_cast %swap3A_2389 : i32 to index
    %swap3A_2391 = arith.constant 16 : index
    %swap3A_2392 = tpu.vector_load %arg12[%swap3A_2390, %swap3A_2391] {strides = array<i32>} : memref<32x64xf32, #tpu.memory_space<vmem>>, vector<1x16xf32>,
    %swap3A_2393 = vector.shape_cast %swap3A_2392 : vector<1x16xf32> to vector<16xf32>
    %swap3A_2394 = vector.shape_cast %mul3A_2388 : vector<16xf32> to vector<1x16xf32>
    tpu.vector_store %arg12[%swap3A_2390, %swap3A_2391], %swap3A_2394 {strides = array<i32>} : memref<32x64xf32, #tpu.memory_space<vmem>>, vector<1x16xf32>,
    %get3A_2395 = arith.constant 20 : i32
    %get3A_2396 = arith.index_cast %get3A_2395 : i32 to index
    %get3A_2397 = arith.constant 32 : index
    %get3A_2398 = tpu.vector_load %arg13[%get3A_2396, %get3A_2397] {strides = array<i32>} : memref<32x64xf32, #tpu.memory_space<vmem>>, vector<1x16xf32>,
    %get3A_2399 = vector.shape_cast %get3A_2398 : vector<1x16xf32> to vector<16xf32>
    %get3A_2400 = arith.constant 20 : i32
    %get3A_2401 = arith.index_cast %get3A_2400 : i32 to index
    %get3A_2402 = arith.constant 32 : index
    %get3A_2403 = tpu.vector_load %arg11[%get3A_2401, %get3A_2402] {strides = array<i32>} : memref<32x64xf32, #tpu.memory_space<vmem>>, vector<1x16xf32>,
    %get3A_2404 = vector.shape_cast %get3A_2403 : vector<1x16xf32> to vector<16xf32>
    %mul3A_2405 = arith.mulf %get3A_2404, %get3A_2399 : vector<16xf32>
    %swap3A_2406 = arith.constant 20 : i32
    %swap3A_2407 = arith.index_cast %swap3A_2406 : i32 to index
    %swap3A_2408 = arith.constant 32 : index
    %swap3A_2409 = tpu.vector_load %arg11[%swap3A_2407, %swap3A_2408] {strides = array<i32>} : memref<32x64xf32, #tpu.memory_space<vmem>>, vector<1x16xf32>,
    %swap3A_2410 = vector.shape_cast %swap3A_2409 : vector<1x16xf32> to vector<16xf32>
    %swap3A_2411 = vector.shape_cast %mul3A_2405 : vector<16xf32> to vector<1x16xf32>
    tpu.vector_store %arg11[%swap3A_2407, %swap3A_2408], %swap3A_2411 {strides = array<i32>} : memref<32x64xf32, #tpu.memory_space<vmem>>, vector<1x16xf32>,
    %get3A_2412 = arith.constant 20 : i32
    %get3A_2413 = arith.index_cast %get3A_2412 : i32 to index
    %get3A_2414 = arith.constant 32 : index
    %get3A_2415 = tpu.vector_load %arg12[%get3A_2413, %get3A_2414] {strides = array<i32>} : memref<32x64xf32, #tpu.memory_space<vmem>>, vector<1x16xf32>,
    %get3A_2416 = vector.shape_cast %get3A_2415 : vector<1x16xf32> to vector<16xf32>
    %mul3A_2417 = arith.mulf %get3A_2416, %get3A_2399 : vector<16xf32>
    %swap3A_2418 = arith.constant 20 : i32
    %swap3A_2419 = arith.index_cast %swap3A_2418 : i32 to index
    %swap3A_2420 = arith.constant 32 : index
    %swap3A_2421 = tpu.vector_load %arg12[%swap3A_2419, %swap3A_2420] {strides = array<i32>} : memref<32x64xf32, #tpu.memory_space<vmem>>, vector<1x16xf32>,
    %swap3A_2422 = vector.shape_cast %swap3A_2421 : vector<1x16xf32> to vector<16xf32>
    %swap3A_2423 = vector.shape_cast %mul3A_2417 : vector<16xf32> to vector<1x16xf32>
    tpu.vector_store %arg12[%swap3A_2419, %swap3A_2420], %swap3A_2423 {strides = array<i32>} : memref<32x64xf32, #tpu.memory_space<vmem>>, vector<1x16xf32>,
    %get3A_2424 = arith.constant 20 : i32
    %get3A_2425 = arith.index_cast %get3A_2424 : i32 to index
    %get3A_2426 = arith.constant 48 : index
    %get3A_2427 = tpu.vector_load %arg13[%get3A_2425, %get3A_2426] {strides = array<i32>} : memref<32x64xf32, #tpu.memory_space<vmem>>, vector<1x16xf32>,
    %get3A_2428 = vector.shape_cast %get3A_2427 : vector<1x16xf32> to vector<16xf32>
    %get3A_2429 = arith.constant 20 : i32
    %get3A_2430 = arith.index_cast %get3A_2429 : i32 to index
    %get3A_2431 = arith.constant 48 : index
    %get3A_2432 = tpu.vector_load %arg11[%get3A_2430, %get3A_2431] {strides = array<i32>} : memref<32x64xf32, #tpu.memory_space<vmem>>, vector<1x16xf32>,
    %get3A_2433 = vector.shape_cast %get3A_2432 : vector<1x16xf32> to vector<16xf32>
    %mul3A_2434 = arith.mulf %get3A_2433, %get3A_2428 : vector<16xf32>
    %swap3A_2435 = arith.constant 20 : i32
    %swap3A_2436 = arith.index_cast %swap3A_2435 : i32 to index
    %swap3A_2437 = arith.constant 48 : index
    %swap3A_2438 = tpu.vector_load %arg11[%swap3A_2436, %swap3A_2437] {strides = array<i32>} : memref<32x64xf32, #tpu.memory_space<vmem>>, vector<1x16xf32>,
    %swap3A_2439 = vector.shape_cast %swap3A_2438 : vector<1x16xf32> to vector<16xf32>
    %swap3A_2440 = vector.shape_cast %mul3A_2434 : vector<16xf32> to vector<1x16xf32>
    tpu.vector_store %arg11[%swap3A_2436, %swap3A_2437], %swap3A_2440 {strides = array<i32>} : memref<32x64xf32, #tpu.memory_space<vmem>>, vector<1x16xf32>,
    %get3A_2441 = arith.constant 20 : i32
    %get3A_2442 = arith.index_cast %get3A_2441 : i32 to index
    %get3A_2443 = arith.constant 48 : index
    %get3A_2444 = tpu.vector_load %arg12[%get3A_2442, %get3A_2443] {strides = array<i32>} : memref<32x64xf32, #tpu.memory_space<vmem>>, vector<1x16xf32>,
    %get3A_2445 = vector.shape_cast %get3A_2444 : vector<1x16xf32> to vector<16xf32>
    %mul3A_2446 = arith.mulf %get3A_2445, %get3A_2428 : vector<16xf32>
    %swap3A_2447 = arith.constant 20 : i32
    %swap3A_2448 = arith.index_cast %swap3A_2447 : i32 to index
    %swap3A_2449 = arith.constant 48 : index
    %swap3A_2450 = tpu.vector_load %arg12[%swap3A_2448, %swap3A_2449] {strides = array<i32>} : memref<32x64xf32, #tpu.memory_space<vmem>>, vector<1x16xf32>,
    %swap3A_2451 = vector.shape_cast %swap3A_2450 : vector<1x16xf32> to vector<16xf32>
    %swap3A_2452 = vector.shape_cast %mul3A_2446 : vector<16xf32> to vector<1x16xf32>
    tpu.vector_store %arg12[%swap3A_2448, %swap3A_2449], %swap3A_2452 {strides = array<i32>} : memref<32x64xf32, #tpu.memory_space<vmem>>, vector<1x16xf32>,
    %get3A_2453 = arith.constant 21 : i32
    %get3A_2454 = arith.index_cast %get3A_2453 : i32 to index
    %get3A_2455 = arith.constant 0 : index
    %get3A_2456 = tpu.vector_load %arg13[%get3A_2454, %get3A_2455] {strides = array<i32>} : memref<32x64xf32, #tpu.memory_space<vmem>>, vector<1x16xf32>,
    %get3A_2457 = vector.shape_cast %get3A_2456 : vector<1x16xf32> to vector<16xf32>
    %get3A_2458 = arith.constant 21 : i32
    %get3A_2459 = arith.index_cast %get3A_2458 : i32 to index
    %get3A_2460 = arith.constant 0 : index
    %get3A_2461 = tpu.vector_load %arg11[%get3A_2459, %get3A_2460] {strides = array<i32>} : memref<32x64xf32, #tpu.memory_space<vmem>>, vector<1x16xf32>,
    %get3A_2462 = vector.shape_cast %get3A_2461 : vector<1x16xf32> to vector<16xf32>
    %mul3A_2463 = arith.mulf %get3A_2462, %get3A_2457 : vector<16xf32>
    %swap3A_2464 = arith.constant 21 : i32
    %swap3A_2465 = arith.index_cast %swap3A_2464 : i32 to index
    %swap3A_2466 = arith.constant 0 : index
    %swap3A_2467 = tpu.vector_load %arg11[%swap3A_2465, %swap3A_2466] {strides = array<i32>} : memref<32x64xf32, #tpu.memory_space<vmem>>, vector<1x16xf32>,
    %swap3A_2468 = vector.shape_cast %swap3A_2467 : vector<1x16xf32> to vector<16xf32>
    %swap3A_2469 = vector.shape_cast %mul3A_2463 : vector<16xf32> to vector<1x16xf32>
    tpu.vector_store %arg11[%swap3A_2465, %swap3A_2466], %swap3A_2469 {strides = array<i32>} : memref<32x64xf32, #tpu.memory_space<vmem>>, vector<1x16xf32>,
    %get3A_2470 = arith.constant 21 : i32
    %get3A_2471 = arith.index_cast %get3A_2470 : i32 to index
    %get3A_2472 = arith.constant 0 : index
    %get3A_2473 = tpu.vector_load %arg12[%get3A_2471, %get3A_2472] {strides = array<i32>} : memref<32x64xf32, #tpu.memory_space<vmem>>, vector<1x16xf32>,
    %get3A_2474 = vector.shape_cast %get3A_2473 : vector<1x16xf32> to vector<16xf32>
    %mul3A_2475 = arith.mulf %get3A_2474, %get3A_2457 : vector<16xf32>
    %swap3A_2476 = arith.constant 21 : i32
    %swap3A_2477 = arith.index_cast %swap3A_2476 : i32 to index
    %swap3A_2478 = arith.constant 0 : index
    %swap3A_2479 = tpu.vector_load %arg12[%swap3A_2477, %swap3A_2478] {strides = array<i32>} : memref<32x64xf32, #tpu.memory_space<vmem>>, vector<1x16xf32>,
    %swap3A_2480 = vector.shape_cast %swap3A_2479 : vector<1x16xf32> to vector<16xf32>
    %swap3A_2481 = vector.shape_cast %mul3A_2475 : vector<16xf32> to vector<1x16xf32>
    tpu.vector_store %arg12[%swap3A_2477, %swap3A_2478], %swap3A_2481 {strides = array<i32>} : memref<32x64xf32, #tpu.memory_space<vmem>>, vector<1x16xf32>,
    %get3A_2482 = arith.constant 21 : i32
    %get3A_2483 = arith.index_cast %get3A_2482 : i32 to index
    %get3A_2484 = arith.constant 16 : index
    %get3A_2485 = tpu.vector_load %arg13[%get3A_2483, %get3A_2484] {strides = array<i32>} : memref<32x64xf32, #tpu.memory_space<vmem>>, vector<1x16xf32>,
    %get3A_2486 = vector.shape_cast %get3A_2485 : vector<1x16xf32> to vector<16xf32>
    %get3A_2487 = arith.constant 21 : i32
    %get3A_2488 = arith.index_cast %get3A_2487 : i32 to index
    %get3A_2489 = arith.constant 16 : index
    %get3A_2490 = tpu.vector_load %arg11[%get3A_2488, %get3A_2489] {strides = array<i32>} : memref<32x64xf32, #tpu.memory_space<vmem>>, vector<1x16xf32>,
    %get3A_2491 = vector.shape_cast %get3A_2490 : vector<1x16xf32> to vector<16xf32>
    %mul3A_2492 = arith.mulf %get3A_2491, %get3A_2486 : vector<16xf32>
    %swap3A_2493 = arith.constant 21 : i32
    %swap3A_2494 = arith.index_cast %swap3A_2493 : i32 to index
    %swap3A_2495 = arith.constant 16 : index
    %swap3A_2496 = tpu.vector_load %arg11[%swap3A_2494, %swap3A_2495] {strides = array<i32>} : memref<32x64xf32, #tpu.memory_space<vmem>>, vector<1x16xf32>,
    %swap3A_2497 = vector.shape_cast %swap3A_2496 : vector<1x16xf32> to vector<16xf32>
    %swap3A_2498 = vector.shape_cast %mul3A_2492 : vector<16xf32> to vector<1x16xf32>
    tpu.vector_store %arg11[%swap3A_2494, %swap3A_2495], %swap3A_2498 {strides = array<i32>} : memref<32x64xf32, #tpu.memory_space<vmem>>, vector<1x16xf32>,
    %get3A_2499 = arith.constant 21 : i32
    %get3A_2500 = arith.index_cast %get3A_2499 : i32 to index
    %get3A_2501 = arith.constant 16 : index
    %get3A_2502 = tpu.vector_load %arg12[%get3A_2500, %get3A_2501] {strides = array<i32>} : memref<32x64xf32, #tpu.memory_space<vmem>>, vector<1x16xf32>,
    %get3A_2503 = vector.shape_cast %get3A_2502 : vector<1x16xf32> to vector<16xf32>
    %mul3A_2504 = arith.mulf %get3A_2503, %get3A_2486 : vector<16xf32>
    %swap3A_2505 = arith.constant 21 : i32
    %swap3A_2506 = arith.index_cast %swap3A_2505 : i32 to index
    %swap3A_2507 = arith.constant 16 : index
    %swap3A_2508 = tpu.vector_load %arg12[%swap3A_2506, %swap3A_2507] {strides = array<i32>} : memref<32x64xf32, #tpu.memory_space<vmem>>, vector<1x16xf32>,
    %swap3A_2509 = vector.shape_cast %swap3A_2508 : vector<1x16xf32> to vector<16xf32>
    %swap3A_2510 = vector.shape_cast %mul3A_2504 : vector<16xf32> to vector<1x16xf32>
    tpu.vector_store %arg12[%swap3A_2506, %swap3A_2507], %swap3A_2510 {strides = array<i32>} : memref<32x64xf32, #tpu.memory_space<vmem>>, vector<1x16xf32>,
    %get3A_2511 = arith.constant 21 : i32
    %get3A_2512 = arith.index_cast %get3A_2511 : i32 to index
    %get3A_2513 = arith.constant 32 : index
    %get3A_2514 = tpu.vector_load %arg13[%get3A_2512, %get3A_2513] {strides = array<i32>} : memref<32x64xf32, #tpu.memory_space<vmem>>, vector<1x16xf32>,
    %get3A_2515 = vector.shape_cast %get3A_2514 : vector<1x16xf32> to vector<16xf32>
    %get3A_2516 = arith.constant 21 : i32
    %get3A_2517 = arith.index_cast %get3A_2516 : i32 to index
    %get3A_2518 = arith.constant 32 : index
    %get3A_2519 = tpu.vector_load %arg11[%get3A_2517, %get3A_2518] {strides = array<i32>} : memref<32x64xf32, #tpu.memory_space<vmem>>, vector<1x16xf32>,
    %get3A_2520 = vector.shape_cast %get3A_2519 : vector<1x16xf32> to vector<16xf32>
    %mul3A_2521 = arith.mulf %get3A_2520, %get3A_2515 : vector<16xf32>
    %swap3A_2522 = arith.constant 21 : i32
    %swap3A_2523 = arith.index_cast %swap3A_2522 : i32 to index
    %swap3A_2524 = arith.constant 32 : index
    %swap3A_2525 = tpu.vector_load %arg11[%swap3A_2523, %swap3A_2524] {strides = array<i32>} : memref<32x64xf32, #tpu.memory_space<vmem>>, vector<1x16xf32>,
    %swap3A_2526 = vector.shape_cast %swap3A_2525 : vector<1x16xf32> to vector<16xf32>
    %swap3A_2527 = vector.shape_cast %mul3A_2521 : vector<16xf32> to vector<1x16xf32>
    tpu.vector_store %arg11[%swap3A_2523, %swap3A_2524], %swap3A_2527 {strides = array<i32>} : memref<32x64xf32, #tpu.memory_space<vmem>>, vector<1x16xf32>,
    %get3A_2528 = arith.constant 21 : i32
    %get3A_2529 = arith.index_cast %get3A_2528 : i32 to index
    %get3A_2530 = arith.constant 32 : index
    %get3A_2531 = tpu.vector_load %arg12[%get3A_2529, %get3A_2530] {strides = array<i32>} : memref<32x64xf32, #tpu.memory_space<vmem>>, vector<1x16xf32>,
    %get3A_2532 = vector.shape_cast %get3A_2531 : vector<1x16xf32> to vector<16xf32>
    %mul3A_2533 = arith.mulf %get3A_2532, %get3A_2515 : vector<16xf32>
    %swap3A_2534 = arith.constant 21 : i32
    %swap3A_2535 = arith.index_cast %swap3A_2534 : i32 to index
    %swap3A_2536 = arith.constant 32 : index
    %swap3A_2537 = tpu.vector_load %arg12[%swap3A_2535, %swap3A_2536] {strides = array<i32>} : memref<32x64xf32, #tpu.memory_space<vmem>>, vector<1x16xf32>,
    %swap3A_2538 = vector.shape_cast %swap3A_2537 : vector<1x16xf32> to vector<16xf32>
    %swap3A_2539 = vector.shape_cast %mul3A_2533 : vector<16xf32> to vector<1x16xf32>
    tpu.vector_store %arg12[%swap3A_2535, %swap3A_2536], %swap3A_2539 {strides = array<i32>} : memref<32x64xf32, #tpu.memory_space<vmem>>, vector<1x16xf32>,
    %get3A_2540 = arith.constant 21 : i32
    %get3A_2541 = arith.index_cast %get3A_2540 : i32 to index
    %get3A_2542 = arith.constant 48 : index
    %get3A_2543 = tpu.vector_load %arg13[%get3A_2541, %get3A_2542] {strides = array<i32>} : memref<32x64xf32, #tpu.memory_space<vmem>>, vector<1x16xf32>,
    %get3A_2544 = vector.shape_cast %get3A_2543 : vector<1x16xf32> to vector<16xf32>
    %get3A_2545 = arith.constant 21 : i32
    %get3A_2546 = arith.index_cast %get3A_2545 : i32 to index
    %get3A_2547 = arith.constant 48 : index
    %get3A_2548 = tpu.vector_load %arg11[%get3A_2546, %get3A_2547] {strides = array<i32>} : memref<32x64xf32, #tpu.memory_space<vmem>>, vector<1x16xf32>,
    %get3A_2549 = vector.shape_cast %get3A_2548 : vector<1x16xf32> to vector<16xf32>
    %mul3A_2550 = arith.mulf %get3A_2549, %get3A_2544 : vector<16xf32>
    %swap3A_2551 = arith.constant 21 : i32
    %swap3A_2552 = arith.index_cast %swap3A_2551 : i32 to index
    %swap3A_2553 = arith.constant 48 : index
    %swap3A_2554 = tpu.vector_load %arg11[%swap3A_2552, %swap3A_2553] {strides = array<i32>} : memref<32x64xf32, #tpu.memory_space<vmem>>, vector<1x16xf32>,
    %swap3A_2555 = vector.shape_cast %swap3A_2554 : vector<1x16xf32> to vector<16xf32>
    %swap3A_2556 = vector.shape_cast %mul3A_2550 : vector<16xf32> to vector<1x16xf32>
    tpu.vector_store %arg11[%swap3A_2552, %swap3A_2553], %swap3A_2556 {strides = array<i32>} : memref<32x64xf32, #tpu.memory_space<vmem>>, vector<1x16xf32>,
    %get3A_2557 = arith.constant 21 : i32
    %get3A_2558 = arith.index_cast %get3A_2557 : i32 to index
    %get3A_2559 = arith.constant 48 : index
    %get3A_2560 = tpu.vector_load %arg12[%get3A_2558, %get3A_2559] {strides = array<i32>} : memref<32x64xf32, #tpu.memory_space<vmem>>, vector<1x16xf32>,
    %get3A_2561 = vector.shape_cast %get3A_2560 : vector<1x16xf32> to vector<16xf32>
    %mul3A_2562 = arith.mulf %get3A_2561, %get3A_2544 : vector<16xf32>
    %swap3A_2563 = arith.constant 21 : i32
    %swap3A_2564 = arith.index_cast %swap3A_2563 : i32 to index
    %swap3A_2565 = arith.constant 48 : index
    %swap3A_2566 = tpu.vector_load %arg12[%swap3A_2564, %swap3A_2565] {strides = array<i32>} : memref<32x64xf32, #tpu.memory_space<vmem>>, vector<1x16xf32>,
    %swap3A_2567 = vector.shape_cast %swap3A_2566 : vector<1x16xf32> to vector<16xf32>
    %swap3A_2568 = vector.shape_cast %mul3A_2562 : vector<16xf32> to vector<1x16xf32>
    tpu.vector_store %arg12[%swap3A_2564, %swap3A_2565], %swap3A_2568 {strides = array<i32>} : memref<32x64xf32, #tpu.memory_space<vmem>>, vector<1x16xf32>,
    %get3A_2569 = arith.constant 22 : i32
    %get3A_2570 = arith.index_cast %get3A_2569 : i32 to index
    %get3A_2571 = arith.constant 0 : index
    %get3A_2572 = tpu.vector_load %arg13[%get3A_2570, %get3A_2571] {strides = array<i32>} : memref<32x64xf32, #tpu.memory_space<vmem>>, vector<1x16xf32>,
    %get3A_2573 = vector.shape_cast %get3A_2572 : vector<1x16xf32> to vector<16xf32>
    %get3A_2574 = arith.constant 22 : i32
    %get3A_2575 = arith.index_cast %get3A_2574 : i32 to index
    %get3A_2576 = arith.constant 0 : index
    %get3A_2577 = tpu.vector_load %arg11[%get3A_2575, %get3A_2576] {strides = array<i32>} : memref<32x64xf32, #tpu.memory_space<vmem>>, vector<1x16xf32>,
    %get3A_2578 = vector.shape_cast %get3A_2577 : vector<1x16xf32> to vector<16xf32>
    %mul3A_2579 = arith.mulf %get3A_2578, %get3A_2573 : vector<16xf32>
    %swap3A_2580 = arith.constant 22 : i32
    %swap3A_2581 = arith.index_cast %swap3A_2580 : i32 to index
    %swap3A_2582 = arith.constant 0 : index
    %swap3A_2583 = tpu.vector_load %arg11[%swap3A_2581, %swap3A_2582] {strides = array<i32>} : memref<32x64xf32, #tpu.memory_space<vmem>>, vector<1x16xf32>,
    %swap3A_2584 = vector.shape_cast %swap3A_2583 : vector<1x16xf32> to vector<16xf32>
    %swap3A_2585 = vector.shape_cast %mul3A_2579 : vector<16xf32> to vector<1x16xf32>
    tpu.vector_store %arg11[%swap3A_2581, %swap3A_2582], %swap3A_2585 {strides = array<i32>} : memref<32x64xf32, #tpu.memory_space<vmem>>, vector<1x16xf32>,
    %get3A_2586 = arith.constant 22 : i32
    %get3A_2587 = arith.index_cast %get3A_2586 : i32 to index
    %get3A_2588 = arith.constant 0 : index
    %get3A_2589 = tpu.vector_load %arg12[%get3A_2587, %get3A_2588] {strides = array<i32>} : memref<32x64xf32, #tpu.memory_space<vmem>>, vector<1x16xf32>,
    %get3A_2590 = vector.shape_cast %get3A_2589 : vector<1x16xf32> to vector<16xf32>
    %mul3A_2591 = arith.mulf %get3A_2590, %get3A_2573 : vector<16xf32>
    %swap3A_2592 = arith.constant 22 : i32
    %swap3A_2593 = arith.index_cast %swap3A_2592 : i32 to index
    %swap3A_2594 = arith.constant 0 : index
    %swap3A_2595 = tpu.vector_load %arg12[%swap3A_2593, %swap3A_2594] {strides = array<i32>} : memref<32x64xf32, #tpu.memory_space<vmem>>, vector<1x16xf32>,
    %swap3A_2596 = vector.shape_cast %swap3A_2595 : vector<1x16xf32> to vector<16xf32>
    %swap3A_2597 = vector.shape_cast %mul3A_2591 : vector<16xf32> to vector<1x16xf32>
    tpu.vector_store %arg12[%swap3A_2593, %swap3A_2594], %swap3A_2597 {strides = array<i32>} : memref<32x64xf32, #tpu.memory_space<vmem>>, vector<1x16xf32>,
    %get3A_2598 = arith.constant 22 : i32
    %get3A_2599 = arith.index_cast %get3A_2598 : i32 to index
    %get3A_2600 = arith.constant 16 : index
    %get3A_2601 = tpu.vector_load %arg13[%get3A_2599, %get3A_2600] {strides = array<i32>} : memref<32x64xf32, #tpu.memory_space<vmem>>, vector<1x16xf32>,
    %get3A_2602 = vector.shape_cast %get3A_2601 : vector<1x16xf32> to vector<16xf32>
    %get3A_2603 = arith.constant 22 : i32
    %get3A_2604 = arith.index_cast %get3A_2603 : i32 to index
    %get3A_2605 = arith.constant 16 : index
    %get3A_2606 = tpu.vector_load %arg11[%get3A_2604, %get3A_2605] {strides = array<i32>} : memref<32x64xf32, #tpu.memory_space<vmem>>, vector<1x16xf32>,
    %get3A_2607 = vector.shape_cast %get3A_2606 : vector<1x16xf32> to vector<16xf32>
    %mul3A_2608 = arith.mulf %get3A_2607, %get3A_2602 : vector<16xf32>
    %swap3A_2609 = arith.constant 22 : i32
    %swap3A_2610 = arith.index_cast %swap3A_2609 : i32 to index
    %swap3A_2611 = arith.constant 16 : index
    %swap3A_2612 = tpu.vector_load %arg11[%swap3A_2610, %swap3A_2611] {strides = array<i32>} : memref<32x64xf32, #tpu.memory_space<vmem>>, vector<1x16xf32>,
    %swap3A_2613 = vector.shape_cast %swap3A_2612 : vector<1x16xf32> to vector<16xf32>
    %swap3A_2614 = vector.shape_cast %mul3A_2608 : vector<16xf32> to vector<1x16xf32>
    tpu.vector_store %arg11[%swap3A_2610, %swap3A_2611], %swap3A_2614 {strides = array<i32>} : memref<32x64xf32, #tpu.memory_space<vmem>>, vector<1x16xf32>,
    %get3A_2615 = arith.constant 22 : i32
    %get3A_2616 = arith.index_cast %get3A_2615 : i32 to index
    %get3A_2617 = arith.constant 16 : index
    %get3A_2618 = tpu.vector_load %arg12[%get3A_2616, %get3A_2617] {strides = array<i32>} : memref<32x64xf32, #tpu.memory_space<vmem>>, vector<1x16xf32>,
    %get3A_2619 = vector.shape_cast %get3A_2618 : vector<1x16xf32> to vector<16xf32>
    %mul3A_2620 = arith.mulf %get3A_2619, %get3A_2602 : vector<16xf32>
    %swap3A_2621 = arith.constant 22 : i32
    %swap3A_2622 = arith.index_cast %swap3A_2621 : i32 to index
    %swap3A_2623 = arith.constant 16 : index
    %swap3A_2624 = tpu.vector_load %arg12[%swap3A_2622, %swap3A_2623] {strides = array<i32>} : memref<32x64xf32, #tpu.memory_space<vmem>>, vector<1x16xf32>,
    %swap3A_2625 = vector.shape_cast %swap3A_2624 : vector<1x16xf32> to vector<16xf32>
    %swap3A_2626 = vector.shape_cast %mul3A_2620 : vector<16xf32> to vector<1x16xf32>
    tpu.vector_store %arg12[%swap3A_2622, %swap3A_2623], %swap3A_2626 {strides = array<i32>} : memref<32x64xf32, #tpu.memory_space<vmem>>, vector<1x16xf32>,
    %get3A_2627 = arith.constant 22 : i32
    %get3A_2628 = arith.index_cast %get3A_2627 : i32 to index
    %get3A_2629 = arith.constant 32 : index
    %get3A_2630 = tpu.vector_load %arg13[%get3A_2628, %get3A_2629] {strides = array<i32>} : memref<32x64xf32, #tpu.memory_space<vmem>>, vector<1x16xf32>,
    %get3A_2631 = vector.shape_cast %get3A_2630 : vector<1x16xf32> to vector<16xf32>
    %get3A_2632 = arith.constant 22 : i32
    %get3A_2633 = arith.index_cast %get3A_2632 : i32 to index
    %get3A_2634 = arith.constant 32 : index
    %get3A_2635 = tpu.vector_load %arg11[%get3A_2633, %get3A_2634] {strides = array<i32>} : memref<32x64xf32, #tpu.memory_space<vmem>>, vector<1x16xf32>,
    %get3A_2636 = vector.shape_cast %get3A_2635 : vector<1x16xf32> to vector<16xf32>
    %mul3A_2637 = arith.mulf %get3A_2636, %get3A_2631 : vector<16xf32>
    %swap3A_2638 = arith.constant 22 : i32
    %swap3A_2639 = arith.index_cast %swap3A_2638 : i32 to index
    %swap3A_2640 = arith.constant 32 : index
    %swap3A_2641 = tpu.vector_load %arg11[%swap3A_2639, %swap3A_2640] {strides = array<i32>} : memref<32x64xf32, #tpu.memory_space<vmem>>, vector<1x16xf32>,
    %swap3A_2642 = vector.shape_cast %swap3A_2641 : vector<1x16xf32> to vector<16xf32>
    %swap3A_2643 = vector.shape_cast %mul3A_2637 : vector<16xf32> to vector<1x16xf32>
    tpu.vector_store %arg11[%swap3A_2639, %swap3A_2640], %swap3A_2643 {strides = array<i32>} : memref<32x64xf32, #tpu.memory_space<vmem>>, vector<1x16xf32>,
    %get3A_2644 = arith.constant 22 : i32
    %get3A_2645 = arith.index_cast %get3A_2644 : i32 to index
    %get3A_2646 = arith.constant 32 : index
    %get3A_2647 = tpu.vector_load %arg12[%get3A_2645, %get3A_2646] {strides = array<i32>} : memref<32x64xf32, #tpu.memory_space<vmem>>, vector<1x16xf32>,
    %get3A_2648 = vector.shape_cast %get3A_2647 : vector<1x16xf32> to vector<16xf32>
    %mul3A_2649 = arith.mulf %get3A_2648, %get3A_2631 : vector<16xf32>
    %swap3A_2650 = arith.constant 22 : i32
    %swap3A_2651 = arith.index_cast %swap3A_2650 : i32 to index
    %swap3A_2652 = arith.constant 32 : index
    %swap3A_2653 = tpu.vector_load %arg12[%swap3A_2651, %swap3A_2652] {strides = array<i32>} : memref<32x64xf32, #tpu.memory_space<vmem>>, vector<1x16xf32>,
    %swap3A_2654 = vector.shape_cast %swap3A_2653 : vector<1x16xf32> to vector<16xf32>
    %swap3A_2655 = vector.shape_cast %mul3A_2649 : vector<16xf32> to vector<1x16xf32>
    tpu.vector_store %arg12[%swap3A_2651, %swap3A_2652], %swap3A_2655 {strides = array<i32>} : memref<32x64xf32, #tpu.memory_space<vmem>>, vector<1x16xf32>,
    %get3A_2656 = arith.constant 22 : i32
    %get3A_2657 = arith.index_cast %get3A_2656 : i32 to index
    %get3A_2658 = arith.constant 48 : index
    %get3A_2659 = tpu.vector_load %arg13[%get3A_2657, %get3A_2658] {strides = array<i32>} : memref<32x64xf32, #tpu.memory_space<vmem>>, vector<1x16xf32>,
    %get3A_2660 = vector.shape_cast %get3A_2659 : vector<1x16xf32> to vector<16xf32>
    %get3A_2661 = arith.constant 22 : i32
    %get3A_2662 = arith.index_cast %get3A_2661 : i32 to index
    %get3A_2663 = arith.constant 48 : index
    %get3A_2664 = tpu.vector_load %arg11[%get3A_2662, %get3A_2663] {strides = array<i32>} : memref<32x64xf32, #tpu.memory_space<vmem>>, vector<1x16xf32>,
    %get3A_2665 = vector.shape_cast %get3A_2664 : vector<1x16xf32> to vector<16xf32>
    %mul3A_2666 = arith.mulf %get3A_2665, %get3A_2660 : vector<16xf32>
    %swap3A_2667 = arith.constant 22 : i32
    %swap3A_2668 = arith.index_cast %swap3A_2667 : i32 to index
    %swap3A_2669 = arith.constant 48 : index
    %swap3A_2670 = tpu.vector_load %arg11[%swap3A_2668, %swap3A_2669] {strides = array<i32>} : memref<32x64xf32, #tpu.memory_space<vmem>>, vector<1x16xf32>,
    %swap3A_2671 = vector.shape_cast %swap3A_2670 : vector<1x16xf32> to vector<16xf32>
    %swap3A_2672 = vector.shape_cast %mul3A_2666 : vector<16xf32> to vector<1x16xf32>
    tpu.vector_store %arg11[%swap3A_2668, %swap3A_2669], %swap3A_2672 {strides = array<i32>} : memref<32x64xf32, #tpu.memory_space<vmem>>, vector<1x16xf32>,
    %get3A_2673 = arith.constant 22 : i32
    %get3A_2674 = arith.index_cast %get3A_2673 : i32 to index
    %get3A_2675 = arith.constant 48 : index
    %get3A_2676 = tpu.vector_load %arg12[%get3A_2674, %get3A_2675] {strides = array<i32>} : memref<32x64xf32, #tpu.memory_space<vmem>>, vector<1x16xf32>,
    %get3A_2677 = vector.shape_cast %get3A_2676 : vector<1x16xf32> to vector<16xf32>
    %mul3A_2678 = arith.mulf %get3A_2677, %get3A_2660 : vector<16xf32>
    %swap3A_2679 = arith.constant 22 : i32
    %swap3A_2680 = arith.index_cast %swap3A_2679 : i32 to index
    %swap3A_2681 = arith.constant 48 : index
    %swap3A_2682 = tpu.vector_load %arg12[%swap3A_2680, %swap3A_2681] {strides = array<i32>} : memref<32x64xf32, #tpu.memory_space<vmem>>, vector<1x16xf32>,
    %swap3A_2683 = vector.shape_cast %swap3A_2682 : vector<1x16xf32> to vector<16xf32>
    %swap3A_2684 = vector.shape_cast %mul3A_2678 : vector<16xf32> to vector<1x16xf32>
    tpu.vector_store %arg12[%swap3A_2680, %swap3A_2681], %swap3A_2684 {strides = array<i32>} : memref<32x64xf32, #tpu.memory_space<vmem>>, vector<1x16xf32>,
    %get3A_2685 = arith.constant 23 : i32
    %get3A_2686 = arith.index_cast %get3A_2685 : i32 to index
    %get3A_2687 = arith.constant 0 : index
    %get3A_2688 = tpu.vector_load %arg13[%get3A_2686, %get3A_2687] {strides = array<i32>} : memref<32x64xf32, #tpu.memory_space<vmem>>, vector<1x16xf32>,
    %get3A_2689 = vector.shape_cast %get3A_2688 : vector<1x16xf32> to vector<16xf32>
    %get3A_2690 = arith.constant 23 : i32
    %get3A_2691 = arith.index_cast %get3A_2690 : i32 to index
    %get3A_2692 = arith.constant 0 : index
    %get3A_2693 = tpu.vector_load %arg11[%get3A_2691, %get3A_2692] {strides = array<i32>} : memref<32x64xf32, #tpu.memory_space<vmem>>, vector<1x16xf32>,
    %get3A_2694 = vector.shape_cast %get3A_2693 : vector<1x16xf32> to vector<16xf32>
    %mul3A_2695 = arith.mulf %get3A_2694, %get3A_2689 : vector<16xf32>
    %swap3A_2696 = arith.constant 23 : i32
    %swap3A_2697 = arith.index_cast %swap3A_2696 : i32 to index
    %swap3A_2698 = arith.constant 0 : index
    %swap3A_2699 = tpu.vector_load %arg11[%swap3A_2697, %swap3A_2698] {strides = array<i32>} : memref<32x64xf32, #tpu.memory_space<vmem>>, vector<1x16xf32>,
    %swap3A_2700 = vector.shape_cast %swap3A_2699 : vector<1x16xf32> to vector<16xf32>
    %swap3A_2701 = vector.shape_cast %mul3A_2695 : vector<16xf32> to vector<1x16xf32>
    tpu.vector_store %arg11[%swap3A_2697, %swap3A_2698], %swap3A_2701 {strides = array<i32>} : memref<32x64xf32, #tpu.memory_space<vmem>>, vector<1x16xf32>,
    %get3A_2702 = arith.constant 23 : i32
    %get3A_2703 = arith.index_cast %get3A_2702 : i32 to index
    %get3A_2704 = arith.constant 0 : index
    %get3A_2705 = tpu.vector_load %arg12[%get3A_2703, %get3A_2704] {strides = array<i32>} : memref<32x64xf32, #tpu.memory_space<vmem>>, vector<1x16xf32>,
    %get3A_2706 = vector.shape_cast %get3A_2705 : vector<1x16xf32> to vector<16xf32>
    %mul3A_2707 = arith.mulf %get3A_2706, %get3A_2689 : vector<16xf32>
    %swap3A_2708 = arith.constant 23 : i32
    %swap3A_2709 = arith.index_cast %swap3A_2708 : i32 to index
    %swap3A_2710 = arith.constant 0 : index
    %swap3A_2711 = tpu.vector_load %arg12[%swap3A_2709, %swap3A_2710] {strides = array<i32>} : memref<32x64xf32, #tpu.memory_space<vmem>>, vector<1x16xf32>,
    %swap3A_2712 = vector.shape_cast %swap3A_2711 : vector<1x16xf32> to vector<16xf32>
    %swap3A_2713 = vector.shape_cast %mul3A_2707 : vector<16xf32> to vector<1x16xf32>
    tpu.vector_store %arg12[%swap3A_2709, %swap3A_2710], %swap3A_2713 {strides = array<i32>} : memref<32x64xf32, #tpu.memory_space<vmem>>, vector<1x16xf32>,
    %get3A_2714 = arith.constant 23 : i32
    %get3A_2715 = arith.index_cast %get3A_2714 : i32 to index
    %get3A_2716 = arith.constant 16 : index
    %get3A_2717 = tpu.vector_load %arg13[%get3A_2715, %get3A_2716] {strides = array<i32>} : memref<32x64xf32, #tpu.memory_space<vmem>>, vector<1x16xf32>,
    %get3A_2718 = vector.shape_cast %get3A_2717 : vector<1x16xf32> to vector<16xf32>
    %get3A_2719 = arith.constant 23 : i32
    %get3A_2720 = arith.index_cast %get3A_2719 : i32 to index
    %get3A_2721 = arith.constant 16 : index
    %get3A_2722 = tpu.vector_load %arg11[%get3A_2720, %get3A_2721] {strides = array<i32>} : memref<32x64xf32, #tpu.memory_space<vmem>>, vector<1x16xf32>,
    %get3A_2723 = vector.shape_cast %get3A_2722 : vector<1x16xf32> to vector<16xf32>
    %mul3A_2724 = arith.mulf %get3A_2723, %get3A_2718 : vector<16xf32>
    %swap3A_2725 = arith.constant 23 : i32
    %swap3A_2726 = arith.index_cast %swap3A_2725 : i32 to index
    %swap3A_2727 = arith.constant 16 : index
    %swap3A_2728 = tpu.vector_load %arg11[%swap3A_2726, %swap3A_2727] {strides = array<i32>} : memref<32x64xf32, #tpu.memory_space<vmem>>, vector<1x16xf32>,
    %swap3A_2729 = vector.shape_cast %swap3A_2728 : vector<1x16xf32> to vector<16xf32>
    %swap3A_2730 = vector.shape_cast %mul3A_2724 : vector<16xf32> to vector<1x16xf32>
    tpu.vector_store %arg11[%swap3A_2726, %swap3A_2727], %swap3A_2730 {strides = array<i32>} : memref<32x64xf32, #tpu.memory_space<vmem>>, vector<1x16xf32>,
    %get3A_2731 = arith.constant 23 : i32
    %get3A_2732 = arith.index_cast %get3A_2731 : i32 to index
    %get3A_2733 = arith.constant 16 : index
    %get3A_2734 = tpu.vector_load %arg12[%get3A_2732, %get3A_2733] {strides = array<i32>} : memref<32x64xf32, #tpu.memory_space<vmem>>, vector<1x16xf32>,
    %get3A_2735 = vector.shape_cast %get3A_2734 : vector<1x16xf32> to vector<16xf32>
    %mul3A_2736 = arith.mulf %get3A_2735, %get3A_2718 : vector<16xf32>
    %swap3A_2737 = arith.constant 23 : i32
    %swap3A_2738 = arith.index_cast %swap3A_2737 : i32 to index
    %swap3A_2739 = arith.constant 16 : index
    %swap3A_2740 = tpu.vector_load %arg12[%swap3A_2738, %swap3A_2739] {strides = array<i32>} : memref<32x64xf32, #tpu.memory_space<vmem>>, vector<1x16xf32>,
    %swap3A_2741 = vector.shape_cast %swap3A_2740 : vector<1x16xf32> to vector<16xf32>
    %swap3A_2742 = vector.shape_cast %mul3A_2736 : vector<16xf32> to vector<1x16xf32>
    tpu.vector_store %arg12[%swap3A_2738, %swap3A_2739], %swap3A_2742 {strides = array<i32>} : memref<32x64xf32, #tpu.memory_space<vmem>>, vector<1x16xf32>,
    %get3A_2743 = arith.constant 23 : i32
    %get3A_2744 = arith.index_cast %get3A_2743 : i32 to index
    %get3A_2745 = arith.constant 32 : index
    %get3A_2746 = tpu.vector_load %arg13[%get3A_2744, %get3A_2745] {strides = array<i32>} : memref<32x64xf32, #tpu.memory_space<vmem>>, vector<1x16xf32>,
    %get3A_2747 = vector.shape_cast %get3A_2746 : vector<1x16xf32> to vector<16xf32>
    %get3A_2748 = arith.constant 23 : i32
    %get3A_2749 = arith.index_cast %get3A_2748 : i32 to index
    %get3A_2750 = arith.constant 32 : index
    %get3A_2751 = tpu.vector_load %arg11[%get3A_2749, %get3A_2750] {strides = array<i32>} : memref<32x64xf32, #tpu.memory_space<vmem>>, vector<1x16xf32>,
    %get3A_2752 = vector.shape_cast %get3A_2751 : vector<1x16xf32> to vector<16xf32>
    %mul3A_2753 = arith.mulf %get3A_2752, %get3A_2747 : vector<16xf32>
    %swap3A_2754 = arith.constant 23 : i32
    %swap3A_2755 = arith.index_cast %swap3A_2754 : i32 to index
    %swap3A_2756 = arith.constant 32 : index
    %swap3A_2757 = tpu.vector_load %arg11[%swap3A_2755, %swap3A_2756] {strides = array<i32>} : memref<32x64xf32, #tpu.memory_space<vmem>>, vector<1x16xf32>,
    %swap3A_2758 = vector.shape_cast %swap3A_2757 : vector<1x16xf32> to vector<16xf32>
    %swap3A_2759 = vector.shape_cast %mul3A_2753 : vector<16xf32> to vector<1x16xf32>
    tpu.vector_store %arg11[%swap3A_2755, %swap3A_2756], %swap3A_2759 {strides = array<i32>} : memref<32x64xf32, #tpu.memory_space<vmem>>, vector<1x16xf32>,
    %get3A_2760 = arith.constant 23 : i32
    %get3A_2761 = arith.index_cast %get3A_2760 : i32 to index
    %get3A_2762 = arith.constant 32 : index
    %get3A_2763 = tpu.vector_load %arg12[%get3A_2761, %get3A_2762] {strides = array<i32>} : memref<32x64xf32, #tpu.memory_space<vmem>>, vector<1x16xf32>,
    %get3A_2764 = vector.shape_cast %get3A_2763 : vector<1x16xf32> to vector<16xf32>
    %mul3A_2765 = arith.mulf %get3A_2764, %get3A_2747 : vector<16xf32>
    %swap3A_2766 = arith.constant 23 : i32
    %swap3A_2767 = arith.index_cast %swap3A_2766 : i32 to index
    %swap3A_2768 = arith.constant 32 : index
    %swap3A_2769 = tpu.vector_load %arg12[%swap3A_2767, %swap3A_2768] {strides = array<i32>} : memref<32x64xf32, #tpu.memory_space<vmem>>, vector<1x16xf32>,
    %swap3A_2770 = vector.shape_cast %swap3A_2769 : vector<1x16xf32> to vector<16xf32>
    %swap3A_2771 = vector.shape_cast %mul3A_2765 : vector<16xf32> to vector<1x16xf32>
    tpu.vector_store %arg12[%swap3A_2767, %swap3A_2768], %swap3A_2771 {strides = array<i32>} : memref<32x64xf32, #tpu.memory_space<vmem>>, vector<1x16xf32>,
    %get3A_2772 = arith.constant 23 : i32
    %get3A_2773 = arith.index_cast %get3A_2772 : i32 to index
    %get3A_2774 = arith.constant 48 : index
    %get3A_2775 = tpu.vector_load %arg13[%get3A_2773, %get3A_2774] {strides = array<i32>} : memref<32x64xf32, #tpu.memory_space<vmem>>, vector<1x16xf32>,
    %get3A_2776 = vector.shape_cast %get3A_2775 : vector<1x16xf32> to vector<16xf32>
    %get3A_2777 = arith.constant 23 : i32
    %get3A_2778 = arith.index_cast %get3A_2777 : i32 to index
    %get3A_2779 = arith.constant 48 : index
    %get3A_2780 = tpu.vector_load %arg11[%get3A_2778, %get3A_2779] {strides = array<i32>} : memref<32x64xf32, #tpu.memory_space<vmem>>, vector<1x16xf32>,
    %get3A_2781 = vector.shape_cast %get3A_2780 : vector<1x16xf32> to vector<16xf32>
    %mul3A_2782 = arith.mulf %get3A_2781, %get3A_2776 : vector<16xf32>
    %swap3A_2783 = arith.constant 23 : i32
    %swap3A_2784 = arith.index_cast %swap3A_2783 : i32 to index
    %swap3A_2785 = arith.constant 48 : index
    %swap3A_2786 = tpu.vector_load %arg11[%swap3A_2784, %swap3A_2785] {strides = array<i32>} : memref<32x64xf32, #tpu.memory_space<vmem>>, vector<1x16xf32>,
    %swap3A_2787 = vector.shape_cast %swap3A_2786 : vector<1x16xf32> to vector<16xf32>
    %swap3A_2788 = vector.shape_cast %mul3A_2782 : vector<16xf32> to vector<1x16xf32>
    tpu.vector_store %arg11[%swap3A_2784, %swap3A_2785], %swap3A_2788 {strides = array<i32>} : memref<32x64xf32, #tpu.memory_space<vmem>>, vector<1x16xf32>,
    %get3A_2789 = arith.constant 23 : i32
    %get3A_2790 = arith.index_cast %get3A_2789 : i32 to index
    %get3A_2791 = arith.constant 48 : index
    %get3A_2792 = tpu.vector_load %arg12[%get3A_2790, %get3A_2791] {strides = array<i32>} : memref<32x64xf32, #tpu.memory_space<vmem>>, vector<1x16xf32>,
    %get3A_2793 = vector.shape_cast %get3A_2792 : vector<1x16xf32> to vector<16xf32>
    %mul3A_2794 = arith.mulf %get3A_2793, %get3A_2776 : vector<16xf32>
    %swap3A_2795 = arith.constant 23 : i32
    %swap3A_2796 = arith.index_cast %swap3A_2795 : i32 to index
    %swap3A_2797 = arith.constant 48 : index
    %swap3A_2798 = tpu.vector_load %arg12[%swap3A_2796, %swap3A_2797] {strides = array<i32>} : memref<32x64xf32, #tpu.memory_space<vmem>>, vector<1x16xf32>,
    %swap3A_2799 = vector.shape_cast %swap3A_2798 : vector<1x16xf32> to vector<16xf32>
    %swap3A_2800 = vector.shape_cast %mul3A_2794 : vector<16xf32> to vector<1x16xf32>
    tpu.vector_store %arg12[%swap3A_2796, %swap3A_2797], %swap3A_2800 {strides = array<i32>} : memref<32x64xf32, #tpu.memory_space<vmem>>, vector<1x16xf32>,
    %get3A_2801 = arith.constant 24 : i32
    %get3A_2802 = arith.index_cast %get3A_2801 : i32 to index
    %get3A_2803 = arith.constant 0 : index
    %get3A_2804 = tpu.vector_load %arg13[%get3A_2802, %get3A_2803] {strides = array<i32>} : memref<32x64xf32, #tpu.memory_space<vmem>>, vector<1x16xf32>,
    %get3A_2805 = vector.shape_cast %get3A_2804 : vector<1x16xf32> to vector<16xf32>
    %get3A_2806 = arith.constant 24 : i32
    %get3A_2807 = arith.index_cast %get3A_2806 : i32 to index
    %get3A_2808 = arith.constant 0 : index
    %get3A_2809 = tpu.vector_load %arg11[%get3A_2807, %get3A_2808] {strides = array<i32>} : memref<32x64xf32, #tpu.memory_space<vmem>>, vector<1x16xf32>,
    %get3A_2810 = vector.shape_cast %get3A_2809 : vector<1x16xf32> to vector<16xf32>
    %mul3A_2811 = arith.mulf %get3A_2810, %get3A_2805 : vector<16xf32>
    %swap3A_2812 = arith.constant 24 : i32
    %swap3A_2813 = arith.index_cast %swap3A_2812 : i32 to index
    %swap3A_2814 = arith.constant 0 : index
    %swap3A_2815 = tpu.vector_load %arg11[%swap3A_2813, %swap3A_2814] {strides = array<i32>} : memref<32x64xf32, #tpu.memory_space<vmem>>, vector<1x16xf32>,
    %swap3A_2816 = vector.shape_cast %swap3A_2815 : vector<1x16xf32> to vector<16xf32>
    %swap3A_2817 = vector.shape_cast %mul3A_2811 : vector<16xf32> to vector<1x16xf32>
    tpu.vector_store %arg11[%swap3A_2813, %swap3A_2814], %swap3A_2817 {strides = array<i32>} : memref<32x64xf32, #tpu.memory_space<vmem>>, vector<1x16xf32>,
    %get3A_2818 = arith.constant 24 : i32
    %get3A_2819 = arith.index_cast %get3A_2818 : i32 to index
    %get3A_2820 = arith.constant 0 : index
    %get3A_2821 = tpu.vector_load %arg12[%get3A_2819, %get3A_2820] {strides = array<i32>} : memref<32x64xf32, #tpu.memory_space<vmem>>, vector<1x16xf32>,
    %get3A_2822 = vector.shape_cast %get3A_2821 : vector<1x16xf32> to vector<16xf32>
    %mul3A_2823 = arith.mulf %get3A_2822, %get3A_2805 : vector<16xf32>
    %swap3A_2824 = arith.constant 24 : i32
    %swap3A_2825 = arith.index_cast %swap3A_2824 : i32 to index
    %swap3A_2826 = arith.constant 0 : index
    %swap3A_2827 = tpu.vector_load %arg12[%swap3A_2825, %swap3A_2826] {strides = array<i32>} : memref<32x64xf32, #tpu.memory_space<vmem>>, vector<1x16xf32>,
    %swap3A_2828 = vector.shape_cast %swap3A_2827 : vector<1x16xf32> to vector<16xf32>
    %swap3A_2829 = vector.shape_cast %mul3A_2823 : vector<16xf32> to vector<1x16xf32>
    tpu.vector_store %arg12[%swap3A_2825, %swap3A_2826], %swap3A_2829 {strides = array<i32>} : memref<32x64xf32, #tpu.memory_space<vmem>>, vector<1x16xf32>,
    %get3A_2830 = arith.constant 24 : i32
    %get3A_2831 = arith.index_cast %get3A_2830 : i32 to index
    %get3A_2832 = arith.constant 16 : index
    %get3A_2833 = tpu.vector_load %arg13[%get3A_2831, %get3A_2832] {strides = array<i32>} : memref<32x64xf32, #tpu.memory_space<vmem>>, vector<1x16xf32>,
    %get3A_2834 = vector.shape_cast %get3A_2833 : vector<1x16xf32> to vector<16xf32>
    %get3A_2835 = arith.constant 24 : i32
    %get3A_2836 = arith.index_cast %get3A_2835 : i32 to index
    %get3A_2837 = arith.constant 16 : index
    %get3A_2838 = tpu.vector_load %arg11[%get3A_2836, %get3A_2837] {strides = array<i32>} : memref<32x64xf32, #tpu.memory_space<vmem>>, vector<1x16xf32>,
    %get3A_2839 = vector.shape_cast %get3A_2838 : vector<1x16xf32> to vector<16xf32>
    %mul3A_2840 = arith.mulf %get3A_2839, %get3A_2834 : vector<16xf32>
    %swap3A_2841 = arith.constant 24 : i32
    %swap3A_2842 = arith.index_cast %swap3A_2841 : i32 to index
    %swap3A_2843 = arith.constant 16 : index
    %swap3A_2844 = tpu.vector_load %arg11[%swap3A_2842, %swap3A_2843] {strides = array<i32>} : memref<32x64xf32, #tpu.memory_space<vmem>>, vector<1x16xf32>,
    %swap3A_2845 = vector.shape_cast %swap3A_2844 : vector<1x16xf32> to vector<16xf32>
    %swap3A_2846 = vector.shape_cast %mul3A_2840 : vector<16xf32> to vector<1x16xf32>
    tpu.vector_store %arg11[%swap3A_2842, %swap3A_2843], %swap3A_2846 {strides = array<i32>} : memref<32x64xf32, #tpu.memory_space<vmem>>, vector<1x16xf32>,
    %get3A_2847 = arith.constant 24 : i32
    %get3A_2848 = arith.index_cast %get3A_2847 : i32 to index
    %get3A_2849 = arith.constant 16 : index
    %get3A_2850 = tpu.vector_load %arg12[%get3A_2848, %get3A_2849] {strides = array<i32>} : memref<32x64xf32, #tpu.memory_space<vmem>>, vector<1x16xf32>,
    %get3A_2851 = vector.shape_cast %get3A_2850 : vector<1x16xf32> to vector<16xf32>
    %mul3A_2852 = arith.mulf %get3A_2851, %get3A_2834 : vector<16xf32>
    %swap3A_2853 = arith.constant 24 : i32
    %swap3A_2854 = arith.index_cast %swap3A_2853 : i32 to index
    %swap3A_2855 = arith.constant 16 : index
    %swap3A_2856 = tpu.vector_load %arg12[%swap3A_2854, %swap3A_2855] {strides = array<i32>} : memref<32x64xf32, #tpu.memory_space<vmem>>, vector<1x16xf32>,
    %swap3A_2857 = vector.shape_cast %swap3A_2856 : vector<1x16xf32> to vector<16xf32>
    %swap3A_2858 = vector.shape_cast %mul3A_2852 : vector<16xf32> to vector<1x16xf32>
    tpu.vector_store %arg12[%swap3A_2854, %swap3A_2855], %swap3A_2858 {strides = array<i32>} : memref<32x64xf32, #tpu.memory_space<vmem>>, vector<1x16xf32>,
    %get3A_2859 = arith.constant 24 : i32
    %get3A_2860 = arith.index_cast %get3A_2859 : i32 to index
    %get3A_2861 = arith.constant 32 : index
    %get3A_2862 = tpu.vector_load %arg13[%get3A_2860, %get3A_2861] {strides = array<i32>} : memref<32x64xf32, #tpu.memory_space<vmem>>, vector<1x16xf32>,
    %get3A_2863 = vector.shape_cast %get3A_2862 : vector<1x16xf32> to vector<16xf32>
    %get3A_2864 = arith.constant 24 : i32
    %get3A_2865 = arith.index_cast %get3A_2864 : i32 to index
    %get3A_2866 = arith.constant 32 : index
    %get3A_2867 = tpu.vector_load %arg11[%get3A_2865, %get3A_2866] {strides = array<i32>} : memref<32x64xf32, #tpu.memory_space<vmem>>, vector<1x16xf32>,
    %get3A_2868 = vector.shape_cast %get3A_2867 : vector<1x16xf32> to vector<16xf32>
    %mul3A_2869 = arith.mulf %get3A_2868, %get3A_2863 : vector<16xf32>
    %swap3A_2870 = arith.constant 24 : i32
    %swap3A_2871 = arith.index_cast %swap3A_2870 : i32 to index
    %swap3A_2872 = arith.constant 32 : index
    %swap3A_2873 = tpu.vector_load %arg11[%swap3A_2871, %swap3A_2872] {strides = array<i32>} : memref<32x64xf32, #tpu.memory_space<vmem>>, vector<1x16xf32>,
    %swap3A_2874 = vector.shape_cast %swap3A_2873 : vector<1x16xf32> to vector<16xf32>
    %swap3A_2875 = vector.shape_cast %mul3A_2869 : vector<16xf32> to vector<1x16xf32>
    tpu.vector_store %arg11[%swap3A_2871, %swap3A_2872], %swap3A_2875 {strides = array<i32>} : memref<32x64xf32, #tpu.memory_space<vmem>>, vector<1x16xf32>,
    %get3A_2876 = arith.constant 24 : i32
    %get3A_2877 = arith.index_cast %get3A_2876 : i32 to index
    %get3A_2878 = arith.constant 32 : index
    %get3A_2879 = tpu.vector_load %arg12[%get3A_2877, %get3A_2878] {strides = array<i32>} : memref<32x64xf32, #tpu.memory_space<vmem>>, vector<1x16xf32>,
    %get3A_2880 = vector.shape_cast %get3A_2879 : vector<1x16xf32> to vector<16xf32>
    %mul3A_2881 = arith.mulf %get3A_2880, %get3A_2863 : vector<16xf32>
    %swap3A_2882 = arith.constant 24 : i32
    %swap3A_2883 = arith.index_cast %swap3A_2882 : i32 to index
    %swap3A_2884 = arith.constant 32 : index
    %swap3A_2885 = tpu.vector_load %arg12[%swap3A_2883, %swap3A_2884] {strides = array<i32>} : memref<32x64xf32, #tpu.memory_space<vmem>>, vector<1x16xf32>,
    %swap3A_2886 = vector.shape_cast %swap3A_2885 : vector<1x16xf32> to vector<16xf32>
    %swap3A_2887 = vector.shape_cast %mul3A_2881 : vector<16xf32> to vector<1x16xf32>
    tpu.vector_store %arg12[%swap3A_2883, %swap3A_2884], %swap3A_2887 {strides = array<i32>} : memref<32x64xf32, #tpu.memory_space<vmem>>, vector<1x16xf32>,
    %get3A_2888 = arith.constant 24 : i32
    %get3A_2889 = arith.index_cast %get3A_2888 : i32 to index
    %get3A_2890 = arith.constant 48 : index
    %get3A_2891 = tpu.vector_load %arg13[%get3A_2889, %get3A_2890] {strides = array<i32>} : memref<32x64xf32, #tpu.memory_space<vmem>>, vector<1x16xf32>,
    %get3A_2892 = vector.shape_cast %get3A_2891 : vector<1x16xf32> to vector<16xf32>
    %get3A_2893 = arith.constant 24 : i32
    %get3A_2894 = arith.index_cast %get3A_2893 : i32 to index
    %get3A_2895 = arith.constant 48 : index
    %get3A_2896 = tpu.vector_load %arg11[%get3A_2894, %get3A_2895] {strides = array<i32>} : memref<32x64xf32, #tpu.memory_space<vmem>>, vector<1x16xf32>,
    %get3A_2897 = vector.shape_cast %get3A_2896 : vector<1x16xf32> to vector<16xf32>
    %mul3A_2898 = arith.mulf %get3A_2897, %get3A_2892 : vector<16xf32>
    %swap3A_2899 = arith.constant 24 : i32
    %swap3A_2900 = arith.index_cast %swap3A_2899 : i32 to index
    %swap3A_2901 = arith.constant 48 : index
    %swap3A_2902 = tpu.vector_load %arg11[%swap3A_2900, %swap3A_2901] {strides = array<i32>} : memref<32x64xf32, #tpu.memory_space<vmem>>, vector<1x16xf32>,
    %swap3A_2903 = vector.shape_cast %swap3A_2902 : vector<1x16xf32> to vector<16xf32>
    %swap3A_2904 = vector.shape_cast %mul3A_2898 : vector<16xf32> to vector<1x16xf32>
    tpu.vector_store %arg11[%swap3A_2900, %swap3A_2901], %swap3A_2904 {strides = array<i32>} : memref<32x64xf32, #tpu.memory_space<vmem>>, vector<1x16xf32>,
    %get3A_2905 = arith.constant 24 : i32
    %get3A_2906 = arith.index_cast %get3A_2905 : i32 to index
    %get3A_2907 = arith.constant 48 : index
    %get3A_2908 = tpu.vector_load %arg12[%get3A_2906, %get3A_2907] {strides = array<i32>} : memref<32x64xf32, #tpu.memory_space<vmem>>, vector<1x16xf32>,
    %get3A_2909 = vector.shape_cast %get3A_2908 : vector<1x16xf32> to vector<16xf32>
    %mul3A_2910 = arith.mulf %get3A_2909, %get3A_2892 : vector<16xf32>
    %swap3A_2911 = arith.constant 24 : i32
    %swap3A_2912 = arith.index_cast %swap3A_2911 : i32 to index
    %swap3A_2913 = arith.constant 48 : index
    %swap3A_2914 = tpu.vector_load %arg12[%swap3A_2912, %swap3A_2913] {strides = array<i32>} : memref<32x64xf32, #tpu.memory_space<vmem>>, vector<1x16xf32>,
    %swap3A_2915 = vector.shape_cast %swap3A_2914 : vector<1x16xf32> to vector<16xf32>
    %swap3A_2916 = vector.shape_cast %mul3A_2910 : vector<16xf32> to vector<1x16xf32>
    tpu.vector_store %arg12[%swap3A_2912, %swap3A_2913], %swap3A_2916 {strides = array<i32>} : memref<32x64xf32, #tpu.memory_space<vmem>>, vector<1x16xf32>,
    %get3A_2917 = arith.constant 25 : i32
    %get3A_2918 = arith.index_cast %get3A_2917 : i32 to index
    %get3A_2919 = arith.constant 0 : index
    %get3A_2920 = tpu.vector_load %arg13[%get3A_2918, %get3A_2919] {strides = array<i32>} : memref<32x64xf32, #tpu.memory_space<vmem>>, vector<1x16xf32>,
    %get3A_2921 = vector.shape_cast %get3A_2920 : vector<1x16xf32> to vector<16xf32>
    %get3A_2922 = arith.constant 25 : i32
    %get3A_2923 = arith.index_cast %get3A_2922 : i32 to index
    %get3A_2924 = arith.constant 0 : index
    %get3A_2925 = tpu.vector_load %arg11[%get3A_2923, %get3A_2924] {strides = array<i32>} : memref<32x64xf32, #tpu.memory_space<vmem>>, vector<1x16xf32>,
    %get3A_2926 = vector.shape_cast %get3A_2925 : vector<1x16xf32> to vector<16xf32>
    %mul3A_2927 = arith.mulf %get3A_2926, %get3A_2921 : vector<16xf32>
    %swap3A_2928 = arith.constant 25 : i32
    %swap3A_2929 = arith.index_cast %swap3A_2928 : i32 to index
    %swap3A_2930 = arith.constant 0 : index
    %swap3A_2931 = tpu.vector_load %arg11[%swap3A_2929, %swap3A_2930] {strides = array<i32>} : memref<32x64xf32, #tpu.memory_space<vmem>>, vector<1x16xf32>,
    %swap3A_2932 = vector.shape_cast %swap3A_2931 : vector<1x16xf32> to vector<16xf32>
    %swap3A_2933 = vector.shape_cast %mul3A_2927 : vector<16xf32> to vector<1x16xf32>
    tpu.vector_store %arg11[%swap3A_2929, %swap3A_2930], %swap3A_2933 {strides = array<i32>} : memref<32x64xf32, #tpu.memory_space<vmem>>, vector<1x16xf32>,
    %get3A_2934 = arith.constant 25 : i32
    %get3A_2935 = arith.index_cast %get3A_2934 : i32 to index
    %get3A_2936 = arith.constant 0 : index
    %get3A_2937 = tpu.vector_load %arg12[%get3A_2935, %get3A_2936] {strides = array<i32>} : memref<32x64xf32, #tpu.memory_space<vmem>>, vector<1x16xf32>,
    %get3A_2938 = vector.shape_cast %get3A_2937 : vector<1x16xf32> to vector<16xf32>
    %mul3A_2939 = arith.mulf %get3A_2938, %get3A_2921 : vector<16xf32>
    %swap3A_2940 = arith.constant 25 : i32
    %swap3A_2941 = arith.index_cast %swap3A_2940 : i32 to index
    %swap3A_2942 = arith.constant 0 : index
    %swap3A_2943 = tpu.vector_load %arg12[%swap3A_2941, %swap3A_2942] {strides = array<i32>} : memref<32x64xf32, #tpu.memory_space<vmem>>, vector<1x16xf32>,
    %swap3A_2944 = vector.shape_cast %swap3A_2943 : vector<1x16xf32> to vector<16xf32>
    %swap3A_2945 = vector.shape_cast %mul3A_2939 : vector<16xf32> to vector<1x16xf32>
    tpu.vector_store %arg12[%swap3A_2941, %swap3A_2942], %swap3A_2945 {strides = array<i32>} : memref<32x64xf32, #tpu.memory_space<vmem>>, vector<1x16xf32>,
    %get3A_2946 = arith.constant 25 : i32
    %get3A_2947 = arith.index_cast %get3A_2946 : i32 to index
    %get3A_2948 = arith.constant 16 : index
    %get3A_2949 = tpu.vector_load %arg13[%get3A_2947, %get3A_2948] {strides = array<i32>} : memref<32x64xf32, #tpu.memory_space<vmem>>, vector<1x16xf32>,
    %get3A_2950 = vector.shape_cast %get3A_2949 : vector<1x16xf32> to vector<16xf32>
    %get3A_2951 = arith.constant 25 : i32
    %get3A_2952 = arith.index_cast %get3A_2951 : i32 to index
    %get3A_2953 = arith.constant 16 : index
    %get3A_2954 = tpu.vector_load %arg11[%get3A_2952, %get3A_2953] {strides = array<i32>} : memref<32x64xf32, #tpu.memory_space<vmem>>, vector<1x16xf32>,
    %get3A_2955 = vector.shape_cast %get3A_2954 : vector<1x16xf32> to vector<16xf32>
    %mul3A_2956 = arith.mulf %get3A_2955, %get3A_2950 : vector<16xf32>
    %swap3A_2957 = arith.constant 25 : i32
    %swap3A_2958 = arith.index_cast %swap3A_2957 : i32 to index
    %swap3A_2959 = arith.constant 16 : index
    %swap3A_2960 = tpu.vector_load %arg11[%swap3A_2958, %swap3A_2959] {strides = array<i32>} : memref<32x64xf32, #tpu.memory_space<vmem>>, vector<1x16xf32>,
    %swap3A_2961 = vector.shape_cast %swap3A_2960 : vector<1x16xf32> to vector<16xf32>
    %swap3A_2962 = vector.shape_cast %mul3A_2956 : vector<16xf32> to vector<1x16xf32>
    tpu.vector_store %arg11[%swap3A_2958, %swap3A_2959], %swap3A_2962 {strides = array<i32>} : memref<32x64xf32, #tpu.memory_space<vmem>>, vector<1x16xf32>,
    %get3A_2963 = arith.constant 25 : i32
    %get3A_2964 = arith.index_cast %get3A_2963 : i32 to index
    %get3A_2965 = arith.constant 16 : index
    %get3A_2966 = tpu.vector_load %arg12[%get3A_2964, %get3A_2965] {strides = array<i32>} : memref<32x64xf32, #tpu.memory_space<vmem>>, vector<1x16xf32>,
    %get3A_2967 = vector.shape_cast %get3A_2966 : vector<1x16xf32> to vector<16xf32>
    %mul3A_2968 = arith.mulf %get3A_2967, %get3A_2950 : vector<16xf32>
    %swap3A_2969 = arith.constant 25 : i32
    %swap3A_2970 = arith.index_cast %swap3A_2969 : i32 to index
    %swap3A_2971 = arith.constant 16 : index
    %swap3A_2972 = tpu.vector_load %arg12[%swap3A_2970, %swap3A_2971] {strides = array<i32>} : memref<32x64xf32, #tpu.memory_space<vmem>>, vector<1x16xf32>,
    %swap3A_2973 = vector.shape_cast %swap3A_2972 : vector<1x16xf32> to vector<16xf32>
    %swap3A_2974 = vector.shape_cast %mul3A_2968 : vector<16xf32> to vector<1x16xf32>
    tpu.vector_store %arg12[%swap3A_2970, %swap3A_2971], %swap3A_2974 {strides = array<i32>} : memref<32x64xf32, #tpu.memory_space<vmem>>, vector<1x16xf32>,
    %get3A_2975 = arith.constant 25 : i32
    %get3A_2976 = arith.index_cast %get3A_2975 : i32 to index
    %get3A_2977 = arith.constant 32 : index
    %get3A_2978 = tpu.vector_load %arg13[%get3A_2976, %get3A_2977] {strides = array<i32>} : memref<32x64xf32, #tpu.memory_space<vmem>>, vector<1x16xf32>,
    %get3A_2979 = vector.shape_cast %get3A_2978 : vector<1x16xf32> to vector<16xf32>
    %get3A_2980 = arith.constant 25 : i32
    %get3A_2981 = arith.index_cast %get3A_2980 : i32 to index
    %get3A_2982 = arith.constant 32 : index
    %get3A_2983 = tpu.vector_load %arg11[%get3A_2981, %get3A_2982] {strides = array<i32>} : memref<32x64xf32, #tpu.memory_space<vmem>>, vector<1x16xf32>,
    %get3A_2984 = vector.shape_cast %get3A_2983 : vector<1x16xf32> to vector<16xf32>
    %mul3A_2985 = arith.mulf %get3A_2984, %get3A_2979 : vector<16xf32>
    %swap3A_2986 = arith.constant 25 : i32
    %swap3A_2987 = arith.index_cast %swap3A_2986 : i32 to index
    %swap3A_2988 = arith.constant 32 : index
    %swap3A_2989 = tpu.vector_load %arg11[%swap3A_2987, %swap3A_2988] {strides = array<i32>} : memref<32x64xf32, #tpu.memory_space<vmem>>, vector<1x16xf32>,
    %swap3A_2990 = vector.shape_cast %swap3A_2989 : vector<1x16xf32> to vector<16xf32>
    %swap3A_2991 = vector.shape_cast %mul3A_2985 : vector<16xf32> to vector<1x16xf32>
    tpu.vector_store %arg11[%swap3A_2987, %swap3A_2988], %swap3A_2991 {strides = array<i32>} : memref<32x64xf32, #tpu.memory_space<vmem>>, vector<1x16xf32>,
    %get3A_2992 = arith.constant 25 : i32
    %get3A_2993 = arith.index_cast %get3A_2992 : i32 to index
    %get3A_2994 = arith.constant 32 : index
    %get3A_2995 = tpu.vector_load %arg12[%get3A_2993, %get3A_2994] {strides = array<i32>} : memref<32x64xf32, #tpu.memory_space<vmem>>, vector<1x16xf32>,
    %get3A_2996 = vector.shape_cast %get3A_2995 : vector<1x16xf32> to vector<16xf32>
    %mul3A_2997 = arith.mulf %get3A_2996, %get3A_2979 : vector<16xf32>
    %swap3A_2998 = arith.constant 25 : i32
    %swap3A_2999 = arith.index_cast %swap3A_2998 : i32 to index
    %swap3A_3000 = arith.constant 32 : index
    %swap3A_3001 = tpu.vector_load %arg12[%swap3A_2999, %swap3A_3000] {strides = array<i32>} : memref<32x64xf32, #tpu.memory_space<vmem>>, vector<1x16xf32>,
    %swap3A_3002 = vector.shape_cast %swap3A_3001 : vector<1x16xf32> to vector<16xf32>
    %swap3A_3003 = vector.shape_cast %mul3A_2997 : vector<16xf32> to vector<1x16xf32>
    tpu.vector_store %arg12[%swap3A_2999, %swap3A_3000], %swap3A_3003 {strides = array<i32>} : memref<32x64xf32, #tpu.memory_space<vmem>>, vector<1x16xf32>,
    %get3A_3004 = arith.constant 25 : i32
    %get3A_3005 = arith.index_cast %get3A_3004 : i32 to index
    %get3A_3006 = arith.constant 48 : index
    %get3A_3007 = tpu.vector_load %arg13[%get3A_3005, %get3A_3006] {strides = array<i32>} : memref<32x64xf32, #tpu.memory_space<vmem>>, vector<1x16xf32>,
    %get3A_3008 = vector.shape_cast %get3A_3007 : vector<1x16xf32> to vector<16xf32>
    %get3A_3009 = arith.constant 25 : i32
    %get3A_3010 = arith.index_cast %get3A_3009 : i32 to index
    %get3A_3011 = arith.constant 48 : index
    %get3A_3012 = tpu.vector_load %arg11[%get3A_3010, %get3A_3011] {strides = array<i32>} : memref<32x64xf32, #tpu.memory_space<vmem>>, vector<1x16xf32>,
    %get3A_3013 = vector.shape_cast %get3A_3012 : vector<1x16xf32> to vector<16xf32>
    %mul3A_3014 = arith.mulf %get3A_3013, %get3A_3008 : vector<16xf32>
    %swap3A_3015 = arith.constant 25 : i32
    %swap3A_3016 = arith.index_cast %swap3A_3015 : i32 to index
    %swap3A_3017 = arith.constant 48 : index
    %swap3A_3018 = tpu.vector_load %arg11[%swap3A_3016, %swap3A_3017] {strides = array<i32>} : memref<32x64xf32, #tpu.memory_space<vmem>>, vector<1x16xf32>,
    %swap3A_3019 = vector.shape_cast %swap3A_3018 : vector<1x16xf32> to vector<16xf32>
    %swap3A_3020 = vector.shape_cast %mul3A_3014 : vector<16xf32> to vector<1x16xf32>
    tpu.vector_store %arg11[%swap3A_3016, %swap3A_3017], %swap3A_3020 {strides = array<i32>} : memref<32x64xf32, #tpu.memory_space<vmem>>, vector<1x16xf32>,
    %get3A_3021 = arith.constant 25 : i32
    %get3A_3022 = arith.index_cast %get3A_3021 : i32 to index
    %get3A_3023 = arith.constant 48 : index
    %get3A_3024 = tpu.vector_load %arg12[%get3A_3022, %get3A_3023] {strides = array<i32>} : memref<32x64xf32, #tpu.memory_space<vmem>>, vector<1x16xf32>,
    %get3A_3025 = vector.shape_cast %get3A_3024 : vector<1x16xf32> to vector<16xf32>
    %mul3A_3026 = arith.mulf %get3A_3025, %get3A_3008 : vector<16xf32>
    %swap3A_3027 = arith.constant 25 : i32
    %swap3A_3028 = arith.index_cast %swap3A_3027 : i32 to index
    %swap3A_3029 = arith.constant 48 : index
    %swap3A_3030 = tpu.vector_load %arg12[%swap3A_3028, %swap3A_3029] {strides = array<i32>} : memref<32x64xf32, #tpu.memory_space<vmem>>, vector<1x16xf32>,
    %swap3A_3031 = vector.shape_cast %swap3A_3030 : vector<1x16xf32> to vector<16xf32>
    %swap3A_3032 = vector.shape_cast %mul3A_3026 : vector<16xf32> to vector<1x16xf32>
    tpu.vector_store %arg12[%swap3A_3028, %swap3A_3029], %swap3A_3032 {strides = array<i32>} : memref<32x64xf32, #tpu.memory_space<vmem>>, vector<1x16xf32>,
    %get3A_3033 = arith.constant 26 : i32
    %get3A_3034 = arith.index_cast %get3A_3033 : i32 to index
    %get3A_3035 = arith.constant 0 : index
    %get3A_3036 = tpu.vector_load %arg13[%get3A_3034, %get3A_3035] {strides = array<i32>} : memref<32x64xf32, #tpu.memory_space<vmem>>, vector<1x16xf32>,
    %get3A_3037 = vector.shape_cast %get3A_3036 : vector<1x16xf32> to vector<16xf32>
    %get3A_3038 = arith.constant 26 : i32
    %get3A_3039 = arith.index_cast %get3A_3038 : i32 to index
    %get3A_3040 = arith.constant 0 : index
    %get3A_3041 = tpu.vector_load %arg11[%get3A_3039, %get3A_3040] {strides = array<i32>} : memref<32x64xf32, #tpu.memory_space<vmem>>, vector<1x16xf32>,
    %get3A_3042 = vector.shape_cast %get3A_3041 : vector<1x16xf32> to vector<16xf32>
    %mul3A_3043 = arith.mulf %get3A_3042, %get3A_3037 : vector<16xf32>
    %swap3A_3044 = arith.constant 26 : i32
    %swap3A_3045 = arith.index_cast %swap3A_3044 : i32 to index
    %swap3A_3046 = arith.constant 0 : index
    %swap3A_3047 = tpu.vector_load %arg11[%swap3A_3045, %swap3A_3046] {strides = array<i32>} : memref<32x64xf32, #tpu.memory_space<vmem>>, vector<1x16xf32>,
    %swap3A_3048 = vector.shape_cast %swap3A_3047 : vector<1x16xf32> to vector<16xf32>
    %swap3A_3049 = vector.shape_cast %mul3A_3043 : vector<16xf32> to vector<1x16xf32>
    tpu.vector_store %arg11[%swap3A_3045, %swap3A_3046], %swap3A_3049 {strides = array<i32>} : memref<32x64xf32, #tpu.memory_space<vmem>>, vector<1x16xf32>,
    %get3A_3050 = arith.constant 26 : i32
    %get3A_3051 = arith.index_cast %get3A_3050 : i32 to index
    %get3A_3052 = arith.constant 0 : index
    %get3A_3053 = tpu.vector_load %arg12[%get3A_3051, %get3A_3052] {strides = array<i32>} : memref<32x64xf32, #tpu.memory_space<vmem>>, vector<1x16xf32>,
    %get3A_3054 = vector.shape_cast %get3A_3053 : vector<1x16xf32> to vector<16xf32>
    %mul3A_3055 = arith.mulf %get3A_3054, %get3A_3037 : vector<16xf32>
    %swap3A_3056 = arith.constant 26 : i32
    %swap3A_3057 = arith.index_cast %swap3A_3056 : i32 to index
    %swap3A_3058 = arith.constant 0 : index
    %swap3A_3059 = tpu.vector_load %arg12[%swap3A_3057, %swap3A_3058] {strides = array<i32>} : memref<32x64xf32, #tpu.memory_space<vmem>>, vector<1x16xf32>,
    %swap3A_3060 = vector.shape_cast %swap3A_3059 : vector<1x16xf32> to vector<16xf32>
    %swap3A_3061 = vector.shape_cast %mul3A_3055 : vector<16xf32> to vector<1x16xf32>
    tpu.vector_store %arg12[%swap3A_3057, %swap3A_3058], %swap3A_3061 {strides = array<i32>} : memref<32x64xf32, #tpu.memory_space<vmem>>, vector<1x16xf32>,
    %get3A_3062 = arith.constant 26 : i32
    %get3A_3063 = arith.index_cast %get3A_3062 : i32 to index
    %get3A_3064 = arith.constant 16 : index
    %get3A_3065 = tpu.vector_load %arg13[%get3A_3063, %get3A_3064] {strides = array<i32>} : memref<32x64xf32, #tpu.memory_space<vmem>>, vector<1x16xf32>,
    %get3A_3066 = vector.shape_cast %get3A_3065 : vector<1x16xf32> to vector<16xf32>
    %get3A_3067 = arith.constant 26 : i32
    %get3A_3068 = arith.index_cast %get3A_3067 : i32 to index
    %get3A_3069 = arith.constant 16 : index
    %get3A_3070 = tpu.vector_load %arg11[%get3A_3068, %get3A_3069] {strides = array<i32>} : memref<32x64xf32, #tpu.memory_space<vmem>>, vector<1x16xf32>,
    %get3A_3071 = vector.shape_cast %get3A_3070 : vector<1x16xf32> to vector<16xf32>
    %mul3A_3072 = arith.mulf %get3A_3071, %get3A_3066 : vector<16xf32>
    %swap3A_3073 = arith.constant 26 : i32
    %swap3A_3074 = arith.index_cast %swap3A_3073 : i32 to index
    %swap3A_3075 = arith.constant 16 : index
    %swap3A_3076 = tpu.vector_load %arg11[%swap3A_3074, %swap3A_3075] {strides = array<i32>} : memref<32x64xf32, #tpu.memory_space<vmem>>, vector<1x16xf32>,
    %swap3A_3077 = vector.shape_cast %swap3A_3076 : vector<1x16xf32> to vector<16xf32>
    %swap3A_3078 = vector.shape_cast %mul3A_3072 : vector<16xf32> to vector<1x16xf32>
    tpu.vector_store %arg11[%swap3A_3074, %swap3A_3075], %swap3A_3078 {strides = array<i32>} : memref<32x64xf32, #tpu.memory_space<vmem>>, vector<1x16xf32>,
    %get3A_3079 = arith.constant 26 : i32
    %get3A_3080 = arith.index_cast %get3A_3079 : i32 to index
    %get3A_3081 = arith.constant 16 : index
    %get3A_3082 = tpu.vector_load %arg12[%get3A_3080, %get3A_3081] {strides = array<i32>} : memref<32x64xf32, #tpu.memory_space<vmem>>, vector<1x16xf32>,
    %get3A_3083 = vector.shape_cast %get3A_3082 : vector<1x16xf32> to vector<16xf32>
    %mul3A_3084 = arith.mulf %get3A_3083, %get3A_3066 : vector<16xf32>
    %swap3A_3085 = arith.constant 26 : i32
    %swap3A_3086 = arith.index_cast %swap3A_3085 : i32 to index
    %swap3A_3087 = arith.constant 16 : index
    %swap3A_3088 = tpu.vector_load %arg12[%swap3A_3086, %swap3A_3087] {strides = array<i32>} : memref<32x64xf32, #tpu.memory_space<vmem>>, vector<1x16xf32>,
    %swap3A_3089 = vector.shape_cast %swap3A_3088 : vector<1x16xf32> to vector<16xf32>
    %swap3A_3090 = vector.shape_cast %mul3A_3084 : vector<16xf32> to vector<1x16xf32>
    tpu.vector_store %arg12[%swap3A_3086, %swap3A_3087], %swap3A_3090 {strides = array<i32>} : memref<32x64xf32, #tpu.memory_space<vmem>>, vector<1x16xf32>,
    %get3A_3091 = arith.constant 26 : i32
    %get3A_3092 = arith.index_cast %get3A_3091 : i32 to index
    %get3A_3093 = arith.constant 32 : index
    %get3A_3094 = tpu.vector_load %arg13[%get3A_3092, %get3A_3093] {strides = array<i32>} : memref<32x64xf32, #tpu.memory_space<vmem>>, vector<1x16xf32>,
    %get3A_3095 = vector.shape_cast %get3A_3094 : vector<1x16xf32> to vector<16xf32>
    %get3A_3096 = arith.constant 26 : i32
    %get3A_3097 = arith.index_cast %get3A_3096 : i32 to index
    %get3A_3098 = arith.constant 32 : index
    %get3A_3099 = tpu.vector_load %arg11[%get3A_3097, %get3A_3098] {strides = array<i32>} : memref<32x64xf32, #tpu.memory_space<vmem>>, vector<1x16xf32>,
    %get3A_3100 = vector.shape_cast %get3A_3099 : vector<1x16xf32> to vector<16xf32>
    %mul3A_3101 = arith.mulf %get3A_3100, %get3A_3095 : vector<16xf32>
    %swap3A_3102 = arith.constant 26 : i32
    %swap3A_3103 = arith.index_cast %swap3A_3102 : i32 to index
    %swap3A_3104 = arith.constant 32 : index
    %swap3A_3105 = tpu.vector_load %arg11[%swap3A_3103, %swap3A_3104] {strides = array<i32>} : memref<32x64xf32, #tpu.memory_space<vmem>>, vector<1x16xf32>,
    %swap3A_3106 = vector.shape_cast %swap3A_3105 : vector<1x16xf32> to vector<16xf32>
    %swap3A_3107 = vector.shape_cast %mul3A_3101 : vector<16xf32> to vector<1x16xf32>
    tpu.vector_store %arg11[%swap3A_3103, %swap3A_3104], %swap3A_3107 {strides = array<i32>} : memref<32x64xf32, #tpu.memory_space<vmem>>, vector<1x16xf32>,
    %get3A_3108 = arith.constant 26 : i32
    %get3A_3109 = arith.index_cast %get3A_3108 : i32 to index
    %get3A_3110 = arith.constant 32 : index
    %get3A_3111 = tpu.vector_load %arg12[%get3A_3109, %get3A_3110] {strides = array<i32>} : memref<32x64xf32, #tpu.memory_space<vmem>>, vector<1x16xf32>,
    %get3A_3112 = vector.shape_cast %get3A_3111 : vector<1x16xf32> to vector<16xf32>
    %mul3A_3113 = arith.mulf %get3A_3112, %get3A_3095 : vector<16xf32>
    %swap3A_3114 = arith.constant 26 : i32
    %swap3A_3115 = arith.index_cast %swap3A_3114 : i32 to index
    %swap3A_3116 = arith.constant 32 : index
    %swap3A_3117 = tpu.vector_load %arg12[%swap3A_3115, %swap3A_3116] {strides = array<i32>} : memref<32x64xf32, #tpu.memory_space<vmem>>, vector<1x16xf32>,
    %swap3A_3118 = vector.shape_cast %swap3A_3117 : vector<1x16xf32> to vector<16xf32>
    %swap3A_3119 = vector.shape_cast %mul3A_3113 : vector<16xf32> to vector<1x16xf32>
    tpu.vector_store %arg12[%swap3A_3115, %swap3A_3116], %swap3A_3119 {strides = array<i32>} : memref<32x64xf32, #tpu.memory_space<vmem>>, vector<1x16xf32>,
    %get3A_3120 = arith.constant 26 : i32
    %get3A_3121 = arith.index_cast %get3A_3120 : i32 to index
    %get3A_3122 = arith.constant 48 : index
    %get3A_3123 = tpu.vector_load %arg13[%get3A_3121, %get3A_3122] {strides = array<i32>} : memref<32x64xf32, #tpu.memory_space<vmem>>, vector<1x16xf32>,
    %get3A_3124 = vector.shape_cast %get3A_3123 : vector<1x16xf32> to vector<16xf32>
    %get3A_3125 = arith.constant 26 : i32
    %get3A_3126 = arith.index_cast %get3A_3125 : i32 to index
    %get3A_3127 = arith.constant 48 : index
    %get3A_3128 = tpu.vector_load %arg11[%get3A_3126, %get3A_3127] {strides = array<i32>} : memref<32x64xf32, #tpu.memory_space<vmem>>, vector<1x16xf32>,
    %get3A_3129 = vector.shape_cast %get3A_3128 : vector<1x16xf32> to vector<16xf32>
    %mul3A_3130 = arith.mulf %get3A_3129, %get3A_3124 : vector<16xf32>
    %swap3A_3131 = arith.constant 26 : i32
    %swap3A_3132 = arith.index_cast %swap3A_3131 : i32 to index
    %swap3A_3133 = arith.constant 48 : index
    %swap3A_3134 = tpu.vector_load %arg11[%swap3A_3132, %swap3A_3133] {strides = array<i32>} : memref<32x64xf32, #tpu.memory_space<vmem>>, vector<1x16xf32>,
    %swap3A_3135 = vector.shape_cast %swap3A_3134 : vector<1x16xf32> to vector<16xf32>
    %swap3A_3136 = vector.shape_cast %mul3A_3130 : vector<16xf32> to vector<1x16xf32>
    tpu.vector_store %arg11[%swap3A_3132, %swap3A_3133], %swap3A_3136 {strides = array<i32>} : memref<32x64xf32, #tpu.memory_space<vmem>>, vector<1x16xf32>,
    %get3A_3137 = arith.constant 26 : i32
    %get3A_3138 = arith.index_cast %get3A_3137 : i32 to index
    %get3A_3139 = arith.constant 48 : index
    %get3A_3140 = tpu.vector_load %arg12[%get3A_3138, %get3A_3139] {strides = array<i32>} : memref<32x64xf32, #tpu.memory_space<vmem>>, vector<1x16xf32>,
    %get3A_3141 = vector.shape_cast %get3A_3140 : vector<1x16xf32> to vector<16xf32>
    %mul3A_3142 = arith.mulf %get3A_3141, %get3A_3124 : vector<16xf32>
    %swap3A_3143 = arith.constant 26 : i32
    %swap3A_3144 = arith.index_cast %swap3A_3143 : i32 to index
    %swap3A_3145 = arith.constant 48 : index
    %swap3A_3146 = tpu.vector_load %arg12[%swap3A_3144, %swap3A_3145] {strides = array<i32>} : memref<32x64xf32, #tpu.memory_space<vmem>>, vector<1x16xf32>,
    %swap3A_3147 = vector.shape_cast %swap3A_3146 : vector<1x16xf32> to vector<16xf32>
    %swap3A_3148 = vector.shape_cast %mul3A_3142 : vector<16xf32> to vector<1x16xf32>
    tpu.vector_store %arg12[%swap3A_3144, %swap3A_3145], %swap3A_3148 {strides = array<i32>} : memref<32x64xf32, #tpu.memory_space<vmem>>, vector<1x16xf32>,
    %get3A_3149 = arith.constant 27 : i32
    %get3A_3150 = arith.index_cast %get3A_3149 : i32 to index
    %get3A_3151 = arith.constant 0 : index
    %get3A_3152 = tpu.vector_load %arg13[%get3A_3150, %get3A_3151] {strides = array<i32>} : memref<32x64xf32, #tpu.memory_space<vmem>>, vector<1x16xf32>,
    %get3A_3153 = vector.shape_cast %get3A_3152 : vector<1x16xf32> to vector<16xf32>
    %get3A_3154 = arith.constant 27 : i32
    %get3A_3155 = arith.index_cast %get3A_3154 : i32 to index
    %get3A_3156 = arith.constant 0 : index
    %get3A_3157 = tpu.vector_load %arg11[%get3A_3155, %get3A_3156] {strides = array<i32>} : memref<32x64xf32, #tpu.memory_space<vmem>>, vector<1x16xf32>,
    %get3A_3158 = vector.shape_cast %get3A_3157 : vector<1x16xf32> to vector<16xf32>
    %mul3A_3159 = arith.mulf %get3A_3158, %get3A_3153 : vector<16xf32>
    %swap3A_3160 = arith.constant 27 : i32
    %swap3A_3161 = arith.index_cast %swap3A_3160 : i32 to index
    %swap3A_3162 = arith.constant 0 : index
    %swap3A_3163 = tpu.vector_load %arg11[%swap3A_3161, %swap3A_3162] {strides = array<i32>} : memref<32x64xf32, #tpu.memory_space<vmem>>, vector<1x16xf32>,
    %swap3A_3164 = vector.shape_cast %swap3A_3163 : vector<1x16xf32> to vector<16xf32>
    %swap3A_3165 = vector.shape_cast %mul3A_3159 : vector<16xf32> to vector<1x16xf32>
    tpu.vector_store %arg11[%swap3A_3161, %swap3A_3162], %swap3A_3165 {strides = array<i32>} : memref<32x64xf32, #tpu.memory_space<vmem>>, vector<1x16xf32>,
    %get3A_3166 = arith.constant 27 : i32
    %get3A_3167 = arith.index_cast %get3A_3166 : i32 to index
    %get3A_3168 = arith.constant 0 : index
    %get3A_3169 = tpu.vector_load %arg12[%get3A_3167, %get3A_3168] {strides = array<i32>} : memref<32x64xf32, #tpu.memory_space<vmem>>, vector<1x16xf32>,
    %get3A_3170 = vector.shape_cast %get3A_3169 : vector<1x16xf32> to vector<16xf32>
    %mul3A_3171 = arith.mulf %get3A_3170, %get3A_3153 : vector<16xf32>
    %swap3A_3172 = arith.constant 27 : i32
    %swap3A_3173 = arith.index_cast %swap3A_3172 : i32 to index
    %swap3A_3174 = arith.constant 0 : index
    %swap3A_3175 = tpu.vector_load %arg12[%swap3A_3173, %swap3A_3174] {strides = array<i32>} : memref<32x64xf32, #tpu.memory_space<vmem>>, vector<1x16xf32>,
    %swap3A_3176 = vector.shape_cast %swap3A_3175 : vector<1x16xf32> to vector<16xf32>
    %swap3A_3177 = vector.shape_cast %mul3A_3171 : vector<16xf32> to vector<1x16xf32>
    tpu.vector_store %arg12[%swap3A_3173, %swap3A_3174], %swap3A_3177 {strides = array<i32>} : memref<32x64xf32, #tpu.memory_space<vmem>>, vector<1x16xf32>,
    %get3A_3178 = arith.constant 27 : i32
    %get3A_3179 = arith.index_cast %get3A_3178 : i32 to index
    %get3A_3180 = arith.constant 16 : index
    %get3A_3181 = tpu.vector_load %arg13[%get3A_3179, %get3A_3180] {strides = array<i32>} : memref<32x64xf32, #tpu.memory_space<vmem>>, vector<1x16xf32>,
    %get3A_3182 = vector.shape_cast %get3A_3181 : vector<1x16xf32> to vector<16xf32>
    %get3A_3183 = arith.constant 27 : i32
    %get3A_3184 = arith.index_cast %get3A_3183 : i32 to index
    %get3A_3185 = arith.constant 16 : index
    %get3A_3186 = tpu.vector_load %arg11[%get3A_3184, %get3A_3185] {strides = array<i32>} : memref<32x64xf32, #tpu.memory_space<vmem>>, vector<1x16xf32>,
    %get3A_3187 = vector.shape_cast %get3A_3186 : vector<1x16xf32> to vector<16xf32>
    %mul3A_3188 = arith.mulf %get3A_3187, %get3A_3182 : vector<16xf32>
    %swap3A_3189 = arith.constant 27 : i32
    %swap3A_3190 = arith.index_cast %swap3A_3189 : i32 to index
    %swap3A_3191 = arith.constant 16 : index
    %swap3A_3192 = tpu.vector_load %arg11[%swap3A_3190, %swap3A_3191] {strides = array<i32>} : memref<32x64xf32, #tpu.memory_space<vmem>>, vector<1x16xf32>,
    %swap3A_3193 = vector.shape_cast %swap3A_3192 : vector<1x16xf32> to vector<16xf32>
    %swap3A_3194 = vector.shape_cast %mul3A_3188 : vector<16xf32> to vector<1x16xf32>
    tpu.vector_store %arg11[%swap3A_3190, %swap3A_3191], %swap3A_3194 {strides = array<i32>} : memref<32x64xf32, #tpu.memory_space<vmem>>, vector<1x16xf32>,
    %get3A_3195 = arith.constant 27 : i32
    %get3A_3196 = arith.index_cast %get3A_3195 : i32 to index
    %get3A_3197 = arith.constant 16 : index
    %get3A_3198 = tpu.vector_load %arg12[%get3A_3196, %get3A_3197] {strides = array<i32>} : memref<32x64xf32, #tpu.memory_space<vmem>>, vector<1x16xf32>,
    %get3A_3199 = vector.shape_cast %get3A_3198 : vector<1x16xf32> to vector<16xf32>
    %mul3A_3200 = arith.mulf %get3A_3199, %get3A_3182 : vector<16xf32>
    %swap3A_3201 = arith.constant 27 : i32
    %swap3A_3202 = arith.index_cast %swap3A_3201 : i32 to index
    %swap3A_3203 = arith.constant 16 : index
    %swap3A_3204 = tpu.vector_load %arg12[%swap3A_3202, %swap3A_3203] {strides = array<i32>} : memref<32x64xf32, #tpu.memory_space<vmem>>, vector<1x16xf32>,
    %swap3A_3205 = vector.shape_cast %swap3A_3204 : vector<1x16xf32> to vector<16xf32>
    %swap3A_3206 = vector.shape_cast %mul3A_3200 : vector<16xf32> to vector<1x16xf32>
    tpu.vector_store %arg12[%swap3A_3202, %swap3A_3203], %swap3A_3206 {strides = array<i32>} : memref<32x64xf32, #tpu.memory_space<vmem>>, vector<1x16xf32>,
    %get3A_3207 = arith.constant 27 : i32
    %get3A_3208 = arith.index_cast %get3A_3207 : i32 to index
    %get3A_3209 = arith.constant 32 : index
    %get3A_3210 = tpu.vector_load %arg13[%get3A_3208, %get3A_3209] {strides = array<i32>} : memref<32x64xf32, #tpu.memory_space<vmem>>, vector<1x16xf32>,
    %get3A_3211 = vector.shape_cast %get3A_3210 : vector<1x16xf32> to vector<16xf32>
    %get3A_3212 = arith.constant 27 : i32
    %get3A_3213 = arith.index_cast %get3A_3212 : i32 to index
    %get3A_3214 = arith.constant 32 : index
    %get3A_3215 = tpu.vector_load %arg11[%get3A_3213, %get3A_3214] {strides = array<i32>} : memref<32x64xf32, #tpu.memory_space<vmem>>, vector<1x16xf32>,
    %get3A_3216 = vector.shape_cast %get3A_3215 : vector<1x16xf32> to vector<16xf32>
    %mul3A_3217 = arith.mulf %get3A_3216, %get3A_3211 : vector<16xf32>
    %swap3A_3218 = arith.constant 27 : i32
    %swap3A_3219 = arith.index_cast %swap3A_3218 : i32 to index
    %swap3A_3220 = arith.constant 32 : index
    %swap3A_3221 = tpu.vector_load %arg11[%swap3A_3219, %swap3A_3220] {strides = array<i32>} : memref<32x64xf32, #tpu.memory_space<vmem>>, vector<1x16xf32>,
    %swap3A_3222 = vector.shape_cast %swap3A_3221 : vector<1x16xf32> to vector<16xf32>
    %swap3A_3223 = vector.shape_cast %mul3A_3217 : vector<16xf32> to vector<1x16xf32>
    tpu.vector_store %arg11[%swap3A_3219, %swap3A_3220], %swap3A_3223 {strides = array<i32>} : memref<32x64xf32, #tpu.memory_space<vmem>>, vector<1x16xf32>,
    %get3A_3224 = arith.constant 27 : i32
    %get3A_3225 = arith.index_cast %get3A_3224 : i32 to index
    %get3A_3226 = arith.constant 32 : index
    %get3A_3227 = tpu.vector_load %arg12[%get3A_3225, %get3A_3226] {strides = array<i32>} : memref<32x64xf32, #tpu.memory_space<vmem>>, vector<1x16xf32>,
    %get3A_3228 = vector.shape_cast %get3A_3227 : vector<1x16xf32> to vector<16xf32>
    %mul3A_3229 = arith.mulf %get3A_3228, %get3A_3211 : vector<16xf32>
    %swap3A_3230 = arith.constant 27 : i32
    %swap3A_3231 = arith.index_cast %swap3A_3230 : i32 to index
    %swap3A_3232 = arith.constant 32 : index
    %swap3A_3233 = tpu.vector_load %arg12[%swap3A_3231, %swap3A_3232] {strides = array<i32>} : memref<32x64xf32, #tpu.memory_space<vmem>>, vector<1x16xf32>,
    %swap3A_3234 = vector.shape_cast %swap3A_3233 : vector<1x16xf32> to vector<16xf32>
    %swap3A_3235 = vector.shape_cast %mul3A_3229 : vector<16xf32> to vector<1x16xf32>
    tpu.vector_store %arg12[%swap3A_3231, %swap3A_3232], %swap3A_3235 {strides = array<i32>} : memref<32x64xf32, #tpu.memory_space<vmem>>, vector<1x16xf32>,
    %get3A_3236 = arith.constant 27 : i32
    %get3A_3237 = arith.index_cast %get3A_3236 : i32 to index
    %get3A_3238 = arith.constant 48 : index
    %get3A_3239 = tpu.vector_load %arg13[%get3A_3237, %get3A_3238] {strides = array<i32>} : memref<32x64xf32, #tpu.memory_space<vmem>>, vector<1x16xf32>,
    %get3A_3240 = vector.shape_cast %get3A_3239 : vector<1x16xf32> to vector<16xf32>
    %get3A_3241 = arith.constant 27 : i32
    %get3A_3242 = arith.index_cast %get3A_3241 : i32 to index
    %get3A_3243 = arith.constant 48 : index
    %get3A_3244 = tpu.vector_load %arg11[%get3A_3242, %get3A_3243] {strides = array<i32>} : memref<32x64xf32, #tpu.memory_space<vmem>>, vector<1x16xf32>,
    %get3A_3245 = vector.shape_cast %get3A_3244 : vector<1x16xf32> to vector<16xf32>
    %mul3A_3246 = arith.mulf %get3A_3245, %get3A_3240 : vector<16xf32>
    %swap3A_3247 = arith.constant 27 : i32
    %swap3A_3248 = arith.index_cast %swap3A_3247 : i32 to index
    %swap3A_3249 = arith.constant 48 : index
    %swap3A_3250 = tpu.vector_load %arg11[%swap3A_3248, %swap3A_3249] {strides = array<i32>} : memref<32x64xf32, #tpu.memory_space<vmem>>, vector<1x16xf32>,
    %swap3A_3251 = vector.shape_cast %swap3A_3250 : vector<1x16xf32> to vector<16xf32>
    %swap3A_3252 = vector.shape_cast %mul3A_3246 : vector<16xf32> to vector<1x16xf32>
    tpu.vector_store %arg11[%swap3A_3248, %swap3A_3249], %swap3A_3252 {strides = array<i32>} : memref<32x64xf32, #tpu.memory_space<vmem>>, vector<1x16xf32>,
    %get3A_3253 = arith.constant 27 : i32
    %get3A_3254 = arith.index_cast %get3A_3253 : i32 to index
    %get3A_3255 = arith.constant 48 : index
    %get3A_3256 = tpu.vector_load %arg12[%get3A_3254, %get3A_3255] {strides = array<i32>} : memref<32x64xf32, #tpu.memory_space<vmem>>, vector<1x16xf32>,
    %get3A_3257 = vector.shape_cast %get3A_3256 : vector<1x16xf32> to vector<16xf32>
    %mul3A_3258 = arith.mulf %get3A_3257, %get3A_3240 : vector<16xf32>
    %swap3A_3259 = arith.constant 27 : i32
    %swap3A_3260 = arith.index_cast %swap3A_3259 : i32 to index
    %swap3A_3261 = arith.constant 48 : index
    %swap3A_3262 = tpu.vector_load %arg12[%swap3A_3260, %swap3A_3261] {strides = array<i32>} : memref<32x64xf32, #tpu.memory_space<vmem>>, vector<1x16xf32>,
    %swap3A_3263 = vector.shape_cast %swap3A_3262 : vector<1x16xf32> to vector<16xf32>
    %swap3A_3264 = vector.shape_cast %mul3A_3258 : vector<16xf32> to vector<1x16xf32>
    tpu.vector_store %arg12[%swap3A_3260, %swap3A_3261], %swap3A_3264 {strides = array<i32>} : memref<32x64xf32, #tpu.memory_space<vmem>>, vector<1x16xf32>,
    %get3A_3265 = arith.constant 28 : i32
    %get3A_3266 = arith.index_cast %get3A_3265 : i32 to index
    %get3A_3267 = arith.constant 0 : index
    %get3A_3268 = tpu.vector_load %arg13[%get3A_3266, %get3A_3267] {strides = array<i32>} : memref<32x64xf32, #tpu.memory_space<vmem>>, vector<1x16xf32>,
    %get3A_3269 = vector.shape_cast %get3A_3268 : vector<1x16xf32> to vector<16xf32>
    %get3A_3270 = arith.constant 28 : i32
    %get3A_3271 = arith.index_cast %get3A_3270 : i32 to index
    %get3A_3272 = arith.constant 0 : index
    %get3A_3273 = tpu.vector_load %arg11[%get3A_3271, %get3A_3272] {strides = array<i32>} : memref<32x64xf32, #tpu.memory_space<vmem>>, vector<1x16xf32>,
    %get3A_3274 = vector.shape_cast %get3A_3273 : vector<1x16xf32> to vector<16xf32>
    %mul3A_3275 = arith.mulf %get3A_3274, %get3A_3269 : vector<16xf32>
    %swap3A_3276 = arith.constant 28 : i32
    %swap3A_3277 = arith.index_cast %swap3A_3276 : i32 to index
    %swap3A_3278 = arith.constant 0 : index
    %swap3A_3279 = tpu.vector_load %arg11[%swap3A_3277, %swap3A_3278] {strides = array<i32>} : memref<32x64xf32, #tpu.memory_space<vmem>>, vector<1x16xf32>,
    %swap3A_3280 = vector.shape_cast %swap3A_3279 : vector<1x16xf32> to vector<16xf32>
    %swap3A_3281 = vector.shape_cast %mul3A_3275 : vector<16xf32> to vector<1x16xf32>
    tpu.vector_store %arg11[%swap3A_3277, %swap3A_3278], %swap3A_3281 {strides = array<i32>} : memref<32x64xf32, #tpu.memory_space<vmem>>, vector<1x16xf32>,
    %get3A_3282 = arith.constant 28 : i32
    %get3A_3283 = arith.index_cast %get3A_3282 : i32 to index
    %get3A_3284 = arith.constant 0 : index
    %get3A_3285 = tpu.vector_load %arg12[%get3A_3283, %get3A_3284] {strides = array<i32>} : memref<32x64xf32, #tpu.memory_space<vmem>>, vector<1x16xf32>,
    %get3A_3286 = vector.shape_cast %get3A_3285 : vector<1x16xf32> to vector<16xf32>
    %mul3A_3287 = arith.mulf %get3A_3286, %get3A_3269 : vector<16xf32>
    %swap3A_3288 = arith.constant 28 : i32
    %swap3A_3289 = arith.index_cast %swap3A_3288 : i32 to index
    %swap3A_3290 = arith.constant 0 : index
    %swap3A_3291 = tpu.vector_load %arg12[%swap3A_3289, %swap3A_3290] {strides = array<i32>} : memref<32x64xf32, #tpu.memory_space<vmem>>, vector<1x16xf32>,
    %swap3A_3292 = vector.shape_cast %swap3A_3291 : vector<1x16xf32> to vector<16xf32>
    %swap3A_3293 = vector.shape_cast %mul3A_3287 : vector<16xf32> to vector<1x16xf32>
    tpu.vector_store %arg12[%swap3A_3289, %swap3A_3290], %swap3A_3293 {strides = array<i32>} : memref<32x64xf32, #tpu.memory_space<vmem>>, vector<1x16xf32>,
    %get3A_3294 = arith.constant 28 : i32
    %get3A_3295 = arith.index_cast %get3A_3294 : i32 to index
    %get3A_3296 = arith.constant 16 : index
    %get3A_3297 = tpu.vector_load %arg13[%get3A_3295, %get3A_3296] {strides = array<i32>} : memref<32x64xf32, #tpu.memory_space<vmem>>, vector<1x16xf32>,
    %get3A_3298 = vector.shape_cast %get3A_3297 : vector<1x16xf32> to vector<16xf32>
    %get3A_3299 = arith.constant 28 : i32
    %get3A_3300 = arith.index_cast %get3A_3299 : i32 to index
    %get3A_3301 = arith.constant 16 : index
    %get3A_3302 = tpu.vector_load %arg11[%get3A_3300, %get3A_3301] {strides = array<i32>} : memref<32x64xf32, #tpu.memory_space<vmem>>, vector<1x16xf32>,
    %get3A_3303 = vector.shape_cast %get3A_3302 : vector<1x16xf32> to vector<16xf32>
    %mul3A_3304 = arith.mulf %get3A_3303, %get3A_3298 : vector<16xf32>
    %swap3A_3305 = arith.constant 28 : i32
    %swap3A_3306 = arith.index_cast %swap3A_3305 : i32 to index
    %swap3A_3307 = arith.constant 16 : index
    %swap3A_3308 = tpu.vector_load %arg11[%swap3A_3306, %swap3A_3307] {strides = array<i32>} : memref<32x64xf32, #tpu.memory_space<vmem>>, vector<1x16xf32>,
    %swap3A_3309 = vector.shape_cast %swap3A_3308 : vector<1x16xf32> to vector<16xf32>
    %swap3A_3310 = vector.shape_cast %mul3A_3304 : vector<16xf32> to vector<1x16xf32>
    tpu.vector_store %arg11[%swap3A_3306, %swap3A_3307], %swap3A_3310 {strides = array<i32>} : memref<32x64xf32, #tpu.memory_space<vmem>>, vector<1x16xf32>,
    %get3A_3311 = arith.constant 28 : i32
    %get3A_3312 = arith.index_cast %get3A_3311 : i32 to index
    %get3A_3313 = arith.constant 16 : index
    %get3A_3314 = tpu.vector_load %arg12[%get3A_3312, %get3A_3313] {strides = array<i32>} : memref<32x64xf32, #tpu.memory_space<vmem>>, vector<1x16xf32>,
    %get3A_3315 = vector.shape_cast %get3A_3314 : vector<1x16xf32> to vector<16xf32>
    %mul3A_3316 = arith.mulf %get3A_3315, %get3A_3298 : vector<16xf32>
    %swap3A_3317 = arith.constant 28 : i32
    %swap3A_3318 = arith.index_cast %swap3A_3317 : i32 to index
    %swap3A_3319 = arith.constant 16 : index
    %swap3A_3320 = tpu.vector_load %arg12[%swap3A_3318, %swap3A_3319] {strides = array<i32>} : memref<32x64xf32, #tpu.memory_space<vmem>>, vector<1x16xf32>,
    %swap3A_3321 = vector.shape_cast %swap3A_3320 : vector<1x16xf32> to vector<16xf32>
    %swap3A_3322 = vector.shape_cast %mul3A_3316 : vector<16xf32> to vector<1x16xf32>
    tpu.vector_store %arg12[%swap3A_3318, %swap3A_3319], %swap3A_3322 {strides = array<i32>} : memref<32x64xf32, #tpu.memory_space<vmem>>, vector<1x16xf32>,
    %get3A_3323 = arith.constant 28 : i32
    %get3A_3324 = arith.index_cast %get3A_3323 : i32 to index
    %get3A_3325 = arith.constant 32 : index
    %get3A_3326 = tpu.vector_load %arg13[%get3A_3324, %get3A_3325] {strides = array<i32>} : memref<32x64xf32, #tpu.memory_space<vmem>>, vector<1x16xf32>,
    %get3A_3327 = vector.shape_cast %get3A_3326 : vector<1x16xf32> to vector<16xf32>
    %get3A_3328 = arith.constant 28 : i32
    %get3A_3329 = arith.index_cast %get3A_3328 : i32 to index
    %get3A_3330 = arith.constant 32 : index
    %get3A_3331 = tpu.vector_load %arg11[%get3A_3329, %get3A_3330] {strides = array<i32>} : memref<32x64xf32, #tpu.memory_space<vmem>>, vector<1x16xf32>,
    %get3A_3332 = vector.shape_cast %get3A_3331 : vector<1x16xf32> to vector<16xf32>
    %mul3A_3333 = arith.mulf %get3A_3332, %get3A_3327 : vector<16xf32>
    %swap3A_3334 = arith.constant 28 : i32
    %swap3A_3335 = arith.index_cast %swap3A_3334 : i32 to index
    %swap3A_3336 = arith.constant 32 : index
    %swap3A_3337 = tpu.vector_load %arg11[%swap3A_3335, %swap3A_3336] {strides = array<i32>} : memref<32x64xf32, #tpu.memory_space<vmem>>, vector<1x16xf32>,
    %swap3A_3338 = vector.shape_cast %swap3A_3337 : vector<1x16xf32> to vector<16xf32>
    %swap3A_3339 = vector.shape_cast %mul3A_3333 : vector<16xf32> to vector<1x16xf32>
    tpu.vector_store %arg11[%swap3A_3335, %swap3A_3336], %swap3A_3339 {strides = array<i32>} : memref<32x64xf32, #tpu.memory_space<vmem>>, vector<1x16xf32>,
    %get3A_3340 = arith.constant 28 : i32
    %get3A_3341 = arith.index_cast %get3A_3340 : i32 to index
    %get3A_3342 = arith.constant 32 : index
    %get3A_3343 = tpu.vector_load %arg12[%get3A_3341, %get3A_3342] {strides = array<i32>} : memref<32x64xf32, #tpu.memory_space<vmem>>, vector<1x16xf32>,
    %get3A_3344 = vector.shape_cast %get3A_3343 : vector<1x16xf32> to vector<16xf32>
    %mul3A_3345 = arith.mulf %get3A_3344, %get3A_3327 : vector<16xf32>
    %swap3A_3346 = arith.constant 28 : i32
    %swap3A_3347 = arith.index_cast %swap3A_3346 : i32 to index
    %swap3A_3348 = arith.constant 32 : index
    %swap3A_3349 = tpu.vector_load %arg12[%swap3A_3347, %swap3A_3348] {strides = array<i32>} : memref<32x64xf32, #tpu.memory_space<vmem>>, vector<1x16xf32>,
    %swap3A_3350 = vector.shape_cast %swap3A_3349 : vector<1x16xf32> to vector<16xf32>
    %swap3A_3351 = vector.shape_cast %mul3A_3345 : vector<16xf32> to vector<1x16xf32>
    tpu.vector_store %arg12[%swap3A_3347, %swap3A_3348], %swap3A_3351 {strides = array<i32>} : memref<32x64xf32, #tpu.memory_space<vmem>>, vector<1x16xf32>,
    %get3A_3352 = arith.constant 28 : i32
    %get3A_3353 = arith.index_cast %get3A_3352 : i32 to index
    %get3A_3354 = arith.constant 48 : index
    %get3A_3355 = tpu.vector_load %arg13[%get3A_3353, %get3A_3354] {strides = array<i32>} : memref<32x64xf32, #tpu.memory_space<vmem>>, vector<1x16xf32>,
    %get3A_3356 = vector.shape_cast %get3A_3355 : vector<1x16xf32> to vector<16xf32>
    %get3A_3357 = arith.constant 28 : i32
    %get3A_3358 = arith.index_cast %get3A_3357 : i32 to index
    %get3A_3359 = arith.constant 48 : index
    %get3A_3360 = tpu.vector_load %arg11[%get3A_3358, %get3A_3359] {strides = array<i32>} : memref<32x64xf32, #tpu.memory_space<vmem>>, vector<1x16xf32>,
    %get3A_3361 = vector.shape_cast %get3A_3360 : vector<1x16xf32> to vector<16xf32>
    %mul3A_3362 = arith.mulf %get3A_3361, %get3A_3356 : vector<16xf32>
    %swap3A_3363 = arith.constant 28 : i32
    %swap3A_3364 = arith.index_cast %swap3A_3363 : i32 to index
    %swap3A_3365 = arith.constant 48 : index
    %swap3A_3366 = tpu.vector_load %arg11[%swap3A_3364, %swap3A_3365] {strides = array<i32>} : memref<32x64xf32, #tpu.memory_space<vmem>>, vector<1x16xf32>,
    %swap3A_3367 = vector.shape_cast %swap3A_3366 : vector<1x16xf32> to vector<16xf32>
    %swap3A_3368 = vector.shape_cast %mul3A_3362 : vector<16xf32> to vector<1x16xf32>
    tpu.vector_store %arg11[%swap3A_3364, %swap3A_3365], %swap3A_3368 {strides = array<i32>} : memref<32x64xf32, #tpu.memory_space<vmem>>, vector<1x16xf32>,
    %get3A_3369 = arith.constant 28 : i32
    %get3A_3370 = arith.index_cast %get3A_3369 : i32 to index
    %get3A_3371 = arith.constant 48 : index
    %get3A_3372 = tpu.vector_load %arg12[%get3A_3370, %get3A_3371] {strides = array<i32>} : memref<32x64xf32, #tpu.memory_space<vmem>>, vector<1x16xf32>,
    %get3A_3373 = vector.shape_cast %get3A_3372 : vector<1x16xf32> to vector<16xf32>
    %mul3A_3374 = arith.mulf %get3A_3373, %get3A_3356 : vector<16xf32>
    %swap3A_3375 = arith.constant 28 : i32
    %swap3A_3376 = arith.index_cast %swap3A_3375 : i32 to index
    %swap3A_3377 = arith.constant 48 : index
    %swap3A_3378 = tpu.vector_load %arg12[%swap3A_3376, %swap3A_3377] {strides = array<i32>} : memref<32x64xf32, #tpu.memory_space<vmem>>, vector<1x16xf32>,
    %swap3A_3379 = vector.shape_cast %swap3A_3378 : vector<1x16xf32> to vector<16xf32>
    %swap3A_3380 = vector.shape_cast %mul3A_3374 : vector<16xf32> to vector<1x16xf32>
    tpu.vector_store %arg12[%swap3A_3376, %swap3A_3377], %swap3A_3380 {strides = array<i32>} : memref<32x64xf32, #tpu.memory_space<vmem>>, vector<1x16xf32>,
    %get3A_3381 = arith.constant 29 : i32
    %get3A_3382 = arith.index_cast %get3A_3381 : i32 to index
    %get3A_3383 = arith.constant 0 : index
    %get3A_3384 = tpu.vector_load %arg13[%get3A_3382, %get3A_3383] {strides = array<i32>} : memref<32x64xf32, #tpu.memory_space<vmem>>, vector<1x16xf32>,
    %get3A_3385 = vector.shape_cast %get3A_3384 : vector<1x16xf32> to vector<16xf32>
    %get3A_3386 = arith.constant 29 : i32
    %get3A_3387 = arith.index_cast %get3A_3386 : i32 to index
    %get3A_3388 = arith.constant 0 : index
    %get3A_3389 = tpu.vector_load %arg11[%get3A_3387, %get3A_3388] {strides = array<i32>} : memref<32x64xf32, #tpu.memory_space<vmem>>, vector<1x16xf32>,
    %get3A_3390 = vector.shape_cast %get3A_3389 : vector<1x16xf32> to vector<16xf32>
    %mul3A_3391 = arith.mulf %get3A_3390, %get3A_3385 : vector<16xf32>
    %swap3A_3392 = arith.constant 29 : i32
    %swap3A_3393 = arith.index_cast %swap3A_3392 : i32 to index
    %swap3A_3394 = arith.constant 0 : index
    %swap3A_3395 = tpu.vector_load %arg11[%swap3A_3393, %swap3A_3394] {strides = array<i32>} : memref<32x64xf32, #tpu.memory_space<vmem>>, vector<1x16xf32>,
    %swap3A_3396 = vector.shape_cast %swap3A_3395 : vector<1x16xf32> to vector<16xf32>
    %swap3A_3397 = vector.shape_cast %mul3A_3391 : vector<16xf32> to vector<1x16xf32>
    tpu.vector_store %arg11[%swap3A_3393, %swap3A_3394], %swap3A_3397 {strides = array<i32>} : memref<32x64xf32, #tpu.memory_space<vmem>>, vector<1x16xf32>,
    %get3A_3398 = arith.constant 29 : i32
    %get3A_3399 = arith.index_cast %get3A_3398 : i32 to index
    %get3A_3400 = arith.constant 0 : index
    %get3A_3401 = tpu.vector_load %arg12[%get3A_3399, %get3A_3400] {strides = array<i32>} : memref<32x64xf32, #tpu.memory_space<vmem>>, vector<1x16xf32>,
    %get3A_3402 = vector.shape_cast %get3A_3401 : vector<1x16xf32> to vector<16xf32>
    %mul3A_3403 = arith.mulf %get3A_3402, %get3A_3385 : vector<16xf32>
    %swap3A_3404 = arith.constant 29 : i32
    %swap3A_3405 = arith.index_cast %swap3A_3404 : i32 to index
    %swap3A_3406 = arith.constant 0 : index
    %swap3A_3407 = tpu.vector_load %arg12[%swap3A_3405, %swap3A_3406] {strides = array<i32>} : memref<32x64xf32, #tpu.memory_space<vmem>>, vector<1x16xf32>,
    %swap3A_3408 = vector.shape_cast %swap3A_3407 : vector<1x16xf32> to vector<16xf32>
    %swap3A_3409 = vector.shape_cast %mul3A_3403 : vector<16xf32> to vector<1x16xf32>
    tpu.vector_store %arg12[%swap3A_3405, %swap3A_3406], %swap3A_3409 {strides = array<i32>} : memref<32x64xf32, #tpu.memory_space<vmem>>, vector<1x16xf32>,
    %get3A_3410 = arith.constant 29 : i32
    %get3A_3411 = arith.index_cast %get3A_3410 : i32 to index
    %get3A_3412 = arith.constant 16 : index
    %get3A_3413 = tpu.vector_load %arg13[%get3A_3411, %get3A_3412] {strides = array<i32>} : memref<32x64xf32, #tpu.memory_space<vmem>>, vector<1x16xf32>,
    %get3A_3414 = vector.shape_cast %get3A_3413 : vector<1x16xf32> to vector<16xf32>
    %get3A_3415 = arith.constant 29 : i32
    %get3A_3416 = arith.index_cast %get3A_3415 : i32 to index
    %get3A_3417 = arith.constant 16 : index
    %get3A_3418 = tpu.vector_load %arg11[%get3A_3416, %get3A_3417] {strides = array<i32>} : memref<32x64xf32, #tpu.memory_space<vmem>>, vector<1x16xf32>,
    %get3A_3419 = vector.shape_cast %get3A_3418 : vector<1x16xf32> to vector<16xf32>
    %mul3A_3420 = arith.mulf %get3A_3419, %get3A_3414 : vector<16xf32>
    %swap3A_3421 = arith.constant 29 : i32
    %swap3A_3422 = arith.index_cast %swap3A_3421 : i32 to index
    %swap3A_3423 = arith.constant 16 : index
    %swap3A_3424 = tpu.vector_load %arg11[%swap3A_3422, %swap3A_3423] {strides = array<i32>} : memref<32x64xf32, #tpu.memory_space<vmem>>, vector<1x16xf32>,
    %swap3A_3425 = vector.shape_cast %swap3A_3424 : vector<1x16xf32> to vector<16xf32>
    %swap3A_3426 = vector.shape_cast %mul3A_3420 : vector<16xf32> to vector<1x16xf32>
    tpu.vector_store %arg11[%swap3A_3422, %swap3A_3423], %swap3A_3426 {strides = array<i32>} : memref<32x64xf32, #tpu.memory_space<vmem>>, vector<1x16xf32>,
    %get3A_3427 = arith.constant 29 : i32
    %get3A_3428 = arith.index_cast %get3A_3427 : i32 to index
    %get3A_3429 = arith.constant 16 : index
    %get3A_3430 = tpu.vector_load %arg12[%get3A_3428, %get3A_3429] {strides = array<i32>} : memref<32x64xf32, #tpu.memory_space<vmem>>, vector<1x16xf32>,
    %get3A_3431 = vector.shape_cast %get3A_3430 : vector<1x16xf32> to vector<16xf32>
    %mul3A_3432 = arith.mulf %get3A_3431, %get3A_3414 : vector<16xf32>
    %swap3A_3433 = arith.constant 29 : i32
    %swap3A_3434 = arith.index_cast %swap3A_3433 : i32 to index
    %swap3A_3435 = arith.constant 16 : index
    %swap3A_3436 = tpu.vector_load %arg12[%swap3A_3434, %swap3A_3435] {strides = array<i32>} : memref<32x64xf32, #tpu.memory_space<vmem>>, vector<1x16xf32>,
    %swap3A_3437 = vector.shape_cast %swap3A_3436 : vector<1x16xf32> to vector<16xf32>
    %swap3A_3438 = vector.shape_cast %mul3A_3432 : vector<16xf32> to vector<1x16xf32>
    tpu.vector_store %arg12[%swap3A_3434, %swap3A_3435], %swap3A_3438 {strides = array<i32>} : memref<32x64xf32, #tpu.memory_space<vmem>>, vector<1x16xf32>,
    %get3A_3439 = arith.constant 29 : i32
    %get3A_3440 = arith.index_cast %get3A_3439 : i32 to index
    %get3A_3441 = arith.constant 32 : index
    %get3A_3442 = tpu.vector_load %arg13[%get3A_3440, %get3A_3441] {strides = array<i32>} : memref<32x64xf32, #tpu.memory_space<vmem>>, vector<1x16xf32>,
    %get3A_3443 = vector.shape_cast %get3A_3442 : vector<1x16xf32> to vector<16xf32>
    %get3A_3444 = arith.constant 29 : i32
    %get3A_3445 = arith.index_cast %get3A_3444 : i32 to index
    %get3A_3446 = arith.constant 32 : index
    %get3A_3447 = tpu.vector_load %arg11[%get3A_3445, %get3A_3446] {strides = array<i32>} : memref<32x64xf32, #tpu.memory_space<vmem>>, vector<1x16xf32>,
    %get3A_3448 = vector.shape_cast %get3A_3447 : vector<1x16xf32> to vector<16xf32>
    %mul3A_3449 = arith.mulf %get3A_3448, %get3A_3443 : vector<16xf32>
    %swap3A_3450 = arith.constant 29 : i32
    %swap3A_3451 = arith.index_cast %swap3A_3450 : i32 to index
    %swap3A_3452 = arith.constant 32 : index
    %swap3A_3453 = tpu.vector_load %arg11[%swap3A_3451, %swap3A_3452] {strides = array<i32>} : memref<32x64xf32, #tpu.memory_space<vmem>>, vector<1x16xf32>,
    %swap3A_3454 = vector.shape_cast %swap3A_3453 : vector<1x16xf32> to vector<16xf32>
    %swap3A_3455 = vector.shape_cast %mul3A_3449 : vector<16xf32> to vector<1x16xf32>
    tpu.vector_store %arg11[%swap3A_3451, %swap3A_3452], %swap3A_3455 {strides = array<i32>} : memref<32x64xf32, #tpu.memory_space<vmem>>, vector<1x16xf32>,
    %get3A_3456 = arith.constant 29 : i32
    %get3A_3457 = arith.index_cast %get3A_3456 : i32 to index
    %get3A_3458 = arith.constant 32 : index
    %get3A_3459 = tpu.vector_load %arg12[%get3A_3457, %get3A_3458] {strides = array<i32>} : memref<32x64xf32, #tpu.memory_space<vmem>>, vector<1x16xf32>,
    %get3A_3460 = vector.shape_cast %get3A_3459 : vector<1x16xf32> to vector<16xf32>
    %mul3A_3461 = arith.mulf %get3A_3460, %get3A_3443 : vector<16xf32>
    %swap3A_3462 = arith.constant 29 : i32
    %swap3A_3463 = arith.index_cast %swap3A_3462 : i32 to index
    %swap3A_3464 = arith.constant 32 : index
    %swap3A_3465 = tpu.vector_load %arg12[%swap3A_3463, %swap3A_3464] {strides = array<i32>} : memref<32x64xf32, #tpu.memory_space<vmem>>, vector<1x16xf32>,
    %swap3A_3466 = vector.shape_cast %swap3A_3465 : vector<1x16xf32> to vector<16xf32>
    %swap3A_3467 = vector.shape_cast %mul3A_3461 : vector<16xf32> to vector<1x16xf32>
    tpu.vector_store %arg12[%swap3A_3463, %swap3A_3464], %swap3A_3467 {strides = array<i32>} : memref<32x64xf32, #tpu.memory_space<vmem>>, vector<1x16xf32>,
    %get3A_3468 = arith.constant 29 : i32
    %get3A_3469 = arith.index_cast %get3A_3468 : i32 to index
    %get3A_3470 = arith.constant 48 : index
    %get3A_3471 = tpu.vector_load %arg13[%get3A_3469, %get3A_3470] {strides = array<i32>} : memref<32x64xf32, #tpu.memory_space<vmem>>, vector<1x16xf32>,
    %get3A_3472 = vector.shape_cast %get3A_3471 : vector<1x16xf32> to vector<16xf32>
    %get3A_3473 = arith.constant 29 : i32
    %get3A_3474 = arith.index_cast %get3A_3473 : i32 to index
    %get3A_3475 = arith.constant 48 : index
    %get3A_3476 = tpu.vector_load %arg11[%get3A_3474, %get3A_3475] {strides = array<i32>} : memref<32x64xf32, #tpu.memory_space<vmem>>, vector<1x16xf32>,
    %get3A_3477 = vector.shape_cast %get3A_3476 : vector<1x16xf32> to vector<16xf32>
    %mul3A_3478 = arith.mulf %get3A_3477, %get3A_3472 : vector<16xf32>
    %swap3A_3479 = arith.constant 29 : i32
    %swap3A_3480 = arith.index_cast %swap3A_3479 : i32 to index
    %swap3A_3481 = arith.constant 48 : index
    %swap3A_3482 = tpu.vector_load %arg11[%swap3A_3480, %swap3A_3481] {strides = array<i32>} : memref<32x64xf32, #tpu.memory_space<vmem>>, vector<1x16xf32>,
    %swap3A_3483 = vector.shape_cast %swap3A_3482 : vector<1x16xf32> to vector<16xf32>
    %swap3A_3484 = vector.shape_cast %mul3A_3478 : vector<16xf32> to vector<1x16xf32>
    tpu.vector_store %arg11[%swap3A_3480, %swap3A_3481], %swap3A_3484 {strides = array<i32>} : memref<32x64xf32, #tpu.memory_space<vmem>>, vector<1x16xf32>,
    %get3A_3485 = arith.constant 29 : i32
    %get3A_3486 = arith.index_cast %get3A_3485 : i32 to index
    %get3A_3487 = arith.constant 48 : index
    %get3A_3488 = tpu.vector_load %arg12[%get3A_3486, %get3A_3487] {strides = array<i32>} : memref<32x64xf32, #tpu.memory_space<vmem>>, vector<1x16xf32>,
    %get3A_3489 = vector.shape_cast %get3A_3488 : vector<1x16xf32> to vector<16xf32>
    %mul3A_3490 = arith.mulf %get3A_3489, %get3A_3472 : vector<16xf32>
    %swap3A_3491 = arith.constant 29 : i32
    %swap3A_3492 = arith.index_cast %swap3A_3491 : i32 to index
    %swap3A_3493 = arith.constant 48 : index
    %swap3A_3494 = tpu.vector_load %arg12[%swap3A_3492, %swap3A_3493] {strides = array<i32>} : memref<32x64xf32, #tpu.memory_space<vmem>>, vector<1x16xf32>,
    %swap3A_3495 = vector.shape_cast %swap3A_3494 : vector<1x16xf32> to vector<16xf32>
    %swap3A_3496 = vector.shape_cast %mul3A_3490 : vector<16xf32> to vector<1x16xf32>
    tpu.vector_store %arg12[%swap3A_3492, %swap3A_3493], %swap3A_3496 {strides = array<i32>} : memref<32x64xf32, #tpu.memory_space<vmem>>, vector<1x16xf32>,
    %get3A_3497 = arith.constant 30 : i32
    %get3A_3498 = arith.index_cast %get3A_3497 : i32 to index
    %get3A_3499 = arith.constant 0 : index
    %get3A_3500 = tpu.vector_load %arg13[%get3A_3498, %get3A_3499] {strides = array<i32>} : memref<32x64xf32, #tpu.memory_space<vmem>>, vector<1x16xf32>,
    %get3A_3501 = vector.shape_cast %get3A_3500 : vector<1x16xf32> to vector<16xf32>
    %get3A_3502 = arith.constant 30 : i32
    %get3A_3503 = arith.index_cast %get3A_3502 : i32 to index
    %get3A_3504 = arith.constant 0 : index
    %get3A_3505 = tpu.vector_load %arg11[%get3A_3503, %get3A_3504] {strides = array<i32>} : memref<32x64xf32, #tpu.memory_space<vmem>>, vector<1x16xf32>,
    %get3A_3506 = vector.shape_cast %get3A_3505 : vector<1x16xf32> to vector<16xf32>
    %mul3A_3507 = arith.mulf %get3A_3506, %get3A_3501 : vector<16xf32>
    %swap3A_3508 = arith.constant 30 : i32
    %swap3A_3509 = arith.index_cast %swap3A_3508 : i32 to index
    %swap3A_3510 = arith.constant 0 : index
    %swap3A_3511 = tpu.vector_load %arg11[%swap3A_3509, %swap3A_3510] {strides = array<i32>} : memref<32x64xf32, #tpu.memory_space<vmem>>, vector<1x16xf32>,
    %swap3A_3512 = vector.shape_cast %swap3A_3511 : vector<1x16xf32> to vector<16xf32>
    %swap3A_3513 = vector.shape_cast %mul3A_3507 : vector<16xf32> to vector<1x16xf32>
    tpu.vector_store %arg11[%swap3A_3509, %swap3A_3510], %swap3A_3513 {strides = array<i32>} : memref<32x64xf32, #tpu.memory_space<vmem>>, vector<1x16xf32>,
    %get3A_3514 = arith.constant 30 : i32
    %get3A_3515 = arith.index_cast %get3A_3514 : i32 to index
    %get3A_3516 = arith.constant 0 : index
    %get3A_3517 = tpu.vector_load %arg12[%get3A_3515, %get3A_3516] {strides = array<i32>} : memref<32x64xf32, #tpu.memory_space<vmem>>, vector<1x16xf32>,
    %get3A_3518 = vector.shape_cast %get3A_3517 : vector<1x16xf32> to vector<16xf32>
    %mul3A_3519 = arith.mulf %get3A_3518, %get3A_3501 : vector<16xf32>
    %swap3A_3520 = arith.constant 30 : i32
    %swap3A_3521 = arith.index_cast %swap3A_3520 : i32 to index
    %swap3A_3522 = arith.constant 0 : index
    %swap3A_3523 = tpu.vector_load %arg12[%swap3A_3521, %swap3A_3522] {strides = array<i32>} : memref<32x64xf32, #tpu.memory_space<vmem>>, vector<1x16xf32>,
    %swap3A_3524 = vector.shape_cast %swap3A_3523 : vector<1x16xf32> to vector<16xf32>
    %swap3A_3525 = vector.shape_cast %mul3A_3519 : vector<16xf32> to vector<1x16xf32>
    tpu.vector_store %arg12[%swap3A_3521, %swap3A_3522], %swap3A_3525 {strides = array<i32>} : memref<32x64xf32, #tpu.memory_space<vmem>>, vector<1x16xf32>,
    %get3A_3526 = arith.constant 30 : i32
    %get3A_3527 = arith.index_cast %get3A_3526 : i32 to index
    %get3A_3528 = arith.constant 16 : index
    %get3A_3529 = tpu.vector_load %arg13[%get3A_3527, %get3A_3528] {strides = array<i32>} : memref<32x64xf32, #tpu.memory_space<vmem>>, vector<1x16xf32>,
    %get3A_3530 = vector.shape_cast %get3A_3529 : vector<1x16xf32> to vector<16xf32>
    %get3A_3531 = arith.constant 30 : i32
    %get3A_3532 = arith.index_cast %get3A_3531 : i32 to index
    %get3A_3533 = arith.constant 16 : index
    %get3A_3534 = tpu.vector_load %arg11[%get3A_3532, %get3A_3533] {strides = array<i32>} : memref<32x64xf32, #tpu.memory_space<vmem>>, vector<1x16xf32>,
    %get3A_3535 = vector.shape_cast %get3A_3534 : vector<1x16xf32> to vector<16xf32>
    %mul3A_3536 = arith.mulf %get3A_3535, %get3A_3530 : vector<16xf32>
    %swap3A_3537 = arith.constant 30 : i32
    %swap3A_3538 = arith.index_cast %swap3A_3537 : i32 to index
    %swap3A_3539 = arith.constant 16 : index
    %swap3A_3540 = tpu.vector_load %arg11[%swap3A_3538, %swap3A_3539] {strides = array<i32>} : memref<32x64xf32, #tpu.memory_space<vmem>>, vector<1x16xf32>,
    %swap3A_3541 = vector.shape_cast %swap3A_3540 : vector<1x16xf32> to vector<16xf32>
    %swap3A_3542 = vector.shape_cast %mul3A_3536 : vector<16xf32> to vector<1x16xf32>
    tpu.vector_store %arg11[%swap3A_3538, %swap3A_3539], %swap3A_3542 {strides = array<i32>} : memref<32x64xf32, #tpu.memory_space<vmem>>, vector<1x16xf32>,
    %get3A_3543 = arith.constant 30 : i32
    %get3A_3544 = arith.index_cast %get3A_3543 : i32 to index
    %get3A_3545 = arith.constant 16 : index
    %get3A_3546 = tpu.vector_load %arg12[%get3A_3544, %get3A_3545] {strides = array<i32>} : memref<32x64xf32, #tpu.memory_space<vmem>>, vector<1x16xf32>,
    %get3A_3547 = vector.shape_cast %get3A_3546 : vector<1x16xf32> to vector<16xf32>
    %mul3A_3548 = arith.mulf %get3A_3547, %get3A_3530 : vector<16xf32>
    %swap3A_3549 = arith.constant 30 : i32
    %swap3A_3550 = arith.index_cast %swap3A_3549 : i32 to index
    %swap3A_3551 = arith.constant 16 : index
    %swap3A_3552 = tpu.vector_load %arg12[%swap3A_3550, %swap3A_3551] {strides = array<i32>} : memref<32x64xf32, #tpu.memory_space<vmem>>, vector<1x16xf32>,
    %swap3A_3553 = vector.shape_cast %swap3A_3552 : vector<1x16xf32> to vector<16xf32>
    %swap3A_3554 = vector.shape_cast %mul3A_3548 : vector<16xf32> to vector<1x16xf32>
    tpu.vector_store %arg12[%swap3A_3550, %swap3A_3551], %swap3A_3554 {strides = array<i32>} : memref<32x64xf32, #tpu.memory_space<vmem>>, vector<1x16xf32>,
    %get3A_3555 = arith.constant 30 : i32
    %get3A_3556 = arith.index_cast %get3A_3555 : i32 to index
    %get3A_3557 = arith.constant 32 : index
    %get3A_3558 = tpu.vector_load %arg13[%get3A_3556, %get3A_3557] {strides = array<i32>} : memref<32x64xf32, #tpu.memory_space<vmem>>, vector<1x16xf32>,
    %get3A_3559 = vector.shape_cast %get3A_3558 : vector<1x16xf32> to vector<16xf32>
    %get3A_3560 = arith.constant 30 : i32
    %get3A_3561 = arith.index_cast %get3A_3560 : i32 to index
    %get3A_3562 = arith.constant 32 : index
    %get3A_3563 = tpu.vector_load %arg11[%get3A_3561, %get3A_3562] {strides = array<i32>} : memref<32x64xf32, #tpu.memory_space<vmem>>, vector<1x16xf32>,
    %get3A_3564 = vector.shape_cast %get3A_3563 : vector<1x16xf32> to vector<16xf32>
    %mul3A_3565 = arith.mulf %get3A_3564, %get3A_3559 : vector<16xf32>
    %swap3A_3566 = arith.constant 30 : i32
    %swap3A_3567 = arith.index_cast %swap3A_3566 : i32 to index
    %swap3A_3568 = arith.constant 32 : index
    %swap3A_3569 = tpu.vector_load %arg11[%swap3A_3567, %swap3A_3568] {strides = array<i32>} : memref<32x64xf32, #tpu.memory_space<vmem>>, vector<1x16xf32>,
    %swap3A_3570 = vector.shape_cast %swap3A_3569 : vector<1x16xf32> to vector<16xf32>
    %swap3A_3571 = vector.shape_cast %mul3A_3565 : vector<16xf32> to vector<1x16xf32>
    tpu.vector_store %arg11[%swap3A_3567, %swap3A_3568], %swap3A_3571 {strides = array<i32>} : memref<32x64xf32, #tpu.memory_space<vmem>>, vector<1x16xf32>,
    %get3A_3572 = arith.constant 30 : i32
    %get3A_3573 = arith.index_cast %get3A_3572 : i32 to index
    %get3A_3574 = arith.constant 32 : index
    %get3A_3575 = tpu.vector_load %arg12[%get3A_3573, %get3A_3574] {strides = array<i32>} : memref<32x64xf32, #tpu.memory_space<vmem>>, vector<1x16xf32>,
    %get3A_3576 = vector.shape_cast %get3A_3575 : vector<1x16xf32> to vector<16xf32>
    %mul3A_3577 = arith.mulf %get3A_3576, %get3A_3559 : vector<16xf32>
    %swap3A_3578 = arith.constant 30 : i32
    %swap3A_3579 = arith.index_cast %swap3A_3578 : i32 to index
    %swap3A_3580 = arith.constant 32 : index
    %swap3A_3581 = tpu.vector_load %arg12[%swap3A_3579, %swap3A_3580] {strides = array<i32>} : memref<32x64xf32, #tpu.memory_space<vmem>>, vector<1x16xf32>,
    %swap3A_3582 = vector.shape_cast %swap3A_3581 : vector<1x16xf32> to vector<16xf32>
    %swap3A_3583 = vector.shape_cast %mul3A_3577 : vector<16xf32> to vector<1x16xf32>
    tpu.vector_store %arg12[%swap3A_3579, %swap3A_3580], %swap3A_3583 {strides = array<i32>} : memref<32x64xf32, #tpu.memory_space<vmem>>, vector<1x16xf32>,
    %get3A_3584 = arith.constant 30 : i32
    %get3A_3585 = arith.index_cast %get3A_3584 : i32 to index
    %get3A_3586 = arith.constant 48 : index
    %get3A_3587 = tpu.vector_load %arg13[%get3A_3585, %get3A_3586] {strides = array<i32>} : memref<32x64xf32, #tpu.memory_space<vmem>>, vector<1x16xf32>,
    %get3A_3588 = vector.shape_cast %get3A_3587 : vector<1x16xf32> to vector<16xf32>
    %get3A_3589 = arith.constant 30 : i32
    %get3A_3590 = arith.index_cast %get3A_3589 : i32 to index
    %get3A_3591 = arith.constant 48 : index
    %get3A_3592 = tpu.vector_load %arg11[%get3A_3590, %get3A_3591] {strides = array<i32>} : memref<32x64xf32, #tpu.memory_space<vmem>>, vector<1x16xf32>,
    %get3A_3593 = vector.shape_cast %get3A_3592 : vector<1x16xf32> to vector<16xf32>
    %mul3A_3594 = arith.mulf %get3A_3593, %get3A_3588 : vector<16xf32>
    %swap3A_3595 = arith.constant 30 : i32
    %swap3A_3596 = arith.index_cast %swap3A_3595 : i32 to index
    %swap3A_3597 = arith.constant 48 : index
    %swap3A_3598 = tpu.vector_load %arg11[%swap3A_3596, %swap3A_3597] {strides = array<i32>} : memref<32x64xf32, #tpu.memory_space<vmem>>, vector<1x16xf32>,
    %swap3A_3599 = vector.shape_cast %swap3A_3598 : vector<1x16xf32> to vector<16xf32>
    %swap3A_3600 = vector.shape_cast %mul3A_3594 : vector<16xf32> to vector<1x16xf32>
    tpu.vector_store %arg11[%swap3A_3596, %swap3A_3597], %swap3A_3600 {strides = array<i32>} : memref<32x64xf32, #tpu.memory_space<vmem>>, vector<1x16xf32>,
    %get3A_3601 = arith.constant 30 : i32
    %get3A_3602 = arith.index_cast %get3A_3601 : i32 to index
    %get3A_3603 = arith.constant 48 : index
    %get3A_3604 = tpu.vector_load %arg12[%get3A_3602, %get3A_3603] {strides = array<i32>} : memref<32x64xf32, #tpu.memory_space<vmem>>, vector<1x16xf32>,
    %get3A_3605 = vector.shape_cast %get3A_3604 : vector<1x16xf32> to vector<16xf32>
    %mul3A_3606 = arith.mulf %get3A_3605, %get3A_3588 : vector<16xf32>
    %swap3A_3607 = arith.constant 30 : i32
    %swap3A_3608 = arith.index_cast %swap3A_3607 : i32 to index
    %swap3A_3609 = arith.constant 48 : index
    %swap3A_3610 = tpu.vector_load %arg12[%swap3A_3608, %swap3A_3609] {strides = array<i32>} : memref<32x64xf32, #tpu.memory_space<vmem>>, vector<1x16xf32>,
    %swap3A_3611 = vector.shape_cast %swap3A_3610 : vector<1x16xf32> to vector<16xf32>
    %swap3A_3612 = vector.shape_cast %mul3A_3606 : vector<16xf32> to vector<1x16xf32>
    tpu.vector_store %arg12[%swap3A_3608, %swap3A_3609], %swap3A_3612 {strides = array<i32>} : memref<32x64xf32, #tpu.memory_space<vmem>>, vector<1x16xf32>,
    %get3A_3613 = arith.constant 31 : i32
    %get3A_3614 = arith.index_cast %get3A_3613 : i32 to index
    %get3A_3615 = arith.constant 0 : index
    %get3A_3616 = tpu.vector_load %arg13[%get3A_3614, %get3A_3615] {strides = array<i32>} : memref<32x64xf32, #tpu.memory_space<vmem>>, vector<1x16xf32>,
    %get3A_3617 = vector.shape_cast %get3A_3616 : vector<1x16xf32> to vector<16xf32>
    %get3A_3618 = arith.constant 31 : i32
    %get3A_3619 = arith.index_cast %get3A_3618 : i32 to index
    %get3A_3620 = arith.constant 0 : index
    %get3A_3621 = tpu.vector_load %arg11[%get3A_3619, %get3A_3620] {strides = array<i32>} : memref<32x64xf32, #tpu.memory_space<vmem>>, vector<1x16xf32>,
    %get3A_3622 = vector.shape_cast %get3A_3621 : vector<1x16xf32> to vector<16xf32>
    %mul3A_3623 = arith.mulf %get3A_3622, %get3A_3617 : vector<16xf32>
    %swap3A_3624 = arith.constant 31 : i32
    %swap3A_3625 = arith.index_cast %swap3A_3624 : i32 to index
    %swap3A_3626 = arith.constant 0 : index
    %swap3A_3627 = tpu.vector_load %arg11[%swap3A_3625, %swap3A_3626] {strides = array<i32>} : memref<32x64xf32, #tpu.memory_space<vmem>>, vector<1x16xf32>,
    %swap3A_3628 = vector.shape_cast %swap3A_3627 : vector<1x16xf32> to vector<16xf32>
    %swap3A_3629 = vector.shape_cast %mul3A_3623 : vector<16xf32> to vector<1x16xf32>
    tpu.vector_store %arg11[%swap3A_3625, %swap3A_3626], %swap3A_3629 {strides = array<i32>} : memref<32x64xf32, #tpu.memory_space<vmem>>, vector<1x16xf32>,
    %get3A_3630 = arith.constant 31 : i32
    %get3A_3631 = arith.index_cast %get3A_3630 : i32 to index
    %get3A_3632 = arith.constant 0 : index
    %get3A_3633 = tpu.vector_load %arg12[%get3A_3631, %get3A_3632] {strides = array<i32>} : memref<32x64xf32, #tpu.memory_space<vmem>>, vector<1x16xf32>,
    %get3A_3634 = vector.shape_cast %get3A_3633 : vector<1x16xf32> to vector<16xf32>
    %mul3A_3635 = arith.mulf %get3A_3634, %get3A_3617 : vector<16xf32>
    %swap3A_3636 = arith.constant 31 : i32
    %swap3A_3637 = arith.index_cast %swap3A_3636 : i32 to index
    %swap3A_3638 = arith.constant 0 : index
    %swap3A_3639 = tpu.vector_load %arg12[%swap3A_3637, %swap3A_3638] {strides = array<i32>} : memref<32x64xf32, #tpu.memory_space<vmem>>, vector<1x16xf32>,
    %swap3A_3640 = vector.shape_cast %swap3A_3639 : vector<1x16xf32> to vector<16xf32>
    %swap3A_3641 = vector.shape_cast %mul3A_3635 : vector<16xf32> to vector<1x16xf32>
    tpu.vector_store %arg12[%swap3A_3637, %swap3A_3638], %swap3A_3641 {strides = array<i32>} : memref<32x64xf32, #tpu.memory_space<vmem>>, vector<1x16xf32>,
    %get3A_3642 = arith.constant 31 : i32
    %get3A_3643 = arith.index_cast %get3A_3642 : i32 to index
    %get3A_3644 = arith.constant 16 : index
    %get3A_3645 = tpu.vector_load %arg13[%get3A_3643, %get3A_3644] {strides = array<i32>} : memref<32x64xf32, #tpu.memory_space<vmem>>, vector<1x16xf32>,
    %get3A_3646 = vector.shape_cast %get3A_3645 : vector<1x16xf32> to vector<16xf32>
    %get3A_3647 = arith.constant 31 : i32
    %get3A_3648 = arith.index_cast %get3A_3647 : i32 to index
    %get3A_3649 = arith.constant 16 : index
    %get3A_3650 = tpu.vector_load %arg11[%get3A_3648, %get3A_3649] {strides = array<i32>} : memref<32x64xf32, #tpu.memory_space<vmem>>, vector<1x16xf32>,
    %get3A_3651 = vector.shape_cast %get3A_3650 : vector<1x16xf32> to vector<16xf32>
    %mul3A_3652 = arith.mulf %get3A_3651, %get3A_3646 : vector<16xf32>
    %swap3A_3653 = arith.constant 31 : i32
    %swap3A_3654 = arith.index_cast %swap3A_3653 : i32 to index
    %swap3A_3655 = arith.constant 16 : index
    %swap3A_3656 = tpu.vector_load %arg11[%swap3A_3654, %swap3A_3655] {strides = array<i32>} : memref<32x64xf32, #tpu.memory_space<vmem>>, vector<1x16xf32>,
    %swap3A_3657 = vector.shape_cast %swap3A_3656 : vector<1x16xf32> to vector<16xf32>
    %swap3A_3658 = vector.shape_cast %mul3A_3652 : vector<16xf32> to vector<1x16xf32>
    tpu.vector_store %arg11[%swap3A_3654, %swap3A_3655], %swap3A_3658 {strides = array<i32>} : memref<32x64xf32, #tpu.memory_space<vmem>>, vector<1x16xf32>,
    %get3A_3659 = arith.constant 31 : i32
    %get3A_3660 = arith.index_cast %get3A_3659 : i32 to index
    %get3A_3661 = arith.constant 16 : index
    %get3A_3662 = tpu.vector_load %arg12[%get3A_3660, %get3A_3661] {strides = array<i32>} : memref<32x64xf32, #tpu.memory_space<vmem>>, vector<1x16xf32>,
    %get3A_3663 = vector.shape_cast %get3A_3662 : vector<1x16xf32> to vector<16xf32>
    %mul3A_3664 = arith.mulf %get3A_3663, %get3A_3646 : vector<16xf32>
    %swap3A_3665 = arith.constant 31 : i32
    %swap3A_3666 = arith.index_cast %swap3A_3665 : i32 to index
    %swap3A_3667 = arith.constant 16 : index
    %swap3A_3668 = tpu.vector_load %arg12[%swap3A_3666, %swap3A_3667] {strides = array<i32>} : memref<32x64xf32, #tpu.memory_space<vmem>>, vector<1x16xf32>,
    %swap3A_3669 = vector.shape_cast %swap3A_3668 : vector<1x16xf32> to vector<16xf32>
    %swap3A_3670 = vector.shape_cast %mul3A_3664 : vector<16xf32> to vector<1x16xf32>
    tpu.vector_store %arg12[%swap3A_3666, %swap3A_3667], %swap3A_3670 {strides = array<i32>} : memref<32x64xf32, #tpu.memory_space<vmem>>, vector<1x16xf32>,
    %get3A_3671 = arith.constant 31 : i32
    %get3A_3672 = arith.index_cast %get3A_3671 : i32 to index
    %get3A_3673 = arith.constant 32 : index
    %get3A_3674 = tpu.vector_load %arg13[%get3A_3672, %get3A_3673] {strides = array<i32>} : memref<32x64xf32, #tpu.memory_space<vmem>>, vector<1x16xf32>,
    %get3A_3675 = vector.shape_cast %get3A_3674 : vector<1x16xf32> to vector<16xf32>
    %get3A_3676 = arith.constant 31 : i32
    %get3A_3677 = arith.index_cast %get3A_3676 : i32 to index
    %get3A_3678 = arith.constant 32 : index
    %get3A_3679 = tpu.vector_load %arg11[%get3A_3677, %get3A_3678] {strides = array<i32>} : memref<32x64xf32, #tpu.memory_space<vmem>>, vector<1x16xf32>,
    %get3A_3680 = vector.shape_cast %get3A_3679 : vector<1x16xf32> to vector<16xf32>
    %mul3A_3681 = arith.mulf %get3A_3680, %get3A_3675 : vector<16xf32>
    %swap3A_3682 = arith.constant 31 : i32
    %swap3A_3683 = arith.index_cast %swap3A_3682 : i32 to index
    %swap3A_3684 = arith.constant 32 : index
    %swap3A_3685 = tpu.vector_load %arg11[%swap3A_3683, %swap3A_3684] {strides = array<i32>} : memref<32x64xf32, #tpu.memory_space<vmem>>, vector<1x16xf32>,
    %swap3A_3686 = vector.shape_cast %swap3A_3685 : vector<1x16xf32> to vector<16xf32>
    %swap3A_3687 = vector.shape_cast %mul3A_3681 : vector<16xf32> to vector<1x16xf32>
    tpu.vector_store %arg11[%swap3A_3683, %swap3A_3684], %swap3A_3687 {strides = array<i32>} : memref<32x64xf32, #tpu.memory_space<vmem>>, vector<1x16xf32>,
    %get3A_3688 = arith.constant 31 : i32
    %get3A_3689 = arith.index_cast %get3A_3688 : i32 to index
    %get3A_3690 = arith.constant 32 : index
    %get3A_3691 = tpu.vector_load %arg12[%get3A_3689, %get3A_3690] {strides = array<i32>} : memref<32x64xf32, #tpu.memory_space<vmem>>, vector<1x16xf32>,
    %get3A_3692 = vector.shape_cast %get3A_3691 : vector<1x16xf32> to vector<16xf32>
    %mul3A_3693 = arith.mulf %get3A_3692, %get3A_3675 : vector<16xf32>
    %swap3A_3694 = arith.constant 31 : i32
    %swap3A_3695 = arith.index_cast %swap3A_3694 : i32 to index
    %swap3A_3696 = arith.constant 32 : index
    %swap3A_3697 = tpu.vector_load %arg12[%swap3A_3695, %swap3A_3696] {strides = array<i32>} : memref<32x64xf32, #tpu.memory_space<vmem>>, vector<1x16xf32>,
    %swap3A_3698 = vector.shape_cast %swap3A_3697 : vector<1x16xf32> to vector<16xf32>
    %swap3A_3699 = vector.shape_cast %mul3A_3693 : vector<16xf32> to vector<1x16xf32>
    tpu.vector_store %arg12[%swap3A_3695, %swap3A_3696], %swap3A_3699 {strides = array<i32>} : memref<32x64xf32, #tpu.memory_space<vmem>>, vector<1x16xf32>,
    %get3A_3700 = arith.constant 31 : i32
    %get3A_3701 = arith.index_cast %get3A_3700 : i32 to index
    %get3A_3702 = arith.constant 48 : index
    %get3A_3703 = tpu.vector_load %arg13[%get3A_3701, %get3A_3702] {strides = array<i32>} : memref<32x64xf32, #tpu.memory_space<vmem>>, vector<1x16xf32>,
    %get3A_3704 = vector.shape_cast %get3A_3703 : vector<1x16xf32> to vector<16xf32>
    %get3A_3705 = arith.constant 31 : i32
    %get3A_3706 = arith.index_cast %get3A_3705 : i32 to index
    %get3A_3707 = arith.constant 48 : index
    %get3A_3708 = tpu.vector_load %arg11[%get3A_3706, %get3A_3707] {strides = array<i32>} : memref<32x64xf32, #tpu.memory_space<vmem>>, vector<1x16xf32>,
    %get3A_3709 = vector.shape_cast %get3A_3708 : vector<1x16xf32> to vector<16xf32>
    %mul3A_3710 = arith.mulf %get3A_3709, %get3A_3704 : vector<16xf32>
    %swap3A_3711 = arith.constant 31 : i32
    %swap3A_3712 = arith.index_cast %swap3A_3711 : i32 to index
    %swap3A_3713 = arith.constant 48 : index
    %swap3A_3714 = tpu.vector_load %arg11[%swap3A_3712, %swap3A_3713] {strides = array<i32>} : memref<32x64xf32, #tpu.memory_space<vmem>>, vector<1x16xf32>,
    %swap3A_3715 = vector.shape_cast %swap3A_3714 : vector<1x16xf32> to vector<16xf32>
    %swap3A_3716 = vector.shape_cast %mul3A_3710 : vector<16xf32> to vector<1x16xf32>
    tpu.vector_store %arg11[%swap3A_3712, %swap3A_3713], %swap3A_3716 {strides = array<i32>} : memref<32x64xf32, #tpu.memory_space<vmem>>, vector<1x16xf32>,
    %get3A_3717 = arith.constant 31 : i32
    %get3A_3718 = arith.index_cast %get3A_3717 : i32 to index
    %get3A_3719 = arith.constant 48 : index
    %get3A_3720 = tpu.vector_load %arg12[%get3A_3718, %get3A_3719] {strides = array<i32>} : memref<32x64xf32, #tpu.memory_space<vmem>>, vector<1x16xf32>,
    %get3A_3721 = vector.shape_cast %get3A_3720 : vector<1x16xf32> to vector<16xf32>
    %mul3A_3722 = arith.mulf %get3A_3721, %get3A_3704 : vector<16xf32>
    %swap3A_3723 = arith.constant 31 : i32
    %swap3A_3724 = arith.index_cast %swap3A_3723 : i32 to index
    %swap3A_3725 = arith.constant 48 : index
    %swap3A_3726 = tpu.vector_load %arg12[%swap3A_3724, %swap3A_3725] {strides = array<i32>} : memref<32x64xf32, #tpu.memory_space<vmem>>, vector<1x16xf32>,
    %swap3A_3727 = vector.shape_cast %swap3A_3726 : vector<1x16xf32> to vector<16xf32>
    %swap3A_3728 = vector.shape_cast %mul3A_3722 : vector<16xf32> to vector<1x16xf32>
    tpu.vector_store %arg12[%swap3A_3724, %swap3A_3725], %swap3A_3728 {strides = array<i32>} : memref<32x64xf32, #tpu.memory_space<vmem>>, vector<1x16xf32>,
    "tpu.region"() ({
      %run_scoped3A = tpu.sem_alloc : memref<!tpu.dma_semaphore, #tpu.memory_space<semaphore_mem>>
      %dma_start3A_3731 = arith.constant 0 : i32
      %dma_start3A_3732 = tpu.memref_slice %arg7[%mul3A_2, %dma_start3A_3731] : memref<2048x64xf32, #tpu.memory_space<hbm>> -> memref<32x64xf32, #tpu.memory_space<hbm>>
      %dma_start3A_3733 = arith.constant 0 : i32
      %dma_start3A_3734 = tpu.memref_slice %arg7[%mul3A_2, %dma_start3A_3733] : memref<2048x64xf32, #tpu.memory_space<hbm>> -> memref<32x64xf32, #tpu.memory_space<hbm>>
      tpu.enqueue_dma source(%arg11 : memref<32x64xf32, #tpu.memory_space<vmem>>) target(%dma_start3A_3734 : memref<32x64xf32, #tpu.memory_space<hbm>>) target_semaphore(%run_scoped3A : memref<!tpu.dma_semaphore, #tpu.memory_space<semaphore_mem>>)
      %dma_wait3A_3735 = arith.constant 0 : i32
      %dma_wait3A_3736 = tpu.memref_slice %arg7[%mul3A_2, %dma_wait3A_3735] : memref<2048x64xf32, #tpu.memory_space<hbm>> -> memref<32x64xf32, #tpu.memory_space<hbm>>
      %dma_wait3A_3737 = arith.constant 0 : i32
      %dma_wait3A_3738 = tpu.memref_slice %arg7[%mul3A_2, %dma_wait3A_3737] : memref<2048x64xf32, #tpu.memory_space<hbm>> -> memref<32x64xf32, #tpu.memory_space<hbm>>
      tpu.wait_dma2 semaphore(%run_scoped3A : memref<!tpu.dma_semaphore, #tpu.memory_space<semaphore_mem>>) src(%arg11 : memref<32x64xf32, #tpu.memory_space<vmem>>) dst(%dma_wait3A_3738 : memref<32x64xf32, #tpu.memory_space<hbm>>)
      tpu.yield
    }) : () -> ()
    %add3A_3729 = arith.constant 1024 : i32
    %add3A_3730 = arith.addi %add3A_3729, %mul3A_2 : i32
    "tpu.region"() ({
      %run_scoped3A = tpu.sem_alloc : memref<!tpu.dma_semaphore, #tpu.memory_space<semaphore_mem>>
      %dma_start3A_3731 = arith.constant 0 : i32
      %dma_start3A_3732 = tpu.memref_slice %arg7[%add3A_3730, %dma_start3A_3731] : memref<2048x64xf32, #tpu.memory_space<hbm>> -> memref<32x64xf32, #tpu.memory_space<hbm>>
      %dma_start3A_3733 = arith.constant 0 : i32
      %dma_start3A_3734 = tpu.memref_slice %arg7[%add3A_3730, %dma_start3A_3733] : memref<2048x64xf32, #tpu.memory_space<hbm>> -> memref<32x64xf32, #tpu.memory_space<hbm>>
      tpu.enqueue_dma source(%arg12 : memref<32x64xf32, #tpu.memory_space<vmem>>) target(%dma_start3A_3734 : memref<32x64xf32, #tpu.memory_space<hbm>>) target_semaphore(%run_scoped3A : memref<!tpu.dma_semaphore, #tpu.memory_space<semaphore_mem>>)
      %dma_wait3A_3735 = arith.constant 0 : i32
      %dma_wait3A_3736 = tpu.memref_slice %arg7[%add3A_3730, %dma_wait3A_3735] : memref<2048x64xf32, #tpu.memory_space<hbm>> -> memref<32x64xf32, #tpu.memory_space<hbm>>
      %dma_wait3A_3737 = arith.constant 0 : i32
      %dma_wait3A_3738 = tpu.memref_slice %arg7[%add3A_3730, %dma_wait3A_3737] : memref<2048x64xf32, #tpu.memory_space<hbm>> -> memref<32x64xf32, #tpu.memory_space<hbm>>
      tpu.wait_dma2 semaphore(%run_scoped3A : memref<!tpu.dma_semaphore, #tpu.memory_space<semaphore_mem>>) src(%arg12 : memref<32x64xf32, #tpu.memory_space<vmem>>) dst(%dma_wait3A_3738 : memref<32x64xf32, #tpu.memory_space<hbm>>)
      tpu.yield
    }) : () -> ()
    return
  }
}

module attributes {stable_mosaic.version = 14 : i64} {
  func.func @_score_body(%arg0: i32, %arg1: memref<2048x64xf32, #tpu.memory_space<vmem>>, %arg2: memref<2048x64xf32, #tpu.memory_space<vmem>>, %arg3: memref<2048x2048xf32, #tpu.memory_space<vmem>>) attributes {dimension_semantics = [#tpu.dimension_semantics<arbitrary>], iteration_bounds = array<i64: 49>, scalar_prefetch = 0 : i64, scratch_operands = 0 : i64, tpu.core_type = #tpu.core_type<tc>, window_params = [{pipeline_mode = #tpu.pipeline_mode<synchronous>, transform_indices = @transform_0, window_bounds = array<i64: 2048, 64>}, {transform_indices = @transform_1, window_bounds = array<i64: 2048, 64>}, {transform_indices = @transform_2, window_bounds = array<i64: 2048, 2048>}]} {
    %get3A = arith.constant 0 : index
    %get3A_0 = arith.constant 0 : index
    %get3A_1 = vector.load %arg1[%get3A, %get3A_0] : memref<2048x64xf32, #tpu.memory_space<vmem>>, vector<2048x64xf32>
    %get3A_2 = arith.constant 0 : index
    %get3A_3 = arith.constant 0 : index
    %get3A_4 = vector.load %arg2[%get3A_2, %get3A_3] : memref<2048x64xf32, #tpu.memory_space<vmem>>, vector<2048x64xf32>
    %dot_general3A = arith.constant dense<0.000000e+00> : vector<2048x2048xf32>
    %dot_general3A_5 = tpu.matmul %get3A_1, %get3A_4, %dot_general3A {dimension_numbers = #tpu.dot_dimension_numbers<[1], [1], [0], [0], [0, 0, 1, 0], [], []>, transpose_lhs_hint = false} : vector<2048x64xf32>, vector<2048x64xf32>, vector<2048x2048xf32> -> vector<2048x2048xf32>
    %swap3A = arith.constant 0 : index
    %swap3A_6 = arith.constant 0 : index
    %swap3A_7 = vector.load %arg3[%swap3A, %swap3A_6] : memref<2048x2048xf32, #tpu.memory_space<vmem>>, vector<2048x2048xf32>
    tpu.vector_store %arg3[%swap3A, %swap3A_6], %dot_general3A_5 {strides = array<i32>} : memref<2048x2048xf32, #tpu.memory_space<vmem>>, vector<2048x2048xf32>,
    return
  }
  func.func @transform_0(%arg0: i32) -> (i32, i32) {
    %c0_i32 = arith.constant 0 : i32
    %c0_i32_0 = arith.constant 0 : i32
    %c0_i32_1 = arith.constant 0 : i32
    return %c0_i32, %c0_i32_0 : i32, i32
  }
  func.func @transform_1(%arg0: i32) -> (i32, i32) {
    %c0_i32 = arith.constant 0 : i32
    %c0_i32_0 = arith.constant 0 : i32
    return %arg0, %c0_i32 : i32, i32
  }
  func.func @transform_2(%arg0: i32) -> (i32, i32) {
    %c0_i32 = arith.constant 0 : i32
    %c0_i32_0 = arith.constant 0 : i32
    return %c0_i32, %arg0 : i32, i32
  }
}

</mosaic_0001>

<sc_bundles>
// kernel: kernel.4.cloned.1.call-start
scs
__scs_entry_jumppad:
0x0: {  	(pc) =	sbr.rel $0x88, $3  }
0x1: {  	(tag) =	ssettag $0x0;
	lr =	simm.s32 $0x1  }
0x2: {  	[smem:$0x3F9C] =	sst lr;
	_ =	strace $0xD0000000  }
0x3: {  	_ = 	snop  }
0x4: {  	_ = 	snop  }
0x5: {  	_ = 	snop  }
0x6: {  	_ = 	snop  }
0x7: {  	_ = 	snop  }
__scs_overlays_trampoline_lowered:
0x8: {  	[smem:$0x3FAB] =	sst s0  }
0x9: {  	[smem:$0x3FAC] =	sst s1  }
0xa: {  	[smem:$0x3FAD] =	sst s2  }
0xb: {  	[smem:$0x3FAE] =	sst s3  }
0xc: {  	[smem:$0x3FAF] =	sst s4  }
0xd: {  	[smem:$0x3FB0] =	sst s5  }
0xe: {  	[smem:$0x3FB1] =	sst s6  }
0xf: {  	[smem:$0x3FB2] =	sst s7  }
0x10: {  	[smem:$0x3FB3] =	sst s8  }
0x11: {  	[smem:$0x3FB4] =	sst s9;
	s0 =	simm.s32 @!p0 $0x0  }
0x12: {  	s1 =	sld [smem:$0x3F9A];
	s0 =	simm.s32 @p0 $0x1  }
0x13: {  	[smem:$0x3FB5] =	sst s0;
	s0 =	simm.s32 @!p1 $0x0  }
0x14: {  	s2 =	sld [smem:$0x3F99];
	s0 =	simm.s32 @p1 $0x1  }
0x15: {  	[smem:$0x3FB6] =	sst s0;
	s0 =	simm.s32 @!p2 $0x0  }
0x16: {  	s3 =	sld [smem:$0x3FDB];
	s0 =	simm.s32 @p2 $0x1  }
0x17: {  	s4 =	simm.s32 $0x1BF5;
	[smem:$0x3FB8] =	sst s0  }
0x18: {  	s0 =	sld [smem:$0x3F9B];
	_ =	swait.ge [sflag:s4], $0x0  }
0x19: {  	s7 =	sld [smem:$0x3F9C]  }
0x1a: {  	s8 =	sadd.s32 $0xFFFFE003, lr  }
0x1b: {  	s9 =	sadd.s32 $0xFFFFFEF7, lr;
	s5 =	simm.s32 $0xFFFFFFFF;
	p2 =	slt.u32 s8, $0xFFFFF086  }
0x1c: {  	p1 =	slt.u32 s9, $0xF7A;
	s5 =	simm.s32 @!p2 $0x0  }
0x1d: {  	s5 =	simm.s32 @p1 $0x1;
	p0 =	seq.s32 s7, s2  }
0x1e: {  	s7 =	smul.u32 @!p0 $0xF7A, s2;
	p2 =	seq.s32 @!p0 s5, $0x0  }
0x1f: {  	s9 =	smul.u32 $0xF7A, s1;
	s8 =	simm.s32 @!p0 $0x1BF5;
	p2 =	por !p2, p0  }
0x20: {  	[sflag:s8] =	ssyncset.s32 @!p0 $0xFFFFF086;
	s6 =	sadd.s32 @!p0 s3, s7;
	s7 =	simm.s32 @!p0 $0x108  }
0x21: {  	s3 =	sadd.s32 s3, s9;
	s6 =	sadd.s32 @!p0 $0x88, s6;
	s7 =	simm.s32 @p2 $0x1082  }
0x22: {  	[simem:s7], [sflag:s8] =	dma.local @!p0 [hbm:s6], $0xF7A  }
0x23: {  	s9 =	sor.u32 $0xD0000000, s2;
	s6 =	simm.s32 $0x108;
	_ =	swait.ge @!p0 [sflag:s8], $0x0  }
0x24: {  	s3 =	sadd.s32 $0x88, s3;
	s6 =	simm.s32 @!p1 $0x1082;
	[sflag:s4] =	ssyncset.s32 $0xFFFFF086  }
0x25: {  	[simem:s6], [sflag:s4] =	dma.local [hbm:s3], $0xF7A  }
0x26: {  	[smem:$0x3F9C] =	sst s1;
	(tag) =	ssettag s2;
	_ =	strace s9  }
0x27: {  	s1 =	sld [smem:$0x3FAC]  }
0x28: {  	s2 =	sld [smem:$0x3FAD]  }
0x29: {  	s4 =	sld [smem:$0x3FAF]  }
0x2a: {  	p0 =	seq.s32 s5, $0x0;
	s5 =	sld [smem:$0x3FB0]  }
0x2b: {  	s6 =	sld [smem:$0x3FB1]  }
0x2c: {  	s7 =	sld [smem:$0x3FB2]  }
0x2d: {  	s3 =	simm.s32 $0x108;
	s8 =	sld [smem:$0x3FB3]  }
0x2e: {  	s3 =	simm.s32 @!p0 $0x1082;
	s9 =	sld [smem:$0x3FB4]  }
0x2f: {  	lr =	sadd.s32 s0, s3;
	s0 =	sld [smem:$0x3FAB]  }
0x30: {  	s3 =	sld [smem:$0x3FAE]  }
0x31: {  	[smem:$0x3FB7] =	sst s10  }
0x32: {  	s10 =	sld [smem:$0x3FB5];
	_ =	sdelay $0x3  }
0x33: {  	p0 =	seq.s32 s10, $0x1;
	s10 =	sld [smem:$0x3FB7];
	_ =	sdelay $0x3  }
0x34: {  	[smem:$0x3FB7] =	sst s10  }
0x35: {  	s10 =	sld [smem:$0x3FB6];
	_ =	sdelay $0x3  }
0x36: {  	p1 =	seq.s32 s10, $0x1;
	s10 =	sld [smem:$0x3FB7];
	_ =	sdelay $0x3  }
0x37: {  	[smem:$0x3FB7] =	sst s10  }
0x38: {  	s10 =	sld [smem:$0x3FB8]  }
0x39: {  	_ = 	snop;
	(pc) =	sbr.ind lr, $3  }
0x3a: {  	_ = 	snop  }
0x3b: {  	_ = 	snop  }
0x3c: {  	p2 =	seq.s32 s10, $0x1;
	s10 =	sld [smem:$0x3FB7]  }
0x3d: {  	_ =	shalt  }
0x3e: {  	_ =	shalt  }
0x3f: {  	_ =	shalt  }
0x40: {  	_ =	shalt  }
0x41: {  	_ =	shalt  }
0x42: {  	_ =	shalt  }
0x43: {  	_ =	shalt  }
0x44: {  	_ =	shalt  }
0x45: {  	_ =	shalt  }
0x46: {  	_ =	shalt  }
0x47: {  	_ =	shalt  }
0x48: {  	_ =	shalt  }
0x49: {  	_ =	shalt  }
0x4a: {  	_ =	shalt  }
0x4b: {  	_ =	shalt  }
0x4c: {  	_ =	shalt  }
0x4d: {  	_ =	shalt  }
0x4e: {  	_ =	shalt  }
0x4f: {  	_ =	shalt  }
0x50: {  	_ =	shalt  }
0x51: {  	_ =	shalt  }
0x52: {  	_ =	shalt  }
0x53: {  	_ =	shalt  }
0x54: {  	_ =	shalt  }
0x55: {  	_ =	shalt  }
0x56: {  	_ =	shalt  }
0x57: {  	_ =	shalt  }
0x58: {  	_ =	shalt  }
0x59: {  	_ =	shalt  }
0x5a: {  	_ =	shalt  }
0x5b: {  	_ =	shalt  }
0x5c: {  	_ =	shalt  }
0x5d: {  	_ =	shalt  }
0x5e: {  	_ =	shalt  }
0x5f: {  	_ =	shalt  }
0x60: {  	_ =	shalt  }
0x61: {  	_ =	shalt  }
0x62: {  	_ =	shalt  }
0x63: {  	_ =	shalt  }
0x64: {  	_ =	shalt  }
0x65: {  	_ =	shalt  }
0x66: {  	_ =	shalt  }
0x67: {  	_ =	shalt  }
0x68: {  	_ =	shalt  }
0x69: {  	_ =	shalt  }
0x6a: {  	_ =	shalt  }
0x6b: {  	_ =	shalt  }
0x6c: {  	_ =	shalt  }
0x6d: {  	_ =	shalt  }
0x6e: {  	_ =	shalt  }
0x6f: {  	_ =	shalt  }
0x70: {  	_ =	shalt  }
0x71: {  	_ =	shalt  }
0x72: {  	_ =	shalt  }
0x73: {  	_ =	shalt  }
0x74: {  	_ =	shalt  }
0x75: {  	_ =	shalt  }
0x76: {  	_ =	shalt  }
0x77: {  	_ =	shalt  }
0x78: {  	_ =	shalt  }
0x79: {  	_ =	shalt  }
0x7a: {  	_ =	shalt  }
0x7b: {  	_ =	shalt  }
0x7c: {  	_ =	shalt  }
0x7d: {  	_ =	shalt  }
0x7e: {  	_ =	shalt  }
0x7f: {  	_ =	shalt  }
0x80: {  	_ =	shalt  }
0x81: {  	_ =	shalt  }
0x82: {  	_ =	shalt  }
0x83: {  	_ =	shalt  }
0x84: {  	_ =	shalt  }
0x85: {  	_ =	shalt  }
0x86: {  	_ =	shalt  }
0x87: {  	_ =	shalt  }
.Lfunc_end0:
.L_simem_size_0:
called_computation.1_lowered:
.L_overlay_start_0:
0x88: {  	s2 =	sld [smem:$0x3FD9]  }
0x89: {  	s3 =	sld [smem:$0x3FFE];
	_ =	sdelay $0x1  }
0x8a: {  	s1 =	srdreg.scid  }
0x8b: {  	s0 =	sand.u32 $0x1, s1  }
0x8c: {  	s17 =	sshll.u32 s0, $0xA;
	s2 =	sadd.s32 s3, s2  }
0x8d: {  	s2 =	sadd.s32 s2, s17  }
0x8e: {  	[smem:$0x3FC3] =	sst s2  }
0x8f: {  	_ = 	snop  }
0x90: {  	s2 =	sld [smem:$0x3FC9]  }
0x91: {  	s18 =	sld [smem:$0x3FC8]  }
0x92: {  	s4 =	sld [smem:$0x3FC7];
	(tm) =	ssettm $0x1  }
0x93: {  	s5 =	sld [smem:$0x3FFB];
	_ =	sdelay $0x3  }
0x94: {  	_ =	strace s5  }
0x95: {  	s5 =	sld [smem:$0x3FFC];
	_ =	sdelay $0x3  }
0x96: {  	_ =	strace s5  }
0x97: {  	s5 =	sld [smem:$0x3FFD];
	_ =	sdelay $0x3  }
0x98: {  	_ =	strace s5  }
0x99: {  	_ =	strace $0x8FFFFFFF  }
0x9a: {  	s19 =	sld [smem:$0x3FDB];
	_ =	sdelay $0x1  }
0x9b: {  	s6 =	simm.s32 $_scs_section_size  }
0x9c: {  	s7 =	simm.s32 $_size__tile_overlayer_lowered;
	s8 =	simm.s32 $_tile_overlayer_lowered  }
0x9d: {  	s22 =	simm.s32 $0x1BFF;
	s21 =	sshll.u32 s8, $0x1;
	s5 =	sadd.s32 s6, s19  }
0x9e: {  	s9 =	simm.s32 $0x0;
	s20 =	sshll.u32 s7, $0x1;
	s7 =	sadd.s32 s21, s5  }
0x9f: {  	[timem:s9], [sflag:s22] =	dma.local [hbm:s7], s20  }
0xa0: {  	_ =	swait.ge [sflag:s22], s20  }
0xa1: {  	s6 =	ssub.s32 $0x0, s20;
	[sflag:s22] =	ssyncset.done $0x0  }
0xa2: {  	[sflag:s22] =	ssyncadd.s32 s6;
	_ =	sdelay $0x1  }
0xa3: {  	s23 =	simm.s32 $0x1B8B  }
0xa4: {  	_ =	swait.ge [sflag:s23], $0x1  }
0xa5: {  	[sflag:s23] =	ssyncset.done $0x0  }
0xa6: {  	s25 =	simm.s32 $0x1B8E;
	s24 =	sld [smem:$0x3FFE];
	[sflag:s23] =	ssyncadd.s32 $0xFFFFFFFF  }
0xa7: {  	s26 =	simm.s32 $execute0_lowered;
	[smem:$0x3FD2] =	sst s25  }
0xa8: {  	s7 =	sshll.u32 s26, $0x1;
	_ =	strace $0x80000046;
	[dreg:$0x1] =	wrdreg $0xFFFFFFFF  }
0xa9: {  	s28 =	simm.s32 $_size_execute0_lowered;
	s5 =	sadd.s32 s5, s7;
	[dreg:$0x0] =	wrdreg $0x0  }
0xaa: {  	s7 =	sshll.u32 s28, $0x1;
	[dreg:$0x2] =	wrdreg s5  }
0xab: {  	[dreg:$0x3] =	wrdreg s7  }
0xac: {  	[dreg:$0x4] =	wrdreg $0xC0  }
0xad: {  	_ =	task [dreg:s9], $0x5FFFF  }
0xae: {  	[dreg:$0x1] =	wrdreg $0xFFFFFFFF  }
0xaf: {  	[dreg:$0x0] =	wrdreg $0x60  }
0xb0: {  	[dreg:$0x2] =	wrdreg s2  }
0xb1: {  	[dreg:$0x3] =	wrdreg s18  }
0xb2: {  	[dreg:$0x4] =	wrdreg s4  }
0xb3: {  	[dreg:$0x5] =	wrdreg s24  }
0xb4: {  	[dreg:$0x6] =	wrdreg $0x9  }
0xb5: {  	_ =	task.clear_ibuf [dreg:s9], $0x7FFFF;
	_ =	strace $0x90000046  }
0xb6: {  	s29 =	simm.s32 $0x9;
	_ =	strace $0x80000048  }
0xb7: {  	_ =	swait.ge [sflag:s29], $0x1  }
0xb8: {  	[sflag:s29] =	ssyncadd.s32 $0xFFFFFFFF  }
0xb9: {  	_ =	strace $0x90000048  }
0xba: {  	_ =	sfence  }
0xbb: {  	s30 =	sld [smem:$0x0];
	_ =	sdelay $0x2  }
0xbc: {  	s31 =	sshll.u32 s1, $0xD;
	s1 =	sshrl.u32 s1, $0x2  }
0xbd: {  	s3 =	sand.u32 $0x4000, s31;
	s1 =	sadd.s32 s1, s30  }
0xbe: {  	s0 =	sor.u32 s3, s0;
	s1 =	sshll.u32 s1, $0x11  }
0xbf: {  	s0 =	sor.u32 s1, s0  }
0xc0: {  	s0 =	sadd.s32 $0x8F2B, s0  }
0xc1: {  	[sflag:s0] =	ssyncadd.remote.s32 $0x1  }
0xc2: {  	_ =	sfence.sel $0xFFFF  }
0xc3: {  	[dreg:$0x0] =	wrdreg $0xFFFFFFFF;
	(pc) =	sbr.abs _section_cstart, $3  }
0xc4: {  	[dreg:$0x1] =	wrdreg $0xFFFFFFFF  }
0xc5: {  	_ =	task.clear_ibuf [dreg:s9], $0x2FFFF;
	_ =	strace $0x9FFFFFFF  }
0xc6: {  	(tm) =	ssettm $0x7FFFFFFF  }
0xc7: {  	_ =	shalt  }
tec
execute0_lowered:
.L_overlay_start_1:
0x0: {  	(tag) =	ssettag $0x1  }
0x1: {  	s5 =	rddreg [dreg:$0x0]  }
0x2: {  	s6 =	rddreg [dreg:$0x1]  }
0x3: {  	s7 =	rddreg [dreg:$0x2]  }
0x4: {  	s8 =	rddreg [dreg:$0x3]  }
0x5: {  	s0 =	rddreg [dreg:$0x4]  }
0x6: {  	s2 =	simm.s32 $0x0;
	s3 =	srdreg.scid;
	s1 =	stileid.u32  }
0x7: {  	s13 =	simm.s32 $0x40;
	s14 =	simm.s32 $0x60;
	s15 =	simm.s32 $0x860  }
0x8: {  	s16 =	simm.s32 $0x1060;
	s17 =	simm.s32 $0x1;
	[smem:$0x7FF] =	sst s2  }
0x9: {  	s9 =	sand.u32 $0x1, s3;
	s3 =	sadd.s32 $0x2800, s8;
	s10 =	sshll.u32 s1, $0x6  }
0xa: {  	s4 =	sadd.s32 $0x800, s8;
	s11 =	sshll.u32 s9, $0x5;
	s9 =	ssub.s32 $0x2, s9  }
0xb: {  	_ =	strace $0x80000047;
	s10 =	sor.u32 s11, s10;
	s12 =	sshrl.u32 s9, $0x1  }
0xc: {  	s11 =	sshll.u32 s10, $0x3;
	s10 =	sshrl.u32 s10, $0x3;
	s12 =	ssub.s32 s9, s12  }
0xd: {  	s11 =	sadd.s32 s11, s8;
	s5 =	sadd.s32 s5, s10;
	s6 =	sadd.s32 s6, s10  }
0xe: {  	s7 =	sadd.s32 s7, s10;
	s10 =	smax.u32 s12, $0x1;
	s12 =	simm.s32 $0x20  }
0xf: {  	s8 =	sadd.s32 $0xC5E00, s11;
	s9 =	sadd.s32 $0xC7E00, s11;
	s11 =	simm.s32 $0x2  }
.LBB2_1:
0x10: {  	[tilespmem:s2], [sflag:$0x2] =	stream.linear.gather [hbm4b:s5+s2], $0x20, $0x38;
	[tilespmem:$0x1860] =	vst v63  }
0x11: {  	_ =	swait.ge [sflag:s11], $0x20  }
0x12: {  	[sflag:s11] =	ssyncset.done $0x0  }
0x13: {  	[sflag:s11] =	ssyncadd.s32 $0xFFFFFFE0  }
0x14: {  	[tilespmem:s12], [sflag:$0x2] =	stream.linear.gather [hbm4b:s6+s2], $0x20, $0x38;
	[tilespmem:$0x1860] =	vst v63  }
0x15: {  	_ =	swait.ge [sflag:s11], $0x20  }
0x16: {  	[sflag:s11] =	ssyncset.done $0x0  }
0x17: {  	[sflag:s11] =	ssyncadd.s32 $0xFFFFFFE0  }
0x18: {  	[tilespmem:s13], [sflag:$0x2] =	stream.linear.gather [hbm4b:s7+s2], $0x20, $0x38;
	[tilespmem:$0x1860] =	vst v63  }
0x19: {  	_ =	swait.ge [sflag:s11], $0x20  }
0x1a: {  	[sflag:s11] =	ssyncset.done $0x0  }
0x1b: {  	[sflag:s11] =	ssyncadd.s32 $0xFFFFFFE0  }
0x1c: {  	[tilespmem:s14], [sflag:$0x1] =	stream.indirect.gather [hbm4b:s3+s12], $0x40, s2, s12, $0xb8;
	[tilespmem:$0x1860] =	vst v63  }
0x1d: {  	_ = 	snop  }
0x1e: {  	[tilespmem:s15], [sflag:$0x1] =	stream.indirect.gather [hbm4b:s3+s12], $0x40, s13, s12, $0xb8;
	[tilespmem:$0x1860] =	vst v63  }
0x1f: {  	_ = 	snop  }
0x20: {  	[tilespmem:s16], [sflag:$0x1] =	stream.indirect.gather [hbm4b:s4+s12], $0x40, s12, s12, $0xb8;
	[tilespmem:$0x1860] =	vst v63  }
0x21: {  	_ =	swait.ge [sflag:s17], $0x800  }
0x22: {  	[sflag:s17] =	ssyncset.done $0x0  }
0x23: {  	[sflag:s17] =	ssyncadd.s32 $0xFFFFF800  }
0x24: {  	_ =	swait.ge [sflag:s17], $0x800  }
0x25: {  	[sflag:s17] =	ssyncset.done $0x0  }
0x26: {  	[sflag:s17] =	ssyncadd.s32 $0xFFFFF800  }
0x27: {  	_ =	swait.ge [sflag:s17], $0x800  }
0x28: {  	[sflag:s17] =	ssyncset.done $0x0  }
0x29: {  	[sflag:s17] =	ssyncadd.s32 $0xFFFFF800  }
0x2a: {  	v0 =	vld [tilespmem:$0x1060]  }
0x2b: {  	v1 =	vld [tilespmem:$0x60]  }
0x2c: {  	v2 =	vld [tilespmem:$0x860]  }
0x2d: {  	v3 =	vld [tilespmem:$0x1070]  }
0x2e: {  	v4 =	vld [tilespmem:$0x70]  }
0x2f: {  	v5 =	vld [tilespmem:$0x870]  }
0x30: {  	v6 =	vld [tilespmem:$0x1080]  }
0x31: {  	v7 =	vld [tilespmem:$0x80]  }
0x32: {  	v8 =	vld [tilespmem:$0x880]  }
0x33: {  	v9 =	vld [tilespmem:$0x1090]  }
0x34: {  	v10 =	vld [tilespmem:$0x90]  }
0x35: {  	v11 =	vld [tilespmem:$0x890]  }
0x36: {  	v12 =	vld [tilespmem:$0x10A0]  }
0x37: {  	v13 =	vld [tilespmem:$0xA0]  }
0x38: {  	v14 =	vld [tilespmem:$0x8A0]  }
0x39: {  	v15 =	vld [tilespmem:$0x10B0]  }
0x3a: {  	v16 =	vld [tilespmem:$0xB0]  }
0x3b: {  	v17 =	vld [tilespmem:$0x8B0]  }
0x3c: {  	v18 =	vld [tilespmem:$0x10C0]  }
0x3d: {  	v19 =	vld [tilespmem:$0xC0]  }
0x3e: {  	v20 =	vld [tilespmem:$0x8C0]  }
0x3f: {  	v21 =	vld [tilespmem:$0x10D0]  }
0x40: {  	v22 =	vld [tilespmem:$0xD0]  }
0x41: {  	v23 =	vld [tilespmem:$0x8D0]  }
0x42: {  	v24 =	vld [tilespmem:$0x10E0]  }
0x43: {  	v25 =	vld [tilespmem:$0xE0]  }
0x44: {  	v26 =	vld [tilespmem:$0x8E0]  }
0x45: {  	v27 =	vld [tilespmem:$0x10F0]  }
0x46: {  	v28 =	vld [tilespmem:$0xF0]  }
0x47: {  	v29 =	vld [tilespmem:$0x8F0]  }
0x48: {  	v30 =	vld [tilespmem:$0x1100]  }
0x49: {  	v31 =	vld [tilespmem:$0x100]  }
0x4a: {  	v32 =	vld [tilespmem:$0x900]  }
0x4b: {  	v33 =	vld [tilespmem:$0x1110]  }
0x4c: {  	v34 =	vld [tilespmem:$0x110]  }
0x4d: {  	v37 =	vld [tilespmem:$0x140]  }
0x4e: {  	v39 =	vld [tilespmem:$0x940]  }
0x4f: {  	v41 =	vld [tilespmem:$0x1150]  }
0x50: {  	v43 =	vld [tilespmem:$0x150]  }
0x51: {  	v45 =	vld [tilespmem:$0x950]  }
0x52: {  	v47 =	vld [tilespmem:$0x1160]  }
0x53: {  	v49 =	vld [tilespmem:$0x160]  }
0x54: {  	v51 =	vld [tilespmem:$0x960]  }
0x55: {  	v53 =	vld [tilespmem:$0x1170]  }
0x56: {  	v55 =	vld [tilespmem:$0x170]  }
0x57: {  	v57 =	vld [tilespmem:$0x970]  }
0x58: {  	v1 =	vmul.f32 v1, v0;
	v0 =	vmul.f32 v2, v0;
	v2 =	vld [tilespmem:$0x910]  }
0x59: {  	v58 =	vmul.f32 v4, v3;
	v4 =	vld [tilespmem:$0x1120]  }
0x5a: {  	v59 =	vmul.f32 v5, v3;
	v3 =	vld [tilespmem:$0x120]  }
0x5b: {  	v5 =	vld [tilespmem:$0x920]  }
0x5c: {  	v60 =	vmul.f32 v7, v6;
	v61 =	vmul.f32 v8, v6;
	v6 =	vld [tilespmem:$0x1130]  }
0x5d: {  	v7 =	vld [tilespmem:$0x130]  }
0x5e: {  	v8 =	vld [tilespmem:$0x930]  }
0x5f: {  	v62 =	vmul.f32 v10, v9;
	v63 =	vmul.f32 v11, v9;
	v9 =	vld [tilespmem:$0x1140]  }
0x60: {  	v50 =	vmul.f32 v25, v24;
	v25 =	vld [tilespmem:$0x1190]  }
0x61: {  	v54 =	vmul.f32 v28, v27;
	v56 =	vmul.f32 v29, v27;
	v27 =	vld [tilespmem:$0x190]  }
0x62: {  	v29 =	vld [tilespmem:$0x990]  }
0x63: {  	v42 =	vmul.f32 v19, v18;
	v44 =	vmul.f32 v20, v18;
	v18 =	vld [tilespmem:$0x9F0]  }
0x64: {  	v20 =	vld [tilespmem:$0x1200]  }
0x65: {  	v46 =	vmul.f32 v22, v21;
	v22 =	vld [tilespmem:$0x200]  }
0x66: {  	v11 =	vld [tilespmem:$0x230]  }
0x67: {  	v35 =	vmul.f32 v13, v12;
	v13 =	vld [tilespmem:$0xA30]  }
0x68: {  	v38 =	vmul.f32 v16, v15;
	v40 =	vmul.f32 v17, v15;
	v15 =	vld [tilespmem:$0x1240]  }
0x69: {  	v16 =	vld [tilespmem:$0x250]  }
0x6a: {  	v10 =	vld [tilespmem:$0xB40]  }
0x6b: {  	v36 =	vmul.f32 v14, v12;
	v12 =	vld [tilespmem:$0x350]  }
0x6c: {  	v14 =	vld [tilespmem:$0xB50];
	[tilespmem:$0x70] =	vst v58  }
0x6d: {  	[tilespmem:$0x870] =	vst v59;
	v59 =	vld [tilespmem:$0x1180]  }
0x6e: {  	[tilespmem:$0x880] =	vst v61;
	v61 =	vld [tilespmem:$0x180]  }
0x6f: {  	[tilespmem:$0x890] =	vst v63;
	v63 =	vld [tilespmem:$0x980]  }
0x70: {  	[tilespmem:$0xA0] =	vst v35;
	v58 =	vmul.f32 v31, v30;
	v31 =	vld [tilespmem:$0x11A0]  }
0x71: {  	[tilespmem:$0xB0] =	vst v38;
	v35 =	vld [tilespmem:$0x9A0]  }
0x72: {  	[tilespmem:$0x8B0] =	vst v40;
	v38 =	vmul.f32 v43, v41;
	v40 =	vmul.f32 v45, v41;
	v41 =	vld [tilespmem:$0x9B0]  }
0x73: {  	v43 =	vld [tilespmem:$0x11C0]  }
0x74: {  	[tilespmem:$0xC0] =	vst v42;
	v45 =	vld [tilespmem:$0x1C0]  }
0x75: {  	[tilespmem:$0x8C0] =	vst v44;
	v42 =	vmul.f32 v49, v47;
	v44 =	vmul.f32 v51, v47;
	v47 =	vld [tilespmem:$0x9C0]  }
0x76: {  	v48 =	vmul.f32 v23, v21;
	v49 =	vld [tilespmem:$0x11D0]  }
0x77: {  	[tilespmem:$0xD0] =	vst v46;
	v51 =	vld [tilespmem:$0x1D0]  }
0x78: {  	[tilespmem:$0x8D0] =	vst v48;
	v46 =	vmul.f32 v55, v53;
	v48 =	vmul.f32 v57, v53;
	v53 =	vld [tilespmem:$0x9D0]  }
0x79: {  	v55 =	vld [tilespmem:$0x11E0]  }
0x7a: {  	v57 =	vld [tilespmem:$0x1E0]  }
0x7b: {  	[tilespmem:$0x860] =	vst v0;
	v0 =	vld [tilespmem:$0x1250]  }
0x7c: {  	[tilespmem:$0x60] =	vst v1;
	v1 =	vld [tilespmem:$0x1260]  }
0x7d: {  	[tilespmem:$0x160] =	vst v42;
	v42 =	vld [tilespmem:$0x310]  }
0x7e: {  	[tilespmem:$0x960] =	vst v44;
	v44 =	vld [tilespmem:$0xB10]  }
0x7f: {  	[tilespmem:$0x170] =	vst v46;
	v46 =	vld [tilespmem:$0x320]  }
0x80: {  	v52 =	vmul.f32 v26, v24;
	[tilespmem:$0x970] =	vst v48;
	v48 =	vld [tilespmem:$0xB20]  }
0x81: {  	[tilespmem:$0x90] =	vst v62;
	v62 =	vmul.f32 v34, v33;
	v24 =	vmul.f32 v2, v33;
	v33 =	vld [tilespmem:$0x1A0]  }
0x82: {  	v34 =	vmul.f32 v37, v9;
	v37 =	vld [tilespmem:$0x11B0]  }
0x83: {  	[tilespmem:$0x8A0] =	vst v36;
	v36 =	vmul.f32 v39, v9;
	v39 =	vld [tilespmem:$0x1B0]  }
0x84: {  	v9 =	vld [tilespmem:$0x1230]  }
0x85: {  	v2 =	vld [tilespmem:$0x1270]  }
0x86: {  	v26 =	vmul.f32 v3, v4;
	v3 =	vld [tilespmem:$0x1280]  }
0x87: {  	v28 =	vmul.f32 v5, v4;
	v4 =	vld [tilespmem:$0x1290]  }
0x88: {  	[tilespmem:$0x80] =	vst v60;
	v60 =	vmul.f32 v32, v30;
	v5 =	vld [tilespmem:$0x12A0]  }
0x89: {  	v30 =	vmul.f32 v7, v6;
	v32 =	vmul.f32 v8, v6;
	v6 =	vld [tilespmem:$0x12B0]  }
0x8a: {  	v7 =	vld [tilespmem:$0x1350]  }
0x8b: {  	[tilespmem:$0xE0] =	vst v50;
	v8 =	vld [tilespmem:$0x1360]  }
0x8c: {  	[tilespmem:$0x1FCD0] =	vst v10;
	v10 =	vld [tilespmem:$0x1370]  }
0x8d: {  	[tilespmem:$0x1FCE0] =	vst v12;
	v12 =	vld [tilespmem:$0x1380]  }
0x8e: {  	[tilespmem:$0x1FCF0] =	vst v14;
	v14 =	vld [tilespmem:$0x1390]  }
0x8f: {  	[tilespmem:$0x8E0] =	vst v52;
	v50 =	vmul.f32 v61, v59;
	v52 =	vmul.f32 v63, v59;
	v59 =	vld [tilespmem:$0x9E0]  }
0x90: {  	v61 =	vld [tilespmem:$0x11F0]  }
0x91: {  	v63 =	vld [tilespmem:$0x1F0]  }
0x92: {  	[tilespmem:$0x910] =	vst v24;
	v24 =	vld [tilespmem:$0xA00]  }
0x93: {  	[tilespmem:$0x120] =	vst v26;
	v26 =	vld [tilespmem:$0x1210]  }
0x94: {  	[tilespmem:$0x920] =	vst v28;
	v28 =	vld [tilespmem:$0x210]  }
0x95: {  	[tilespmem:$0x130] =	vst v30;
	v30 =	vld [tilespmem:$0xA10]  }
0x96: {  	[tilespmem:$0x930] =	vst v32;
	v32 =	vld [tilespmem:$0x1220]  }
0x97: {  	[tilespmem:$0x140] =	vst v34;
	v34 =	vld [tilespmem:$0x220]  }
0x98: {  	[tilespmem:$0x940] =	vst v36;
	v36 =	vld [tilespmem:$0xA20]  }
0x99: {  	[tilespmem:$0x900] =	vst v60;
	v60 =	vmul.f32 v35, v31;
	v35 =	vmul.f32 v22, v20;
	v22 =	vld [tilespmem:$0x270]  }
0x9a: {  	v19 =	vmul.f32 v45, v43;
	v21 =	vmul.f32 v47, v43;
	v43 =	vld [tilespmem:$0xAB0]  }
0x9b: {  	[tilespmem:$0xF0] =	vst v54;
	v54 =	vmul.f32 v27, v25;
	v47 =	vld [tilespmem:$0x2C0]  }
0x9c: {  	[tilespmem:$0x8F0] =	vst v56;
	v56 =	vmul.f32 v29, v25;
	v25 =	vmul.f32 v53, v49;
	v53 =	vld [tilespmem:$0x2D0]  }
0x9d: {  	[tilespmem:$0x190] =	vst v54;
	v54 =	vld [tilespmem:$0xAD0]  }
0x9e: {  	v23 =	vmul.f32 v51, v49;
	v49 =	vld [tilespmem:$0x12E0]  }
0x9f: {  	[tilespmem:$0x990] =	vst v56;
	v56 =	vld [tilespmem:$0xAE0]  }
0xa0: {  	v45 =	vld [tilespmem:$0x12F0]  }
0xa1: {  	v27 =	vmul.f32 v57, v55;
	v57 =	vld [tilespmem:$0x2F0]  }
0xa2: {  	[tilespmem:$0x100] =	vst v58;
	v51 =	vld [tilespmem:$0x1300]  }
0xa3: {  	[tilespmem:$0x9C0] =	vst v21;
	v21 =	vld [tilespmem:$0x240]  }
0xa4: {  	[tilespmem:$0x1E0] =	vst v27;
	v27 =	vld [tilespmem:$0xA40]  }
0xa5: {  	[tilespmem:$0x1C0] =	vst v19;
	v19 =	vld [tilespmem:$0x260]  }
0xa6: {  	[tilespmem:$0x1D0] =	vst v23;
	v23 =	vld [tilespmem:$0xA70]  }
0xa7: {  	[tilespmem:$0x9D0] =	vst v25;
	v25 =	vld [tilespmem:$0x280]  }
0xa8: {  	[tilespmem:$0x180] =	vst v50;
	v50 =	vld [tilespmem:$0xAC0]  }
0xa9: {  	[tilespmem:$0x9A0] =	vst v60;
	v60 =	vld [tilespmem:$0x300]  }
0xaa: {  	[tilespmem:$0x200] =	vst v35;
	v35 =	vld [tilespmem:$0x1330]  }
0xab: {  	[tilespmem:$0x980] =	vst v52;
	v52 =	vld [tilespmem:$0x330]  }
0xac: {  	[tilespmem:$0x1FC60] =	vst v42;
	v42 =	vld [tilespmem:$0x390]  }
0xad: {  	[tilespmem:$0x1FC70] =	vst v44;
	v44 =	vld [tilespmem:$0xB90]  }
0xae: {  	[tilespmem:$0x1FC80] =	vst v46;
	v46 =	vld [tilespmem:$0x3A0]  }
0xaf: {  	[tilespmem:$0x1FC90] =	vst v48;
	v48 =	vld [tilespmem:$0xBA0];
	v58 =	vmul.f32 v33, v31  }
0xb0: {  	[tilespmem:$0x110] =	vst v62;
	v62 =	vmul.f32 v39, v37;
	v33 =	vmul.f32 v18, v61;
	v18 =	vld [tilespmem:$0xA50]  }
0xb1: {  	v17 =	vmul.f32 v41, v37;
	v37 =	vmul.f32 v24, v20;
	v20 =	vld [tilespmem:$0xA60]  }
0xb2: {  	[tilespmem:$0x150] =	vst v38;
	v38 =	vmul.f32 v28, v26;
	v39 =	vmul.f32 v30, v26;
	v26 =	vld [tilespmem:$0xA80]  }
0xb3: {  	v28 =	vld [tilespmem:$0x290]  }
0xb4: {  	v30 =	vld [tilespmem:$0xA90]  }
0xb5: {  	[tilespmem:$0x950] =	vst v40;
	v41 =	vmul.f32 v36, v32;
	v36 =	vld [tilespmem:$0x2A0]  }
0xb6: {  	[tilespmem:$0x1A0] =	vst v58;
	v29 =	vmul.f32 v59, v55;
	v55 =	vld [tilespmem:$0x2E0]  }
0xb7: {  	[tilespmem:$0x1B0] =	vst v62;
	v59 =	vld [tilespmem:$0xAF0]  }
0xb8: {  	[tilespmem:$0x9B0] =	vst v17;
	v31 =	vmul.f32 v63, v61;
	v62 =	vld [tilespmem:$0xB00]  }
0xb9: {  	v61 =	vld [tilespmem:$0x1310];
	[tilespmem:$0x9E0] =	vst v29  }
0xba: {  	v40 =	vmul.f32 v34, v32;
	v32 =	vld [tilespmem:$0x1320];
	[tilespmem:$0x1F0] =	vst v31  }
0xbb: {  	v58 =	vld [tilespmem:$0xB30];
	[tilespmem:$0x9F0] =	vst v33  }
0xbc: {  	v24 =	vld [tilespmem:$0x1340];
	[tilespmem:$0xA00] =	vst v37  }
0xbd: {  	v63 =	vld [tilespmem:$0x340];
	[tilespmem:$0x210] =	vst v38  }
0xbe: {  	v17 =	vld [tilespmem:$0x360];
	[tilespmem:$0xA10] =	vst v39  }
0xbf: {  	v34 =	vld [tilespmem:$0xB70];
	[tilespmem:$0x220] =	vst v40  }
0xc0: {  	[tilespmem:$0xA20] =	vst v41;
	v38 =	vld [tilespmem:$0xAA0]  }
0xc1: {  	v41 =	vld [tilespmem:$0x2B0];
	[tilespmem:$0x1FCA0] =	vst v52  }
0xc2: {  	v33 =	vld [tilespmem:$0x12C0];
	[tilespmem:$0x1FD60] =	vst v42  }
0xc3: {  	v39 =	vld [tilespmem:$0x12D0];
	[tilespmem:$0x1FD70] =	vst v44  }
0xc4: {  	v29 =	vld [tilespmem:$0xB60];
	[tilespmem:$0x1FD80] =	vst v46  }
0xc5: {  	v31 =	vld [tilespmem:$0x370];
	[tilespmem:$0x1FD90] =	vst v48  }
0xc6: {  	v37 =	vld [tilespmem:$0x380];
	[tilespmem:$0x1FCB0] =	vst v58  }
0xc7: {  	v40 =	vld [tilespmem:$0xB80];
	[tilespmem:$0x1FCC0] =	vst v63  }
0xc8: {  	v52 =	vld [tilespmem:$0x3B0];
	[tilespmem:$0x1FD00] =	vst v17  }
0xc9: {  	v46 =	vld [tilespmem:$0x13D0];
	[tilespmem:$0x1FD30] =	vst v34  }
0xca: {  	v42 =	vld [tilespmem:$0xBD0];
	[tilespmem:$0x1FD10] =	vst v29  }
0xcb: {  	v44 =	vld [tilespmem:$0x3E0];
	[tilespmem:$0x1FD20] =	vst v31  }
0xcc: {  	v63 =	vld [tilespmem:$0xBB0];
	[tilespmem:$0x1FD40] =	vst v37  }
0xcd: {  	[tilespmem:$0x1FD50] =	vst v40;
	v37 =	vld [tilespmem:$0xBC0]  }
0xce: {  	v48 =	vld [tilespmem:$0xBE0];
	[tilespmem:$0x1FDA0] =	vst v52  }
0xcf: {  	v34 =	vld [tilespmem:$0x3C0];
	[tilespmem:$0x1FDF0] =	vst v42  }
0xd0: {  	v40 =	vld [tilespmem:$0x3D0];
	[tilespmem:$0x1FE00] =	vst v44  }
0xd1: {  	[tilespmem:$0x1FDB0] =	vst v63;
	v63 =	vld [tilespmem:$0x3F0]  }
0xd2: {  	[tilespmem:$0x1FDD0] =	vst v37;
	v37 =	vld [tilespmem:$0xBF0]  }
0xd3: {  	v17 =	vld [tilespmem:$0x13A0];
	[tilespmem:$0x1FE10] =	vst v48  }
0xd4: {  	v58 =	vld [tilespmem:$0x13B0];
	[tilespmem:$0x1FDC0] =	vst v34  }
0xd5: {  	v52 =	vld [tilespmem:$0x13C0];
	[tilespmem:$0x1FDE0] =	vst v40  }
0xd6: {  	v34 =	vld [tilespmem:$0x13F0];
	[tilespmem:$0x1FE20] =	vst v63  }
0xd7: {  	v40 =	vld [tilespmem:$0x13E0];
	[tilespmem:$0x1FE30] =	vst v37  }
0xd8: {  	v29 =	vld [tilespmem:$0x1400]  }
0xd9: {  	v42 =	vld [tilespmem:$0x400]  }
0xda: {  	v44 =	vld [tilespmem:$0xC00]  }
0xdb: {  	v31 =	vld [tilespmem:$0x1410]  }
0xdc: {  	v37 =	vld [tilespmem:$0x410]  }
0xdd: {  	v11 =	vmul.f32 v11, v9;
	v48 =	vld [tilespmem:$0xC10]  }
0xde: {  	v27 =	vmul.f32 v27, v15;
	v63 =	vld [tilespmem:$0xC20]  }
0xdf: {  	v9 =	vmul.f32 v13, v9;
	v13 =	vld [tilespmem:$0x1460];
	[tilespmem:$0x230] =	vst v11  }
0xe0: {  	v11 =	vmul.f32 v21, v15;
	[tilespmem:$0xA40] =	vst v27;
	v27 =	vld [tilespmem:$0x470]  }
0xe1: {  	v21 =	vmul.f32 v16, v0;
	v0 =	vmul.f32 v18, v0;
	v18 =	vld [tilespmem:$0xC70]  }
0xe2: {  	v25 =	vmul.f32 v25, v3;
	[tilespmem:$0xA30] =	vst v9;
	v9 =	vld [tilespmem:$0x1480]  }
0xe3: {  	v50 =	vmul.f32 v50, v33;
	v15 =	vld [tilespmem:$0x1490]  }
0xe4: {  	v53 =	vmul.f32 v53, v39;
	[tilespmem:$0x280] =	vst v25;
	v25 =	vld [tilespmem:$0x4E0]  }
0xe5: {  	v16 =	vmul.f32 v28, v4;
	[tilespmem:$0xAC0] =	vst v50;
	v28 =	vld [tilespmem:$0x1FC60]  }
0xe6: {  	[tilespmem:$0x2D0] =	vst v53;
	v50 =	vld [tilespmem:$0xD00]  }
0xe7: {  	v53 =	vld [tilespmem:$0x1FCD0];
	[tilespmem:$0x240] =	vst v11  }
0xe8: {  	[tilespmem:$0x1FE90] =	vst v63;
	v63 =	vld [tilespmem:$0xC40]  }
0xe9: {  	v11 =	vld [tilespmem:$0x1470];
	[tilespmem:$0x250] =	vst v21  }
0xea: {  	v21 =	vld [tilespmem:$0x480];
	[tilespmem:$0x290] =	vst v16;
	v16 =	vmul.f32 v56, v49  }
0xeb: {  	v56 =	vld [tilespmem:$0xCE0]  }
0xec: {  	[tilespmem:$0xAE0] =	vst v16;
	v16 =	vld [tilespmem:$0x1FD60]  }
0xed: {  	[tilespmem:$0x1FED0] =	vst v63;
	v63 =	vld [tilespmem:$0x450]  }
0xee: {  	[tilespmem:$0x1FE60] =	vst v37;
	v37 =	vld [tilespmem:$0x1420]  }
0xef: {  	[tilespmem:$0x1FE40] =	vst v42;
	v42 =	vld [tilespmem:$0x420]  }
0xf0: {  	[tilespmem:$0x1FE50] =	vst v44;
	v44 =	vld [tilespmem:$0x430]  }
0xf1: {  	[tilespmem:$0x1FE70] =	vst v48;
	v48 =	vld [tilespmem:$0xC30]  }
0xf2: {  	[tilespmem:$0x1FEE0] =	vst v63;
	v63 =	vld [tilespmem:$0xC50]  }
0xf3: {  	[tilespmem:$0x1FF30] =	vst v18;
	v18 =	vld [tilespmem:$0xC90]  }
0xf4: {  	[tilespmem:$0x1FF20] =	vst v27;
	v27 =	vmul.f32 v26, v3;
	v26 =	vmul.f32 v62, v51;
	v62 =	vld [tilespmem:$0xCF0]  }
0xf5: {  	[tilespmem:$0x1FFF0] =	vst v25;
	v3 =	vld [tilespmem:$0xD40]  }
0xf6: {  	v25 =	vld [tilespmem:$0x1FDA0];
	[tilespmem:$0x1FF40] =	vst v21  }
0xf7: {  	[tilespmem:$0x1FEF0] =	vst v63;
	v63 =	vld [tilespmem:$0x460]  }
0xf8: {  	[tilespmem:$0xA80] =	vst v27;
	v21 =	vld [tilespmem:$0x14A0]  }
0xf9: {  	v27 =	vld [tilespmem:$0x14B0];
	[tilespmem:$0xB00] =	vst v26  }
0xfa: {  	[tilespmem:$0x1FEB0] =	vst v48;
	v48 =	vld [tilespmem:$0x440]  }
0xfb: {  	[tilespmem:$0x1FF70] =	vst v18;
	v18 =	vld [tilespmem:$0x4D0]  }
0xfc: {  	[tilespmem:$0x1FF00] =	vst v63;
	v63 =	vld [tilespmem:$0xC60]  }
0xfd: {  	v26 =	vld [tilespmem:$0x1FDB0];
	[tilespmem:$0x1FE80] =	vst v42  }
0xfe: {  	v42 =	vld [tilespmem:$0x1430];
	[tilespmem:$0x1FEA0] =	vst v44  }
0xff: {  	v44 =	vld [tilespmem:$0x1440];
	[tilespmem:$0x1FEC0] =	vst v48  }
0x100: {  	v48 =	vld [tilespmem:$0x1450];
	[tilespmem:$0x1FFD0] =	vst v18  }
0x101: {  	v18 =	vld [tilespmem:$0x1FD70];
	[tilespmem:$0x1FF10] =	vst v63;
	v63 =	vmul.f32 v19, v1;
	v19 =	vmul.f32 v20, v1  }
0x102: {  	v20 =	vmul.f32 v22, v2;
	v22 =	vmul.f32 v23, v2;
	v23 =	vld [tilespmem:$0xC80]  }
0x103: {  	v2 =	vld [tilespmem:$0x1530]  }
0x104: {  	v1 =	vmul.f32 v28, v61;
	v28 =	vmul.f32 v26, v58;
	v26 =	vld [tilespmem:$0xD80];
	[tilespmem:$0x260] =	vst v63  }
0x105: {  	[tilespmem:$0xA60] =	vst v19;
	v63 =	vld [tilespmem:$0x490]  }
0x106: {  	[tilespmem:$0xA70] =	vst v22;
	v22 =	vld [tilespmem:$0x4A0]  }
0x107: {  	[tilespmem:$0x270] =	vst v20;
	v19 =	vmul.f32 v30, v4;
	v20 =	vmul.f32 v36, v5;
	v30 =	vld [tilespmem:$0xCA0]  }
0x108: {  	v36 =	vmul.f32 v41, v6;
	v41 =	vmul.f32 v47, v33;
	v47 =	vld [tilespmem:$0xCB0]  }
0x109: {  	v33 =	vld [tilespmem:$0x14C0]  }
0x10a: {  	v4 =	vmul.f32 v54, v39;
	v39 =	vld [tilespmem:$0x14D0]  }
0x10b: {  	v54 =	vld [tilespmem:$0x1FCE0]  }
0x10c: {  	[tilespmem:$0xBB0] =	vst v28;
	v28 =	vld [tilespmem:$0x590]  }
0x10d: {  	[tilespmem:$0x2A0] =	vst v20;
	v20 =	vld [tilespmem:$0xCD0]  }
0x10e: {  	[tilespmem:$0x2B0] =	vst v36;
	v36 =	vld [tilespmem:$0x1FC80]  }
0x10f: {  	[tilespmem:$0xA90] =	vst v19;
	v19 =	vmul.f32 v57, v45;
	v57 =	vld [tilespmem:$0x1500]  }
0x110: {  	[tilespmem:$0x2C0] =	vst v41;
	v41 =	vld [tilespmem:$0x1FCA0]  }
0x111: {  	[tilespmem:$0xAD0] =	vst v4;
	v4 =	vld [tilespmem:$0x1520]  }
0x112: {  	[tilespmem:$0x1FF50] =	vst v23;
	v23 =	vmul.f32 v38, v5;
	v38 =	vmul.f32 v43, v6;
	v43 =	vld [tilespmem:$0x4B0]  }
0x113: {  	v5 =	vld [tilespmem:$0xCC0]  }
0x114: {  	v6 =	vmul.f32 v55, v49;
	v55 =	vld [tilespmem:$0x500]  }
0x115: {  	v49 =	vld [tilespmem:$0x1FCC0]  }
0x116: {  	[tilespmem:$0x2F0] =	vst v19;
	v19 =	vmul.f32 v18, v14;
	v18 =	vld [tilespmem:$0xD60]  }
0x117: {  	[tilespmem:$0x1FF60] =	vst v63;
	v63 =	vld [tilespmem:$0x4C0]  }
0x118: {  	[tilespmem:$0x1FF80] =	vst v22;
	v22 =	vmul.f32 v59, v45;
	v45 =	vld [tilespmem:$0x14E0]  }
0x119: {  	[tilespmem:$0xAA0] =	vst v23;
	v23 =	vmul.f32 v60, v51;
	v51 =	vld [tilespmem:$0x14F0]  }
0x11a: {  	[tilespmem:$0x1FF90] =	vst v30;
	v30 =	vld [tilespmem:$0x1FC70]  }
0x11b: {  	[tilespmem:$0xAB0] =	vst v38;
	v38 =	vld [tilespmem:$0x1FC90]  }
0x11c: {  	[tilespmem:$0x1FFA0] =	vst v47;
	v47 =	vld [tilespmem:$0x1FCB0]  }
0x11d: {  	v59 =	vld [tilespmem:$0x1FCF0]  }
0x11e: {  	v60 =	vld [tilespmem:$0x1FD00]  }
0x11f: {  	[tilespmem:$0x2E0] =	vst v6;
	v6 =	vld [tilespmem:$0x1FD20]  }
0x120: {  	[tilespmem:$0xB90] =	vst v19;
	v19 =	vld [tilespmem:$0x570]  }
0x121: {  	[tilespmem:$0x1FFE0] =	vst v20;
	v20 =	vld [tilespmem:$0x1FD80]  }
0x122: {  	[tilespmem:$0x300] =	vst v23;
	v23 =	vld [tilespmem:$0x1FD90]  }
0x123: {  	[tilespmem:$0x310] =	vst v1;
	v1 =	vmul.f32 v36, v32;
	v36 =	vld [tilespmem:$0x1FDD0]  }
0x124: {  	[tilespmem:$0x1FFC0] =	vst v5;
	v5 =	vld [tilespmem:$0x1FD10]  }
0x125: {  	[tilespmem:$0x320] =	vst v1;
	v1 =	vmul.f32 v41, v35;
	v41 =	vld [tilespmem:$0x1FDF0]  }
0x126: {  	[tilespmem:$0xA50] =	vst v0;
	v0 =	vmul.f32 v30, v61;
	v61 =	vld [tilespmem:$0x4F0]  }
0x127: {  	[tilespmem:$0x1FFB0] =	vst v63;
	v63 =	vld [tilespmem:$0x1510]  }
0x128: {  	v30 =	vld [tilespmem:$0x1FDC0]  }
0x129: {  	[tilespmem:$0x330] =	vst v1;
	v1 =	vmul.f32 v49, v24;
	v49 =	vld [tilespmem:$0xD10]  }
0x12a: {  	[tilespmem:$0xB10] =	vst v0;
	v0 =	vmul.f32 v38, v32;
	v32 =	vld [tilespmem:$0x520]  }
0x12b: {  	v38 =	vld [tilespmem:$0x1FDE0]  }
0x12c: {  	[tilespmem:$0xAF0] =	vst v22;
	v22 =	vmul.f32 v20, v17;
	v20 =	vld [tilespmem:$0xD70]  }
0x12d: {  	[tilespmem:$0x340] =	vst v1;
	v1 =	vmul.f32 v54, v7;
	v54 =	vld [tilespmem:$0xD50]  }
0x12e: {  	[tilespmem:$0xB20] =	vst v0;
	v0 =	vmul.f32 v47, v35;
	v35 =	vld [tilespmem:$0x510]  }
0x12f: {  	v47 =	vld [tilespmem:$0x1FE00]  }
0x130: {  	[tilespmem:$0x3A0] =	vst v22;
	v22 =	vld [tilespmem:$0x1FE60]  }
0x131: {  	[tilespmem:$0x350] =	vst v1;
	v1 =	vmul.f32 v60, v8;
	v60 =	vld [tilespmem:$0xD20]  }
0x132: {  	[tilespmem:$0xB30] =	vst v0;
	v0 =	vmul.f32 v53, v24;
	v24 =	vld [tilespmem:$0xD30]  }
0x133: {  	v53 =	vld [tilespmem:$0x540]  }
0x134: {  	[tilespmem:$0x360] =	vst v1;
	v1 =	vmul.f32 v6, v10;
	v6 =	vmul.f32 v25, v58;
	v58 =	vld [tilespmem:$0x1FE20]  }
0x135: {  	v25 =	vld [tilespmem:$0x580]  }
0x136: {  	[tilespmem:$0xB40] =	vst v0;
	v0 =	vmul.f32 v59, v7;
	v7 =	vld [tilespmem:$0x1FD30]  }
0x137: {  	v59 =	vld [tilespmem:$0x530]  }
0x138: {  	[tilespmem:$0x3B0] =	vst v6;
	v6 =	vmul.f32 v30, v52;
	v30 =	vld [tilespmem:$0x1580]  }
0x139: {  	[tilespmem:$0xB50] =	vst v0;
	v0 =	vmul.f32 v5, v8;
	v8 =	vld [tilespmem:$0x1FD40]  }
0x13a: {  	v5 =	vmul.f32 v23, v17;
	v23 =	vld [tilespmem:$0x1570]  }
0x13b: {  	v17 =	vld [tilespmem:$0x1FE50]  }
0x13c: {  	[tilespmem:$0x3C0] =	vst v6;
	v6 =	vmul.f32 v38, v46;
	v38 =	vld [tilespmem:$0x1FEA0]  }
0x13d: {  	[tilespmem:$0xBA0] =	vst v5;
	v5 =	vld [tilespmem:$0x1560]  }
0x13e: {  	[tilespmem:$0xB60] =	vst v0;
	v0 =	vmul.f32 v7, v10;
	v10 =	vld [tilespmem:$0x1FD50]  }
0x13f: {  	v7 =	vmul.f32 v36, v52;
	v52 =	vld [tilespmem:$0x1FE10]  }
0x140: {  	v36 =	vld [tilespmem:$0x1FE90]  }
0x141: {  	[tilespmem:$0xB70] =	vst v0;
	v0 =	vld [tilespmem:$0x1540]  }
0x142: {  	v25 =	vmul.f32 v25, v30;
	[tilespmem:$0xBC0] =	vst v7;
	v7 =	vmul.f32 v41, v46;
	v41 =	vld [tilespmem:$0x1FEB0]  }
0x143: {  	[tilespmem:$0x370] =	vst v1;
	v26 =	vmul.f32 v26, v30;
	v46 =	vld [tilespmem:$0x1FEC0]  }
0x144: {  	v1 =	vmul.f32 v8, v12;
	[tilespmem:$0x580] =	vst v25;
	v25 =	vld [tilespmem:$0x16A0]  }
0x145: {  	[tilespmem:$0xD80] =	vst v26;
	v26 =	vld [tilespmem:$0x6A0]  }
0x146: {  	[tilespmem:$0x380] =	vst v1;
	v1 =	vmul.f32 v16, v14;
	v14 =	vld [tilespmem:$0x550]  }
0x147: {  	v16 =	vld [tilespmem:$0x1FE40]  }
0x148: {  	[tilespmem:$0x3D0] =	vst v6;
	v12 =	vmul.f32 v10, v12;
	v10 =	vld [tilespmem:$0x1FE30]  }
0x149: {  	v6 =	vmul.f32 v47, v40;
	[tilespmem:$0xBD0] =	vst v7;
	v7 =	vmul.f32 v52, v40;
	v40 =	vld [tilespmem:$0xD90]  }
0x14a: {  	v52 =	vld [tilespmem:$0x1FED0]  }
0x14b: {  	[tilespmem:$0x390] =	vst v1;
	v1 =	vld [tilespmem:$0x1550]  }
0x14c: {  	[tilespmem:$0xB80] =	vst v12;
	v12 =	vld [tilespmem:$0x560]  }
0x14d: {  	[tilespmem:$0x3E0] =	vst v6;
	v6 =	vmul.f32 v58, v34;
	v47 =	vmul.f32 v46, v44;
	v46 =	vld [tilespmem:$0xDC0]  }
0x14e: {  	v53 =	vmul.f32 v53, v0;
	v0 =	vmul.f32 v3, v0;
	v3 =	vld [tilespmem:$0x1730]  }
0x14f: {  	[tilespmem:$0x3F0] =	vst v6;
	v6 =	vmul.f32 v16, v29;
	v16 =	vld [tilespmem:$0x15B0]  }
0x150: {  	[tilespmem:$0x440] =	vst v47;
	v47 =	vld [tilespmem:$0x1FF20]  }
0x151: {  	[tilespmem:$0xBE0] =	vst v7;
	v7 =	vmul.f32 v10, v34;
	v34 =	vld [tilespmem:$0x1590]  }
0x152: {  	v10 =	vld [tilespmem:$0x5B0]  }
0x153: {  	v58 =	vmul.f32 v52, v44;
	v44 =	vld [tilespmem:$0x1FF10]  }
0x154: {  	v52 =	vld [tilespmem:$0x1FF40]  }
0x155: {  	[tilespmem:$0xBF0] =	vst v7;
	v7 =	vmul.f32 v17, v29;
	v29 =	vld [tilespmem:$0x1FE70]  }
0x156: {  	[tilespmem:$0x400] =	vst v6;
	v6 =	vmul.f32 v22, v31;
	v22 =	vld [tilespmem:$0x15A0]  }
0x157: {  	v17 =	vld [tilespmem:$0xDA0]  }
0x158: {  	[tilespmem:$0xC40] =	vst v58;
	v58 =	vld [tilespmem:$0x1FF50]  }
0x159: {  	v30 =	vmul.f32 v28, v34;
	v28 =	vld [tilespmem:$0x16D0]  }
0x15a: {  	[tilespmem:$0xC00] =	vst v7;
	v7 =	vmul.f32 v29, v31;
	v31 =	vld [tilespmem:$0x1FE80]  }
0x15b: {  	v29 =	vld [tilespmem:$0x5A0];
	[tilespmem:$0x590] =	vst v30  }
0x15c: {  	v30 =	vld [tilespmem:$0x6E0];
	[tilespmem:$0xC10] =	vst v7;
	v7 =	vmul.f32 v36, v37  }
0x15d: {  	v36 =	vld [tilespmem:$0x5C0]  }
0x15e: {  	[tilespmem:$0xC20] =	vst v7;
	v7 =	vmul.f32 v41, v42;
	v41 =	vld [tilespmem:$0x1FF00]  }
0x15f: {  	[tilespmem:$0x410] =	vst v6;
	v6 =	vmul.f32 v31, v37;
	v37 =	vld [tilespmem:$0x1FEE0]  }
0x160: {  	[tilespmem:$0x540] =	vst v53;
	v31 =	vld [tilespmem:$0xDB0]  }
0x161: {  	v53 =	vmul.f32 v29, v22;
	v29 =	vld [tilespmem:$0xED0];
	[tilespmem:$0x420] =	vst v6;
	v6 =	vmul.f32 v38, v42  }
0x162: {  	v38 =	vld [tilespmem:$0x1FEF0]  }
0x163: {  	[tilespmem:$0x430] =	vst v6;
	v6 =	vld [tilespmem:$0x15C0];
	v42 =	vmul.f32 v41, v13  }
0x164: {  	v8 =	vmul.f32 v37, v48;
	v37 =	vmul.f32 v47, v11;
	v47 =	vld [tilespmem:$0xDD0]  }
0x165: {  	[tilespmem:$0x460] =	vst v42;
	v42 =	vld [tilespmem:$0x1FF70]  }
0x166: {  	[tilespmem:$0x450] =	vst v8;
	v8 =	vld [tilespmem:$0x15D0]  }
0x167: {  	[tilespmem:$0xC30] =	vst v7;
	v7 =	vmul.f32 v38, v48;
	v48 =	vld [tilespmem:$0x1FF30]  }
0x168: {  	[tilespmem:$0x470] =	vst v37;
	v37 =	vmul.f32 v52, v9;
	v52 =	vld [tilespmem:$0xDE0]  }
0x169: {  	v38 =	vld [tilespmem:$0x1FF60]  }
0x16a: {  	[tilespmem:$0xC50] =	vst v7;
	v7 =	vmul.f32 v44, v13;
	v13 =	vld [tilespmem:$0x5D0]  }
0x16b: {  	v44 =	vld [tilespmem:$0x1FF80]  }
0x16c: {  	[tilespmem:$0x480] =	vst v37;
	v37 =	vld [tilespmem:$0x600]  }
0x16d: {  	[tilespmem:$0xC60] =	vst v7;
	v7 =	vld [tilespmem:$0x15E0]  }
0x16e: {  	v11 =	vmul.f32 v48, v11;
	v48 =	vld [tilespmem:$0x5E0]  }
0x16f: {  	v41 =	vmul.f32 v38, v15;
	v38 =	vld [tilespmem:$0x5F0]  }
0x170: {  	[tilespmem:$0xC70] =	vst v11;
	v11 =	vmul.f32 v58, v9;
	v9 =	vld [tilespmem:$0x15F0]  }
0x171: {  	[tilespmem:$0x490] =	vst v41;
	v41 =	vld [tilespmem:$0xDF0]  }
0x172: {  	v58 =	vmul.f32 v44, v21;
	v44 =	vld [tilespmem:$0x1FFB0]  }
0x173: {  	[tilespmem:$0xC80] =	vst v11;
	v11 =	vmul.f32 v42, v15;
	v15 =	vld [tilespmem:$0x1FF90]  }
0x174: {  	v42 =	vmul.f32 v43, v27;
	v43 =	vld [tilespmem:$0x1FFA0]  }
0x175: {  	v40 =	vmul.f32 v40, v34;
	[tilespmem:$0x4A0] =	vst v58;
	v58 =	vld [tilespmem:$0x1FFC0]  }
0x176: {  	v34 =	vmul.f32 v48, v7;
	[tilespmem:$0x4B0] =	vst v42;
	v42 =	vld [tilespmem:$0x1610]  }
0x177: {  	[tilespmem:$0xD90] =	vst v40;
	v38 =	vmul.f32 v38, v9;
	v40 =	vmul.f32 v41, v9;
	v9 =	vld [tilespmem:$0x16E0]  }
0x178: {  	[tilespmem:$0x5E0] =	vst v34;
	v34 =	vld [tilespmem:$0x1700]  }
0x179: {  	[tilespmem:$0xC90] =	vst v11;
	v11 =	vmul.f32 v15, v21;
	v15 =	vld [tilespmem:$0x1600]  }
0x17a: {  	v21 =	vmul.f32 v44, v33;
	v44 =	vld [tilespmem:$0x1FFE0]  }
0x17b: {  	[tilespmem:$0x5F0] =	vst v38;
	v38 =	vld [tilespmem:$0x710]  }
0x17c: {  	[tilespmem:$0xDF0] =	vst v40;
	v40 =	vld [tilespmem:$0x740]  }
0x17d: {  	[tilespmem:$0xCA0] =	vst v11;
	v11 =	vmul.f32 v43, v27;
	v27 =	vld [tilespmem:$0xE00]  }
0x17e: {  	[tilespmem:$0xD40] =	vst v0;
	v43 =	vld [tilespmem:$0x1FFD0]  }
0x17f: {  	[tilespmem:$0xCB0] =	vst v11;
	v11 =	vmul.f32 v58, v33;
	v33 =	vld [tilespmem:$0x610]  }
0x180: {  	[tilespmem:$0x5A0] =	vst v53;
	v58 =	vld [tilespmem:$0x1FFF0]  }
0x181: {  	[tilespmem:$0x4C0] =	vst v21;
	v41 =	vmul.f32 v37, v15;
	v37 =	vld [tilespmem:$0xF00]  }
0x182: {  	[tilespmem:$0xCC0] =	vst v11;
	v11 =	vmul.f32 v44, v39;
	v44 =	vld [tilespmem:$0x620]  }
0x183: {  	v21 =	vmul.f32 v43, v39;
	v43 =	vld [tilespmem:$0xE10];
	[tilespmem:$0x600] =	vst v41  }
0x184: {  	v39 =	vld [tilespmem:$0x1620];
	[tilespmem:$0xCD0] =	vst v11;
	v11 =	vmul.f32 v56, v45  }
0x185: {  	v56 =	vld [tilespmem:$0x1630];
	[tilespmem:$0x4D0] =	vst v21;
	v21 =	vmul.f32 v58, v45  }
0x186: {  	v45 =	vld [tilespmem:$0xE20];
	v58 =	vmul.f32 v35, v63;
	[tilespmem:$0xCE0] =	vst v11  }
0x187: {  	v35 =	vld [tilespmem:$0x640];
	[tilespmem:$0x4E0] =	vst v21;
	v21 =	vmul.f32 v61, v51  }
0x188: {  	v11 =	vld [tilespmem:$0x650];
	v61 =	vmul.f32 v62, v51;
	[tilespmem:$0x510] =	vst v58  }
0x189: {  	v51 =	vld [tilespmem:$0x630];
	v62 =	vmul.f32 v55, v57;
	[tilespmem:$0x4F0] =	vst v21  }
0x18a: {  	v55 =	vld [tilespmem:$0xE30];
	v57 =	vmul.f32 v50, v57;
	[tilespmem:$0xCF0] =	vst v61  }
0x18b: {  	v50 =	vld [tilespmem:$0x1640];
	v58 =	vmul.f32 v14, v1;
	[tilespmem:$0x500] =	vst v62  }
0x18c: {  	v14 =	vld [tilespmem:$0x1670];
	v48 =	vmul.f32 v43, v42;
	[tilespmem:$0xD00] =	vst v57  }
0x18d: {  	v61 =	vmul.f32 v49, v63;
	v49 =	vld [tilespmem:$0xE40];
	[tilespmem:$0x550] =	vst v58  }
0x18e: {  	v62 =	vmul.f32 v32, v4;
	v32 =	vld [tilespmem:$0x1650];
	[tilespmem:$0xE10] =	vst v48  }
0x18f: {  	v4 =	vmul.f32 v60, v4;
	v57 =	vld [tilespmem:$0xE50];
	[tilespmem:$0xD10] =	vst v61  }
0x190: {  	v63 =	vmul.f32 v59, v2;
	v2 =	vmul.f32 v24, v2;
	v24 =	vld [tilespmem:$0x660];
	[tilespmem:$0x520] =	vst v62  }
0x191: {  	v59 =	vmul.f32 v54, v1;
	v1 =	vld [tilespmem:$0x670];
	[tilespmem:$0xD20] =	vst v4  }
0x192: {  	v60 =	vmul.f32 v12, v5;
	v12 =	vld [tilespmem:$0xE70];
	[tilespmem:$0x530] =	vst v63  }
0x193: {  	v21 =	vld [tilespmem:$0x690];
	[tilespmem:$0xD30] =	vst v2  }
0x194: {  	v54 =	vmul.f32 v17, v22;
	v17 =	vld [tilespmem:$0xEA0];
	[tilespmem:$0xD50] =	vst v59  }
0x195: {  	v58 =	vmul.f32 v10, v16;
	v10 =	vld [tilespmem:$0x16B0];
	[tilespmem:$0x560] =	vst v60  }
0x196: {  	v22 =	vld [tilespmem:$0xEB0];
	v53 =	vmul.f32 v45, v39;
	[tilespmem:$0xDA0] =	vst v54  }
0x197: {  	v48 =	vld [tilespmem:$0x760];
	v61 =	vmul.f32 v18, v5;
	[tilespmem:$0x5B0] =	vst v58  }
0x198: {  	v4 =	vld [tilespmem:$0x1660];
	v62 =	vmul.f32 v19, v23;
	[tilespmem:$0xE20] =	vst v53  }
0x199: {  	v2 =	vld [tilespmem:$0xE60];
	v63 =	vmul.f32 v20, v23;
	[tilespmem:$0xD60] =	vst v61  }
0x19a: {  	v5 =	vld [tilespmem:$0x1680];
	v59 =	vmul.f32 v31, v16;
	[tilespmem:$0x570] =	vst v62  }
0x19b: {  	v18 =	vld [tilespmem:$0x680];
	v60 =	vmul.f32 v36, v6;
	[tilespmem:$0xD70] =	vst v63  }
0x19c: {  	v19 =	vld [tilespmem:$0xE80];
	v36 =	vmul.f32 v52, v7;
	[tilespmem:$0xDB0] =	vst v59  }
0x19d: {  	v20 =	vld [tilespmem:$0x1690];
	v52 =	vmul.f32 v44, v39;
	[tilespmem:$0x5C0] =	vst v60  }
0x19e: {  	v23 =	vld [tilespmem:$0xE90];
	v54 =	vmul.f32 v51, v56;
	[tilespmem:$0xDE0] =	vst v36  }
0x19f: {  	v16 =	vld [tilespmem:$0x6B0];
	v55 =	vmul.f32 v55, v56;
	[tilespmem:$0x620] =	vst v52  }
0x1a0: {  	v7 =	vld [tilespmem:$0x6D0];
	v56 =	vmul.f32 v35, v50;
	[tilespmem:$0x630] =	vst v54  }
0x1a1: {  	v31 =	vld [tilespmem:$0x6F0];
	v51 =	vmul.f32 v29, v28;
	[tilespmem:$0xE30] =	vst v55  }
0x1a2: {  	v44 =	vld [tilespmem:$0x750];
	v53 =	vmul.f32 v30, v9;
	[tilespmem:$0x640] =	vst v56  }
0x1a3: {  	v35 =	vld [tilespmem:$0x1710];
	v61 =	vmul.f32 v46, v6;
	[tilespmem:$0xED0] =	vst v51  }
0x1a4: {  	v30 =	vld [tilespmem:$0x17A0];
	v62 =	vmul.f32 v13, v8;
	[tilespmem:$0x6E0] =	vst v53  }
0x1a5: {  	v6 =	vld [tilespmem:$0x16C0];
	v63 =	vmul.f32 v47, v8;
	[tilespmem:$0xDC0] =	vst v61  }
0x1a6: {  	v13 =	vld [tilespmem:$0x6C0];
	v46 =	vmul.f32 v27, v15;
	[tilespmem:$0x5D0] =	vst v62  }
0x1a7: {  	v8 =	vld [tilespmem:$0xEC0];
	v47 =	vmul.f32 v33, v42;
	[tilespmem:$0xDD0] =	vst v63  }
0x1a8: {  	v15 =	vld [tilespmem:$0xEE0];
	v42 =	vmul.f32 v26, v25;
	[tilespmem:$0xE00] =	vst v46  }
0x1a9: {  	v27 =	vld [tilespmem:$0x16F0];
	v58 =	vmul.f32 v49, v50;
	[tilespmem:$0x610] =	vst v47  }
0x1aa: {  	v33 =	vld [tilespmem:$0xEF0];
	v59 =	vmul.f32 v11, v32;
	[tilespmem:$0x6A0] =	vst v42  }
0x1ab: {  	v36 =	vld [tilespmem:$0x700];
	v60 =	vmul.f32 v57, v32;
	[tilespmem:$0xE40] =	vst v58  }
0x1ac: {  	v52 =	vld [tilespmem:$0x770];
	v1 =	vmul.f32 v1, v14;
	[tilespmem:$0x650] =	vst v59  }
0x1ad: {  	v26 =	vld [tilespmem:$0x800];
	v43 =	vmul.f32 v17, v25;
	[tilespmem:$0xE50] =	vst v60  }
0x1ae: {  	v11 =	vld [tilespmem:$0xF10];
	v63 =	vmul.f32 v12, v14;
	[tilespmem:$0x670] =	vst v1  }
0x1af: {  	v32 =	vld [tilespmem:$0x1720];
	v46 =	vmul.f32 v22, v10;
	[tilespmem:$0xEA0] =	vst v43  }
0x1b0: {  	v54 =	vld [tilespmem:$0xF70];
	v61 =	vmul.f32 v24, v4;
	[tilespmem:$0xE70] =	vst v63  }
0x1b1: {  	v57 =	vld [tilespmem:$0x780];
	v62 =	vmul.f32 v2, v4;
	[tilespmem:$0xEB0] =	vst v46  }
0x1b2: {  	v51 =	vld [tilespmem:$0x7D0];
	v18 =	vmul.f32 v18, v5;
	[tilespmem:$0x660] =	vst v61  }
0x1b3: {  	v53 =	vld [tilespmem:$0xFD0];
	v19 =	vmul.f32 v19, v5;
	[tilespmem:$0xE60] =	vst v62  }
0x1b4: {  	v12 =	vld [tilespmem:$0xF30];
	v39 =	vmul.f32 v21, v20;
	[tilespmem:$0x680] =	vst v18  }
0x1b5: {  	v22 =	vld [tilespmem:$0x1790];
	v41 =	vmul.f32 v23, v20;
	[tilespmem:$0xE80] =	vst v19  }
0x1b6: {  	v24 =	vld [tilespmem:$0x720];
	v45 =	vmul.f32 v16, v10;
	[tilespmem:$0x690] =	vst v39  }
0x1b7: {  	v2 =	vld [tilespmem:$0xF20];
	v50 =	vmul.f32 v7, v28;
	[tilespmem:$0xE90] =	vst v41  }
0x1b8: {  	v4 =	vld [tilespmem:$0x730];
	v63 =	vmul.f32 v38, v35;
	[tilespmem:$0x6B0] =	vst v45  }
0x1b9: {  	v5 =	vld [tilespmem:$0x1740];
	v47 =	vmul.f32 v13, v6;
	[tilespmem:$0x6D0] =	vst v50  }
0x1ba: {  	v16 =	vld [tilespmem:$0xF50];
	v49 =	vmul.f32 v8, v6;
	[tilespmem:$0x710] =	vst v63  }
0x1bb: {  	v10 =	vld [tilespmem:$0x1760];
	v55 =	vmul.f32 v15, v9;
	[tilespmem:$0x6C0] =	vst v47  }
0x1bc: {  	v7 =	vld [tilespmem:$0x1770];
	v56 =	vmul.f32 v31, v27;
	[tilespmem:$0xEC0] =	vst v49  }
0x1bd: {  	v59 =	vld [tilespmem:$0xF80];
	v58 =	vmul.f32 v33, v27;
	[tilespmem:$0xEE0] =	vst v55  }
0x1be: {  	v28 =	vld [tilespmem:$0xF90];
	v60 =	vmul.f32 v36, v34;
	[tilespmem:$0x6F0] =	vst v56  }
0x1bf: {  	v43 =	vld [tilespmem:$0x17C0];
	v61 =	vmul.f32 v37, v34;
	[tilespmem:$0xEF0] =	vst v58  }
0x1c0: {  	v18 =	vld [tilespmem:$0xF40];
	v29 =	vmul.f32 v11, v35;
	[tilespmem:$0x700] =	vst v60  }
0x1c1: {  	v19 =	vld [tilespmem:$0x1750];
	[tilespmem:$0xF00] =	vst v61;
	v38 =	vmul.f32 v12, v3  }
0x1c2: {  	v6 =	vld [tilespmem:$0xF60];
	v31 =	vmul.f32 v24, v32;
	[tilespmem:$0xF10] =	vst v29  }
0x1c3: {  	v9 =	vld [tilespmem:$0x1780];
	v34 =	vmul.f32 v2, v32;
	[tilespmem:$0xF30] =	vst v38  }
0x1c4: {  	v62 =	vld [tilespmem:$0x790];
	v36 =	vmul.f32 v4, v3;
	[tilespmem:$0x720] =	vst v31  }
0x1c5: {  	v33 =	vld [tilespmem:$0x7A0];
	v40 =	vmul.f32 v40, v5;
	[tilespmem:$0xF20] =	vst v34  }
0x1c6: {  	v37 =	vld [tilespmem:$0x17B0];
	v48 =	vmul.f32 v48, v10;
	[tilespmem:$0x730] =	vst v36  }
0x1c7: {  	v39 =	vld [tilespmem:$0x7B0];
	v52 =	vmul.f32 v52, v7;
	[tilespmem:$0x740] =	vst v40  }
0x1c8: {  	v41 =	vld [tilespmem:$0xFB0];
	v54 =	vmul.f32 v54, v7;
	[tilespmem:$0x760] =	vst v48  }
0x1c9: {  	v45 =	vld [tilespmem:$0x7C0];
	v42 =	vmul.f32 v18, v5;
	[tilespmem:$0x770] =	vst v52  }
0x1ca: {  	v35 =	vld [tilespmem:$0xFA0];
	v44 =	vmul.f32 v44, v19;
	[tilespmem:$0xF70] =	vst v54  }
0x1cb: {  	v63 =	vld [tilespmem:$0x7F0];
	v46 =	vmul.f32 v16, v19;
	[tilespmem:$0xF40] =	vst v42  }
0x1cc: {  	v47 =	vld [tilespmem:$0xFC0];
	v50 =	vmul.f32 v6, v10;
	[tilespmem:$0x750] =	vst v44  }
0x1cd: {  	v49 =	vld [tilespmem:$0x17D0];
	v56 =	vmul.f32 v57, v9;
	[tilespmem:$0xF50] =	vst v46  }
0x1ce: {  	v55 =	vld [tilespmem:$0x17E0];
	v58 =	vmul.f32 v59, v9;
	[tilespmem:$0xF60] =	vst v50  }
0x1cf: {  	v61 =	vld [tilespmem:$0x17F0];
	v60 =	vmul.f32 v62, v22;
	[tilespmem:$0x780] =	vst v56  }
0x1d0: {  	v24 =	vld [tilespmem:$0x1800];
	v62 =	vmul.f32 v28, v22;
	[tilespmem:$0xF80] =	vst v58  }
0x1d1: {  	v32 =	vld [tilespmem:$0x810];
	v21 =	vmul.f32 v33, v30;
	[tilespmem:$0x790] =	vst v60  }
0x1d2: {  	v38 =	vld [tilespmem:$0x820];
	v25 =	vmul.f32 v39, v37;
	[tilespmem:$0xF90] =	vst v62  }
0x1d3: {  	v57 =	vld [tilespmem:$0x7E0];
	v27 =	vmul.f32 v41, v37;
	[tilespmem:$0x7A0] =	vst v21  }
0x1d4: {  	v59 =	vld [tilespmem:$0xFE0];
	v29 =	vmul.f32 v45, v43;
	[tilespmem:$0x7B0] =	vst v25  }
0x1d5: {  	v22 =	vld [tilespmem:$0xFF0];
	v23 =	vmul.f32 v35, v30;
	[tilespmem:$0xFB0] =	vst v27  }
0x1d6: {  	v28 =	vld [tilespmem:$0x1000];
	v31 =	vmul.f32 v47, v43;
	[tilespmem:$0x7C0] =	vst v29  }
0x1d7: {  	v34 =	vld [tilespmem:$0x1010];
	v33 =	vmul.f32 v51, v49;
	[tilespmem:$0xFA0] =	vst v23  }
0x1d8: {  	v36 =	vld [tilespmem:$0x1820];
	v35 =	vmul.f32 v53, v49;
	[tilespmem:$0xFC0] =	vst v31  }
0x1d9: {  	v40 =	vld [tilespmem:$0x1020];
	v41 =	vmul.f32 v63, v61;
	[tilespmem:$0x7D0] =	vst v33  }
0x1da: {  	v48 =	vld [tilespmem:$0x1840];
	v45 =	vmul.f32 v26, v24;
	[tilespmem:$0xFD0] =	vst v35  }
0x1db: {  	v52 =	vld [tilespmem:$0x1040];
	[tilespmem:$0x7F0] =	vst v41;
	v37 =	vmul.f32 v57, v55  }
0x1dc: {  	v54 =	vld [tilespmem:$0x1850];
	v39 =	vmul.f32 v59, v55;
	[tilespmem:$0x800] =	vst v45  }
0x1dd: {  	v30 =	vld [tilespmem:$0x1810];
	v43 =	vmul.f32 v22, v61;
	[tilespmem:$0x7E0] =	vst v37  }
0x1de: {  	v42 =	vld [tilespmem:$0x1830];
	v47 =	vmul.f32 v28, v24;
	[tilespmem:$0xFE0] =	vst v39  }
0x1df: {  	v44 =	vld [tilespmem:$0x830];
	v53 =	vmul.f32 v38, v36;
	[tilespmem:$0xFF0] =	vst v43  }
0x1e0: {  	v46 =	vld [tilespmem:$0x1030];
	v55 =	vmul.f32 v40, v36;
	[tilespmem:$0x1000] =	vst v47  }
0x1e1: {  	v50 =	vld [tilespmem:$0x840];
	v61 =	vmul.f32 v52, v48;
	[tilespmem:$0x820] =	vst v53  }
0x1e2: {  	v56 =	vld [tilespmem:$0x850];
	v49 =	vmul.f32 v32, v30;
	[tilespmem:$0x1020] =	vst v55  }
0x1e3: {  	v58 =	vld [tilespmem:$0x1050];
	v51 =	vmul.f32 v34, v30;
	[tilespmem:$0x1040] =	vst v61  }
0x1e4: {  	v57 =	vmul.f32 v44, v42;
	[tilespmem:$0x810] =	vst v49  }
0x1e5: {  	v59 =	vmul.f32 v46, v42;
	[tilespmem:$0x1010] =	vst v51  }
0x1e6: {  	v60 =	vmul.f32 v50, v48;
	[tilespmem:$0x830] =	vst v57  }
0x1e7: {  	v62 =	vmul.f32 v56, v54;
	[tilespmem:$0x1030] =	vst v59  }
0x1e8: {  	v63 =	vmul.f32 v58, v54;
	[tilespmem:$0x840] =	vst v60  }
0x1e9: {  	[tilespmem:$0x850] =	vst v62  }
0x1ea: {  	[tilespmem:$0x1050] =	vst v63  }
0x1eb: {  	[hbm4b:s8+s2] =	stream.linear.scatter [tilespmem:s14], [sflag:$0x2], $0x800, $0x38;
	[tilespmem:$0x1860] =	vst v63  }
0x1ec: {  	_ =	swait.ge [sflag:s11], $0x800  }
0x1ed: {  	p0 =	sne.s32 s10, $0x1;
	[sflag:s11] =	ssyncset.done $0x0  }
.Ltmp0:
0x1ee: {  	[sflag:s11] =	ssyncadd.s32 $0xFFFFF800;
	(pc) =	sbr.rel @p0 .LBB2_1-.Ltmp0, $4  }
0x1ef: {  	[hbm4b:s9+s2] =	stream.linear.scatter [tilespmem:s15], [sflag:$0x2], $0x800, $0x38;
	[tilespmem:$0x1860] =	vst v63  }
0x1f0: {  	_ =	swait.ge [sflag:s11], $0x800  }
0x1f1: {  	[sflag:s11] =	ssyncset.done $0x0  }
0x1f2: {  	s10 =	sadd.s32 $0xFFFFFFFF, s10;
	[sflag:s11] =	ssyncadd.s32 $0xFFFFF800  }
0x1f3: {  	_ =	sfence.sel $0x180000  }
0x1f4: {  	[bflag:$0x0] =	sbarrier.arrive $0xFFFF  }
0x1f5: {  	p0 =	sne.s32 s1, $0x0;
	_ =	strace $0x90000047  }
0x1f6: {  	s0 =	sadd.s32 @!p0 $0x100000, s0;
	[bflag:$0x2] =	sbarrier.arrive $0xFFFF  }
0x1f7: {  	[sflag:s0] =	ssyncadd.tile.s32 @!p0 $0x1;
	_ =	shalt  }
.Lfunc_end2:
_tile_overlayer_lowered:
.L_overlay_start_2:
0x1f8: {  	(tag) =	ssettag $0x2  }
0x1f9: {  	s0 =	rddreg [dreg:$0x0];
	s2 =	stileid.u32  }
0x1fa: {  	s1 =	rddreg [dreg:$0x1];
	p0 =	sne.s32 s2, $0x0  }
0x1fb: {  	s3 =	rddreg [dreg:$0x2];
	[bflag:$0x3] =	sbarrier.arrive $0xFFFF;
	s2 =	simm.s32 @!p0 $0x1C02  }
0x1fc: {  	[timem:s3], [sflag:s2] =	dma.local @!p0 [hbm:s0], s1  }
0x1fd: {  	s0 =	simm.s32 @!p0 $0x2  }
0x1fe: {  	_ =	swait.ge @!p0 [sflag:s0], s1  }
0x1ff: {  	s1 =	ssub.s32 @!p0 $0x0, s1;
	[sflag:s0] =	ssyncset.done @!p0 $0x0  }
0x200: {  	[sflag:s0] =	ssyncadd.s32 @!p0 s1  }
0x201: {  	[bflag:$0x3] =	sbarrier.arrive $0xFFFF  }
0x202: {  	_ =	shalt  }

// kernel: sparse-core-data-format-call.cloned.1.call-start
scs
called_computation_lowered:
.L_overlay_start_0:
0x0: {  	s2 =	sld [smem:$0x3FD9]  }
0x1: {  	s3 =	sld [smem:$0x3FFE];
	_ =	sdelay $0x1  }
0x2: {  	s1 =	srdreg.scid  }
0x3: {  	s0 =	sand.u32 $0x1, s1  }
0x4: {  	s18 =	sshll.u32 s0, $0xA;
	s2 =	sadd.s32 s3, s2  }
0x5: {  	s2 =	sadd.s32 s2, s18  }
0x6: {  	[smem:$0x3FC3] =	sst s2  }
0x7: {  	_ = 	snop  }
0x8: {  	s2 =	sld [smem:$0x3FD0];
	(tm) =	ssettm $0x1  }
0x9: {  	s19 =	sld [smem:$0x3FFB];
	_ =	sdelay $0x3  }
0xa: {  	_ =	strace s19  }
0xb: {  	s3 =	sld [smem:$0x3FFC];
	_ =	sdelay $0x3  }
0xc: {  	_ =	strace s3  }
0xd: {  	s3 =	sld [smem:$0x3FFD];
	_ =	sdelay $0x3  }
0xe: {  	_ =	strace s3  }
0xf: {  	_ =	strace $0x8FFFFFFF  }
0x10: {  	s20 =	sld [smem:$0x3FDB];
	_ =	sdelay $0x1  }
0x11: {  	s4 =	simm.s32 $_scs_section_size  }
0x12: {  	s5 =	simm.s32 $_size__tile_overlayer_lowered;
	s6 =	simm.s32 $_tile_overlayer_lowered  }
0x13: {  	s23 =	simm.s32 $0x1BFF;
	s22 =	sshll.u32 s6, $0x1;
	s3 =	sadd.s32 s4, s20  }
0x14: {  	s7 =	simm.s32 $0x0;
	s21 =	sshll.u32 s5, $0x1;
	s5 =	sadd.s32 s22, s3  }
0x15: {  	[timem:s7], [sflag:s23] =	dma.local [hbm:s5], s21  }
0x16: {  	_ =	swait.ge [sflag:s23], s21  }
0x17: {  	s4 =	ssub.s32 $0x0, s21;
	[sflag:s23] =	ssyncset.done $0x0  }
0x18: {  	[sflag:s23] =	ssyncadd.s32 s4;
	_ =	sdelay $0x1  }
0x19: {  	s24 =	simm.s32 $0x1B8B  }
0x1a: {  	_ =	swait.ge [sflag:s24], $0x1  }
0x1b: {  	[sflag:s24] =	ssyncset.done $0x0  }
0x1c: {  	s26 =	simm.s32 $0x1B8E;
	s25 =	sld [smem:$0x3FFE];
	[sflag:s24] =	ssyncadd.s32 $0xFFFFFFFF  }
0x1d: {  	s27 =	simm.s32 $execute0_lowered;
	[smem:$0x3FD2] =	sst s26  }
0x1e: {  	s5 =	sshll.u32 s27, $0x1;
	_ =	strace $0x80000049;
	[dreg:$0x1] =	wrdreg $0xFFFFFFFF  }
0x1f: {  	s28 =	simm.s32 $_size_execute0_lowered;
	s3 =	sadd.s32 s3, s5;
	[dreg:$0x0] =	wrdreg $0x0  }
0x20: {  	s5 =	sshll.u32 s28, $0x1;
	[dreg:$0x2] =	wrdreg s3  }
0x21: {  	[dreg:$0x3] =	wrdreg s5  }
0x22: {  	[dreg:$0x4] =	wrdreg $0xC0  }
0x23: {  	_ =	task [dreg:s7], $0x5FFFF  }
0x24: {  	[dreg:$0x1] =	wrdreg $0xFFFFFFFF  }
0x25: {  	[dreg:$0x0] =	wrdreg $0x60  }
0x26: {  	[dreg:$0x2] =	wrdreg s25  }
0x27: {  	[dreg:$0x3] =	wrdreg s2  }
0x28: {  	[dreg:$0x4] =	wrdreg $0x9  }
0x29: {  	_ =	task.clear_ibuf [dreg:s7], $0x5FFFF;
	_ =	strace $0x90000049  }
0x2a: {  	s29 =	simm.s32 $0x9;
	_ =	strace $0x8000004B  }
0x2b: {  	_ =	swait.ge [sflag:s29], $0x1  }
0x2c: {  	[sflag:s29] =	ssyncadd.s32 $0xFFFFFFFF  }
0x2d: {  	_ =	strace $0x9000004B  }
0x2e: {  	_ =	sfence  }
0x2f: {  	s30 =	sld [smem:$0x0];
	_ =	sdelay $0x2  }
0x30: {  	s31 =	sshll.u32 s1, $0xD;
	s1 =	sshrl.u32 s1, $0x2  }
0x31: {  	s3 =	sand.u32 $0x4000, s31;
	s1 =	sadd.s32 s1, s30  }
0x32: {  	s0 =	sor.u32 s3, s0;
	s1 =	sshll.u32 s1, $0x11  }
0x33: {  	s0 =	sor.u32 s1, s0  }
0x34: {  	s0 =	sadd.s32 $0x8F2B, s0  }
0x35: {  	[sflag:s0] =	ssyncadd.remote.s32 $0x1  }
0x36: {  	_ =	sfence.sel $0xFFFF  }
0x37: {  	[dreg:$0x0] =	wrdreg $0xFFFFFFFF;
	(pc) =	sbr.abs _section_cstart, $3  }
0x38: {  	[dreg:$0x1] =	wrdreg $0xFFFFFFFF  }
0x39: {  	_ =	task.clear_ibuf [dreg:s7], $0x2FFFF;
	_ =	strace $0x9FFFFFFF  }
0x3a: {  	(tm) =	ssettm $0x7FFFFFFF  }
0x3b: {  	_ =	shalt  }
tec
execute0_lowered:
.L_overlay_start_1:
0x0: {  	(tag) =	ssettag $0x1  }
0x1: {  	s0 =	stileid.u32  }
0x2: {  	s5 =	rddreg [dreg:$0x0];
	s31 =	srdreg.scid;
	s9 =	simm.s32 $0x2  }
0x3: {  	s18 =	simm.s32 $0x0;
	s10 =	simm.s32 $0x2000;
	s1 =	sshll.u32 s0, $0x6  }
0x4: {  	s19 =	simm.s32 $0x0;
	s20 =	simm.s32 $0x0;
	s1 =	sand.u32 $0x380, s1  }
0x5: {  	s11 =	simm.s32 $0x0;
	s2 =	sand.u32 $0x1, s0;
	s3 =	ssub.s32 $0x400, s1  }
0x6: {  	s12 =	simm.s32 $0x0;
	s4 =	ssub.s32 $0x2, s2;
	s6 =	sand.u32 $0x380, s3  }
0x7: {  	s7 =	sshrl.u32 s4, $0x1;
	p0 =	sne.s32 s6, $0x0;
	s6 =	simm.s32 $0x1  }
0x8: {  	s8 =	sand.u32 $0x1, s4;
	s3 =	sshrl.u32 s3, $0xA;
	s6 =	simm.s32 @!p0 $0x0  }
0x9: {  	s13 =	simm.s32 $0x0;
	s7 =	sadd.s32 s8, s7;
	s6 =	sadd.s32 s6, s3  }
0xa: {  	s17 =	simm.s32 $0x0;
	s5 =	sadd.s32 $0x8800, s5;
	s7 =	smul.u32 s6, s7  }
.Ltmp0:
0xb: {  	s16 =	smov.u32 s2;
	s4 =	rddreg [dreg:$0x1];
	(pc) =	sbr.rel .LBB1_1-.Ltmp0, $4  }
0xc: {  	s15 =	smov.u32 s1;
	s8 =	sshll.u32 s31, $0x7;
	s3 =	rddreg [dreg:$0x2]  }
0xd: {  	_ =	strace $0x8000004A;
	s6 =	simm.s32 $0x1;
	s7 =	smul.u32 $0x187, s7  }
0xe: {  	s8 =	sand.u32 $0x80, s8;
	p0 =	por $0x0, $0x0;
	[sflag:s6] =	ssyncpa.u1 $0x0  }
0xf: {  	s14 =	smov.u32 s8;
	[sflag:s9] =	ssyncpa.u1 $0x0;
	s9 =	sadd.s32 $0x1, s7  }
.LBB1_4:
0x10: {  	s26 =	sshll.u32 s11, $0xA  }
0x11: {  	s27 =	sshll.u32 s12, $0x3;
	s25 =	sshra.s32 s25, $0x2;
	p1 =	sgt.s32 s13, $0x1  }
0x12: {  	s30 =	sshra.s32 s13, $0x1F;
	s26 =	sand.u32 $0xFFFFE000, s26;
	s27 =	sand.u32 $0xFFFFFC00, s27  }
0x13: {  	s24 =	sadd.s32 s25, s24;
	s29 =	sadd.s32 s27, s26;
	s26 =	smov.u32 s13  }
0x14: {  	s27 =	sand.u32 s30, s13;
	s30 =	sshra.s32 s12, $0x1F;
	s25 =	sshrl.u32 s29, $0xA  }
0x15: {  	s26 =	simm.s32 @!p1 $0x1;
	s27 =	sxor.u32 $0xFFFFFFFF, s27;
	p1 =	sgt.s32 s12, $0x380  }
0x16: {  	s29 =	smov.u32 s12;
	s31 =	sand.u32 s30, s12;
	s30 =	smov.u32 s11  }
0x17: {  	s28 =	smulhi.u32 $0x53E2D7, s25;
	s26 =	sadd.s32 s27, s26;
	s29 =	simm.s32 @!p1 $0x380  }
0x18: {  	v5 =	vld [tilespmem:s22+$0xFFFFFFD0];
	[tilespmem:s23+$0x2040 ss:$0x81] =	vst.msk $0xffff, v4;
	p1 =	sgt.s32 s11, $0x18620;
	s27 =	ssub.s32 s29, s31;
	s31 =	sshra.s32 s11, $0x1F  }
0x19: {  	v58 =	vld [tilespmem:s22+$0xFFFFFFE0];
	[tilespmem:s23+$0x2850 ss:$0x81] =	vst.msk $0xffff, v3;
	s30 =	simm.s32 @!p1 $0x18620;
	p1 =	sgt.s32 s26, $0x0;
	s26 =	ssub.s32 $0x1, s26  }
0x1a: {  	v59 =	vld [tilespmem:s22+$0xFFFFFFF0];
	[tilespmem:s23+$0x3060 ss:$0x81] =	vst.msk $0xffff, v2;
	s29 =	sand.u32 s31, s11;
	s31 =	sadd.s32 $0xFFFFFC80, s27;
	s26 =	simm.s32 @p1 $0x0  }
0x1b: {  	[tilespmem:s23+$0x0 ss:$0x81] =	vst.msk $0xffff, v1;
	v60 =	vld [tilespmem:s22+$0x0];
	s23 =	ssub.s32 $0x400, s27;
	s29 =	ssub.s32 s30, s29;
	p1 =	sgt.s32 s31, $0x7F  }
0x1c: {  	v61 =	vld [tilespmem:s22+$0x10];
	[tilespmem:s24+$0x3870 ss:$0x81] =	vst.msk $0xffff, v0;
	s30 =	sshrl.u32 s28, $0x7;
	s28 =	sand.u32 $0x78, s12;
	s31 =	sadd.s32 $0xFFFE79E0, s29  }
0x1d: {  	v62 =	vld [tilespmem:s22+$0x20];
	[tilespmem:s24+$0x810 ss:$0x81] =	vst.msk $0xffff, v5;
	s23 =	simm.s32 @p1 $0x0;
	s27 =	smul.u32 $0x186A0, s30;
	s30 =	sshll.u32 s11, $0x7  }
0x1e: {  	v63 =	vld [tilespmem:s22+$0xFFFFFFC0];
	[tilespmem:s24+$0x1020 ss:$0x81] =	vst.msk $0xffff, v58;
	s29 =	ssub.s32 $0x186A0, s29;
	p1 =	sgt.s32 s31, $0x7F;
	s23 =	smul.u32 s26, s23  }
0x1f: {  	[tilespmem:s24+$0x1830 ss:$0x81] =	vst.msk $0xffff, v59;
	s22 =	sand.u32 $0x380, s30;
	s31 =	smul.u32 $0xC35000, s13;
	s29 =	simm.s32 @p1 $0x0  }
0x20: {  	[tilespmem:s24+$0x2040 ss:$0x81] =	vst.msk $0xffff, v60;
	s22 =	sor.u32 s28, s22;
	s25 =	ssub.s32 s25, s27;
	s23 =	smul.u32 s29, s23  }
0x21: {  	[tilespmem:s24+$0x2850 ss:$0x81] =	vst.msk $0xffff, v61;
	s22 =	sshrl.u32 s22, $0x3;
	s26 =	sadd.s32 s4, s31;
	s29 =	sand.u32 $0x7, s12  }
0x22: {  	[tilespmem:s24+$0x3060 ss:$0x81] =	vst.msk $0xffff, v62;
	s25 =	sshll.u32 s25, $0x7;
	s22 =	sadd.s32 s22, s26;
	s30 =	sshll.u32 s29, $0x12  }
0x23: {  	[tilespmem:s24+$0x0 ss:$0x81] =	vst.msk $0xffff, v63;
	s23 =	sand.u32 $0x3FFFFFFF, s23;
	s22 =	sadd.s32 s25, s22;
	s31 =	sor.u32 $0x400, s30  }
0x24: {  	[hbm4b:s22+s31] =	stream.strided.scatter [tilespmem:s21], [sflag:$0x2], s23, s10, s31, $0x20;
	[tilespmem:$0x10100] =	vst v63  }
.LBB1_5:
0x25: {  	p1 =	slt.u32 s17, $0x2  }
0x26: {  	s22 =	smov.u32 s20;
	p2 =	sgt.s32 @!p1 s20, $0x1  }
0x27: {  	s21 =	sshra.s32 @!p1 s20, $0x1F;
	p3 =	sgt.s32 @!p1 s19, $0x380;
	p2 =	por !p2, p1  }
0x28: {  	s20 =	sand.u32 @!p1 s21, s20;
	p3 =	por !p3, p1;
	s21 =	smov.u32 s19  }
0x29: {  	s22 =	simm.s32 @p2 $0x1;
	s20 =	sxor.u32 @!p1 $0xFFFFFFFF, s20;
	s21 =	simm.s32 @p3 $0x380  }
0x2a: {  	p3 =	sgt.s32 @!p1 s18, $0x18620;
	s20 =	sadd.s32 @!p1 s20, s22;
	s22 =	sshra.s32 @!p1 s19, $0x1F  }
0x2b: {  	p3 =	por !p3, p1;
	p2 =	sgt.s32 @!p1 s20, $0x0;
	s20 =	ssub.s32 @!p1 $0x1, s20  }
0x2c: {  	s19 =	sand.u32 @!p1 s22, s19;
	s22 =	smov.u32 s18;
	p2 =	por !p2, p1  }
0x2d: {  	s19 =	ssub.s32 @!p1 s21, s19;
	s21 =	sshra.s32 @!p1 s18, $0x1F;
	s22 =	simm.s32 @p3 $0x18620  }
0x2e: {  	s18 =	sand.u32 @!p1 s21, s18;
	s21 =	sadd.s32 @!p1 $0xFFFFFC80, s19;
	s20 =	simm.s32 @!p2 $0x0  }
0x2f: {  	s19 =	ssub.s32 @!p1 $0x400, s19;
	s18 =	ssub.s32 @!p1 s22, s18;
	p2 =	sgt.s32 @!p1 s21, $0x7F  }
0x30: {  	s22 =	smov.u32 s15;
	s21 =	sadd.s32 @!p1 $0xFFFE79E0, s18;
	p2 =	por !p2, p1  }
0x31: {  	s18 =	ssub.s32 @!p1 $0x186A0, s18;
	p3 =	sgt.s32 @!p1 s21, $0x7F;
	s19 =	simm.s32 @!p2 $0x0  }
0x32: {  	s21 =	sadd.s32 $0x100, s14;
	p2 =	por !p3, p1;
	s19 =	smul.u32 @!p1 s20, s19  }
0x33: {  	s20 =	sadd.s32 $0x400, s15;
	s18 =	simm.s32 @!p2 $0x0;
	p2 =	sgt.s32 s21, $0x1869F  }
0x34: {  	s23 =	smov.u32 s16;
	s22 =	smov.u32 @p2 s20  }
0x35: {  	s18 =	smul.u32 @!p1 s18, s19;
	s19 =	sadd.s32 $0x2, s16;
	p3 =	sgt.s32 s22, $0x3FF  }
0x36: {  	p0 =	por !p0, !p0;
	s24 =	simm.s32 @!p1 $0x2;
	s23 =	smov.u32 @p3 s19  }
0x37: {  	s21 =	smov.u32 @p2 s8;
	s20 =	smov.u32 s13;
	p2 =	sgt.s32 s23, $0x1  }
0x38: {  	s13 =	smov.u32 s16;
	s23 =	smov.u32 @p2 s2;
	p2 =	sne.s32 s17, s9  }
.Ltmp1:
0x39: {  	s18 =	sand.u32 @!p1 $0x3FFFFFFF, s18;
	s22 =	smov.u32 @p3 s1;
	(pc) =	sbr.rel @!p2 .LBB1_6-.Ltmp1, $4  }
0x3a: {  	s19 =	smov.u32 s12;
	s12 =	smov.u32 s15;
	_ =	swait.ge @!p1 [sflag:s24], s18  }
0x3b: {  	s25 =	ssub.s32 @!p1 $0x0, s18;
	s18 =	smov.u32 s11;
	s11 =	smov.u32 s14  }
0x3c: {  	s14 =	smov.u32 s21;
	s15 =	smov.u32 s22;
	[sflag:s24] =	ssyncset.done @!p1 $0x0  }
0x3d: {  	s17 =	sadd.s32 $0x1, s17;
	[sflag:s24] =	ssyncadd.s32 @!p1 s25;
	s16 =	smov.u32 s23  }
.LBB1_1:
0x3e: {  	p1 =	sge.u32 s17, s7  }
0x3f: {  	s21 =	sshrl.u32 @!p1 s15, $0x3  }
0x40: {  	s22 =	sshll.u32 @!p1 s14, $0x3;
	s21 =	smul.u32 @!p1 $0xC3800, s21  }
0x41: {  	s23 =	sshll.u32 @!p1 s15, $0x7;
	s22 =	sand.u32 @!p1 $0xFFFFFC00, s22  }
0x42: {  	s21 =	sadd.s32 @!p1 s21, s22;
	s22 =	sand.u32 @!p1 $0x380, s23  }
0x43: {  	s23 =	sand.u32 @!p1 $0x7F, s14;
	s21 =	sor.u32 @!p1 s22, s21  }
0x44: {  	s22 =	sor.u32 @!p1 s23, s21  }
0x45: {  	s23 =	smulhi.u32 @!p1 $0xA79C7B17, s22  }
0x46: {  	s21 =	smulhi.u32 @!p1 $0xA79C7B17, s21  }
0x47: {  	s23 =	sshrl.u32 @!p1 s23, $0x10  }
0x48: {  	s31 =	sadd.s32 $0xFFFFFFFF, s17;
	s21 =	sshrl.u32 @!p1 s21, $0x10;
	s23 =	smul.u32 @!p1 $0x18700, s23  }
0x49: {  	s24 =	sxor.u32 @!p1 $0xFFFFFFFF, s17;
	s25 =	smul.u32 @!p1 $0xC38000, s16;
	s21 =	sand.u32 @!p1 $0x3FF, s21  }
0x4a: {  	s24 =	sshll.u32 @!p1 s24, $0xE;
	s21 =	smul.u32 @!p1 $0x30E0, s21;
	s22 =	ssub.s32 @!p1 s22, s23  }
0x4b: {  	s23 =	sand.u32 @!p1 $0x4000, s24;
	s24 =	sadd.s32 @!p1 s5, s25;
	s25 =	sand.u32 @!p1 $0x7, s22  }
0x4c: {  	s22 =	sshrl.u32 @!p1 s22, $0x3;
	s21 =	sadd.s32 @!p1 s21, s24;
	s24 =	sshll.u32 @!p1 s25, $0x12  }
0x4d: {  	s21 =	sadd.s32 @!p1 s22, s21;
	s22 =	sor.u32 @!p1 $0x400, s24;
	s24 =	simm.s32 @!p1 $0xC3800  }
0x4e: {  	[tilespmem:s23], [sflag:$0x1] =	stream.strided.gather @!p1 [hbm4b:s21+s22], $0x4000, s24, s22, $0x38;
	[tilespmem:$0x10100] =	vst v63  }
0x4f: {  	p1 =	sge.u32 s31, s7  }
.Ltmp2:
0x50: {  	_ = 	snop;
	(pc) =	sbr.rel @p1 .LBB1_5-.Ltmp2, $1  }
0x51: {  	_ =	sdelay $0x3  }
0x52: {  	s21 =	simm.s32 $0x1  }
0x53: {  	_ =	swait.ge [sflag:s6], $0x4000;
	s21 =	simm.s32 @!p0 $0x0  }
0x54: {  	[sflag:s6] =	ssyncset.done $0x0;
	s22 =	sshll.u32 s21, $0xE  }
0x55: {  	[sflag:s6] =	ssyncadd.s32 $0xFFFFC000;
	s22 =	sor.u32 $0x40, s22  }
0x56: {  	s21 =	smul.u32 $0x10200, s21;
	v0 =	vld [tilespmem:s22+$0x30]  }
0x57: {  	v1 =	vld [tilespmem:s22+$0xFFFFFFD0]  }
0x58: {  	s21 =	sshrl.u32 s21, $0x2;
	v5 =	vld [tilespmem:s22+$0xFFFFFFE0]  }
0x59: {  	v6 =	vld [tilespmem:s22+$0xFFFFFFF0];
	s24 =	sor.u32 $0x8000, s21  }
0x5a: {  	s31 =	sand.u32 $0x1, s17;
	v4 =	vld [tilespmem:s22+$0x0];
	s23 =	sadd.s32 $0x0, s24  }
0x5b: {  	v3 =	vld [tilespmem:s22+$0x10];
	s21 =	smul.u32 $0x10200, s31;
	[tilespmem:s23+$0x3870 ss:$0x81] =	vst.msk $0xffff, v0  }
0x5c: {  	v2 =	vld [tilespmem:s22+$0x20];
	[tilespmem:s23+$0x810 ss:$0x81] =	vst.msk $0xffff, v1  }
0x5d: {  	s21 =	sshrl.u32 s21, $0x2;
	v1 =	vld [tilespmem:s22+$0xFFFFFFC0];
	[tilespmem:s23+$0x1020 ss:$0x81] =	vst.msk $0xffff, v5;
	s22 =	sadd.s32 $0x80, s22  }
0x5e: {  	s25 =	simm.s32 $0x4;
	s26 =	simm.s32 $0x8;
	s21 =	sor.u32 $0x8000, s21;
	[tilespmem:s23+$0x1830 ss:$0x81] =	vst.msk $0xffff, v6;
	v0 =	vld [tilespmem:s22+$0x30]  }
.LBB1_3:
0x5f: {  	p1 =	sne.s32 s26, $0x1FC;
	v5 =	vld [tilespmem:s22+$0xFFFFFFD0];
	[tilespmem:s23+$0x2040 ss:$0x81] =	vst.msk $0xffff, v4  }
0x60: {  	v6 =	vld [tilespmem:s22+$0xFFFFFFE0];
	[tilespmem:s23+$0x2850 ss:$0x81] =	vst.msk $0xffff, v3  }
0x61: {  	s27 =	sshra.s32 s25, $0x2;
	s25 =	smov.u32 s26;
	v7 =	vld [tilespmem:s22+$0xFFFFFFF0];
	[tilespmem:s23+$0x3060 ss:$0x81] =	vst.msk $0xffff, v2  }
.Ltmp3:
0x62: {  	v4 =	vld [tilespmem:s22+$0x0];
	[tilespmem:s23+$0x0 ss:$0x81] =	vst.msk $0xffff, v1;
	s23 =	sadd.s32 s27, s24;
	(pc) =	sbr.rel @p1 .LBB1_3-.Ltmp3, $4  }
0x63: {  	v3 =	vld [tilespmem:s22+$0x10];
	[tilespmem:s23+$0x3870 ss:$0x81] =	vst.msk $0xffff, v0  }
0x64: {  	[tilespmem:s23+$0x810 ss:$0x81] =	vst.msk $0xffff, v5;
	v2 =	vld [tilespmem:s22+$0x20]  }
0x65: {  	v1 =	vld [tilespmem:s22+$0xFFFFFFC0];
	[tilespmem:s23+$0x1020 ss:$0x81] =	vst.msk $0xffff, v6;
	s22 =	sadd.s32 $0x80, s22  }
0x66: {  	s26 =	sadd.s32 $0x4, s26;
	v0 =	vld [tilespmem:s22+$0x30];
	[tilespmem:s23+$0x1830 ss:$0x81] =	vst.msk $0xffff, v7  }
.Ltmp4:
0x67: {  	_ = 	snop;
	(pc) =	sbr.rel .LBB1_4-.Ltmp4, $1  }
0x68: {  	_ =	sdelay $0x3  }
.LBB1_6:
0x69: {  	_ =	sfence.sel $0x180000  }
0x6a: {  	s1 =	simm.s32 $0x1;
	[bflag:$0x0] =	sbarrier.arrive $0xFFFF  }
0x6b: {  	s31 =	simm.s32 $0x2;
	[sflag:s1] =	ssyncpa.u1 $0x1  }
0x6c: {  	[sflag:s31] =	ssyncpa.u1 $0x1  }
0x6d: {  	p0 =	sne.s32 s0, $0x0;
	_ =	strace $0x9000004A  }
0x6e: {  	s0 =	sadd.s32 @!p0 $0x100000, s3;
	[bflag:$0x2] =	sbarrier.arrive $0xFFFF  }
0x6f: {  	[sflag:s0] =	ssyncadd.tile.s32 @!p0 $0x1;
	_ =	shalt  }
.Lfunc_end1:
_tile_overlayer_lowered:
.L_overlay_start_2:
0x70: {  	(tag) =	ssettag $0x2  }
0x71: {  	s0 =	rddreg [dreg:$0x0];
	s2 =	stileid.u32  }
0x72: {  	s1 =	rddreg [dreg:$0x1];
	p0 =	sne.s32 s2, $0x0  }
0x73: {  	s3 =	rddreg [dreg:$0x2];
	[bflag:$0x3] =	sbarrier.arrive $0xFFFF;
	s2 =	simm.s32 @!p0 $0x1C01  }
0x74: {  	[timem:s3], [sflag:s2] =	dma.local @!p0 [hbm:s0], s1  }
0x75: {  	s0 =	simm.s32 @!p0 $0x1  }
0x76: {  	_ =	swait.ge @!p0 [sflag:s0], s1  }
0x77: {  	s1 =	ssub.s32 @!p0 $0x0, s1;
	[sflag:s0] =	ssyncset.done @!p0 $0x0  }
0x78: {  	[sflag:s0] =	ssyncadd.s32 @!p0 s1  }
0x79: {  	[bflag:$0x3] =	sbarrier.arrive $0xFFFF  }
0x7a: {  	_ =	shalt  }

</sc_bundles>
